<compile_context>
chip_gen: v7x
topology: tpu7x:2x2x1
jax: 0.10.2.dev20260603
libtpu: 0.0.44.dev20260713+nightly
codegen_flags: <defaults>
</compile_context>

<pallas_src>
import jax
import jax.numpy as jnp
from jax import lax
from jax.experimental import pallas as pl
from jax.experimental.pallas import tpu as pltpu
from jax.experimental.pallas import tpu_sc as plsc

NEG = 0.01
DRN2 = 0.4 * 0.4
SENT = 1e9
B, P = 64, 128
NCHUNK = P // 16
NC, NS = 2, 16
JETS_PER_W = B // (NC * NS)

SIN_C = (6.28318503, -41.34161603, 81.60091368, -76.62655312, 41.4034446,
         -12.57638988)
COS_C = (0.99999999, -19.73920555, 64.93917218, -85.45116482, 60.1762218,
         -26.00049347, 6.57556005)

OFF0 = dict(Wf=0, Ws=5, Wd=10, wc=15, ws=20, b1=25, W2=30, b2=55, W3=60,
            b3=85)
OFF1 = dict(Wf=90, Ws=110, Wd=130, wc=150, ws=155, b1=160, W2=165, b2=190,
            W3=195, b3=210)
NW = 224


def _leaky(x):
    return jnp.where(x >= 0, x, NEG * x)


def _rinv(r2):
    i = lax.bitcast_convert_type(r2, jnp.int32)
    i = jnp.int32(0x5F3759DF) - (i >> 1)
    y = lax.bitcast_convert_type(i, jnp.float32)
    for _ in range(3):
        y = y * (1.5 - 0.5 * r2 * y * y)
    return y


def _rbf(x):
    i = lax.bitcast_convert_type(x, jnp.int32)
    i = (i + 0x7FFF + ((i >> 16) & 1)) & jnp.int32(-65536)
    return lax.bitcast_convert_type(i, jnp.float32)


def _rbf_fast(x):
    i = lax.bitcast_convert_type(x, jnp.int32)
    i = (i + 0x8000) & jnp.int32(-65536)
    return lax.bitcast_convert_type(i, jnp.float32)


def _roundn(vals):
    return [_rbf_fast(v) for v in vals]


def _sincos_2pi(phase):
    n = (phase + 0.5 * jnp.sign(phase)).astype(jnp.int32).astype(jnp.float32)
    t = phase - n
    z = t * t
    s = jnp.float32(SIN_C[5])
    for c in SIN_C[4::-1]:
        s = s * z + c
    s = s * t
    co = jnp.float32(COS_C[6])
    for c in COS_C[5::-1]:
        co = co * z + c
    return co, s


def _sc_body(pt_h, ax_h, ay_h, w_h, out_h,
             ptv, axv, ayv, axs, ays, uxv, uyv, znz, vfv,
             a0, a1, a2, a3, a4, b0, b1_, b2_, b3_, b4,
             m0, m1, m2, m3, f0v, wv, orow):
    wid = lax.axis_index("s") * NC + lax.axis_index("c")
    pltpu.sync_copy(w_h, wv)
    avs = (a0, a1, a2, a3, a4)
    bvs = (b0, b1_, b2_, b3_, b4)

    def wext():
        wch = [wv[pl.ds(i * 16, 16)] for i in range(NW // 16)]
        return lambda o: wch[o // 16][o % 16]

    def conv_pass(n_msg, nk, off, readout):
        fr = (f0v,) if nk == 1 else (m0, m1, m2, m3)
        wsc = wext()
        wd = [[wsc(off["Wd"] + k * 5 + c) for c in range(5)]
              for k in range(nk)]
        wc = [wsc(off["wc"] + c) for c in range(5)]
        ws = [wsc(off["ws"] + c) for c in range(5)]
        w2 = [[wsc(off["W2"] + k * 5 + c) for c in range(5)]
              for k in range(5)]
        bb2 = [wsc(off["b2"] + c) for c in range(5)]
        w3 = [[wsc(off["W3"] + k * n_msg + c) for c in range(n_msg)]
              for k in range(5)]
        bb3 = [wsc(off["b3"] + c) for c in range(n_msg)]

        def ibody(ic, scarry):
            base = pl.multiple_of(ic * 16, 8)
            sl = pl.ds(base, 16)
            axi = axs[sl]
            ayi = ays[sl]
            uxi = uxv[sl]
            uyi = uyv[sl]
            zi = znz[sl]
            fi = [fr[k][sl] for k in range(nk)]
            ai = [avs[c][sl] for c in range(5)]
            ri_ = f0v[sl]
            rlo = jnp.min(ri_) - (0.4 + 1e-4)
            rhi = jnp.max(ri_) + (0.4 + 1e-4)

            def jbody(j, carry):
                jf = jnp.full((16,), j, jnp.int32)
                axj = plsc.load_gather(axs, [jf])
                ayj = plsc.load_gather(ays, [jf])
                dx = axi - axj
                dy = ayi - ayj
                d2 = dx * dx + dy * dy
                mask = d2 <= DRN2

                def hit(carry):
                    accs, deg = carry[:-1], carry[-1]
                    uxj = plsc.load_gather(uxv, [jf])
                    uyj = plsc.load_gather(uyv, [jf])
                    zj = plsc.load_gather(znz, [jf])
                    bj = [plsc.load_gather(bvs[c], [jf]) for c in range(5)]
                    fj = [plsc.load_gather(fr[k], [jf]) for k in range(nk)]
                    adjf = jnp.where(mask, 1.0, 0.0).astype(jnp.float32)
                    aw = adjf * (zi * zj)
                    cs = uxi * uxj + uyi * uyj
                    sn = uyi * uxj - uxi * uyj
                    rvals = _roundn([fj[k] - fi[k] for k in range(nk)]
                                    + [cs, sn])
                    dlt, csr, snr = rvals[:nk], rvals[nk], rvals[nk + 1]
                    h = []
                    for c in range(5):
                        t = ai[c] + bj[c] + csr * wc[c] + snr * ws[c]
                        for k in range(nk):
                            t = t + dlt[k] * wd[k][c]
                        h.append(_leaky(t))
                    h = _roundn(h)
                    h2 = []
                    for c in range(5):
                        t = h[0] * w2[0][c] + bb2[c]
                        for k in range(1, 5):
                            t = t + h[k] * w2[k][c]
                        h2.append(_leaky(t))
                    h2 = _roundn(h2)
                    out = []
                    for c in range(n_msg):
                        t = h2[0] * w3[0][c] + bb3[c]
                        for k in range(1, 5):
                            t = t + h2[k] * w3[k][c]
                        out.append(t)
                    accs = tuple(accs[c] + out[c] * aw
                                 for c in range(n_msg))
                    return accs + (deg + adjf,)

                return lax.cond(jnp.any(mask), hit, lambda c: c, carry)

            def jcbody(jc, carry):
                jbase = pl.multiple_of(jc * 16, 8)
                rj = f0v[pl.ds(jbase, 16)]
                ok = jnp.any((rj >= rlo) & (rj <= rhi))
                return lax.cond(
                    ok,
                    lambda c: lax.fori_loop(jbase, jbase + 16, jbody, c),
                    lambda c: c, carry)

            z16 = jnp.zeros((16,), jnp.float32)
            init = tuple(z16 for _ in range(n_msg)) + (z16,)
            res = lax.fori_loop(0, NCHUNK, jcbody, init)
            accs, deg = res[:-1], res[-1]
            pti = ptv[sl]
            vf = vfv[sl]
            cx = axv[sl]
            cy = ayv[sl]
            denom = pti * deg
            dsafe = jnp.where(denom == 0, 1.0, denom)
            inv = _rinv(dsafe)
            inv = inv * inv
            scale = pti * inv * vf
            g = pti * deg * inv * vf
            res_m = [accs[c] * scale for c in range(n_msg)]
            phase = res_m[n_msg - 1]
            co, sn = _sincos_2pi(phase)
            gx = cx * g
            gy = cy * g
            rx = co * gx - sn * gy
            ry = sn * gx + co * gy
            pt_new = pti * g
            if not readout:
                ptv[sl] = pt_new
                m0[sl] = res_m[0]
                m1[sl] = res_m[1]
                m2[sl] = res_m[2]
                m3[sl] = res_m[3]
                axv[sl] = rx
                ayv[sl] = ry
                return scarry
            ptn = pt_new * vf
            return (scarry[0] + ptn,
                    scarry[1] + ptn * res_m[0],
                    scarry[2] + ptn * res_m[1],
                    scarry[3] + ptn * rx,
                    scarry[4] + ptn * ry)

        z16 = jnp.zeros((16,), jnp.float32)
        return lax.fori_loop(0, NCHUNK, ibody, (z16,) * 5)

    def stage(conv1, nk, off):
        wsc = wext()
        wf = [[wsc(off["Wf"] + k * 5 + c) for c in range(5)]
              for k in range(nk)]
        wsum = [[wsc(off["Ws"] + k * 5 + c) for c in range(5)]
                for k in range(nk)]
        bb1 = [wsc(off["b1"] + c) for c in range(5)]

        def sbody(ic, _):
            base = pl.multiple_of(ic * 16, 8)
            sl = pl.ds(base, 16)
            cx = axv[sl]
            cy = ayv[sl]
            vf = vfv[sl]
            r2 = cx * cx + cy * cy
            pos = r2 > 0
            ri = _rinv(r2)
            ux = jnp.where(pos, cx * ri, 0.0)
            uy = jnp.where(pos, cy * ri, 0.0)
            zz = jnp.where(pos, 1.0, 0.0).astype(jnp.float32)
            axs[sl] = jnp.where(vf > 0, cx, SENT)
            ays[sl] = jnp.where(vf > 0, cy, SENT)
            uxv[sl] = ux
            uyv[sl] = uy
            znz[sl] = zz
            if conv1:
                f0v[sl] = jnp.where(pos, r2 * ri, 0.0)
                fk = [m0[sl], m1[sl], m2[sl], m3[sl]]
            else:
                rr = jnp.where(pos, r2 * ri, 0.0)
                f0v[sl] = rr
                fk = [rr]
            fb = _roundn(fk)
            for c in range(5):
                ta = fb[0] * wf[0][c]
                tb = fb[0] * wsum[0][c] + bb1[c]
                for k in range(1, nk):
                    ta = ta + fb[k] * wf[k][c]
                    tb = tb + fb[k] * wsum[k][c]
                avs[c][sl] = ta
                bvs[c][sl] = tb
            return 0

        lax.fori_loop(0, NCHUNK, sbody, 0)

    def jet(bl, _):
        b = wid * JETS_PER_W + bl
        pltpu.sync_copy(pt_h.at[b], ptv)
        pltpu.sync_copy(ax_h.at[b], axv)
        pltpu.sync_copy(ay_h.at[b], ayv)

        def vbody(ic, _):
            base = pl.multiple_of(ic * 16, 8)
            sl = pl.ds(base, 16)
            vfv[sl] = jnp.where(jnp.abs(axv[sl]) + jnp.abs(ayv[sl]) != 0,
                                1.0, 0.0).astype(jnp.float32)
            return 0

        lax.fori_loop(0, NCHUNK, vbody, 0)
        stage(False, 1, OFF0)
        conv_pass(5, 1, OFF0, readout=False)
        stage(True, 4, OFF1)
        s_ptn, s0, s1, s2, s3 = conv_pass(3, 4, OFF1, readout=True)
        den = jnp.sum(s_ptn)
        dsafe = jnp.where(den == 0, 1.0, den)
        dv = jnp.full((16,), dsafe, jnp.float32)
        iv = _rinv(dv)
        iv = iv * iv
        lane = lax.iota(jnp.int32, 16)
        outv = jnp.where(lane == 0, jnp.sum(s0),
                         jnp.where(lane == 1, jnp.sum(s1),
                                   jnp.where(lane == 2, jnp.sum(s2),
                                             jnp.where(lane == 3, jnp.sum(s3),
                                                       0.0))))
        orow[...] = outv.astype(jnp.float32) * iv
        pltpu.sync_copy(orow, out_h.at[b])
        return 0

    lax.fori_loop(0, JETS_PER_W, jet, 0)


@jax.jit
def _sc_conv(pt, ax, ay, wflat):
    mesh = plsc.VectorSubcoreMesh(core_axis_name="c", subcore_axis_name="s")
    f32 = jnp.float32
    scr = [pltpu.VMEM((P,), f32) for _ in range(24)] + [
        pltpu.VMEM((NW,), f32), pltpu.VMEM((16,), f32)]
    run = pl.kernel(_sc_body, mesh=mesh,
                    out_type=jax.ShapeDtypeStruct((B, 16), f32),
                    scratch_types=scr,
                    compiler_params=pltpu.CompilerParams(
                        needs_layout_passes=False))
    return run(pt, ax, ay, wflat)


def _readout_body(x_ref, w1_ref, b1_ref, w2_ref, b2_ref, w3_ref, b3_ref,
                  o_ref):
    def dot(x, w):
        return jnp.dot(_rbf(x), _rbf(w), precision=jax.lax.Precision.HIGHEST,
                       preferred_element_type=jnp.float32)

    x = x_ref[...]
    h = _leaky(dot(x, w1_ref[...]) + b1_ref[...][None, :])
    h = _leaky(dot(h, w2_ref[...]) + b2_ref[...][None, :])
    o_ref[...] = dot(h, w3_ref[...]) + b3_ref[...][None, :]


def kernel(pt, angles, mlp0, mlp1, mlp_readout):
    ax = angles[..., 0]
    ay = angles[..., 1]
    order = jnp.argsort(ax * ax + ay * ay, axis=1)
    pt = jnp.take_along_axis(pt, order, axis=1)
    ax = jnp.take_along_axis(ax, order, axis=1)
    ay = jnp.take_along_axis(ay, order, axis=1)

    bfr = _rbf

    def prep(params, k):
        (w1, bb1), (w2, bb2), (w3, bb3) = params
        return [bfr(w1[:k]).ravel(), bfr(w1[k:2 * k]).ravel(),
                bfr(w1[2 * k:3 * k]).ravel(), bfr(w1[3 * k]),
                bfr(w1[3 * k + 1]), bb1, bfr(w2).ravel(), bb2,
                bfr(w3).ravel(), bb3]

    wflat = jnp.concatenate(prep(mlp0, 1) + prep(mlp1, 4)
                            + [jnp.zeros((NW - 213,), jnp.float32)])
    out = _sc_conv(pt, ax, ay, wflat)
    agg = out[:, :4]
    (w1, b1), (w2, b2), (w3, b3) = mlp_readout
    ro = pl.pallas_call(
        _readout_body,
        out_shape=jax.ShapeDtypeStruct((B, 1), jnp.float32),
    )(agg[:, :2], w1, b1, w2, b2, w3, b3)
    return jnp.concatenate([ro, agg[:, 2:4]], axis=1)

# --- scband reference (transcript-rebuilt; emitter-appended) ---
"""Pipeline reference for scband-net-44633300140087 (READ-ONLY COPY).

The authoritative reference and input builder live on the scoring server;
editing this copy changes nothing except your own understanding.
"""

import jax, jax.numpy as jnp
import numpy as np

DRN = 0.4
NEG = 0.01
B, P = 64, 128


def leaky_relu(x):
    return jnp.where(x >= 0, x, NEG * x)


def mlp_apply(params, x):
    n = len(params)
    for i, (W, b) in enumerate(params):
        x = x @ W + b
        if i < n - 1:
            x = leaky_relu(x)
    return x


def init_mlp(key, dims):
    params = []
    for i in range(len(dims) - 1):
        key, k1, k2 = jax.random.split(key, 3)
        scale = float(np.sqrt(2.0 / (dims[i] + dims[i + 1])))
        W = scale * jax.random.normal(k1, (dims[i], dims[i + 1]), dtype=jnp.float32)
        b = 0.01 * jax.random.normal(k2, (dims[i + 1],), dtype=jnp.float32)
        params.append((W, b))
    return params


def edge_conv(x, valid, params):
    # x: [B, P, F]; dense-masked equivalent of radius(x[:,-2:]) + EdgeConv(aggr='sum')
    Bb, Pp, F = x.shape
    K = F - 3
    coords = x[..., -2:]
    d2 = jnp.sum((coords[:, :, None, :] - coords[:, None, :, :]) ** 2, axis=-1)
    adj = (d2 <= DRN * DRN) & valid[:, :, None] & valid[:, None, :]
    adjf = adj.astype(x.dtype)
    xi = x[:, :, None, :]  # target i on axis 1
    xj = x[:, None, :, :]  # source j on axis 2
    norm = jnp.sqrt((xi[..., -2] ** 2 + xi[..., -1] ** 2) * (xj[..., -2] ** 2 + xj[..., -1] ** 2))
    cos_ij = (xi[..., -2] * xj[..., -2] + xi[..., -1] * xj[..., -1]) / norm
    sin_ij = (xi[..., -1] * xj[..., -2] - xi[..., -2] * xj[..., -1]) / norm
    fi = jnp.broadcast_to(xi[..., 1:-2], (Bb, Pp, Pp, K))
    fj = jnp.broadcast_to(xj[..., 1:-2], (Bb, Pp, Pp, K))
    feat = jnp.concatenate([fi, fj, fj - fi, cos_ij[..., None], sin_ij[..., None]], axis=-1)
    m = jnp.nan_to_num(mlp_apply(params, feat))
    pt_i = jnp.broadcast_to(xi[..., :1], (Bb, Pp, Pp, 1))
    ang_i = jnp.broadcast_to(xi[..., -2:], (Bb, Pp, Pp, 2))
    msgs = jnp.concatenate([pt_i, m, ang_i], axis=-1)
    # pt-weighted aggregation (wj = pt_edge / sum_pt_into_i), segment-sum over neighbors j
    pt_e = msgs[..., 0] * adjf
    denom = jnp.sum(pt_e, axis=2)
    denom = jnp.where(denom == 0, 1.0, denom)
    wj = pt_e / denom[:, :, None]
    result = jnp.sum(wj[..., None] * msgs, axis=2)
    # IRC-safe phase rotation: exp(2*pi*i*phase) * (a + i*b)
    phase = result[..., -3]
    a = result[..., -2]
    bb = result[..., -1]
    c = jnp.cos(2 * jnp.pi * phase)
    s = jnp.sin(2 * jnp.pi * phase)
    return jnp.concatenate([result[..., :-3], (c * a - s * bb)[..., None], (s * a + c * bb)[..., None]], axis=-1)


def setup_inputs(seed: int = 0):
    key = jax.random.key(seed)
    kpt, kang, k0, k1, k2 = jax.random.split(key, 5)
    pt = jax.random.uniform(kpt, (B, P), dtype=jnp.float32)
    angles = jax.random.normal(kang, (B, P, 2), dtype=jnp.float32)
    mlp0 = init_mlp(k0, [5, 5, 5, 5])           # conv layer 0 (hidden [5,5,4+1])
    mlp1 = init_mlp(k1, [14, 5, 5, 3])          # conv layer 1 (3*4+2 -> [5,5,2+1])
    mlp_readout = init_mlp(k2, [2, 32, 32, 1])  # readout
    return {"pt": pt, "angles": angles, "mlp0": mlp0, "mlp1": mlp1, "mlp_readout": mlp_readout}


def reference(pt, angles, mlp0, mlp1, mlp_readout):
    valid = jnp.sum(jnp.abs(angles), axis=-1) != 0
    r = jnp.sqrt(angles[..., 0] ** 2 + angles[..., 1] ** 2)
    x = jnp.concatenate([pt[..., None], r[..., None], angles], axis=-1)  # [B,P,4]
    x = edge_conv(x, valid, mlp0)
    x = edge_conv(x, valid, mlp1)
    validf = valid.astype(x.dtype)
    pt_n = x[..., 0] * validf
    denom = jnp.sum(pt_n, axis=1, keepdims=True)
    denom = jnp.where(denom == 0, 1.0, denom)
    wj = pt_n / denom
    agg = jnp.sum(wj[..., None] * x[..., 1:], axis=1)  # [B,4]
    return jnp.concatenate([mlp_apply(mlp_readout, agg[:, :-2]), agg[:, -2:]], axis=1)  # [B,3]

if __name__ == "__main__":
    import jax
    _d = setup_inputs()
    print(jax.jit(kernel)(*tuple(_d.values())))

</pallas_src>

<mosaic_0001>
#map = affine_map<(d0, d1) -> (0, 0)>
#map1 = affine_map<(d0, d1) -> (0)>
module attributes {stable_mosaic.version = 14 : i64} {
  func.func @_sc_body(%arg0: i32, %arg1: i32, %arg2: memref<64x128xf32, #tpu.memory_space<hbm>>, %arg3: memref<64x128xf32, #tpu.memory_space<hbm>>, %arg4: memref<64x128xf32, #tpu.memory_space<hbm>>, %arg5: memref<224xf32, #tpu.memory_space<hbm>>, %arg6: memref<64x16xf32, #tpu.memory_space<hbm>>, %arg7: memref<128xf32, #tpu.memory_space<vmem>>, %arg8: memref<128xf32, #tpu.memory_space<vmem>>, %arg9: memref<128xf32, #tpu.memory_space<vmem>>, %arg10: memref<128xf32, #tpu.memory_space<vmem>>, %arg11: memref<128xf32, #tpu.memory_space<vmem>>, %arg12: memref<128xf32, #tpu.memory_space<vmem>>, %arg13: memref<128xf32, #tpu.memory_space<vmem>>, %arg14: memref<128xf32, #tpu.memory_space<vmem>>, %arg15: memref<128xf32, #tpu.memory_space<vmem>>, %arg16: memref<128xf32, #tpu.memory_space<vmem>>, %arg17: memref<128xf32, #tpu.memory_space<vmem>>, %arg18: memref<128xf32, #tpu.memory_space<vmem>>, %arg19: memref<128xf32, #tpu.memory_space<vmem>>, %arg20: memref<128xf32, #tpu.memory_space<vmem>>, %arg21: memref<128xf32, #tpu.memory_space<vmem>>, %arg22: memref<128xf32, #tpu.memory_space<vmem>>, %arg23: memref<128xf32, #tpu.memory_space<vmem>>, %arg24: memref<128xf32, #tpu.memory_space<vmem>>, %arg25: memref<128xf32, #tpu.memory_space<vmem>>, %arg26: memref<128xf32, #tpu.memory_space<vmem>>, %arg27: memref<128xf32, #tpu.memory_space<vmem>>, %arg28: memref<128xf32, #tpu.memory_space<vmem>>, %arg29: memref<128xf32, #tpu.memory_space<vmem>>, %arg30: memref<128xf32, #tpu.memory_space<vmem>>, %arg31: memref<224xf32, #tpu.memory_space<vmem>>, %arg32: memref<16xf32, #tpu.memory_space<vmem>>) attributes {dimension_semantics = [#tpu.dimension_semantics<core_parallel>, #tpu.dimension_semantics<subcore_parallel>], iteration_bounds = array<i64: 2, 16>, scalar_prefetch = 0 : i64, scratch_operands = 26 : i64, tpu.core_type = #tpu.core_type<sc_vector_subcore>, window_params = [{transform_indices = #map}, {transform_indices = #map}, {transform_indices = #map}, {transform_indices = #map1}, {transform_indices = #map}]} {
    %mul3A = arith.constant 2 : i32
    %mul3A_0 = arith.muli %arg1, %mul3A : i32
    %add3A = arith.addi %mul3A_0, %arg0 : i32
    "tpu.region"() ({
      %run_scoped3A = tpu.sem_alloc : memref<!tpu.dma_semaphore, #tpu.memory_space<semaphore_mem>>
      tpu.enqueue_dma source(%arg5 : memref<224xf32, #tpu.memory_space<hbm>>) target(%arg31 : memref<224xf32, #tpu.memory_space<vmem>>) target_semaphore(%run_scoped3A : memref<!tpu.dma_semaphore, #tpu.memory_space<semaphore_mem>>)
      tpu.wait_dma2 semaphore(%run_scoped3A : memref<!tpu.dma_semaphore, #tpu.memory_space<semaphore_mem>>) src(%arg5 : memref<224xf32, #tpu.memory_space<hbm>>) dst(%arg31 : memref<224xf32, #tpu.memory_space<vmem>>)
      tpu.yield
    }) : () -> ()
    %scan3A = arith.constant 0 : i32
    %scan3A_1 = arith.constant 0 : i32
    %scan3A_2 = arith.constant 2 : i32
    %scan3A_3 = arith.addi %scan3A_1, %scan3A_2 : i32
    %scan3A_4 = arith.constant 1 : i32
    %scan3A_5 = scf.for %scan3A_7 = %scan3A_1 to %scan3A_3 step %scan3A_4 iter_args(%scan3A_8 = %scan3A) -> (i32)  : i32 {
      %mul3A_9 = arith.constant 2 : i32
      %mul3A_10 = arith.muli %add3A, %mul3A_9 : i32
      %add3A_11 = arith.addi %mul3A_10, %scan3A_7 : i32
      "tpu.region"() ({
        %run_scoped3A = tpu.sem_alloc : memref<!tpu.dma_semaphore, #tpu.memory_space<semaphore_mem>>
        %dma_start3A = arith.constant 0 : i32
        %dma_start3A_661 = tpu.memref_slice %arg2[%add3A_11, %dma_start3A] : memref<64x128xf32, #tpu.memory_space<hbm>> -> memref<1x128xf32, #tpu.memory_space<hbm>>
        %dma_start3A_662 = tpu.memref_squeeze %dma_start3A_661 : memref<1x128xf32, #tpu.memory_space<hbm>> -> memref<128xf32, #tpu.memory_space<hbm>>
        %dma_start3A_663 = arith.constant 0 : i32
        %dma_start3A_664 = tpu.memref_slice %arg2[%add3A_11, %dma_start3A_663] : memref<64x128xf32, #tpu.memory_space<hbm>> -> memref<1x128xf32, #tpu.memory_space<hbm>>
        %dma_start3A_665 = tpu.memref_squeeze %dma_start3A_664 : memref<1x128xf32, #tpu.memory_space<hbm>> -> memref<128xf32, #tpu.memory_space<hbm>>
        tpu.enqueue_dma source(%dma_start3A_665 : memref<128xf32, #tpu.memory_space<hbm>>) target(%arg7 : memref<128xf32, #tpu.memory_space<vmem>>) target_semaphore(%run_scoped3A : memref<!tpu.dma_semaphore, #tpu.memory_space<semaphore_mem>>)
        %dma_wait3A = arith.constant 0 : i32
        %dma_wait3A_666 = tpu.memref_slice %arg2[%add3A_11, %dma_wait3A] : memref<64x128xf32, #tpu.memory_space<hbm>> -> memref<1x128xf32, #tpu.memory_space<hbm>>
        %dma_wait3A_667 = tpu.memref_squeeze %dma_wait3A_666 : memref<1x128xf32, #tpu.memory_space<hbm>> -> memref<128xf32, #tpu.memory_space<hbm>>
        %dma_wait3A_668 = arith.constant 0 : i32
        %dma_wait3A_669 = tpu.memref_slice %arg2[%add3A_11, %dma_wait3A_668] : memref<64x128xf32, #tpu.memory_space<hbm>> -> memref<1x128xf32, #tpu.memory_space<hbm>>
        %dma_wait3A_670 = tpu.memref_squeeze %dma_wait3A_669 : memref<1x128xf32, #tpu.memory_space<hbm>> -> memref<128xf32, #tpu.memory_space<hbm>>
        tpu.wait_dma2 semaphore(%run_scoped3A : memref<!tpu.dma_semaphore, #tpu.memory_space<semaphore_mem>>) src(%dma_wait3A_670 : memref<128xf32, #tpu.memory_space<hbm>>) dst(%arg7 : memref<128xf32, #tpu.memory_space<vmem>>)
        tpu.yield
      }) : () -> ()
      "tpu.region"() ({
        %run_scoped3A = tpu.sem_alloc : memref<!tpu.dma_semaphore, #tpu.memory_space<semaphore_mem>>
        %dma_start3A = arith.constant 0 : i32
        %dma_start3A_661 = tpu.memref_slice %arg3[%add3A_11, %dma_start3A] : memref<64x128xf32, #tpu.memory_space<hbm>> -> memref<1x128xf32, #tpu.memory_space<hbm>>
        %dma_start3A_662 = tpu.memref_squeeze %dma_start3A_661 : memref<1x128xf32, #tpu.memory_space<hbm>> -> memref<128xf32, #tpu.memory_space<hbm>>
        %dma_start3A_663 = arith.constant 0 : i32
        %dma_start3A_664 = tpu.memref_slice %arg3[%add3A_11, %dma_start3A_663] : memref<64x128xf32, #tpu.memory_space<hbm>> -> memref<1x128xf32, #tpu.memory_space<hbm>>
        %dma_start3A_665 = tpu.memref_squeeze %dma_start3A_664 : memref<1x128xf32, #tpu.memory_space<hbm>> -> memref<128xf32, #tpu.memory_space<hbm>>
        tpu.enqueue_dma source(%dma_start3A_665 : memref<128xf32, #tpu.memory_space<hbm>>) target(%arg8 : memref<128xf32, #tpu.memory_space<vmem>>) target_semaphore(%run_scoped3A : memref<!tpu.dma_semaphore, #tpu.memory_space<semaphore_mem>>)
        %dma_wait3A = arith.constant 0 : i32
        %dma_wait3A_666 = tpu.memref_slice %arg3[%add3A_11, %dma_wait3A] : memref<64x128xf32, #tpu.memory_space<hbm>> -> memref<1x128xf32, #tpu.memory_space<hbm>>
        %dma_wait3A_667 = tpu.memref_squeeze %dma_wait3A_666 : memref<1x128xf32, #tpu.memory_space<hbm>> -> memref<128xf32, #tpu.memory_space<hbm>>
        %dma_wait3A_668 = arith.constant 0 : i32
        %dma_wait3A_669 = tpu.memref_slice %arg3[%add3A_11, %dma_wait3A_668] : memref<64x128xf32, #tpu.memory_space<hbm>> -> memref<1x128xf32, #tpu.memory_space<hbm>>
        %dma_wait3A_670 = tpu.memref_squeeze %dma_wait3A_669 : memref<1x128xf32, #tpu.memory_space<hbm>> -> memref<128xf32, #tpu.memory_space<hbm>>
        tpu.wait_dma2 semaphore(%run_scoped3A : memref<!tpu.dma_semaphore, #tpu.memory_space<semaphore_mem>>) src(%dma_wait3A_670 : memref<128xf32, #tpu.memory_space<hbm>>) dst(%arg8 : memref<128xf32, #tpu.memory_space<vmem>>)
        tpu.yield
      }) : () -> ()
      "tpu.region"() ({
        %run_scoped3A = tpu.sem_alloc : memref<!tpu.dma_semaphore, #tpu.memory_space<semaphore_mem>>
        %dma_start3A = arith.constant 0 : i32
        %dma_start3A_661 = tpu.memref_slice %arg4[%add3A_11, %dma_start3A] : memref<64x128xf32, #tpu.memory_space<hbm>> -> memref<1x128xf32, #tpu.memory_space<hbm>>
        %dma_start3A_662 = tpu.memref_squeeze %dma_start3A_661 : memref<1x128xf32, #tpu.memory_space<hbm>> -> memref<128xf32, #tpu.memory_space<hbm>>
        %dma_start3A_663 = arith.constant 0 : i32
        %dma_start3A_664 = tpu.memref_slice %arg4[%add3A_11, %dma_start3A_663] : memref<64x128xf32, #tpu.memory_space<hbm>> -> memref<1x128xf32, #tpu.memory_space<hbm>>
        %dma_start3A_665 = tpu.memref_squeeze %dma_start3A_664 : memref<1x128xf32, #tpu.memory_space<hbm>> -> memref<128xf32, #tpu.memory_space<hbm>>
        tpu.enqueue_dma source(%dma_start3A_665 : memref<128xf32, #tpu.memory_space<hbm>>) target(%arg9 : memref<128xf32, #tpu.memory_space<vmem>>) target_semaphore(%run_scoped3A : memref<!tpu.dma_semaphore, #tpu.memory_space<semaphore_mem>>)
        %dma_wait3A = arith.constant 0 : i32
        %dma_wait3A_666 = tpu.memref_slice %arg4[%add3A_11, %dma_wait3A] : memref<64x128xf32, #tpu.memory_space<hbm>> -> memref<1x128xf32, #tpu.memory_space<hbm>>
        %dma_wait3A_667 = tpu.memref_squeeze %dma_wait3A_666 : memref<1x128xf32, #tpu.memory_space<hbm>> -> memref<128xf32, #tpu.memory_space<hbm>>
        %dma_wait3A_668 = arith.constant 0 : i32
        %dma_wait3A_669 = tpu.memref_slice %arg4[%add3A_11, %dma_wait3A_668] : memref<64x128xf32, #tpu.memory_space<hbm>> -> memref<1x128xf32, #tpu.memory_space<hbm>>
        %dma_wait3A_670 = tpu.memref_squeeze %dma_wait3A_669 : memref<1x128xf32, #tpu.memory_space<hbm>> -> memref<128xf32, #tpu.memory_space<hbm>>
        tpu.wait_dma2 semaphore(%run_scoped3A : memref<!tpu.dma_semaphore, #tpu.memory_space<semaphore_mem>>) src(%dma_wait3A_670 : memref<128xf32, #tpu.memory_space<hbm>>) dst(%arg9 : memref<128xf32, #tpu.memory_space<vmem>>)
        tpu.yield
      }) : () -> ()
      %scan3A_12 = arith.constant 0 : i32
      %scan3A_13 = arith.constant 0 : i32
      %scan3A_14 = arith.constant 8 : i32
      %scan3A_15 = arith.addi %scan3A_13, %scan3A_14 : i32
      %scan3A_16 = arith.constant 1 : i32
      %scan3A_17 = scf.for %scan3A_661 = %scan3A_13 to %scan3A_15 step %scan3A_16 iter_args(%scan3A_662 = %scan3A_12) -> (i32)  : i32 {
        %mul3A_663 = arith.constant 16 : i32
        %mul3A_664 = arith.muli %scan3A_661, %mul3A_663 : i32
        %multiple_of3A = tpu.assume_multiple %mul3A_664, 8 : i32
        %get3A_665 = arith.index_cast %multiple_of3A : i32 to index
        %get3A_666 = tpu.vector_load %arg8[%get3A_665] {strides = array<i32>} : memref<128xf32, #tpu.memory_space<vmem>>, vector<16xf32>,
        %abs3A = math.absf %get3A_666 : vector<16xf32>
        %get3A_667 = arith.index_cast %multiple_of3A : i32 to index
        %get3A_668 = tpu.vector_load %arg9[%get3A_667] {strides = array<i32>} : memref<128xf32, #tpu.memory_space<vmem>>, vector<16xf32>,
        %abs3A_669 = math.absf %get3A_668 : vector<16xf32>
        %add3A_670 = arith.addf %abs3A, %abs3A_669 : vector<16xf32>
        %ne3A = arith.constant 0.000000e+00 : f32
        %ne3A_671 = vector.broadcast %ne3A : f32 to vector<16xf32>
        %ne3A_672 = arith.cmpf one, %add3A_670, %ne3A_671 : vector<16xf32>
        %jit3A_673 = arith.constant 1.000000e+00 : f32
        %jit3A_674 = arith.constant 0.000000e+00 : f32
        %broadcast_in_dim3A_675 = vector.broadcast %jit3A_673 : f32 to vector<16xf32>
        %broadcast_in_dim3A_676 = vector.broadcast %jit3A_674 : f32 to vector<16xf32>
        %select_n3A_677 = arith.select %ne3A_672, %broadcast_in_dim3A_675, %broadcast_in_dim3A_676 : vector<16xi1>, vector<16xf32>
        %swap3A_678 = arith.index_cast %multiple_of3A : i32 to index
        %swap3A_679 = tpu.vector_load %arg15[%swap3A_678] {strides = array<i32>} : memref<128xf32, #tpu.memory_space<vmem>>, vector<16xf32>,
        tpu.vector_store %arg15[%swap3A_678], %select_n3A_677 {strides = array<i32>} : memref<128xf32, #tpu.memory_space<vmem>>, vector<16xf32>,
        %scan3A_680 = arith.constant 0 : i32
        scf.yield %scan3A_680 : i32
      }
      %scan3A_18 = arith.constant 8 : i32
      %get3A = arith.constant 0 : index
      %get3A_19 = tpu.vector_load %arg31[%get3A] {strides = array<i32>} : memref<224xf32, #tpu.memory_space<vmem>>, vector<16xf32>,
      %get3A_20 = arith.constant 16 : index
      %get3A_21 = tpu.vector_load %arg31[%get3A_20] {strides = array<i32>} : memref<224xf32, #tpu.memory_space<vmem>>, vector<16xf32>,
      %get3A_22 = arith.constant 32 : index
      %get3A_23 = tpu.vector_load %arg31[%get3A_22] {strides = array<i32>} : memref<224xf32, #tpu.memory_space<vmem>>, vector<16xf32>,
      %get3A_24 = arith.constant 48 : index
      %get3A_25 = tpu.vector_load %arg31[%get3A_24] {strides = array<i32>} : memref<224xf32, #tpu.memory_space<vmem>>, vector<16xf32>,
      %get3A_26 = arith.constant 64 : index
      %get3A_27 = tpu.vector_load %arg31[%get3A_26] {strides = array<i32>} : memref<224xf32, #tpu.memory_space<vmem>>, vector<16xf32>,
      %get3A_28 = arith.constant 80 : index
      %get3A_29 = tpu.vector_load %arg31[%get3A_28] {strides = array<i32>} : memref<224xf32, #tpu.memory_space<vmem>>, vector<16xf32>,
      %get3A_30 = arith.constant 96 : index
      %get3A_31 = tpu.vector_load %arg31[%get3A_30] {strides = array<i32>} : memref<224xf32, #tpu.memory_space<vmem>>, vector<16xf32>,
      %get3A_32 = arith.constant 112 : index
      %get3A_33 = tpu.vector_load %arg31[%get3A_32] {strides = array<i32>} : memref<224xf32, #tpu.memory_space<vmem>>, vector<16xf32>,
      %get3A_34 = arith.constant 128 : index
      %get3A_35 = tpu.vector_load %arg31[%get3A_34] {strides = array<i32>} : memref<224xf32, #tpu.memory_space<vmem>>, vector<16xf32>,
      %get3A_36 = arith.constant 144 : index
      %get3A_37 = tpu.vector_load %arg31[%get3A_36] {strides = array<i32>} : memref<224xf32, #tpu.memory_space<vmem>>, vector<16xf32>,
      %get3A_38 = arith.constant 160 : index
      %get3A_39 = tpu.vector_load %arg31[%get3A_38] {strides = array<i32>} : memref<224xf32, #tpu.memory_space<vmem>>, vector<16xf32>,
      %get3A_40 = arith.constant 176 : index
      %get3A_41 = tpu.vector_load %arg31[%get3A_40] {strides = array<i32>} : memref<224xf32, #tpu.memory_space<vmem>>, vector<16xf32>,
      %get3A_42 = arith.constant 192 : index
      %get3A_43 = tpu.vector_load %arg31[%get3A_42] {strides = array<i32>} : memref<224xf32, #tpu.memory_space<vmem>>, vector<16xf32>,
      %get3A_44 = arith.constant 208 : index
      %get3A_45 = tpu.vector_load %arg31[%get3A_44] {strides = array<i32>} : memref<224xf32, #tpu.memory_space<vmem>>, vector<16xf32>,
      %slice3A = vector.extract_strided_slice %get3A_19 {offsets = [0], sizes = [1], strides = [1]} : vector<16xf32> to vector<1xf32>
      %squeeze3A = vector.extract %slice3A[0] : f32 from vector<1xf32>
      %slice3A_46 = vector.extract_strided_slice %get3A_19 {offsets = [1], sizes = [1], strides = [1]} : vector<16xf32> to vector<1xf32>
      %squeeze3A_47 = vector.extract %slice3A_46[0] : f32 from vector<1xf32>
      %slice3A_48 = vector.extract_strided_slice %get3A_19 {offsets = [2], sizes = [1], strides = [1]} : vector<16xf32> to vector<1xf32>
      %squeeze3A_49 = vector.extract %slice3A_48[0] : f32 from vector<1xf32>
      %slice3A_50 = vector.extract_strided_slice %get3A_19 {offsets = [3], sizes = [1], strides = [1]} : vector<16xf32> to vector<1xf32>
      %squeeze3A_51 = vector.extract %slice3A_50[0] : f32 from vector<1xf32>
      %slice3A_52 = vector.extract_strided_slice %get3A_19 {offsets = [4], sizes = [1], strides = [1]} : vector<16xf32> to vector<1xf32>
      %squeeze3A_53 = vector.extract %slice3A_52[0] : f32 from vector<1xf32>
      %slice3A_54 = vector.extract_strided_slice %get3A_19 {offsets = [5], sizes = [1], strides = [1]} : vector<16xf32> to vector<1xf32>
      %squeeze3A_55 = vector.extract %slice3A_54[0] : f32 from vector<1xf32>
      %slice3A_56 = vector.extract_strided_slice %get3A_19 {offsets = [6], sizes = [1], strides = [1]} : vector<16xf32> to vector<1xf32>
      %squeeze3A_57 = vector.extract %slice3A_56[0] : f32 from vector<1xf32>
      %slice3A_58 = vector.extract_strided_slice %get3A_19 {offsets = [7], sizes = [1], strides = [1]} : vector<16xf32> to vector<1xf32>
      %squeeze3A_59 = vector.extract %slice3A_58[0] : f32 from vector<1xf32>
      %slice3A_60 = vector.extract_strided_slice %get3A_19 {offsets = [8], sizes = [1], strides = [1]} : vector<16xf32> to vector<1xf32>
      %squeeze3A_61 = vector.extract %slice3A_60[0] : f32 from vector<1xf32>
      %slice3A_62 = vector.extract_strided_slice %get3A_19 {offsets = [9], sizes = [1], strides = [1]} : vector<16xf32> to vector<1xf32>
      %squeeze3A_63 = vector.extract %slice3A_62[0] : f32 from vector<1xf32>
      %slice3A_64 = vector.extract_strided_slice %get3A_21 {offsets = [9], sizes = [1], strides = [1]} : vector<16xf32> to vector<1xf32>
      %squeeze3A_65 = vector.extract %slice3A_64[0] : f32 from vector<1xf32>
      %slice3A_66 = vector.extract_strided_slice %get3A_21 {offsets = [10], sizes = [1], strides = [1]} : vector<16xf32> to vector<1xf32>
      %squeeze3A_67 = vector.extract %slice3A_66[0] : f32 from vector<1xf32>
      %slice3A_68 = vector.extract_strided_slice %get3A_21 {offsets = [11], sizes = [1], strides = [1]} : vector<16xf32> to vector<1xf32>
      %squeeze3A_69 = vector.extract %slice3A_68[0] : f32 from vector<1xf32>
      %slice3A_70 = vector.extract_strided_slice %get3A_21 {offsets = [12], sizes = [1], strides = [1]} : vector<16xf32> to vector<1xf32>
      %squeeze3A_71 = vector.extract %slice3A_70[0] : f32 from vector<1xf32>
      %slice3A_72 = vector.extract_strided_slice %get3A_21 {offsets = [13], sizes = [1], strides = [1]} : vector<16xf32> to vector<1xf32>
      %squeeze3A_73 = vector.extract %slice3A_72[0] : f32 from vector<1xf32>
      %scan3A_74 = arith.constant 0 : i32
      %scan3A_75 = arith.constant 0 : i32
      %scan3A_76 = arith.constant 8 : i32
      %scan3A_77 = arith.addi %scan3A_75, %scan3A_76 : i32
      %scan3A_78 = arith.constant 1 : i32
      %scan3A_79 = scf.for %scan3A_661 = %scan3A_75 to %scan3A_77 step %scan3A_78 iter_args(%scan3A_662 = %scan3A_74) -> (i32)  : i32 {
        %mul3A_663 = arith.constant 16 : i32
        %mul3A_664 = arith.muli %scan3A_661, %mul3A_663 : i32
        %multiple_of3A = tpu.assume_multiple %mul3A_664, 8 : i32
        %get3A_665 = arith.index_cast %multiple_of3A : i32 to index
        %get3A_666 = tpu.vector_load %arg8[%get3A_665] {strides = array<i32>} : memref<128xf32, #tpu.memory_space<vmem>>, vector<16xf32>,
        %get3A_667 = arith.index_cast %multiple_of3A : i32 to index
        %get3A_668 = tpu.vector_load %arg9[%get3A_667] {strides = array<i32>} : memref<128xf32, #tpu.memory_space<vmem>>, vector<16xf32>,
        %get3A_669 = arith.index_cast %multiple_of3A : i32 to index
        %get3A_670 = tpu.vector_load %arg15[%get3A_669] {strides = array<i32>} : memref<128xf32, #tpu.memory_space<vmem>>, vector<16xf32>,
        %mul3A_671 = arith.mulf %get3A_666, %get3A_666 : vector<16xf32>
        %mul3A_672 = arith.mulf %get3A_668, %get3A_668 : vector<16xf32>
        %add3A_673 = arith.addf %mul3A_671, %mul3A_672 : vector<16xf32>
        %gt3A = arith.constant 0.000000e+00 : f32
        %gt3A_674 = vector.broadcast %gt3A : f32 to vector<16xf32>
        %gt3A_675 = arith.cmpf ogt, %add3A_673, %gt3A_674 : vector<16xf32>
        %bitcast_convert_type3A_676 = tpu.bitcast %add3A_673 : vector<16xf32> -> vector<16xi32>
        %shift_right_arithmetic3A_677 = arith.constant 1 : i32
        %shift_right_arithmetic3A_678 = vector.broadcast %shift_right_arithmetic3A_677 : i32 to vector<16xi32>
        %shift_right_arithmetic3A_679 = arith.shrsi %bitcast_convert_type3A_676, %shift_right_arithmetic3A_678 : vector<16xi32>
        %sub3A_680 = arith.constant 1597463007 : i32
        %sub3A_681 = vector.broadcast %sub3A_680 : i32 to vector<16xi32>
        %sub3A_682 = arith.subi %sub3A_681, %shift_right_arithmetic3A_679 : vector<16xi32>
        %bitcast_convert_type3A_683 = tpu.bitcast %sub3A_682 : vector<16xi32> -> vector<16xf32>
        %mul3A_684 = arith.constant 5.000000e-01 : f32
        %mul3A_685 = vector.broadcast %mul3A_684 : f32 to vector<16xf32>
        %mul3A_686 = arith.mulf %mul3A_685, %add3A_673 : vector<16xf32>
        %mul3A_687 = arith.mulf %mul3A_686, %bitcast_convert_type3A_683 : vector<16xf32>
        %mul3A_688 = arith.mulf %mul3A_687, %bitcast_convert_type3A_683 : vector<16xf32>
        %sub3A_689 = arith.constant 1.500000e+00 : f32
        %sub3A_690 = vector.broadcast %sub3A_689 : f32 to vector<16xf32>
        %sub3A_691 = arith.subf %sub3A_690, %mul3A_688 : vector<16xf32>
        %mul3A_692 = arith.mulf %bitcast_convert_type3A_683, %sub3A_691 : vector<16xf32>
        %mul3A_693 = arith.constant 5.000000e-01 : f32
        %mul3A_694 = vector.broadcast %mul3A_693 : f32 to vector<16xf32>
        %mul3A_695 = arith.mulf %mul3A_694, %add3A_673 : vector<16xf32>
        %mul3A_696 = arith.mulf %mul3A_695, %mul3A_692 : vector<16xf32>
        %mul3A_697 = arith.mulf %mul3A_696, %mul3A_692 : vector<16xf32>
        %sub3A_698 = arith.constant 1.500000e+00 : f32
        %sub3A_699 = vector.broadcast %sub3A_698 : f32 to vector<16xf32>
        %sub3A_700 = arith.subf %sub3A_699, %mul3A_697 : vector<16xf32>
        %mul3A_701 = arith.mulf %mul3A_692, %sub3A_700 : vector<16xf32>
        %mul3A_702 = arith.constant 5.000000e-01 : f32
        %mul3A_703 = vector.broadcast %mul3A_702 : f32 to vector<16xf32>
        %mul3A_704 = arith.mulf %mul3A_703, %add3A_673 : vector<16xf32>
        %mul3A_705 = arith.mulf %mul3A_704, %mul3A_701 : vector<16xf32>
        %mul3A_706 = arith.mulf %mul3A_705, %mul3A_701 : vector<16xf32>
        %sub3A_707 = arith.constant 1.500000e+00 : f32
        %sub3A_708 = vector.broadcast %sub3A_707 : f32 to vector<16xf32>
        %sub3A_709 = arith.subf %sub3A_708, %mul3A_706 : vector<16xf32>
        %mul3A_710 = arith.mulf %mul3A_701, %sub3A_709 : vector<16xf32>
        %mul3A_711 = arith.mulf %get3A_666, %mul3A_710 : vector<16xf32>
        %jit3A_712 = arith.constant 0.000000e+00 : f32
        %broadcast_in_dim3A_713 = vector.broadcast %jit3A_712 : f32 to vector<16xf32>
        %select_n3A_714 = arith.select %gt3A_675, %mul3A_711, %broadcast_in_dim3A_713 : vector<16xi1>, vector<16xf32>
        %mul3A_715 = arith.mulf %get3A_668, %mul3A_710 : vector<16xf32>
        %jit3A_716 = arith.constant 0.000000e+00 : f32
        %broadcast_in_dim3A_717 = vector.broadcast %jit3A_716 : f32 to vector<16xf32>
        %select_n3A_718 = arith.select %gt3A_675, %mul3A_715, %broadcast_in_dim3A_717 : vector<16xi1>, vector<16xf32>
        %jit3A_719 = arith.constant 1.000000e+00 : f32
        %jit3A_720 = arith.constant 0.000000e+00 : f32
        %broadcast_in_dim3A_721 = vector.broadcast %jit3A_719 : f32 to vector<16xf32>
        %broadcast_in_dim3A_722 = vector.broadcast %jit3A_720 : f32 to vector<16xf32>
        %select_n3A_723 = arith.select %gt3A_675, %broadcast_in_dim3A_721, %broadcast_in_dim3A_722 : vector<16xi1>, vector<16xf32>
        %gt3A_724 = arith.constant 0.000000e+00 : f32
        %gt3A_725 = vector.broadcast %gt3A_724 : f32 to vector<16xf32>
        %gt3A_726 = arith.cmpf ogt, %get3A_670, %gt3A_725 : vector<16xf32>
        %jit3A_727 = arith.constant 1.000000e+09 : f32
        %broadcast_in_dim3A_728 = vector.broadcast %jit3A_727 : f32 to vector<16xf32>
        %select_n3A_729 = arith.select %gt3A_726, %get3A_666, %broadcast_in_dim3A_728 : vector<16xi1>, vector<16xf32>
        %swap3A_730 = arith.index_cast %multiple_of3A : i32 to index
        %swap3A_731 = tpu.vector_load %arg10[%swap3A_730] {strides = array<i32>} : memref<128xf32, #tpu.memory_space<vmem>>, vector<16xf32>,
        tpu.vector_store %arg10[%swap3A_730], %select_n3A_729 {strides = array<i32>} : memref<128xf32, #tpu.memory_space<vmem>>, vector<16xf32>,
        %gt3A_732 = arith.constant 0.000000e+00 : f32
        %gt3A_733 = vector.broadcast %gt3A_732 : f32 to vector<16xf32>
        %gt3A_734 = arith.cmpf ogt, %get3A_670, %gt3A_733 : vector<16xf32>
        %jit3A_735 = arith.constant 1.000000e+09 : f32
        %broadcast_in_dim3A_736 = vector.broadcast %jit3A_735 : f32 to vector<16xf32>
        %select_n3A_737 = arith.select %gt3A_734, %get3A_668, %broadcast_in_dim3A_736 : vector<16xi1>, vector<16xf32>
        %swap3A_738 = arith.index_cast %multiple_of3A : i32 to index
        %swap3A_739 = tpu.vector_load %arg11[%swap3A_738] {strides = array<i32>} : memref<128xf32, #tpu.memory_space<vmem>>, vector<16xf32>,
        tpu.vector_store %arg11[%swap3A_738], %select_n3A_737 {strides = array<i32>} : memref<128xf32, #tpu.memory_space<vmem>>, vector<16xf32>,
        %swap3A_740 = arith.index_cast %multiple_of3A : i32 to index
        %swap3A_741 = tpu.vector_load %arg12[%swap3A_740] {strides = array<i32>} : memref<128xf32, #tpu.memory_space<vmem>>, vector<16xf32>,
        tpu.vector_store %arg12[%swap3A_740], %select_n3A_714 {strides = array<i32>} : memref<128xf32, #tpu.memory_space<vmem>>, vector<16xf32>,
        %swap3A_742 = arith.index_cast %multiple_of3A : i32 to index
        %swap3A_743 = tpu.vector_load %arg13[%swap3A_742] {strides = array<i32>} : memref<128xf32, #tpu.memory_space<vmem>>, vector<16xf32>,
        tpu.vector_store %arg13[%swap3A_742], %select_n3A_718 {strides = array<i32>} : memref<128xf32, #tpu.memory_space<vmem>>, vector<16xf32>,
        %swap3A_744 = arith.index_cast %multiple_of3A : i32 to index
        %swap3A_745 = tpu.vector_load %arg14[%swap3A_744] {strides = array<i32>} : memref<128xf32, #tpu.memory_space<vmem>>, vector<16xf32>,
        tpu.vector_store %arg14[%swap3A_744], %select_n3A_723 {strides = array<i32>} : memref<128xf32, #tpu.memory_space<vmem>>, vector<16xf32>,
        %mul3A_746 = arith.mulf %add3A_673, %mul3A_710 : vector<16xf32>
        %jit3A_747 = arith.constant 0.000000e+00 : f32
        %broadcast_in_dim3A_748 = vector.broadcast %jit3A_747 : f32 to vector<16xf32>
        %select_n3A_749 = arith.select %gt3A_675, %mul3A_746, %broadcast_in_dim3A_748 : vector<16xi1>, vector<16xf32>
        %swap3A_750 = arith.index_cast %multiple_of3A : i32 to index
        %swap3A_751 = tpu.vector_load %arg30[%swap3A_750] {strides = array<i32>} : memref<128xf32, #tpu.memory_space<vmem>>, vector<16xf32>,
        tpu.vector_store %arg30[%swap3A_750], %select_n3A_749 {strides = array<i32>} : memref<128xf32, #tpu.memory_space<vmem>>, vector<16xf32>,
        %bitcast_convert_type3A_752 = tpu.bitcast %select_n3A_749 : vector<16xf32> -> vector<16xi32>
        %add3A_753 = arith.constant 32768 : i32
        %add3A_754 = vector.broadcast %add3A_753 : i32 to vector<16xi32>
        %add3A_755 = arith.addi %bitcast_convert_type3A_752, %add3A_754 : vector<16xi32>
        %and3A = arith.constant -65536 : i32
        %and3A_756 = vector.broadcast %and3A : i32 to vector<16xi32>
        %and3A_757 = arith.andi %add3A_755, %and3A_756 : vector<16xi32>
        %bitcast_convert_type3A_758 = tpu.bitcast %and3A_757 : vector<16xi32> -> vector<16xf32>
        %mul3A_759 = vector.broadcast %squeeze3A : f32 to vector<16xf32>
        %mul3A_760 = arith.mulf %bitcast_convert_type3A_758, %mul3A_759 : vector<16xf32>
        %mul3A_761 = vector.broadcast %squeeze3A_55 : f32 to vector<16xf32>
        %mul3A_762 = arith.mulf %bitcast_convert_type3A_758, %mul3A_761 : vector<16xf32>
        %add3A_763 = vector.broadcast %squeeze3A_65 : f32 to vector<16xf32>
        %add3A_764 = arith.addf %mul3A_762, %add3A_763 : vector<16xf32>
        %swap3A_765 = arith.index_cast %multiple_of3A : i32 to index
        %swap3A_766 = tpu.vector_load %arg16[%swap3A_765] {strides = array<i32>} : memref<128xf32, #tpu.memory_space<vmem>>, vector<16xf32>,
        tpu.vector_store %arg16[%swap3A_765], %mul3A_760 {strides = array<i32>} : memref<128xf32, #tpu.memory_space<vmem>>, vector<16xf32>,
        %swap3A_767 = arith.index_cast %multiple_of3A : i32 to index
        %swap3A_768 = tpu.vector_load %arg21[%swap3A_767] {strides = array<i32>} : memref<128xf32, #tpu.memory_space<vmem>>, vector<16xf32>,
        tpu.vector_store %arg21[%swap3A_767], %add3A_764 {strides = array<i32>} : memref<128xf32, #tpu.memory_space<vmem>>, vector<16xf32>,
        %mul3A_769 = vector.broadcast %squeeze3A_47 : f32 to vector<16xf32>
        %mul3A_770 = arith.mulf %bitcast_convert_type3A_758, %mul3A_769 : vector<16xf32>
        %mul3A_771 = vector.broadcast %squeeze3A_57 : f32 to vector<16xf32>
        %mul3A_772 = arith.mulf %bitcast_convert_type3A_758, %mul3A_771 : vector<16xf32>
        %add3A_773 = vector.broadcast %squeeze3A_67 : f32 to vector<16xf32>
        %add3A_774 = arith.addf %mul3A_772, %add3A_773 : vector<16xf32>
        %swap3A_775 = arith.index_cast %multiple_of3A : i32 to index
        %swap3A_776 = tpu.vector_load %arg17[%swap3A_775] {strides = array<i32>} : memref<128xf32, #tpu.memory_space<vmem>>, vector<16xf32>,
        tpu.vector_store %arg17[%swap3A_775], %mul3A_770 {strides = array<i32>} : memref<128xf32, #tpu.memory_space<vmem>>, vector<16xf32>,
        %swap3A_777 = arith.index_cast %multiple_of3A : i32 to index
        %swap3A_778 = tpu.vector_load %arg22[%swap3A_777] {strides = array<i32>} : memref<128xf32, #tpu.memory_space<vmem>>, vector<16xf32>,
        tpu.vector_store %arg22[%swap3A_777], %add3A_774 {strides = array<i32>} : memref<128xf32, #tpu.memory_space<vmem>>, vector<16xf32>,
        %mul3A_779 = vector.broadcast %squeeze3A_49 : f32 to vector<16xf32>
        %mul3A_780 = arith.mulf %bitcast_convert_type3A_758, %mul3A_779 : vector<16xf32>
        %mul3A_781 = vector.broadcast %squeeze3A_59 : f32 to vector<16xf32>
        %mul3A_782 = arith.mulf %bitcast_convert_type3A_758, %mul3A_781 : vector<16xf32>
        %add3A_783 = vector.broadcast %squeeze3A_69 : f32 to vector<16xf32>
        %add3A_784 = arith.addf %mul3A_782, %add3A_783 : vector<16xf32>
        %swap3A_785 = arith.index_cast %multiple_of3A : i32 to index
        %swap3A_786 = tpu.vector_load %arg18[%swap3A_785] {strides = array<i32>} : memref<128xf32, #tpu.memory_space<vmem>>, vector<16xf32>,
        tpu.vector_store %arg18[%swap3A_785], %mul3A_780 {strides = array<i32>} : memref<128xf32, #tpu.memory_space<vmem>>, vector<16xf32>,
        %swap3A_787 = arith.index_cast %multiple_of3A : i32 to index
        %swap3A_788 = tpu.vector_load %arg23[%swap3A_787] {strides = array<i32>} : memref<128xf32, #tpu.memory_space<vmem>>, vector<16xf32>,
        tpu.vector_store %arg23[%swap3A_787], %add3A_784 {strides = array<i32>} : memref<128xf32, #tpu.memory_space<vmem>>, vector<16xf32>,
        %mul3A_789 = vector.broadcast %squeeze3A_51 : f32 to vector<16xf32>
        %mul3A_790 = arith.mulf %bitcast_convert_type3A_758, %mul3A_789 : vector<16xf32>
        %mul3A_791 = vector.broadcast %squeeze3A_61 : f32 to vector<16xf32>
        %mul3A_792 = arith.mulf %bitcast_convert_type3A_758, %mul3A_791 : vector<16xf32>
        %add3A_793 = vector.broadcast %squeeze3A_71 : f32 to vector<16xf32>
        %add3A_794 = arith.addf %mul3A_792, %add3A_793 : vector<16xf32>
        %swap3A_795 = arith.index_cast %multiple_of3A : i32 to index
        %swap3A_796 = tpu.vector_load %arg19[%swap3A_795] {strides = array<i32>} : memref<128xf32, #tpu.memory_space<vmem>>, vector<16xf32>,
        tpu.vector_store %arg19[%swap3A_795], %mul3A_790 {strides = array<i32>} : memref<128xf32, #tpu.memory_space<vmem>>, vector<16xf32>,
        %swap3A_797 = arith.index_cast %multiple_of3A : i32 to index
        %swap3A_798 = tpu.vector_load %arg24[%swap3A_797] {strides = array<i32>} : memref<128xf32, #tpu.memory_space<vmem>>, vector<16xf32>,
        tpu.vector_store %arg24[%swap3A_797], %add3A_794 {strides = array<i32>} : memref<128xf32, #tpu.memory_space<vmem>>, vector<16xf32>,
        %mul3A_799 = vector.broadcast %squeeze3A_53 : f32 to vector<16xf32>
        %mul3A_800 = arith.mulf %bitcast_convert_type3A_758, %mul3A_799 : vector<16xf32>
        %mul3A_801 = vector.broadcast %squeeze3A_63 : f32 to vector<16xf32>
        %mul3A_802 = arith.mulf %bitcast_convert_type3A_758, %mul3A_801 : vector<16xf32>
        %add3A_803 = vector.broadcast %squeeze3A_73 : f32 to vector<16xf32>
        %add3A_804 = arith.addf %mul3A_802, %add3A_803 : vector<16xf32>
        %swap3A_805 = arith.index_cast %multiple_of3A : i32 to index
        %swap3A_806 = tpu.vector_load %arg20[%swap3A_805] {strides = array<i32>} : memref<128xf32, #tpu.memory_space<vmem>>, vector<16xf32>,
        tpu.vector_store %arg20[%swap3A_805], %mul3A_800 {strides = array<i32>} : memref<128xf32, #tpu.memory_space<vmem>>, vector<16xf32>,
        %swap3A_807 = arith.index_cast %multiple_of3A : i32 to index
        %swap3A_808 = tpu.vector_load %arg25[%swap3A_807] {strides = array<i32>} : memref<128xf32, #tpu.memory_space<vmem>>, vector<16xf32>,
        tpu.vector_store %arg25[%swap3A_807], %add3A_804 {strides = array<i32>} : memref<128xf32, #tpu.memory_space<vmem>>, vector<16xf32>,
        %scan3A_809 = arith.constant 0 : i32
        scf.yield %scan3A_809 : i32
      }
      %scan3A_80 = arith.constant 8 : i32
      %get3A_81 = arith.constant 0 : index
      %get3A_82 = tpu.vector_load %arg31[%get3A_81] {strides = array<i32>} : memref<224xf32, #tpu.memory_space<vmem>>, vector<16xf32>,
      %get3A_83 = arith.constant 16 : index
      %get3A_84 = tpu.vector_load %arg31[%get3A_83] {strides = array<i32>} : memref<224xf32, #tpu.memory_space<vmem>>, vector<16xf32>,
      %get3A_85 = arith.constant 32 : index
      %get3A_86 = tpu.vector_load %arg31[%get3A_85] {strides = array<i32>} : memref<224xf32, #tpu.memory_space<vmem>>, vector<16xf32>,
      %get3A_87 = arith.constant 48 : index
      %get3A_88 = tpu.vector_load %arg31[%get3A_87] {strides = array<i32>} : memref<224xf32, #tpu.memory_space<vmem>>, vector<16xf32>,
      %get3A_89 = arith.constant 64 : index
      %get3A_90 = tpu.vector_load %arg31[%get3A_89] {strides = array<i32>} : memref<224xf32, #tpu.memory_space<vmem>>, vector<16xf32>,
      %get3A_91 = arith.constant 80 : index
      %get3A_92 = tpu.vector_load %arg31[%get3A_91] {strides = array<i32>} : memref<224xf32, #tpu.memory_space<vmem>>, vector<16xf32>,
      %get3A_93 = arith.constant 96 : index
      %get3A_94 = tpu.vector_load %arg31[%get3A_93] {strides = array<i32>} : memref<224xf32, #tpu.memory_space<vmem>>, vector<16xf32>,
      %get3A_95 = arith.constant 112 : index
      %get3A_96 = tpu.vector_load %arg31[%get3A_95] {strides = array<i32>} : memref<224xf32, #tpu.memory_space<vmem>>, vector<16xf32>,
      %get3A_97 = arith.constant 128 : index
      %get3A_98 = tpu.vector_load %arg31[%get3A_97] {strides = array<i32>} : memref<224xf32, #tpu.memory_space<vmem>>, vector<16xf32>,
      %get3A_99 = arith.constant 144 : index
      %get3A_100 = tpu.vector_load %arg31[%get3A_99] {strides = array<i32>} : memref<224xf32, #tpu.memory_space<vmem>>, vector<16xf32>,
      %get3A_101 = arith.constant 160 : index
      %get3A_102 = tpu.vector_load %arg31[%get3A_101] {strides = array<i32>} : memref<224xf32, #tpu.memory_space<vmem>>, vector<16xf32>,
      %get3A_103 = arith.constant 176 : index
      %get3A_104 = tpu.vector_load %arg31[%get3A_103] {strides = array<i32>} : memref<224xf32, #tpu.memory_space<vmem>>, vector<16xf32>,
      %get3A_105 = arith.constant 192 : index
      %get3A_106 = tpu.vector_load %arg31[%get3A_105] {strides = array<i32>} : memref<224xf32, #tpu.memory_space<vmem>>, vector<16xf32>,
      %get3A_107 = arith.constant 208 : index
      %get3A_108 = tpu.vector_load %arg31[%get3A_107] {strides = array<i32>} : memref<224xf32, #tpu.memory_space<vmem>>, vector<16xf32>,
      %slice3A_109 = vector.extract_strided_slice %get3A_82 {offsets = [10], sizes = [1], strides = [1]} : vector<16xf32> to vector<1xf32>
      %squeeze3A_110 = vector.extract %slice3A_109[0] : f32 from vector<1xf32>
      %slice3A_111 = vector.extract_strided_slice %get3A_82 {offsets = [11], sizes = [1], strides = [1]} : vector<16xf32> to vector<1xf32>
      %squeeze3A_112 = vector.extract %slice3A_111[0] : f32 from vector<1xf32>
      %slice3A_113 = vector.extract_strided_slice %get3A_82 {offsets = [12], sizes = [1], strides = [1]} : vector<16xf32> to vector<1xf32>
      %squeeze3A_114 = vector.extract %slice3A_113[0] : f32 from vector<1xf32>
      %slice3A_115 = vector.extract_strided_slice %get3A_82 {offsets = [13], sizes = [1], strides = [1]} : vector<16xf32> to vector<1xf32>
      %squeeze3A_116 = vector.extract %slice3A_115[0] : f32 from vector<1xf32>
      %slice3A_117 = vector.extract_strided_slice %get3A_82 {offsets = [14], sizes = [1], strides = [1]} : vector<16xf32> to vector<1xf32>
      %squeeze3A_118 = vector.extract %slice3A_117[0] : f32 from vector<1xf32>
      %slice3A_119 = vector.extract_strided_slice %get3A_82 {offsets = [15], sizes = [1], strides = [1]} : vector<16xf32> to vector<1xf32>
      %squeeze3A_120 = vector.extract %slice3A_119[0] : f32 from vector<1xf32>
      %slice3A_121 = vector.extract_strided_slice %get3A_84 {offsets = [0], sizes = [1], strides = [1]} : vector<16xf32> to vector<1xf32>
      %squeeze3A_122 = vector.extract %slice3A_121[0] : f32 from vector<1xf32>
      %slice3A_123 = vector.extract_strided_slice %get3A_84 {offsets = [1], sizes = [1], strides = [1]} : vector<16xf32> to vector<1xf32>
      %squeeze3A_124 = vector.extract %slice3A_123[0] : f32 from vector<1xf32>
      %slice3A_125 = vector.extract_strided_slice %get3A_84 {offsets = [2], sizes = [1], strides = [1]} : vector<16xf32> to vector<1xf32>
      %squeeze3A_126 = vector.extract %slice3A_125[0] : f32 from vector<1xf32>
      %slice3A_127 = vector.extract_strided_slice %get3A_84 {offsets = [3], sizes = [1], strides = [1]} : vector<16xf32> to vector<1xf32>
      %squeeze3A_128 = vector.extract %slice3A_127[0] : f32 from vector<1xf32>
      %slice3A_129 = vector.extract_strided_slice %get3A_84 {offsets = [4], sizes = [1], strides = [1]} : vector<16xf32> to vector<1xf32>
      %squeeze3A_130 = vector.extract %slice3A_129[0] : f32 from vector<1xf32>
      %slice3A_131 = vector.extract_strided_slice %get3A_84 {offsets = [5], sizes = [1], strides = [1]} : vector<16xf32> to vector<1xf32>
      %squeeze3A_132 = vector.extract %slice3A_131[0] : f32 from vector<1xf32>
      %slice3A_133 = vector.extract_strided_slice %get3A_84 {offsets = [6], sizes = [1], strides = [1]} : vector<16xf32> to vector<1xf32>
      %squeeze3A_134 = vector.extract %slice3A_133[0] : f32 from vector<1xf32>
      %slice3A_135 = vector.extract_strided_slice %get3A_84 {offsets = [7], sizes = [1], strides = [1]} : vector<16xf32> to vector<1xf32>
      %squeeze3A_136 = vector.extract %slice3A_135[0] : f32 from vector<1xf32>
      %slice3A_137 = vector.extract_strided_slice %get3A_84 {offsets = [8], sizes = [1], strides = [1]} : vector<16xf32> to vector<1xf32>
      %squeeze3A_138 = vector.extract %slice3A_137[0] : f32 from vector<1xf32>
      %slice3A_139 = vector.extract_strided_slice %get3A_84 {offsets = [14], sizes = [1], strides = [1]} : vector<16xf32> to vector<1xf32>
      %squeeze3A_140 = vector.extract %slice3A_139[0] : f32 from vector<1xf32>
      %slice3A_141 = vector.extract_strided_slice %get3A_84 {offsets = [15], sizes = [1], strides = [1]} : vector<16xf32> to vector<1xf32>
      %squeeze3A_142 = vector.extract %slice3A_141[0] : f32 from vector<1xf32>
      %slice3A_143 = vector.extract_strided_slice %get3A_86 {offsets = [0], sizes = [1], strides = [1]} : vector<16xf32> to vector<1xf32>
      %squeeze3A_144 = vector.extract %slice3A_143[0] : f32 from vector<1xf32>
      %slice3A_145 = vector.extract_strided_slice %get3A_86 {offsets = [1], sizes = [1], strides = [1]} : vector<16xf32> to vector<1xf32>
      %squeeze3A_146 = vector.extract %slice3A_145[0] : f32 from vector<1xf32>
      %slice3A_147 = vector.extract_strided_slice %get3A_86 {offsets = [2], sizes = [1], strides = [1]} : vector<16xf32> to vector<1xf32>
      %squeeze3A_148 = vector.extract %slice3A_147[0] : f32 from vector<1xf32>
      %slice3A_149 = vector.extract_strided_slice %get3A_86 {offsets = [3], sizes = [1], strides = [1]} : vector<16xf32> to vector<1xf32>
      %squeeze3A_150 = vector.extract %slice3A_149[0] : f32 from vector<1xf32>
      %slice3A_151 = vector.extract_strided_slice %get3A_86 {offsets = [4], sizes = [1], strides = [1]} : vector<16xf32> to vector<1xf32>
      %squeeze3A_152 = vector.extract %slice3A_151[0] : f32 from vector<1xf32>
      %slice3A_153 = vector.extract_strided_slice %get3A_86 {offsets = [5], sizes = [1], strides = [1]} : vector<16xf32> to vector<1xf32>
      %squeeze3A_154 = vector.extract %slice3A_153[0] : f32 from vector<1xf32>
      %slice3A_155 = vector.extract_strided_slice %get3A_86 {offsets = [6], sizes = [1], strides = [1]} : vector<16xf32> to vector<1xf32>
      %squeeze3A_156 = vector.extract %slice3A_155[0] : f32 from vector<1xf32>
      %slice3A_157 = vector.extract_strided_slice %get3A_86 {offsets = [7], sizes = [1], strides = [1]} : vector<16xf32> to vector<1xf32>
      %squeeze3A_158 = vector.extract %slice3A_157[0] : f32 from vector<1xf32>
      %slice3A_159 = vector.extract_strided_slice %get3A_86 {offsets = [8], sizes = [1], strides = [1]} : vector<16xf32> to vector<1xf32>
      %squeeze3A_160 = vector.extract %slice3A_159[0] : f32 from vector<1xf32>
      %slice3A_161 = vector.extract_strided_slice %get3A_86 {offsets = [9], sizes = [1], strides = [1]} : vector<16xf32> to vector<1xf32>
      %squeeze3A_162 = vector.extract %slice3A_161[0] : f32 from vector<1xf32>
      %slice3A_163 = vector.extract_strided_slice %get3A_86 {offsets = [10], sizes = [1], strides = [1]} : vector<16xf32> to vector<1xf32>
      %squeeze3A_164 = vector.extract %slice3A_163[0] : f32 from vector<1xf32>
      %slice3A_165 = vector.extract_strided_slice %get3A_86 {offsets = [11], sizes = [1], strides = [1]} : vector<16xf32> to vector<1xf32>
      %squeeze3A_166 = vector.extract %slice3A_165[0] : f32 from vector<1xf32>
      %slice3A_167 = vector.extract_strided_slice %get3A_86 {offsets = [12], sizes = [1], strides = [1]} : vector<16xf32> to vector<1xf32>
      %squeeze3A_168 = vector.extract %slice3A_167[0] : f32 from vector<1xf32>
      %slice3A_169 = vector.extract_strided_slice %get3A_86 {offsets = [13], sizes = [1], strides = [1]} : vector<16xf32> to vector<1xf32>
      %squeeze3A_170 = vector.extract %slice3A_169[0] : f32 from vector<1xf32>
      %slice3A_171 = vector.extract_strided_slice %get3A_86 {offsets = [14], sizes = [1], strides = [1]} : vector<16xf32> to vector<1xf32>
      %squeeze3A_172 = vector.extract %slice3A_171[0] : f32 from vector<1xf32>
      %slice3A_173 = vector.extract_strided_slice %get3A_86 {offsets = [15], sizes = [1], strides = [1]} : vector<16xf32> to vector<1xf32>
      %squeeze3A_174 = vector.extract %slice3A_173[0] : f32 from vector<1xf32>
      %slice3A_175 = vector.extract_strided_slice %get3A_88 {offsets = [0], sizes = [1], strides = [1]} : vector<16xf32> to vector<1xf32>
      %squeeze3A_176 = vector.extract %slice3A_175[0] : f32 from vector<1xf32>
      %slice3A_177 = vector.extract_strided_slice %get3A_88 {offsets = [1], sizes = [1], strides = [1]} : vector<16xf32> to vector<1xf32>
      %squeeze3A_178 = vector.extract %slice3A_177[0] : f32 from vector<1xf32>
      %slice3A_179 = vector.extract_strided_slice %get3A_88 {offsets = [2], sizes = [1], strides = [1]} : vector<16xf32> to vector<1xf32>
      %squeeze3A_180 = vector.extract %slice3A_179[0] : f32 from vector<1xf32>
      %slice3A_181 = vector.extract_strided_slice %get3A_88 {offsets = [3], sizes = [1], strides = [1]} : vector<16xf32> to vector<1xf32>
      %squeeze3A_182 = vector.extract %slice3A_181[0] : f32 from vector<1xf32>
      %slice3A_183 = vector.extract_strided_slice %get3A_88 {offsets = [4], sizes = [1], strides = [1]} : vector<16xf32> to vector<1xf32>
      %squeeze3A_184 = vector.extract %slice3A_183[0] : f32 from vector<1xf32>
      %slice3A_185 = vector.extract_strided_slice %get3A_88 {offsets = [5], sizes = [1], strides = [1]} : vector<16xf32> to vector<1xf32>
      %squeeze3A_186 = vector.extract %slice3A_185[0] : f32 from vector<1xf32>
      %slice3A_187 = vector.extract_strided_slice %get3A_88 {offsets = [6], sizes = [1], strides = [1]} : vector<16xf32> to vector<1xf32>
      %squeeze3A_188 = vector.extract %slice3A_187[0] : f32 from vector<1xf32>
      %slice3A_189 = vector.extract_strided_slice %get3A_88 {offsets = [7], sizes = [1], strides = [1]} : vector<16xf32> to vector<1xf32>
      %squeeze3A_190 = vector.extract %slice3A_189[0] : f32 from vector<1xf32>
      %slice3A_191 = vector.extract_strided_slice %get3A_88 {offsets = [8], sizes = [1], strides = [1]} : vector<16xf32> to vector<1xf32>
      %squeeze3A_192 = vector.extract %slice3A_191[0] : f32 from vector<1xf32>
      %slice3A_193 = vector.extract_strided_slice %get3A_88 {offsets = [9], sizes = [1], strides = [1]} : vector<16xf32> to vector<1xf32>
      %squeeze3A_194 = vector.extract %slice3A_193[0] : f32 from vector<1xf32>
      %slice3A_195 = vector.extract_strided_slice %get3A_88 {offsets = [10], sizes = [1], strides = [1]} : vector<16xf32> to vector<1xf32>
      %squeeze3A_196 = vector.extract %slice3A_195[0] : f32 from vector<1xf32>
      %slice3A_197 = vector.extract_strided_slice %get3A_88 {offsets = [11], sizes = [1], strides = [1]} : vector<16xf32> to vector<1xf32>
      %squeeze3A_198 = vector.extract %slice3A_197[0] : f32 from vector<1xf32>
      %slice3A_199 = vector.extract_strided_slice %get3A_88 {offsets = [12], sizes = [1], strides = [1]} : vector<16xf32> to vector<1xf32>
      %squeeze3A_200 = vector.extract %slice3A_199[0] : f32 from vector<1xf32>
      %slice3A_201 = vector.extract_strided_slice %get3A_88 {offsets = [13], sizes = [1], strides = [1]} : vector<16xf32> to vector<1xf32>
      %squeeze3A_202 = vector.extract %slice3A_201[0] : f32 from vector<1xf32>
      %slice3A_203 = vector.extract_strided_slice %get3A_88 {offsets = [14], sizes = [1], strides = [1]} : vector<16xf32> to vector<1xf32>
      %squeeze3A_204 = vector.extract %slice3A_203[0] : f32 from vector<1xf32>
      %slice3A_205 = vector.extract_strided_slice %get3A_88 {offsets = [15], sizes = [1], strides = [1]} : vector<16xf32> to vector<1xf32>
      %squeeze3A_206 = vector.extract %slice3A_205[0] : f32 from vector<1xf32>
      %slice3A_207 = vector.extract_strided_slice %get3A_90 {offsets = [0], sizes = [1], strides = [1]} : vector<16xf32> to vector<1xf32>
      %squeeze3A_208 = vector.extract %slice3A_207[0] : f32 from vector<1xf32>
      %slice3A_209 = vector.extract_strided_slice %get3A_90 {offsets = [1], sizes = [1], strides = [1]} : vector<16xf32> to vector<1xf32>
      %squeeze3A_210 = vector.extract %slice3A_209[0] : f32 from vector<1xf32>
      %slice3A_211 = vector.extract_strided_slice %get3A_90 {offsets = [2], sizes = [1], strides = [1]} : vector<16xf32> to vector<1xf32>
      %squeeze3A_212 = vector.extract %slice3A_211[0] : f32 from vector<1xf32>
      %slice3A_213 = vector.extract_strided_slice %get3A_90 {offsets = [3], sizes = [1], strides = [1]} : vector<16xf32> to vector<1xf32>
      %squeeze3A_214 = vector.extract %slice3A_213[0] : f32 from vector<1xf32>
      %slice3A_215 = vector.extract_strided_slice %get3A_90 {offsets = [4], sizes = [1], strides = [1]} : vector<16xf32> to vector<1xf32>
      %squeeze3A_216 = vector.extract %slice3A_215[0] : f32 from vector<1xf32>
      %slice3A_217 = vector.extract_strided_slice %get3A_90 {offsets = [5], sizes = [1], strides = [1]} : vector<16xf32> to vector<1xf32>
      %squeeze3A_218 = vector.extract %slice3A_217[0] : f32 from vector<1xf32>
      %slice3A_219 = vector.extract_strided_slice %get3A_90 {offsets = [6], sizes = [1], strides = [1]} : vector<16xf32> to vector<1xf32>
      %squeeze3A_220 = vector.extract %slice3A_219[0] : f32 from vector<1xf32>
      %slice3A_221 = vector.extract_strided_slice %get3A_90 {offsets = [7], sizes = [1], strides = [1]} : vector<16xf32> to vector<1xf32>
      %squeeze3A_222 = vector.extract %slice3A_221[0] : f32 from vector<1xf32>
      %slice3A_223 = vector.extract_strided_slice %get3A_90 {offsets = [8], sizes = [1], strides = [1]} : vector<16xf32> to vector<1xf32>
      %squeeze3A_224 = vector.extract %slice3A_223[0] : f32 from vector<1xf32>
      %slice3A_225 = vector.extract_strided_slice %get3A_90 {offsets = [9], sizes = [1], strides = [1]} : vector<16xf32> to vector<1xf32>
      %squeeze3A_226 = vector.extract %slice3A_225[0] : f32 from vector<1xf32>
      %slice3A_227 = vector.extract_strided_slice %get3A_90 {offsets = [10], sizes = [1], strides = [1]} : vector<16xf32> to vector<1xf32>
      %squeeze3A_228 = vector.extract %slice3A_227[0] : f32 from vector<1xf32>
      %slice3A_229 = vector.extract_strided_slice %get3A_90 {offsets = [11], sizes = [1], strides = [1]} : vector<16xf32> to vector<1xf32>
      %squeeze3A_230 = vector.extract %slice3A_229[0] : f32 from vector<1xf32>
      %slice3A_231 = vector.extract_strided_slice %get3A_90 {offsets = [12], sizes = [1], strides = [1]} : vector<16xf32> to vector<1xf32>
      %squeeze3A_232 = vector.extract %slice3A_231[0] : f32 from vector<1xf32>
      %slice3A_233 = vector.extract_strided_slice %get3A_90 {offsets = [13], sizes = [1], strides = [1]} : vector<16xf32> to vector<1xf32>
      %squeeze3A_234 = vector.extract %slice3A_233[0] : f32 from vector<1xf32>
      %slice3A_235 = vector.extract_strided_slice %get3A_90 {offsets = [14], sizes = [1], strides = [1]} : vector<16xf32> to vector<1xf32>
      %squeeze3A_236 = vector.extract %slice3A_235[0] : f32 from vector<1xf32>
      %slice3A_237 = vector.extract_strided_slice %get3A_90 {offsets = [15], sizes = [1], strides = [1]} : vector<16xf32> to vector<1xf32>
      %squeeze3A_238 = vector.extract %slice3A_237[0] : f32 from vector<1xf32>
      %slice3A_239 = vector.extract_strided_slice %get3A_92 {offsets = [0], sizes = [1], strides = [1]} : vector<16xf32> to vector<1xf32>
      %squeeze3A_240 = vector.extract %slice3A_239[0] : f32 from vector<1xf32>
      %slice3A_241 = vector.extract_strided_slice %get3A_92 {offsets = [1], sizes = [1], strides = [1]} : vector<16xf32> to vector<1xf32>
      %squeeze3A_242 = vector.extract %slice3A_241[0] : f32 from vector<1xf32>
      %slice3A_243 = vector.extract_strided_slice %get3A_92 {offsets = [2], sizes = [1], strides = [1]} : vector<16xf32> to vector<1xf32>
      %squeeze3A_244 = vector.extract %slice3A_243[0] : f32 from vector<1xf32>
      %slice3A_245 = vector.extract_strided_slice %get3A_92 {offsets = [3], sizes = [1], strides = [1]} : vector<16xf32> to vector<1xf32>
      %squeeze3A_246 = vector.extract %slice3A_245[0] : f32 from vector<1xf32>
      %slice3A_247 = vector.extract_strided_slice %get3A_92 {offsets = [4], sizes = [1], strides = [1]} : vector<16xf32> to vector<1xf32>
      %squeeze3A_248 = vector.extract %slice3A_247[0] : f32 from vector<1xf32>
      %slice3A_249 = vector.extract_strided_slice %get3A_92 {offsets = [5], sizes = [1], strides = [1]} : vector<16xf32> to vector<1xf32>
      %squeeze3A_250 = vector.extract %slice3A_249[0] : f32 from vector<1xf32>
      %slice3A_251 = vector.extract_strided_slice %get3A_92 {offsets = [6], sizes = [1], strides = [1]} : vector<16xf32> to vector<1xf32>
      %squeeze3A_252 = vector.extract %slice3A_251[0] : f32 from vector<1xf32>
      %slice3A_253 = vector.extract_strided_slice %get3A_92 {offsets = [7], sizes = [1], strides = [1]} : vector<16xf32> to vector<1xf32>
      %squeeze3A_254 = vector.extract %slice3A_253[0] : f32 from vector<1xf32>
      %slice3A_255 = vector.extract_strided_slice %get3A_92 {offsets = [8], sizes = [1], strides = [1]} : vector<16xf32> to vector<1xf32>
      %squeeze3A_256 = vector.extract %slice3A_255[0] : f32 from vector<1xf32>
      %slice3A_257 = vector.extract_strided_slice %get3A_92 {offsets = [9], sizes = [1], strides = [1]} : vector<16xf32> to vector<1xf32>
      %squeeze3A_258 = vector.extract %slice3A_257[0] : f32 from vector<1xf32>
      %broadcast_in_dim3A = arith.constant 0.000000e+00 : f32
      %broadcast_in_dim3A_259 = vector.broadcast %broadcast_in_dim3A : f32 to vector<16xf32>
      %scan3A_260 = arith.constant 0 : i32
      %scan3A_261 = arith.constant 8 : i32
      %scan3A_262 = arith.addi %scan3A_260, %scan3A_261 : i32
      %scan3A_263 = arith.constant 1 : i32
      scf.for %scan3A_661 = %scan3A_260 to %scan3A_262 step %scan3A_263  : i32 {
        %mul3A_662 = arith.constant 16 : i32
        %mul3A_663 = arith.muli %scan3A_661, %mul3A_662 : i32
        %multiple_of3A = tpu.assume_multiple %mul3A_663, 8 : i32
        %get3A_664 = arith.index_cast %multiple_of3A : i32 to index
        %get3A_665 = tpu.vector_load %arg10[%get3A_664] {strides = array<i32>} : memref<128xf32, #tpu.memory_space<vmem>>, vector<16xf32>,
        %get3A_666 = arith.index_cast %multiple_of3A : i32 to index
        %get3A_667 = tpu.vector_load %arg11[%get3A_666] {strides = array<i32>} : memref<128xf32, #tpu.memory_space<vmem>>, vector<16xf32>,
        %get3A_668 = arith.index_cast %multiple_of3A : i32 to index
        %get3A_669 = tpu.vector_load %arg12[%get3A_668] {strides = array<i32>} : memref<128xf32, #tpu.memory_space<vmem>>, vector<16xf32>,
        %get3A_670 = arith.index_cast %multiple_of3A : i32 to index
        %get3A_671 = tpu.vector_load %arg13[%get3A_670] {strides = array<i32>} : memref<128xf32, #tpu.memory_space<vmem>>, vector<16xf32>,
        %get3A_672 = arith.index_cast %multiple_of3A : i32 to index
        %get3A_673 = tpu.vector_load %arg14[%get3A_672] {strides = array<i32>} : memref<128xf32, #tpu.memory_space<vmem>>, vector<16xf32>,
        %get3A_674 = arith.index_cast %multiple_of3A : i32 to index
        %get3A_675 = tpu.vector_load %arg30[%get3A_674] {strides = array<i32>} : memref<128xf32, #tpu.memory_space<vmem>>, vector<16xf32>,
        %get3A_676 = arith.index_cast %multiple_of3A : i32 to index
        %get3A_677 = tpu.vector_load %arg16[%get3A_676] {strides = array<i32>} : memref<128xf32, #tpu.memory_space<vmem>>, vector<16xf32>,
        %get3A_678 = arith.index_cast %multiple_of3A : i32 to index
        %get3A_679 = tpu.vector_load %arg17[%get3A_678] {strides = array<i32>} : memref<128xf32, #tpu.memory_space<vmem>>, vector<16xf32>,
        %get3A_680 = arith.index_cast %multiple_of3A : i32 to index
        %get3A_681 = tpu.vector_load %arg18[%get3A_680] {strides = array<i32>} : memref<128xf32, #tpu.memory_space<vmem>>, vector<16xf32>,
        %get3A_682 = arith.index_cast %multiple_of3A : i32 to index
        %get3A_683 = tpu.vector_load %arg19[%get3A_682] {strides = array<i32>} : memref<128xf32, #tpu.memory_space<vmem>>, vector<16xf32>,
        %get3A_684 = arith.index_cast %multiple_of3A : i32 to index
        %get3A_685 = tpu.vector_load %arg20[%get3A_684] {strides = array<i32>} : memref<128xf32, #tpu.memory_space<vmem>>, vector<16xf32>,
        %get3A_686 = arith.index_cast %multiple_of3A : i32 to index
        %get3A_687 = tpu.vector_load %arg30[%get3A_686] {strides = array<i32>} : memref<128xf32, #tpu.memory_space<vmem>>, vector<16xf32>,
        %reduce_min3A = arith.constant true
        %reduce_min3A_688 = vector.broadcast %reduce_min3A : i1 to vector<16xi1>
        %reduce_min3A_689 = tpu.scan <min>, %get3A_687 masked %reduce_min3A_688 : vector<16xf32>, vector<16xi1> -> vector<16xf32>
        %reduce_min3A_690 = vector.extract %reduce_min3A_689[15] : f32 from vector<16xf32>
        %sub3A_691 = arith.constant 4.001000e-01 : f32
        %sub3A_692 = arith.subf %reduce_min3A_690, %sub3A_691 : f32
        %reduce_max3A = arith.constant true
        %reduce_max3A_693 = vector.broadcast %reduce_max3A : i1 to vector<16xi1>
        %reduce_max3A_694 = tpu.scan <max>, %get3A_687 masked %reduce_max3A_693 : vector<16xf32>, vector<16xi1> -> vector<16xf32>
        %reduce_max3A_695 = vector.extract %reduce_max3A_694[15] : f32 from vector<16xf32>
        %add3A_696 = arith.constant 4.001000e-01 : f32
        %add3A_697 = arith.addf %reduce_max3A_695, %add3A_696 : f32
        %broadcast_in_dim3A_698 = arith.constant 0.000000e+00 : f32
        %broadcast_in_dim3A_699 = vector.broadcast %broadcast_in_dim3A_698 : f32 to vector<16xf32>
        %scan3A_700 = arith.constant 0 : i32
        %scan3A_701 = arith.constant 8 : i32
        %scan3A_702 = arith.addi %scan3A_700, %scan3A_701 : i32
        %scan3A_703 = arith.constant 1 : i32
        %scan3A_704:6 = scf.for %scan3A_858 = %scan3A_700 to %scan3A_702 step %scan3A_703 iter_args(%scan3A_859 = %broadcast_in_dim3A_699, %scan3A_860 = %broadcast_in_dim3A_699, %scan3A_861 = %broadcast_in_dim3A_699, %scan3A_862 = %broadcast_in_dim3A_699, %scan3A_863 = %broadcast_in_dim3A_699, %scan3A_864 = %broadcast_in_dim3A_699) -> (vector<16xf32>, vector<16xf32>, vector<16xf32>, vector<16xf32>, vector<16xf32>, vector<16xf32>)  : i32 {
          %mul3A_865 = arith.constant 16 : i32
          %mul3A_866 = arith.muli %scan3A_858, %mul3A_865 : i32
          %multiple_of3A_867 = tpu.assume_multiple %mul3A_866, 8 : i32
          %get3A_868 = arith.index_cast %multiple_of3A_867 : i32 to index
          %get3A_869 = tpu.vector_load %arg30[%get3A_868] {strides = array<i32>} : memref<128xf32, #tpu.memory_space<vmem>>, vector<16xf32>,
          %ge3A = vector.broadcast %sub3A_692 : f32 to vector<16xf32>
          %ge3A_870 = arith.cmpf oge, %get3A_869, %ge3A : vector<16xf32>
          %le3A = vector.broadcast %add3A_697 : f32 to vector<16xf32>
          %le3A_871 = arith.cmpf ole, %get3A_869, %le3A : vector<16xf32>
          %and3A = arith.andi %ge3A_870, %le3A_871 : vector<16xi1>
          %reduce_or3A = arith.constant 1.000000e+00 : f32
          %reduce_or3A_872 = arith.constant 0.000000e+00 : f32
          %reduce_or3A_873 = vector.broadcast %reduce_or3A : f32 to vector<16xf32>
          %reduce_or3A_874 = vector.broadcast %reduce_or3A_872 : f32 to vector<16xf32>
          %reduce_or3A_875 = arith.select %and3A, %reduce_or3A_873, %reduce_or3A_874 : vector<16xi1>, vector<16xf32>
          %reduce_or3A_876 = arith.constant true
          %reduce_or3A_877 = vector.broadcast %reduce_or3A_876 : i1 to vector<16xi1>
          %reduce_or3A_878 = tpu.scan <max>, %reduce_or3A_875 masked %reduce_or3A_877 : vector<16xf32>, vector<16xi1> -> vector<16xf32>
          %reduce_or3A_879 = vector.extract %reduce_or3A_878[15] : f32 from vector<16xf32>
          %reduce_or3A_880 = arith.constant 0.000000e+00 : f32
          %reduce_or3A_881 = arith.cmpf ogt, %reduce_or3A_879, %reduce_or3A_880 : f32
          %convert_element_type3A_882 = arith.extui %reduce_or3A_881 : i1 to i32
          %cond3A = arith.constant 0 : i32
          %cond3A_883 = arith.cmpi ne, %convert_element_type3A_882, %cond3A : i32
          %cond3A_884:6 = scf.if %cond3A_883 -> (vector<16xf32>, vector<16xf32>, vector<16xf32>, vector<16xf32>, vector<16xf32>, vector<16xf32>) {
            %add3A_885 = arith.constant 16 : i32
            %add3A_886 = arith.addi %multiple_of3A_867, %add3A_885 : i32
            %while3A = arith.subi %add3A_886, %multiple_of3A_867 : i32
            %while3A_887 = arith.addi %multiple_of3A_867, %while3A : i32
            %while3A_888 = arith.constant 1 : i32
            %while3A_889 = arith.divsi %while3A, %while3A_888 : i32
            %while3A_890 = arith.muli %while3A_889, %while3A_888 : i32
            %while3A_891 = arith.addi %multiple_of3A_867, %while3A_890 : i32
            %while3A_892 = arith.constant 1 : i32
            %while3A_893:6 = scf.for %while3A_896 = %multiple_of3A_867 to %while3A_891 step %while3A_892 iter_args(%while3A_897 = %scan3A_859, %while3A_898 = %scan3A_860, %while3A_899 = %scan3A_861, %while3A_900 = %scan3A_862, %while3A_901 = %scan3A_863, %while3A_902 = %scan3A_864) -> (vector<16xf32>, vector<16xf32>, vector<16xf32>, vector<16xf32>, vector<16xf32>, vector<16xf32>)  : i32 {
              %broadcast_in_dim3A_903 = vector.broadcast %while3A_896 : i32 to vector<16xi32>
              %gather3A = tpu.vector_load_idx %arg10[%broadcast_in_dim3A_903] : memref<128xf32, #tpu.memory_space<vmem>>[vector<16xi32>], vector<16xf32>,
              %gather3A_904 = tpu.vector_load_idx %arg11[%broadcast_in_dim3A_903] : memref<128xf32, #tpu.memory_space<vmem>>[vector<16xi32>], vector<16xf32>,
              %sub3A_905 = arith.subf %get3A_665, %gather3A : vector<16xf32>
              %sub3A_906 = arith.subf %get3A_667, %gather3A_904 : vector<16xf32>
              %mul3A_907 = arith.mulf %sub3A_905, %sub3A_905 : vector<16xf32>
              %mul3A_908 = arith.mulf %sub3A_906, %sub3A_906 : vector<16xf32>
              %add3A_909 = arith.addf %mul3A_907, %mul3A_908 : vector<16xf32>
              %le3A_910 = arith.constant 1.600000e-01 : f32
              %le3A_911 = vector.broadcast %le3A_910 : f32 to vector<16xf32>
              %le3A_912 = arith.cmpf ole, %add3A_909, %le3A_911 : vector<16xf32>
              %reduce_or3A_913 = arith.constant 1.000000e+00 : f32
              %reduce_or3A_914 = arith.constant 0.000000e+00 : f32
              %reduce_or3A_915 = vector.broadcast %reduce_or3A_913 : f32 to vector<16xf32>
              %reduce_or3A_916 = vector.broadcast %reduce_or3A_914 : f32 to vector<16xf32>
              %reduce_or3A_917 = arith.select %le3A_912, %reduce_or3A_915, %reduce_or3A_916 : vector<16xi1>, vector<16xf32>
              %reduce_or3A_918 = arith.constant true
              %reduce_or3A_919 = vector.broadcast %reduce_or3A_918 : i1 to vector<16xi1>
              %reduce_or3A_920 = tpu.scan <max>, %reduce_or3A_917 masked %reduce_or3A_919 : vector<16xf32>, vector<16xi1> -> vector<16xf32>
              %reduce_or3A_921 = vector.extract %reduce_or3A_920[15] : f32 from vector<16xf32>
              %reduce_or3A_922 = arith.constant 0.000000e+00 : f32
              %reduce_or3A_923 = arith.cmpf ogt, %reduce_or3A_921, %reduce_or3A_922 : f32
              %convert_element_type3A_924 = arith.extui %reduce_or3A_923 : i1 to i32
              %cond3A_925 = arith.constant 0 : i32
              %cond3A_926 = arith.cmpi ne, %convert_element_type3A_924, %cond3A_925 : i32
              %cond3A_927:6 = scf.if %cond3A_926 -> (vector<16xf32>, vector<16xf32>, vector<16xf32>, vector<16xf32>, vector<16xf32>, vector<16xf32>) {
                %gather3A_928 = tpu.vector_load_idx %arg12[%broadcast_in_dim3A_903] : memref<128xf32, #tpu.memory_space<vmem>>[vector<16xi32>], vector<16xf32>,
                %gather3A_929 = tpu.vector_load_idx %arg13[%broadcast_in_dim3A_903] : memref<128xf32, #tpu.memory_space<vmem>>[vector<16xi32>], vector<16xf32>,
                %gather3A_930 = tpu.vector_load_idx %arg14[%broadcast_in_dim3A_903] : memref<128xf32, #tpu.memory_space<vmem>>[vector<16xi32>], vector<16xf32>,
                %gather3A_931 = tpu.vector_load_idx %arg21[%broadcast_in_dim3A_903] : memref<128xf32, #tpu.memory_space<vmem>>[vector<16xi32>], vector<16xf32>,
                %gather3A_932 = tpu.vector_load_idx %arg22[%broadcast_in_dim3A_903] : memref<128xf32, #tpu.memory_space<vmem>>[vector<16xi32>], vector<16xf32>,
                %gather3A_933 = tpu.vector_load_idx %arg23[%broadcast_in_dim3A_903] : memref<128xf32, #tpu.memory_space<vmem>>[vector<16xi32>], vector<16xf32>,
                %gather3A_934 = tpu.vector_load_idx %arg24[%broadcast_in_dim3A_903] : memref<128xf32, #tpu.memory_space<vmem>>[vector<16xi32>], vector<16xf32>,
                %gather3A_935 = tpu.vector_load_idx %arg25[%broadcast_in_dim3A_903] : memref<128xf32, #tpu.memory_space<vmem>>[vector<16xi32>], vector<16xf32>,
                %gather3A_936 = tpu.vector_load_idx %arg30[%broadcast_in_dim3A_903] : memref<128xf32, #tpu.memory_space<vmem>>[vector<16xi32>], vector<16xf32>,
                %jit3A_937 = arith.constant 1.000000e+00 : f32
                %jit3A_938 = arith.constant 0.000000e+00 : f32
                %broadcast_in_dim3A_939 = vector.broadcast %jit3A_937 : f32 to vector<16xf32>
                %broadcast_in_dim3A_940 = vector.broadcast %jit3A_938 : f32 to vector<16xf32>
                %select_n3A_941 = arith.select %le3A_912, %broadcast_in_dim3A_939, %broadcast_in_dim3A_940 : vector<16xi1>, vector<16xf32>
                %mul3A_942 = arith.mulf %get3A_673, %gather3A_930 : vector<16xf32>
                %mul3A_943 = arith.mulf %select_n3A_941, %mul3A_942 : vector<16xf32>
                %mul3A_944 = arith.mulf %get3A_669, %gather3A_928 : vector<16xf32>
                %mul3A_945 = arith.mulf %get3A_671, %gather3A_929 : vector<16xf32>
                %add3A_946 = arith.addf %mul3A_944, %mul3A_945 : vector<16xf32>
                %mul3A_947 = arith.mulf %get3A_671, %gather3A_928 : vector<16xf32>
                %mul3A_948 = arith.mulf %get3A_669, %gather3A_929 : vector<16xf32>
                %sub3A_949 = arith.subf %mul3A_947, %mul3A_948 : vector<16xf32>
                %sub3A_950 = arith.subf %gather3A_936, %get3A_675 : vector<16xf32>
                %bitcast_convert_type3A_951 = tpu.bitcast %sub3A_950 : vector<16xf32> -> vector<16xi32>
                %add3A_952 = arith.constant 32768 : i32
                %add3A_953 = vector.broadcast %add3A_952 : i32 to vector<16xi32>
                %add3A_954 = arith.addi %bitcast_convert_type3A_951, %add3A_953 : vector<16xi32>
                %and3A_955 = arith.constant -65536 : i32
                %and3A_956 = vector.broadcast %and3A_955 : i32 to vector<16xi32>
                %and3A_957 = arith.andi %add3A_954, %and3A_956 : vector<16xi32>
                %bitcast_convert_type3A_958 = tpu.bitcast %and3A_957 : vector<16xi32> -> vector<16xf32>
                %bitcast_convert_type3A_959 = tpu.bitcast %add3A_946 : vector<16xf32> -> vector<16xi32>
                %add3A_960 = arith.constant 32768 : i32
                %add3A_961 = vector.broadcast %add3A_960 : i32 to vector<16xi32>
                %add3A_962 = arith.addi %bitcast_convert_type3A_959, %add3A_961 : vector<16xi32>
                %and3A_963 = arith.constant -65536 : i32
                %and3A_964 = vector.broadcast %and3A_963 : i32 to vector<16xi32>
                %and3A_965 = arith.andi %add3A_962, %and3A_964 : vector<16xi32>
                %bitcast_convert_type3A_966 = tpu.bitcast %and3A_965 : vector<16xi32> -> vector<16xf32>
                %bitcast_convert_type3A_967 = tpu.bitcast %sub3A_949 : vector<16xf32> -> vector<16xi32>
                %add3A_968 = arith.constant 32768 : i32
                %add3A_969 = vector.broadcast %add3A_968 : i32 to vector<16xi32>
                %add3A_970 = arith.addi %bitcast_convert_type3A_967, %add3A_969 : vector<16xi32>
                %and3A_971 = arith.constant -65536 : i32
                %and3A_972 = vector.broadcast %and3A_971 : i32 to vector<16xi32>
                %and3A_973 = arith.andi %add3A_970, %and3A_972 : vector<16xi32>
                %bitcast_convert_type3A_974 = tpu.bitcast %and3A_973 : vector<16xi32> -> vector<16xf32>
                %add3A_975 = arith.addf %get3A_677, %gather3A_931 : vector<16xf32>
                %mul3A_976 = vector.broadcast %squeeze3A_120 : f32 to vector<16xf32>
                %mul3A_977 = arith.mulf %bitcast_convert_type3A_966, %mul3A_976 : vector<16xf32>
                %add3A_978 = arith.addf %add3A_975, %mul3A_977 : vector<16xf32>
                %mul3A_979 = vector.broadcast %squeeze3A_130 : f32 to vector<16xf32>
                %mul3A_980 = arith.mulf %bitcast_convert_type3A_974, %mul3A_979 : vector<16xf32>
                %add3A_981 = arith.addf %add3A_978, %mul3A_980 : vector<16xf32>
                %mul3A_982 = vector.broadcast %squeeze3A_110 : f32 to vector<16xf32>
                %mul3A_983 = arith.mulf %bitcast_convert_type3A_958, %mul3A_982 : vector<16xf32>
                %add3A_984 = arith.addf %add3A_981, %mul3A_983 : vector<16xf32>
                %ge3A_985 = arith.constant 0.000000e+00 : f32
                %ge3A_986 = vector.broadcast %ge3A_985 : f32 to vector<16xf32>
                %ge3A_987 = arith.cmpf oge, %add3A_984, %ge3A_986 : vector<16xf32>
                %mul3A_988 = arith.constant 0.00999999977 : f32
                %mul3A_989 = vector.broadcast %mul3A_988 : f32 to vector<16xf32>
                %mul3A_990 = arith.mulf %mul3A_989, %add3A_984 : vector<16xf32>
                %select_n3A_991 = arith.select %ge3A_987, %add3A_984, %mul3A_990 : vector<16xi1>, vector<16xf32>
                %add3A_992 = arith.addf %get3A_679, %gather3A_932 : vector<16xf32>
                %mul3A_993 = vector.broadcast %squeeze3A_122 : f32 to vector<16xf32>
                %mul3A_994 = arith.mulf %bitcast_convert_type3A_966, %mul3A_993 : vector<16xf32>
                %add3A_995 = arith.addf %add3A_992, %mul3A_994 : vector<16xf32>
                %mul3A_996 = vector.broadcast %squeeze3A_132 : f32 to vector<16xf32>
                %mul3A_997 = arith.mulf %bitcast_convert_type3A_974, %mul3A_996 : vector<16xf32>
                %add3A_998 = arith.addf %add3A_995, %mul3A_997 : vector<16xf32>
                %mul3A_999 = vector.broadcast %squeeze3A_112 : f32 to vector<16xf32>
                %mul3A_1000 = arith.mulf %bitcast_convert_type3A_958, %mul3A_999 : vector<16xf32>
                %add3A_1001 = arith.addf %add3A_998, %mul3A_1000 : vector<16xf32>
                %ge3A_1002 = arith.constant 0.000000e+00 : f32
                %ge3A_1003 = vector.broadcast %ge3A_1002 : f32 to vector<16xf32>
                %ge3A_1004 = arith.cmpf oge, %add3A_1001, %ge3A_1003 : vector<16xf32>
                %mul3A_1005 = arith.constant 0.00999999977 : f32
                %mul3A_1006 = vector.broadcast %mul3A_1005 : f32 to vector<16xf32>
                %mul3A_1007 = arith.mulf %mul3A_1006, %add3A_1001 : vector<16xf32>
                %select_n3A_1008 = arith.select %ge3A_1004, %add3A_1001, %mul3A_1007 : vector<16xi1>, vector<16xf32>
                %add3A_1009 = arith.addf %get3A_681, %gather3A_933 : vector<16xf32>
                %mul3A_1010 = vector.broadcast %squeeze3A_124 : f32 to vector<16xf32>
                %mul3A_1011 = arith.mulf %bitcast_convert_type3A_966, %mul3A_1010 : vector<16xf32>
                %add3A_1012 = arith.addf %add3A_1009, %mul3A_1011 : vector<16xf32>
                %mul3A_1013 = vector.broadcast %squeeze3A_134 : f32 to vector<16xf32>
                %mul3A_1014 = arith.mulf %bitcast_convert_type3A_974, %mul3A_1013 : vector<16xf32>
                %add3A_1015 = arith.addf %add3A_1012, %mul3A_1014 : vector<16xf32>
                %mul3A_1016 = vector.broadcast %squeeze3A_114 : f32 to vector<16xf32>
                %mul3A_1017 = arith.mulf %bitcast_convert_type3A_958, %mul3A_1016 : vector<16xf32>
                %add3A_1018 = arith.addf %add3A_1015, %mul3A_1017 : vector<16xf32>
                %ge3A_1019 = arith.constant 0.000000e+00 : f32
                %ge3A_1020 = vector.broadcast %ge3A_1019 : f32 to vector<16xf32>
                %ge3A_1021 = arith.cmpf oge, %add3A_1018, %ge3A_1020 : vector<16xf32>
                %mul3A_1022 = arith.constant 0.00999999977 : f32
                %mul3A_1023 = vector.broadcast %mul3A_1022 : f32 to vector<16xf32>
                %mul3A_1024 = arith.mulf %mul3A_1023, %add3A_1018 : vector<16xf32>
                %select_n3A_1025 = arith.select %ge3A_1021, %add3A_1018, %mul3A_1024 : vector<16xi1>, vector<16xf32>
                %add3A_1026 = arith.addf %get3A_683, %gather3A_934 : vector<16xf32>
                %mul3A_1027 = vector.broadcast %squeeze3A_126 : f32 to vector<16xf32>
                %mul3A_1028 = arith.mulf %bitcast_convert_type3A_966, %mul3A_1027 : vector<16xf32>
                %add3A_1029 = arith.addf %add3A_1026, %mul3A_1028 : vector<16xf32>
                %mul3A_1030 = vector.broadcast %squeeze3A_136 : f32 to vector<16xf32>
                %mul3A_1031 = arith.mulf %bitcast_convert_type3A_974, %mul3A_1030 : vector<16xf32>
                %add3A_1032 = arith.addf %add3A_1029, %mul3A_1031 : vector<16xf32>
                %mul3A_1033 = vector.broadcast %squeeze3A_116 : f32 to vector<16xf32>
                %mul3A_1034 = arith.mulf %bitcast_convert_type3A_958, %mul3A_1033 : vector<16xf32>
                %add3A_1035 = arith.addf %add3A_1032, %mul3A_1034 : vector<16xf32>
                %ge3A_1036 = arith.constant 0.000000e+00 : f32
                %ge3A_1037 = vector.broadcast %ge3A_1036 : f32 to vector<16xf32>
                %ge3A_1038 = arith.cmpf oge, %add3A_1035, %ge3A_1037 : vector<16xf32>
                %mul3A_1039 = arith.constant 0.00999999977 : f32
                %mul3A_1040 = vector.broadcast %mul3A_1039 : f32 to vector<16xf32>
                %mul3A_1041 = arith.mulf %mul3A_1040, %add3A_1035 : vector<16xf32>
                %select_n3A_1042 = arith.select %ge3A_1038, %add3A_1035, %mul3A_1041 : vector<16xi1>, vector<16xf32>
                %add3A_1043 = arith.addf %get3A_685, %gather3A_935 : vector<16xf32>
                %mul3A_1044 = vector.broadcast %squeeze3A_128 : f32 to vector<16xf32>
                %mul3A_1045 = arith.mulf %bitcast_convert_type3A_966, %mul3A_1044 : vector<16xf32>
                %add3A_1046 = arith.addf %add3A_1043, %mul3A_1045 : vector<16xf32>
                %mul3A_1047 = vector.broadcast %squeeze3A_138 : f32 to vector<16xf32>
                %mul3A_1048 = arith.mulf %bitcast_convert_type3A_974, %mul3A_1047 : vector<16xf32>
                %add3A_1049 = arith.addf %add3A_1046, %mul3A_1048 : vector<16xf32>
                %mul3A_1050 = vector.broadcast %squeeze3A_118 : f32 to vector<16xf32>
                %mul3A_1051 = arith.mulf %bitcast_convert_type3A_958, %mul3A_1050 : vector<16xf32>
                %add3A_1052 = arith.addf %add3A_1049, %mul3A_1051 : vector<16xf32>
                %ge3A_1053 = arith.constant 0.000000e+00 : f32
                %ge3A_1054 = vector.broadcast %ge3A_1053 : f32 to vector<16xf32>
                %ge3A_1055 = arith.cmpf oge, %add3A_1052, %ge3A_1054 : vector<16xf32>
                %mul3A_1056 = arith.constant 0.00999999977 : f32
                %mul3A_1057 = vector.broadcast %mul3A_1056 : f32 to vector<16xf32>
                %mul3A_1058 = arith.mulf %mul3A_1057, %add3A_1052 : vector<16xf32>
                %select_n3A_1059 = arith.select %ge3A_1055, %add3A_1052, %mul3A_1058 : vector<16xi1>, vector<16xf32>
                %bitcast_convert_type3A_1060 = tpu.bitcast %select_n3A_991 : vector<16xf32> -> vector<16xi32>
                %add3A_1061 = arith.constant 32768 : i32
                %add3A_1062 = vector.broadcast %add3A_1061 : i32 to vector<16xi32>
                %add3A_1063 = arith.addi %bitcast_convert_type3A_1060, %add3A_1062 : vector<16xi32>
                %and3A_1064 = arith.constant -65536 : i32
                %and3A_1065 = vector.broadcast %and3A_1064 : i32 to vector<16xi32>
                %and3A_1066 = arith.andi %add3A_1063, %and3A_1065 : vector<16xi32>
                %bitcast_convert_type3A_1067 = tpu.bitcast %and3A_1066 : vector<16xi32> -> vector<16xf32>
                %bitcast_convert_type3A_1068 = tpu.bitcast %select_n3A_1008 : vector<16xf32> -> vector<16xi32>
                %add3A_1069 = arith.constant 32768 : i32
                %add3A_1070 = vector.broadcast %add3A_1069 : i32 to vector<16xi32>
                %add3A_1071 = arith.addi %bitcast_convert_type3A_1068, %add3A_1070 : vector<16xi32>
                %and3A_1072 = arith.constant -65536 : i32
                %and3A_1073 = vector.broadcast %and3A_1072 : i32 to vector<16xi32>
                %and3A_1074 = arith.andi %add3A_1071, %and3A_1073 : vector<16xi32>
                %bitcast_convert_type3A_1075 = tpu.bitcast %and3A_1074 : vector<16xi32> -> vector<16xf32>
                %bitcast_convert_type3A_1076 = tpu.bitcast %select_n3A_1025 : vector<16xf32> -> vector<16xi32>
                %add3A_1077 = arith.constant 32768 : i32
                %add3A_1078 = vector.broadcast %add3A_1077 : i32 to vector<16xi32>
                %add3A_1079 = arith.addi %bitcast_convert_type3A_1076, %add3A_1078 : vector<16xi32>
                %and3A_1080 = arith.constant -65536 : i32
                %and3A_1081 = vector.broadcast %and3A_1080 : i32 to vector<16xi32>
                %and3A_1082 = arith.andi %add3A_1079, %and3A_1081 : vector<16xi32>
                %bitcast_convert_type3A_1083 = tpu.bitcast %and3A_1082 : vector<16xi32> -> vector<16xf32>
                %bitcast_convert_type3A_1084 = tpu.bitcast %select_n3A_1042 : vector<16xf32> -> vector<16xi32>
                %add3A_1085 = arith.constant 32768 : i32
                %add3A_1086 = vector.broadcast %add3A_1085 : i32 to vector<16xi32>
                %add3A_1087 = arith.addi %bitcast_convert_type3A_1084, %add3A_1086 : vector<16xi32>
                %and3A_1088 = arith.constant -65536 : i32
                %and3A_1089 = vector.broadcast %and3A_1088 : i32 to vector<16xi32>
                %and3A_1090 = arith.andi %add3A_1087, %and3A_1089 : vector<16xi32>
                %bitcast_convert_type3A_1091 = tpu.bitcast %and3A_1090 : vector<16xi32> -> vector<16xf32>
                %bitcast_convert_type3A_1092 = tpu.bitcast %select_n3A_1059 : vector<16xf32> -> vector<16xi32>
                %add3A_1093 = arith.constant 32768 : i32
                %add3A_1094 = vector.broadcast %add3A_1093 : i32 to vector<16xi32>
                %add3A_1095 = arith.addi %bitcast_convert_type3A_1092, %add3A_1094 : vector<16xi32>
                %and3A_1096 = arith.constant -65536 : i32
                %and3A_1097 = vector.broadcast %and3A_1096 : i32 to vector<16xi32>
                %and3A_1098 = arith.andi %add3A_1095, %and3A_1097 : vector<16xi32>
                %bitcast_convert_type3A_1099 = tpu.bitcast %and3A_1098 : vector<16xi32> -> vector<16xf32>
                %mul3A_1100 = vector.broadcast %squeeze3A_140 : f32 to vector<16xf32>
                %mul3A_1101 = arith.mulf %bitcast_convert_type3A_1067, %mul3A_1100 : vector<16xf32>
                %add3A_1102 = vector.broadcast %squeeze3A_190 : f32 to vector<16xf32>
                %add3A_1103 = arith.addf %mul3A_1101, %add3A_1102 : vector<16xf32>
                %mul3A_1104 = vector.broadcast %squeeze3A_150 : f32 to vector<16xf32>
                %mul3A_1105 = arith.mulf %bitcast_convert_type3A_1075, %mul3A_1104 : vector<16xf32>
                %add3A_1106 = arith.addf %add3A_1103, %mul3A_1105 : vector<16xf32>
                %mul3A_1107 = vector.broadcast %squeeze3A_160 : f32 to vector<16xf32>
                %mul3A_1108 = arith.mulf %bitcast_convert_type3A_1083, %mul3A_1107 : vector<16xf32>
                %add3A_1109 = arith.addf %add3A_1106, %mul3A_1108 : vector<16xf32>
                %mul3A_1110 = vector.broadcast %squeeze3A_170 : f32 to vector<16xf32>
                %mul3A_1111 = arith.mulf %bitcast_convert_type3A_1091, %mul3A_1110 : vector<16xf32>
                %add3A_1112 = arith.addf %add3A_1109, %mul3A_1111 : vector<16xf32>
                %mul3A_1113 = vector.broadcast %squeeze3A_180 : f32 to vector<16xf32>
                %mul3A_1114 = arith.mulf %bitcast_convert_type3A_1099, %mul3A_1113 : vector<16xf32>
                %add3A_1115 = arith.addf %add3A_1112, %mul3A_1114 : vector<16xf32>
                %ge3A_1116 = arith.constant 0.000000e+00 : f32
                %ge3A_1117 = vector.broadcast %ge3A_1116 : f32 to vector<16xf32>
                %ge3A_1118 = arith.cmpf oge, %add3A_1115, %ge3A_1117 : vector<16xf32>
                %mul3A_1119 = arith.constant 0.00999999977 : f32
                %mul3A_1120 = vector.broadcast %mul3A_1119 : f32 to vector<16xf32>
                %mul3A_1121 = arith.mulf %mul3A_1120, %add3A_1115 : vector<16xf32>
                %select_n3A_1122 = arith.select %ge3A_1118, %add3A_1115, %mul3A_1121 : vector<16xi1>, vector<16xf32>
                %mul3A_1123 = vector.broadcast %squeeze3A_142 : f32 to vector<16xf32>
                %mul3A_1124 = arith.mulf %bitcast_convert_type3A_1067, %mul3A_1123 : vector<16xf32>
                %add3A_1125 = vector.broadcast %squeeze3A_192 : f32 to vector<16xf32>
                %add3A_1126 = arith.addf %mul3A_1124, %add3A_1125 : vector<16xf32>
                %mul3A_1127 = vector.broadcast %squeeze3A_152 : f32 to vector<16xf32>
                %mul3A_1128 = arith.mulf %bitcast_convert_type3A_1075, %mul3A_1127 : vector<16xf32>
                %add3A_1129 = arith.addf %add3A_1126, %mul3A_1128 : vector<16xf32>
                %mul3A_1130 = vector.broadcast %squeeze3A_162 : f32 to vector<16xf32>
                %mul3A_1131 = arith.mulf %bitcast_convert_type3A_1083, %mul3A_1130 : vector<16xf32>
                %add3A_1132 = arith.addf %add3A_1129, %mul3A_1131 : vector<16xf32>
                %mul3A_1133 = vector.broadcast %squeeze3A_172 : f32 to vector<16xf32>
                %mul3A_1134 = arith.mulf %bitcast_convert_type3A_1091, %mul3A_1133 : vector<16xf32>
                %add3A_1135 = arith.addf %add3A_1132, %mul3A_1134 : vector<16xf32>
                %mul3A_1136 = vector.broadcast %squeeze3A_182 : f32 to vector<16xf32>
                %mul3A_1137 = arith.mulf %bitcast_convert_type3A_1099, %mul3A_1136 : vector<16xf32>
                %add3A_1138 = arith.addf %add3A_1135, %mul3A_1137 : vector<16xf32>
                %ge3A_1139 = arith.constant 0.000000e+00 : f32
                %ge3A_1140 = vector.broadcast %ge3A_1139 : f32 to vector<16xf32>
                %ge3A_1141 = arith.cmpf oge, %add3A_1138, %ge3A_1140 : vector<16xf32>
                %mul3A_1142 = arith.constant 0.00999999977 : f32
                %mul3A_1143 = vector.broadcast %mul3A_1142 : f32 to vector<16xf32>
                %mul3A_1144 = arith.mulf %mul3A_1143, %add3A_1138 : vector<16xf32>
                %select_n3A_1145 = arith.select %ge3A_1141, %add3A_1138, %mul3A_1144 : vector<16xi1>, vector<16xf32>
                %mul3A_1146 = vector.broadcast %squeeze3A_144 : f32 to vector<16xf32>
                %mul3A_1147 = arith.mulf %bitcast_convert_type3A_1067, %mul3A_1146 : vector<16xf32>
                %add3A_1148 = vector.broadcast %squeeze3A_194 : f32 to vector<16xf32>
                %add3A_1149 = arith.addf %mul3A_1147, %add3A_1148 : vector<16xf32>
                %mul3A_1150 = vector.broadcast %squeeze3A_154 : f32 to vector<16xf32>
                %mul3A_1151 = arith.mulf %bitcast_convert_type3A_1075, %mul3A_1150 : vector<16xf32>
                %add3A_1152 = arith.addf %add3A_1149, %mul3A_1151 : vector<16xf32>
                %mul3A_1153 = vector.broadcast %squeeze3A_164 : f32 to vector<16xf32>
                %mul3A_1154 = arith.mulf %bitcast_convert_type3A_1083, %mul3A_1153 : vector<16xf32>
                %add3A_1155 = arith.addf %add3A_1152, %mul3A_1154 : vector<16xf32>
                %mul3A_1156 = vector.broadcast %squeeze3A_174 : f32 to vector<16xf32>
                %mul3A_1157 = arith.mulf %bitcast_convert_type3A_1091, %mul3A_1156 : vector<16xf32>
                %add3A_1158 = arith.addf %add3A_1155, %mul3A_1157 : vector<16xf32>
                %mul3A_1159 = vector.broadcast %squeeze3A_184 : f32 to vector<16xf32>
                %mul3A_1160 = arith.mulf %bitcast_convert_type3A_1099, %mul3A_1159 : vector<16xf32>
                %add3A_1161 = arith.addf %add3A_1158, %mul3A_1160 : vector<16xf32>
                %ge3A_1162 = arith.constant 0.000000e+00 : f32
                %ge3A_1163 = vector.broadcast %ge3A_1162 : f32 to vector<16xf32>
                %ge3A_1164 = arith.cmpf oge, %add3A_1161, %ge3A_1163 : vector<16xf32>
                %mul3A_1165 = arith.constant 0.00999999977 : f32
                %mul3A_1166 = vector.broadcast %mul3A_1165 : f32 to vector<16xf32>
                %mul3A_1167 = arith.mulf %mul3A_1166, %add3A_1161 : vector<16xf32>
                %select_n3A_1168 = arith.select %ge3A_1164, %add3A_1161, %mul3A_1167 : vector<16xi1>, vector<16xf32>
                %mul3A_1169 = vector.broadcast %squeeze3A_146 : f32 to vector<16xf32>
                %mul3A_1170 = arith.mulf %bitcast_convert_type3A_1067, %mul3A_1169 : vector<16xf32>
                %add3A_1171 = vector.broadcast %squeeze3A_196 : f32 to vector<16xf32>
                %add3A_1172 = arith.addf %mul3A_1170, %add3A_1171 : vector<16xf32>
                %mul3A_1173 = vector.broadcast %squeeze3A_156 : f32 to vector<16xf32>
                %mul3A_1174 = arith.mulf %bitcast_convert_type3A_1075, %mul3A_1173 : vector<16xf32>
                %add3A_1175 = arith.addf %add3A_1172, %mul3A_1174 : vector<16xf32>
                %mul3A_1176 = vector.broadcast %squeeze3A_166 : f32 to vector<16xf32>
                %mul3A_1177 = arith.mulf %bitcast_convert_type3A_1083, %mul3A_1176 : vector<16xf32>
                %add3A_1178 = arith.addf %add3A_1175, %mul3A_1177 : vector<16xf32>
                %mul3A_1179 = vector.broadcast %squeeze3A_176 : f32 to vector<16xf32>
                %mul3A_1180 = arith.mulf %bitcast_convert_type3A_1091, %mul3A_1179 : vector<16xf32>
                %add3A_1181 = arith.addf %add3A_1178, %mul3A_1180 : vector<16xf32>
                %mul3A_1182 = vector.broadcast %squeeze3A_186 : f32 to vector<16xf32>
                %mul3A_1183 = arith.mulf %bitcast_convert_type3A_1099, %mul3A_1182 : vector<16xf32>
                %add3A_1184 = arith.addf %add3A_1181, %mul3A_1183 : vector<16xf32>
                %ge3A_1185 = arith.constant 0.000000e+00 : f32
                %ge3A_1186 = vector.broadcast %ge3A_1185 : f32 to vector<16xf32>
                %ge3A_1187 = arith.cmpf oge, %add3A_1184, %ge3A_1186 : vector<16xf32>
                %mul3A_1188 = arith.constant 0.00999999977 : f32
                %mul3A_1189 = vector.broadcast %mul3A_1188 : f32 to vector<16xf32>
                %mul3A_1190 = arith.mulf %mul3A_1189, %add3A_1184 : vector<16xf32>
                %select_n3A_1191 = arith.select %ge3A_1187, %add3A_1184, %mul3A_1190 : vector<16xi1>, vector<16xf32>
                %mul3A_1192 = vector.broadcast %squeeze3A_148 : f32 to vector<16xf32>
                %mul3A_1193 = arith.mulf %bitcast_convert_type3A_1067, %mul3A_1192 : vector<16xf32>
                %add3A_1194 = vector.broadcast %squeeze3A_198 : f32 to vector<16xf32>
                %add3A_1195 = arith.addf %mul3A_1193, %add3A_1194 : vector<16xf32>
                %mul3A_1196 = vector.broadcast %squeeze3A_158 : f32 to vector<16xf32>
                %mul3A_1197 = arith.mulf %bitcast_convert_type3A_1075, %mul3A_1196 : vector<16xf32>
                %add3A_1198 = arith.addf %add3A_1195, %mul3A_1197 : vector<16xf32>
                %mul3A_1199 = vector.broadcast %squeeze3A_168 : f32 to vector<16xf32>
                %mul3A_1200 = arith.mulf %bitcast_convert_type3A_1083, %mul3A_1199 : vector<16xf32>
                %add3A_1201 = arith.addf %add3A_1198, %mul3A_1200 : vector<16xf32>
                %mul3A_1202 = vector.broadcast %squeeze3A_178 : f32 to vector<16xf32>
                %mul3A_1203 = arith.mulf %bitcast_convert_type3A_1091, %mul3A_1202 : vector<16xf32>
                %add3A_1204 = arith.addf %add3A_1201, %mul3A_1203 : vector<16xf32>
                %mul3A_1205 = vector.broadcast %squeeze3A_188 : f32 to vector<16xf32>
                %mul3A_1206 = arith.mulf %bitcast_convert_type3A_1099, %mul3A_1205 : vector<16xf32>
                %add3A_1207 = arith.addf %add3A_1204, %mul3A_1206 : vector<16xf32>
                %ge3A_1208 = arith.constant 0.000000e+00 : f32
                %ge3A_1209 = vector.broadcast %ge3A_1208 : f32 to vector<16xf32>
                %ge3A_1210 = arith.cmpf oge, %add3A_1207, %ge3A_1209 : vector<16xf32>
                %mul3A_1211 = arith.constant 0.00999999977 : f32
                %mul3A_1212 = vector.broadcast %mul3A_1211 : f32 to vector<16xf32>
                %mul3A_1213 = arith.mulf %mul3A_1212, %add3A_1207 : vector<16xf32>
                %select_n3A_1214 = arith.select %ge3A_1210, %add3A_1207, %mul3A_1213 : vector<16xi1>, vector<16xf32>
                %bitcast_convert_type3A_1215 = tpu.bitcast %select_n3A_1122 : vector<16xf32> -> vector<16xi32>
                %add3A_1216 = arith.constant 32768 : i32
                %add3A_1217 = vector.broadcast %add3A_1216 : i32 to vector<16xi32>
                %add3A_1218 = arith.addi %bitcast_convert_type3A_1215, %add3A_1217 : vector<16xi32>
                %and3A_1219 = arith.constant -65536 : i32
                %and3A_1220 = vector.broadcast %and3A_1219 : i32 to vector<16xi32>
                %and3A_1221 = arith.andi %add3A_1218, %and3A_1220 : vector<16xi32>
                %bitcast_convert_type3A_1222 = tpu.bitcast %and3A_1221 : vector<16xi32> -> vector<16xf32>
                %bitcast_convert_type3A_1223 = tpu.bitcast %select_n3A_1145 : vector<16xf32> -> vector<16xi32>
                %add3A_1224 = arith.constant 32768 : i32
                %add3A_1225 = vector.broadcast %add3A_1224 : i32 to vector<16xi32>
                %add3A_1226 = arith.addi %bitcast_convert_type3A_1223, %add3A_1225 : vector<16xi32>
                %and3A_1227 = arith.constant -65536 : i32
                %and3A_1228 = vector.broadcast %and3A_1227 : i32 to vector<16xi32>
                %and3A_1229 = arith.andi %add3A_1226, %and3A_1228 : vector<16xi32>
                %bitcast_convert_type3A_1230 = tpu.bitcast %and3A_1229 : vector<16xi32> -> vector<16xf32>
                %bitcast_convert_type3A_1231 = tpu.bitcast %select_n3A_1168 : vector<16xf32> -> vector<16xi32>
                %add3A_1232 = arith.constant 32768 : i32
                %add3A_1233 = vector.broadcast %add3A_1232 : i32 to vector<16xi32>
                %add3A_1234 = arith.addi %bitcast_convert_type3A_1231, %add3A_1233 : vector<16xi32>
                %and3A_1235 = arith.constant -65536 : i32
                %and3A_1236 = vector.broadcast %and3A_1235 : i32 to vector<16xi32>
                %and3A_1237 = arith.andi %add3A_1234, %and3A_1236 : vector<16xi32>
                %bitcast_convert_type3A_1238 = tpu.bitcast %and3A_1237 : vector<16xi32> -> vector<16xf32>
                %bitcast_convert_type3A_1239 = tpu.bitcast %select_n3A_1191 : vector<16xf32> -> vector<16xi32>
                %add3A_1240 = arith.constant 32768 : i32
                %add3A_1241 = vector.broadcast %add3A_1240 : i32 to vector<16xi32>
                %add3A_1242 = arith.addi %bitcast_convert_type3A_1239, %add3A_1241 : vector<16xi32>
                %and3A_1243 = arith.constant -65536 : i32
                %and3A_1244 = vector.broadcast %and3A_1243 : i32 to vector<16xi32>
                %and3A_1245 = arith.andi %add3A_1242, %and3A_1244 : vector<16xi32>
                %bitcast_convert_type3A_1246 = tpu.bitcast %and3A_1245 : vector<16xi32> -> vector<16xf32>
                %bitcast_convert_type3A_1247 = tpu.bitcast %select_n3A_1214 : vector<16xf32> -> vector<16xi32>
                %add3A_1248 = arith.constant 32768 : i32
                %add3A_1249 = vector.broadcast %add3A_1248 : i32 to vector<16xi32>
                %add3A_1250 = arith.addi %bitcast_convert_type3A_1247, %add3A_1249 : vector<16xi32>
                %and3A_1251 = arith.constant -65536 : i32
                %and3A_1252 = vector.broadcast %and3A_1251 : i32 to vector<16xi32>
                %and3A_1253 = arith.andi %add3A_1250, %and3A_1252 : vector<16xi32>
                %bitcast_convert_type3A_1254 = tpu.bitcast %and3A_1253 : vector<16xi32> -> vector<16xf32>
                %mul3A_1255 = vector.broadcast %squeeze3A_200 : f32 to vector<16xf32>
                %mul3A_1256 = arith.mulf %bitcast_convert_type3A_1222, %mul3A_1255 : vector<16xf32>
                %add3A_1257 = vector.broadcast %squeeze3A_250 : f32 to vector<16xf32>
                %add3A_1258 = arith.addf %mul3A_1256, %add3A_1257 : vector<16xf32>
                %mul3A_1259 = vector.broadcast %squeeze3A_210 : f32 to vector<16xf32>
                %mul3A_1260 = arith.mulf %bitcast_convert_type3A_1230, %mul3A_1259 : vector<16xf32>
                %add3A_1261 = arith.addf %add3A_1258, %mul3A_1260 : vector<16xf32>
                %mul3A_1262 = vector.broadcast %squeeze3A_220 : f32 to vector<16xf32>
                %mul3A_1263 = arith.mulf %bitcast_convert_type3A_1238, %mul3A_1262 : vector<16xf32>
                %add3A_1264 = arith.addf %add3A_1261, %mul3A_1263 : vector<16xf32>
                %mul3A_1265 = vector.broadcast %squeeze3A_230 : f32 to vector<16xf32>
                %mul3A_1266 = arith.mulf %bitcast_convert_type3A_1246, %mul3A_1265 : vector<16xf32>
                %add3A_1267 = arith.addf %add3A_1264, %mul3A_1266 : vector<16xf32>
                %mul3A_1268 = vector.broadcast %squeeze3A_240 : f32 to vector<16xf32>
                %mul3A_1269 = arith.mulf %bitcast_convert_type3A_1254, %mul3A_1268 : vector<16xf32>
                %add3A_1270 = arith.addf %add3A_1267, %mul3A_1269 : vector<16xf32>
                %mul3A_1271 = vector.broadcast %squeeze3A_202 : f32 to vector<16xf32>
                %mul3A_1272 = arith.mulf %bitcast_convert_type3A_1222, %mul3A_1271 : vector<16xf32>
                %add3A_1273 = vector.broadcast %squeeze3A_252 : f32 to vector<16xf32>
                %add3A_1274 = arith.addf %mul3A_1272, %add3A_1273 : vector<16xf32>
                %mul3A_1275 = vector.broadcast %squeeze3A_212 : f32 to vector<16xf32>
                %mul3A_1276 = arith.mulf %bitcast_convert_type3A_1230, %mul3A_1275 : vector<16xf32>
                %add3A_1277 = arith.addf %add3A_1274, %mul3A_1276 : vector<16xf32>
                %mul3A_1278 = vector.broadcast %squeeze3A_222 : f32 to vector<16xf32>
                %mul3A_1279 = arith.mulf %bitcast_convert_type3A_1238, %mul3A_1278 : vector<16xf32>
                %add3A_1280 = arith.addf %add3A_1277, %mul3A_1279 : vector<16xf32>
                %mul3A_1281 = vector.broadcast %squeeze3A_232 : f32 to vector<16xf32>
                %mul3A_1282 = arith.mulf %bitcast_convert_type3A_1246, %mul3A_1281 : vector<16xf32>
                %add3A_1283 = arith.addf %add3A_1280, %mul3A_1282 : vector<16xf32>
                %mul3A_1284 = vector.broadcast %squeeze3A_242 : f32 to vector<16xf32>
                %mul3A_1285 = arith.mulf %bitcast_convert_type3A_1254, %mul3A_1284 : vector<16xf32>
                %add3A_1286 = arith.addf %add3A_1283, %mul3A_1285 : vector<16xf32>
                %mul3A_1287 = vector.broadcast %squeeze3A_204 : f32 to vector<16xf32>
                %mul3A_1288 = arith.mulf %bitcast_convert_type3A_1222, %mul3A_1287 : vector<16xf32>
                %add3A_1289 = vector.broadcast %squeeze3A_254 : f32 to vector<16xf32>
                %add3A_1290 = arith.addf %mul3A_1288, %add3A_1289 : vector<16xf32>
                %mul3A_1291 = vector.broadcast %squeeze3A_214 : f32 to vector<16xf32>
                %mul3A_1292 = arith.mulf %bitcast_convert_type3A_1230, %mul3A_1291 : vector<16xf32>
                %add3A_1293 = arith.addf %add3A_1290, %mul3A_1292 : vector<16xf32>
                %mul3A_1294 = vector.broadcast %squeeze3A_224 : f32 to vector<16xf32>
                %mul3A_1295 = arith.mulf %bitcast_convert_type3A_1238, %mul3A_1294 : vector<16xf32>
                %add3A_1296 = arith.addf %add3A_1293, %mul3A_1295 : vector<16xf32>
                %mul3A_1297 = vector.broadcast %squeeze3A_234 : f32 to vector<16xf32>
                %mul3A_1298 = arith.mulf %bitcast_convert_type3A_1246, %mul3A_1297 : vector<16xf32>
                %add3A_1299 = arith.addf %add3A_1296, %mul3A_1298 : vector<16xf32>
                %mul3A_1300 = vector.broadcast %squeeze3A_244 : f32 to vector<16xf32>
                %mul3A_1301 = arith.mulf %bitcast_convert_type3A_1254, %mul3A_1300 : vector<16xf32>
                %add3A_1302 = arith.addf %add3A_1299, %mul3A_1301 : vector<16xf32>
                %mul3A_1303 = vector.broadcast %squeeze3A_206 : f32 to vector<16xf32>
                %mul3A_1304 = arith.mulf %bitcast_convert_type3A_1222, %mul3A_1303 : vector<16xf32>
                %add3A_1305 = vector.broadcast %squeeze3A_256 : f32 to vector<16xf32>
                %add3A_1306 = arith.addf %mul3A_1304, %add3A_1305 : vector<16xf32>
                %mul3A_1307 = vector.broadcast %squeeze3A_216 : f32 to vector<16xf32>
                %mul3A_1308 = arith.mulf %bitcast_convert_type3A_1230, %mul3A_1307 : vector<16xf32>
                %add3A_1309 = arith.addf %add3A_1306, %mul3A_1308 : vector<16xf32>
                %mul3A_1310 = vector.broadcast %squeeze3A_226 : f32 to vector<16xf32>
                %mul3A_1311 = arith.mulf %bitcast_convert_type3A_1238, %mul3A_1310 : vector<16xf32>
                %add3A_1312 = arith.addf %add3A_1309, %mul3A_1311 : vector<16xf32>
                %mul3A_1313 = vector.broadcast %squeeze3A_236 : f32 to vector<16xf32>
                %mul3A_1314 = arith.mulf %bitcast_convert_type3A_1246, %mul3A_1313 : vector<16xf32>
                %add3A_1315 = arith.addf %add3A_1312, %mul3A_1314 : vector<16xf32>
                %mul3A_1316 = vector.broadcast %squeeze3A_246 : f32 to vector<16xf32>
                %mul3A_1317 = arith.mulf %bitcast_convert_type3A_1254, %mul3A_1316 : vector<16xf32>
                %add3A_1318 = arith.addf %add3A_1315, %mul3A_1317 : vector<16xf32>
                %mul3A_1319 = vector.broadcast %squeeze3A_208 : f32 to vector<16xf32>
                %mul3A_1320 = arith.mulf %bitcast_convert_type3A_1222, %mul3A_1319 : vector<16xf32>
                %add3A_1321 = vector.broadcast %squeeze3A_258 : f32 to vector<16xf32>
                %add3A_1322 = arith.addf %mul3A_1320, %add3A_1321 : vector<16xf32>
                %mul3A_1323 = vector.broadcast %squeeze3A_218 : f32 to vector<16xf32>
                %mul3A_1324 = arith.mulf %bitcast_convert_type3A_1230, %mul3A_1323 : vector<16xf32>
                %add3A_1325 = arith.addf %add3A_1322, %mul3A_1324 : vector<16xf32>
                %mul3A_1326 = vector.broadcast %squeeze3A_228 : f32 to vector<16xf32>
                %mul3A_1327 = arith.mulf %bitcast_convert_type3A_1238, %mul3A_1326 : vector<16xf32>
                %add3A_1328 = arith.addf %add3A_1325, %mul3A_1327 : vector<16xf32>
                %mul3A_1329 = vector.broadcast %squeeze3A_238 : f32 to vector<16xf32>
                %mul3A_1330 = arith.mulf %bitcast_convert_type3A_1246, %mul3A_1329 : vector<16xf32>
                %add3A_1331 = arith.addf %add3A_1328, %mul3A_1330 : vector<16xf32>
                %mul3A_1332 = vector.broadcast %squeeze3A_248 : f32 to vector<16xf32>
                %mul3A_1333 = arith.mulf %bitcast_convert_type3A_1254, %mul3A_1332 : vector<16xf32>
                %add3A_1334 = arith.addf %add3A_1331, %mul3A_1333 : vector<16xf32>
                %mul3A_1335 = arith.mulf %add3A_1270, %mul3A_943 : vector<16xf32>
                %add3A_1336 = arith.addf %while3A_897, %mul3A_1335 : vector<16xf32>
                %mul3A_1337 = arith.mulf %add3A_1286, %mul3A_943 : vector<16xf32>
                %add3A_1338 = arith.addf %while3A_898, %mul3A_1337 : vector<16xf32>
                %mul3A_1339 = arith.mulf %add3A_1302, %mul3A_943 : vector<16xf32>
                %add3A_1340 = arith.addf %while3A_899, %mul3A_1339 : vector<16xf32>
                %mul3A_1341 = arith.mulf %add3A_1318, %mul3A_943 : vector<16xf32>
                %add3A_1342 = arith.addf %while3A_900, %mul3A_1341 : vector<16xf32>
                %mul3A_1343 = arith.mulf %add3A_1334, %mul3A_943 : vector<16xf32>
                %add3A_1344 = arith.addf %while3A_901, %mul3A_1343 : vector<16xf32>
                %add3A_1345 = arith.addf %while3A_902, %select_n3A_941 : vector<16xf32>
                scf.yield %add3A_1336, %add3A_1338, %add3A_1340, %add3A_1342, %add3A_1344, %add3A_1345 : vector<16xf32>, vector<16xf32>, vector<16xf32>, vector<16xf32>, vector<16xf32>, vector<16xf32>
              } else {
                scf.yield %while3A_897, %while3A_898, %while3A_899, %while3A_900, %while3A_901, %while3A_902 : vector<16xf32>, vector<16xf32>, vector<16xf32>, vector<16xf32>, vector<16xf32>, vector<16xf32>
              }
              scf.yield %cond3A_927#0, %cond3A_927#1, %cond3A_927#2, %cond3A_927#3, %cond3A_927#4, %cond3A_927#5 : vector<16xf32>, vector<16xf32>, vector<16xf32>, vector<16xf32>, vector<16xf32>, vector<16xf32>
            }
            %while3A_894 = arith.constant 1 : i32
            %while3A_895:6 = scf.for %while3A_896 = %while3A_891 to %while3A_887 step %while3A_894 iter_args(%while3A_897 = %while3A_893#0, %while3A_898 = %while3A_893#1, %while3A_899 = %while3A_893#2, %while3A_900 = %while3A_893#3, %while3A_901 = %while3A_893#4, %while3A_902 = %while3A_893#5) -> (vector<16xf32>, vector<16xf32>, vector<16xf32>, vector<16xf32>, vector<16xf32>, vector<16xf32>)  : i32 {
              %broadcast_in_dim3A_903 = vector.broadcast %while3A_896 : i32 to vector<16xi32>
              %gather3A = tpu.vector_load_idx %arg10[%broadcast_in_dim3A_903] : memref<128xf32, #tpu.memory_space<vmem>>[vector<16xi32>], vector<16xf32>,
              %gather3A_904 = tpu.vector_load_idx %arg11[%broadcast_in_dim3A_903] : memref<128xf32, #tpu.memory_space<vmem>>[vector<16xi32>], vector<16xf32>,
              %sub3A_905 = arith.subf %get3A_665, %gather3A : vector<16xf32>
              %sub3A_906 = arith.subf %get3A_667, %gather3A_904 : vector<16xf32>
              %mul3A_907 = arith.mulf %sub3A_905, %sub3A_905 : vector<16xf32>
              %mul3A_908 = arith.mulf %sub3A_906, %sub3A_906 : vector<16xf32>
              %add3A_909 = arith.addf %mul3A_907, %mul3A_908 : vector<16xf32>
              %le3A_910 = arith.constant 1.600000e-01 : f32
              %le3A_911 = vector.broadcast %le3A_910 : f32 to vector<16xf32>
              %le3A_912 = arith.cmpf ole, %add3A_909, %le3A_911 : vector<16xf32>
              %reduce_or3A_913 = arith.constant 1.000000e+00 : f32
              %reduce_or3A_914 = arith.constant 0.000000e+00 : f32
              %reduce_or3A_915 = vector.broadcast %reduce_or3A_913 : f32 to vector<16xf32>
              %reduce_or3A_916 = vector.broadcast %reduce_or3A_914 : f32 to vector<16xf32>
              %reduce_or3A_917 = arith.select %le3A_912, %reduce_or3A_915, %reduce_or3A_916 : vector<16xi1>, vector<16xf32>
              %reduce_or3A_918 = arith.constant true
              %reduce_or3A_919 = vector.broadcast %reduce_or3A_918 : i1 to vector<16xi1>
              %reduce_or3A_920 = tpu.scan <max>, %reduce_or3A_917 masked %reduce_or3A_919 : vector<16xf32>, vector<16xi1> -> vector<16xf32>
              %reduce_or3A_921 = vector.extract %reduce_or3A_920[15] : f32 from vector<16xf32>
              %reduce_or3A_922 = arith.constant 0.000000e+00 : f32
              %reduce_or3A_923 = arith.cmpf ogt, %reduce_or3A_921, %reduce_or3A_922 : f32
              %convert_element_type3A_924 = arith.extui %reduce_or3A_923 : i1 to i32
              %cond3A_925 = arith.constant 0 : i32
              %cond3A_926 = arith.cmpi ne, %convert_element_type3A_924, %cond3A_925 : i32
              %cond3A_927:6 = scf.if %cond3A_926 -> (vector<16xf32>, vector<16xf32>, vector<16xf32>, vector<16xf32>, vector<16xf32>, vector<16xf32>) {
                %gather3A_928 = tpu.vector_load_idx %arg12[%broadcast_in_dim3A_903] : memref<128xf32, #tpu.memory_space<vmem>>[vector<16xi32>], vector<16xf32>,
                %gather3A_929 = tpu.vector_load_idx %arg13[%broadcast_in_dim3A_903] : memref<128xf32, #tpu.memory_space<vmem>>[vector<16xi32>], vector<16xf32>,
                %gather3A_930 = tpu.vector_load_idx %arg14[%broadcast_in_dim3A_903] : memref<128xf32, #tpu.memory_space<vmem>>[vector<16xi32>], vector<16xf32>,
                %gather3A_931 = tpu.vector_load_idx %arg21[%broadcast_in_dim3A_903] : memref<128xf32, #tpu.memory_space<vmem>>[vector<16xi32>], vector<16xf32>,
                %gather3A_932 = tpu.vector_load_idx %arg22[%broadcast_in_dim3A_903] : memref<128xf32, #tpu.memory_space<vmem>>[vector<16xi32>], vector<16xf32>,
                %gather3A_933 = tpu.vector_load_idx %arg23[%broadcast_in_dim3A_903] : memref<128xf32, #tpu.memory_space<vmem>>[vector<16xi32>], vector<16xf32>,
                %gather3A_934 = tpu.vector_load_idx %arg24[%broadcast_in_dim3A_903] : memref<128xf32, #tpu.memory_space<vmem>>[vector<16xi32>], vector<16xf32>,
                %gather3A_935 = tpu.vector_load_idx %arg25[%broadcast_in_dim3A_903] : memref<128xf32, #tpu.memory_space<vmem>>[vector<16xi32>], vector<16xf32>,
                %gather3A_936 = tpu.vector_load_idx %arg30[%broadcast_in_dim3A_903] : memref<128xf32, #tpu.memory_space<vmem>>[vector<16xi32>], vector<16xf32>,
                %jit3A_937 = arith.constant 1.000000e+00 : f32
                %jit3A_938 = arith.constant 0.000000e+00 : f32
                %broadcast_in_dim3A_939 = vector.broadcast %jit3A_937 : f32 to vector<16xf32>
                %broadcast_in_dim3A_940 = vector.broadcast %jit3A_938 : f32 to vector<16xf32>
                %select_n3A_941 = arith.select %le3A_912, %broadcast_in_dim3A_939, %broadcast_in_dim3A_940 : vector<16xi1>, vector<16xf32>
                %mul3A_942 = arith.mulf %get3A_673, %gather3A_930 : vector<16xf32>
                %mul3A_943 = arith.mulf %select_n3A_941, %mul3A_942 : vector<16xf32>
                %mul3A_944 = arith.mulf %get3A_669, %gather3A_928 : vector<16xf32>
                %mul3A_945 = arith.mulf %get3A_671, %gather3A_929 : vector<16xf32>
                %add3A_946 = arith.addf %mul3A_944, %mul3A_945 : vector<16xf32>
                %mul3A_947 = arith.mulf %get3A_671, %gather3A_928 : vector<16xf32>
                %mul3A_948 = arith.mulf %get3A_669, %gather3A_929 : vector<16xf32>
                %sub3A_949 = arith.subf %mul3A_947, %mul3A_948 : vector<16xf32>
                %sub3A_950 = arith.subf %gather3A_936, %get3A_675 : vector<16xf32>
                %bitcast_convert_type3A_951 = tpu.bitcast %sub3A_950 : vector<16xf32> -> vector<16xi32>
                %add3A_952 = arith.constant 32768 : i32
                %add3A_953 = vector.broadcast %add3A_952 : i32 to vector<16xi32>
                %add3A_954 = arith.addi %bitcast_convert_type3A_951, %add3A_953 : vector<16xi32>
                %and3A_955 = arith.constant -65536 : i32
                %and3A_956 = vector.broadcast %and3A_955 : i32 to vector<16xi32>
                %and3A_957 = arith.andi %add3A_954, %and3A_956 : vector<16xi32>
                %bitcast_convert_type3A_958 = tpu.bitcast %and3A_957 : vector<16xi32> -> vector<16xf32>
                %bitcast_convert_type3A_959 = tpu.bitcast %add3A_946 : vector<16xf32> -> vector<16xi32>
                %add3A_960 = arith.constant 32768 : i32
                %add3A_961 = vector.broadcast %add3A_960 : i32 to vector<16xi32>
                %add3A_962 = arith.addi %bitcast_convert_type3A_959, %add3A_961 : vector<16xi32>
                %and3A_963 = arith.constant -65536 : i32
                %and3A_964 = vector.broadcast %and3A_963 : i32 to vector<16xi32>
                %and3A_965 = arith.andi %add3A_962, %and3A_964 : vector<16xi32>
                %bitcast_convert_type3A_966 = tpu.bitcast %and3A_965 : vector<16xi32> -> vector<16xf32>
                %bitcast_convert_type3A_967 = tpu.bitcast %sub3A_949 : vector<16xf32> -> vector<16xi32>
                %add3A_968 = arith.constant 32768 : i32
                %add3A_969 = vector.broadcast %add3A_968 : i32 to vector<16xi32>
                %add3A_970 = arith.addi %bitcast_convert_type3A_967, %add3A_969 : vector<16xi32>
                %and3A_971 = arith.constant -65536 : i32
                %and3A_972 = vector.broadcast %and3A_971 : i32 to vector<16xi32>
                %and3A_973 = arith.andi %add3A_970, %and3A_972 : vector<16xi32>
                %bitcast_convert_type3A_974 = tpu.bitcast %and3A_973 : vector<16xi32> -> vector<16xf32>
                %add3A_975 = arith.addf %get3A_677, %gather3A_931 : vector<16xf32>
                %mul3A_976 = vector.broadcast %squeeze3A_120 : f32 to vector<16xf32>
                %mul3A_977 = arith.mulf %bitcast_convert_type3A_966, %mul3A_976 : vector<16xf32>
                %add3A_978 = arith.addf %add3A_975, %mul3A_977 : vector<16xf32>
                %mul3A_979 = vector.broadcast %squeeze3A_130 : f32 to vector<16xf32>
                %mul3A_980 = arith.mulf %bitcast_convert_type3A_974, %mul3A_979 : vector<16xf32>
                %add3A_981 = arith.addf %add3A_978, %mul3A_980 : vector<16xf32>
                %mul3A_982 = vector.broadcast %squeeze3A_110 : f32 to vector<16xf32>
                %mul3A_983 = arith.mulf %bitcast_convert_type3A_958, %mul3A_982 : vector<16xf32>
                %add3A_984 = arith.addf %add3A_981, %mul3A_983 : vector<16xf32>
                %ge3A_985 = arith.constant 0.000000e+00 : f32
                %ge3A_986 = vector.broadcast %ge3A_985 : f32 to vector<16xf32>
                %ge3A_987 = arith.cmpf oge, %add3A_984, %ge3A_986 : vector<16xf32>
                %mul3A_988 = arith.constant 0.00999999977 : f32
                %mul3A_989 = vector.broadcast %mul3A_988 : f32 to vector<16xf32>
                %mul3A_990 = arith.mulf %mul3A_989, %add3A_984 : vector<16xf32>
                %select_n3A_991 = arith.select %ge3A_987, %add3A_984, %mul3A_990 : vector<16xi1>, vector<16xf32>
                %add3A_992 = arith.addf %get3A_679, %gather3A_932 : vector<16xf32>
                %mul3A_993 = vector.broadcast %squeeze3A_122 : f32 to vector<16xf32>
                %mul3A_994 = arith.mulf %bitcast_convert_type3A_966, %mul3A_993 : vector<16xf32>
                %add3A_995 = arith.addf %add3A_992, %mul3A_994 : vector<16xf32>
                %mul3A_996 = vector.broadcast %squeeze3A_132 : f32 to vector<16xf32>
                %mul3A_997 = arith.mulf %bitcast_convert_type3A_974, %mul3A_996 : vector<16xf32>
                %add3A_998 = arith.addf %add3A_995, %mul3A_997 : vector<16xf32>
                %mul3A_999 = vector.broadcast %squeeze3A_112 : f32 to vector<16xf32>
                %mul3A_1000 = arith.mulf %bitcast_convert_type3A_958, %mul3A_999 : vector<16xf32>
                %add3A_1001 = arith.addf %add3A_998, %mul3A_1000 : vector<16xf32>
                %ge3A_1002 = arith.constant 0.000000e+00 : f32
                %ge3A_1003 = vector.broadcast %ge3A_1002 : f32 to vector<16xf32>
                %ge3A_1004 = arith.cmpf oge, %add3A_1001, %ge3A_1003 : vector<16xf32>
                %mul3A_1005 = arith.constant 0.00999999977 : f32
                %mul3A_1006 = vector.broadcast %mul3A_1005 : f32 to vector<16xf32>
                %mul3A_1007 = arith.mulf %mul3A_1006, %add3A_1001 : vector<16xf32>
                %select_n3A_1008 = arith.select %ge3A_1004, %add3A_1001, %mul3A_1007 : vector<16xi1>, vector<16xf32>
                %add3A_1009 = arith.addf %get3A_681, %gather3A_933 : vector<16xf32>
                %mul3A_1010 = vector.broadcast %squeeze3A_124 : f32 to vector<16xf32>
                %mul3A_1011 = arith.mulf %bitcast_convert_type3A_966, %mul3A_1010 : vector<16xf32>
                %add3A_1012 = arith.addf %add3A_1009, %mul3A_1011 : vector<16xf32>
                %mul3A_1013 = vector.broadcast %squeeze3A_134 : f32 to vector<16xf32>
                %mul3A_1014 = arith.mulf %bitcast_convert_type3A_974, %mul3A_1013 : vector<16xf32>
                %add3A_1015 = arith.addf %add3A_1012, %mul3A_1014 : vector<16xf32>
                %mul3A_1016 = vector.broadcast %squeeze3A_114 : f32 to vector<16xf32>
                %mul3A_1017 = arith.mulf %bitcast_convert_type3A_958, %mul3A_1016 : vector<16xf32>
                %add3A_1018 = arith.addf %add3A_1015, %mul3A_1017 : vector<16xf32>
                %ge3A_1019 = arith.constant 0.000000e+00 : f32
                %ge3A_1020 = vector.broadcast %ge3A_1019 : f32 to vector<16xf32>
                %ge3A_1021 = arith.cmpf oge, %add3A_1018, %ge3A_1020 : vector<16xf32>
                %mul3A_1022 = arith.constant 0.00999999977 : f32
                %mul3A_1023 = vector.broadcast %mul3A_1022 : f32 to vector<16xf32>
                %mul3A_1024 = arith.mulf %mul3A_1023, %add3A_1018 : vector<16xf32>
                %select_n3A_1025 = arith.select %ge3A_1021, %add3A_1018, %mul3A_1024 : vector<16xi1>, vector<16xf32>
                %add3A_1026 = arith.addf %get3A_683, %gather3A_934 : vector<16xf32>
                %mul3A_1027 = vector.broadcast %squeeze3A_126 : f32 to vector<16xf32>
                %mul3A_1028 = arith.mulf %bitcast_convert_type3A_966, %mul3A_1027 : vector<16xf32>
                %add3A_1029 = arith.addf %add3A_1026, %mul3A_1028 : vector<16xf32>
                %mul3A_1030 = vector.broadcast %squeeze3A_136 : f32 to vector<16xf32>
                %mul3A_1031 = arith.mulf %bitcast_convert_type3A_974, %mul3A_1030 : vector<16xf32>
                %add3A_1032 = arith.addf %add3A_1029, %mul3A_1031 : vector<16xf32>
                %mul3A_1033 = vector.broadcast %squeeze3A_116 : f32 to vector<16xf32>
                %mul3A_1034 = arith.mulf %bitcast_convert_type3A_958, %mul3A_1033 : vector<16xf32>
                %add3A_1035 = arith.addf %add3A_1032, %mul3A_1034 : vector<16xf32>
                %ge3A_1036 = arith.constant 0.000000e+00 : f32
                %ge3A_1037 = vector.broadcast %ge3A_1036 : f32 to vector<16xf32>
                %ge3A_1038 = arith.cmpf oge, %add3A_1035, %ge3A_1037 : vector<16xf32>
                %mul3A_1039 = arith.constant 0.00999999977 : f32
                %mul3A_1040 = vector.broadcast %mul3A_1039 : f32 to vector<16xf32>
                %mul3A_1041 = arith.mulf %mul3A_1040, %add3A_1035 : vector<16xf32>
                %select_n3A_1042 = arith.select %ge3A_1038, %add3A_1035, %mul3A_1041 : vector<16xi1>, vector<16xf32>
                %add3A_1043 = arith.addf %get3A_685, %gather3A_935 : vector<16xf32>
                %mul3A_1044 = vector.broadcast %squeeze3A_128 : f32 to vector<16xf32>
                %mul3A_1045 = arith.mulf %bitcast_convert_type3A_966, %mul3A_1044 : vector<16xf32>
                %add3A_1046 = arith.addf %add3A_1043, %mul3A_1045 : vector<16xf32>
                %mul3A_1047 = vector.broadcast %squeeze3A_138 : f32 to vector<16xf32>
                %mul3A_1048 = arith.mulf %bitcast_convert_type3A_974, %mul3A_1047 : vector<16xf32>
                %add3A_1049 = arith.addf %add3A_1046, %mul3A_1048 : vector<16xf32>
                %mul3A_1050 = vector.broadcast %squeeze3A_118 : f32 to vector<16xf32>
                %mul3A_1051 = arith.mulf %bitcast_convert_type3A_958, %mul3A_1050 : vector<16xf32>
                %add3A_1052 = arith.addf %add3A_1049, %mul3A_1051 : vector<16xf32>
                %ge3A_1053 = arith.constant 0.000000e+00 : f32
                %ge3A_1054 = vector.broadcast %ge3A_1053 : f32 to vector<16xf32>
                %ge3A_1055 = arith.cmpf oge, %add3A_1052, %ge3A_1054 : vector<16xf32>
                %mul3A_1056 = arith.constant 0.00999999977 : f32
                %mul3A_1057 = vector.broadcast %mul3A_1056 : f32 to vector<16xf32>
                %mul3A_1058 = arith.mulf %mul3A_1057, %add3A_1052 : vector<16xf32>
                %select_n3A_1059 = arith.select %ge3A_1055, %add3A_1052, %mul3A_1058 : vector<16xi1>, vector<16xf32>
                %bitcast_convert_type3A_1060 = tpu.bitcast %select_n3A_991 : vector<16xf32> -> vector<16xi32>
                %add3A_1061 = arith.constant 32768 : i32
                %add3A_1062 = vector.broadcast %add3A_1061 : i32 to vector<16xi32>
                %add3A_1063 = arith.addi %bitcast_convert_type3A_1060, %add3A_1062 : vector<16xi32>
                %and3A_1064 = arith.constant -65536 : i32
                %and3A_1065 = vector.broadcast %and3A_1064 : i32 to vector<16xi32>
                %and3A_1066 = arith.andi %add3A_1063, %and3A_1065 : vector<16xi32>
                %bitcast_convert_type3A_1067 = tpu.bitcast %and3A_1066 : vector<16xi32> -> vector<16xf32>
                %bitcast_convert_type3A_1068 = tpu.bitcast %select_n3A_1008 : vector<16xf32> -> vector<16xi32>
                %add3A_1069 = arith.constant 32768 : i32
                %add3A_1070 = vector.broadcast %add3A_1069 : i32 to vector<16xi32>
                %add3A_1071 = arith.addi %bitcast_convert_type3A_1068, %add3A_1070 : vector<16xi32>
                %and3A_1072 = arith.constant -65536 : i32
                %and3A_1073 = vector.broadcast %and3A_1072 : i32 to vector<16xi32>
                %and3A_1074 = arith.andi %add3A_1071, %and3A_1073 : vector<16xi32>
                %bitcast_convert_type3A_1075 = tpu.bitcast %and3A_1074 : vector<16xi32> -> vector<16xf32>
                %bitcast_convert_type3A_1076 = tpu.bitcast %select_n3A_1025 : vector<16xf32> -> vector<16xi32>
                %add3A_1077 = arith.constant 32768 : i32
                %add3A_1078 = vector.broadcast %add3A_1077 : i32 to vector<16xi32>
                %add3A_1079 = arith.addi %bitcast_convert_type3A_1076, %add3A_1078 : vector<16xi32>
                %and3A_1080 = arith.constant -65536 : i32
                %and3A_1081 = vector.broadcast %and3A_1080 : i32 to vector<16xi32>
                %and3A_1082 = arith.andi %add3A_1079, %and3A_1081 : vector<16xi32>
                %bitcast_convert_type3A_1083 = tpu.bitcast %and3A_1082 : vector<16xi32> -> vector<16xf32>
                %bitcast_convert_type3A_1084 = tpu.bitcast %select_n3A_1042 : vector<16xf32> -> vector<16xi32>
                %add3A_1085 = arith.constant 32768 : i32
                %add3A_1086 = vector.broadcast %add3A_1085 : i32 to vector<16xi32>
                %add3A_1087 = arith.addi %bitcast_convert_type3A_1084, %add3A_1086 : vector<16xi32>
                %and3A_1088 = arith.constant -65536 : i32
                %and3A_1089 = vector.broadcast %and3A_1088 : i32 to vector<16xi32>
                %and3A_1090 = arith.andi %add3A_1087, %and3A_1089 : vector<16xi32>
                %bitcast_convert_type3A_1091 = tpu.bitcast %and3A_1090 : vector<16xi32> -> vector<16xf32>
                %bitcast_convert_type3A_1092 = tpu.bitcast %select_n3A_1059 : vector<16xf32> -> vector<16xi32>
                %add3A_1093 = arith.constant 32768 : i32
                %add3A_1094 = vector.broadcast %add3A_1093 : i32 to vector<16xi32>
                %add3A_1095 = arith.addi %bitcast_convert_type3A_1092, %add3A_1094 : vector<16xi32>
                %and3A_1096 = arith.constant -65536 : i32
                %and3A_1097 = vector.broadcast %and3A_1096 : i32 to vector<16xi32>
                %and3A_1098 = arith.andi %add3A_1095, %and3A_1097 : vector<16xi32>
                %bitcast_convert_type3A_1099 = tpu.bitcast %and3A_1098 : vector<16xi32> -> vector<16xf32>
                %mul3A_1100 = vector.broadcast %squeeze3A_140 : f32 to vector<16xf32>
                %mul3A_1101 = arith.mulf %bitcast_convert_type3A_1067, %mul3A_1100 : vector<16xf32>
                %add3A_1102 = vector.broadcast %squeeze3A_190 : f32 to vector<16xf32>
                %add3A_1103 = arith.addf %mul3A_1101, %add3A_1102 : vector<16xf32>
                %mul3A_1104 = vector.broadcast %squeeze3A_150 : f32 to vector<16xf32>
                %mul3A_1105 = arith.mulf %bitcast_convert_type3A_1075, %mul3A_1104 : vector<16xf32>
                %add3A_1106 = arith.addf %add3A_1103, %mul3A_1105 : vector<16xf32>
                %mul3A_1107 = vector.broadcast %squeeze3A_160 : f32 to vector<16xf32>
                %mul3A_1108 = arith.mulf %bitcast_convert_type3A_1083, %mul3A_1107 : vector<16xf32>
                %add3A_1109 = arith.addf %add3A_1106, %mul3A_1108 : vector<16xf32>
                %mul3A_1110 = vector.broadcast %squeeze3A_170 : f32 to vector<16xf32>
                %mul3A_1111 = arith.mulf %bitcast_convert_type3A_1091, %mul3A_1110 : vector<16xf32>
                %add3A_1112 = arith.addf %add3A_1109, %mul3A_1111 : vector<16xf32>
                %mul3A_1113 = vector.broadcast %squeeze3A_180 : f32 to vector<16xf32>
                %mul3A_1114 = arith.mulf %bitcast_convert_type3A_1099, %mul3A_1113 : vector<16xf32>
                %add3A_1115 = arith.addf %add3A_1112, %mul3A_1114 : vector<16xf32>
                %ge3A_1116 = arith.constant 0.000000e+00 : f32
                %ge3A_1117 = vector.broadcast %ge3A_1116 : f32 to vector<16xf32>
                %ge3A_1118 = arith.cmpf oge, %add3A_1115, %ge3A_1117 : vector<16xf32>
                %mul3A_1119 = arith.constant 0.00999999977 : f32
                %mul3A_1120 = vector.broadcast %mul3A_1119 : f32 to vector<16xf32>
                %mul3A_1121 = arith.mulf %mul3A_1120, %add3A_1115 : vector<16xf32>
                %select_n3A_1122 = arith.select %ge3A_1118, %add3A_1115, %mul3A_1121 : vector<16xi1>, vector<16xf32>
                %mul3A_1123 = vector.broadcast %squeeze3A_142 : f32 to vector<16xf32>
                %mul3A_1124 = arith.mulf %bitcast_convert_type3A_1067, %mul3A_1123 : vector<16xf32>
                %add3A_1125 = vector.broadcast %squeeze3A_192 : f32 to vector<16xf32>
                %add3A_1126 = arith.addf %mul3A_1124, %add3A_1125 : vector<16xf32>
                %mul3A_1127 = vector.broadcast %squeeze3A_152 : f32 to vector<16xf32>
                %mul3A_1128 = arith.mulf %bitcast_convert_type3A_1075, %mul3A_1127 : vector<16xf32>
                %add3A_1129 = arith.addf %add3A_1126, %mul3A_1128 : vector<16xf32>
                %mul3A_1130 = vector.broadcast %squeeze3A_162 : f32 to vector<16xf32>
                %mul3A_1131 = arith.mulf %bitcast_convert_type3A_1083, %mul3A_1130 : vector<16xf32>
                %add3A_1132 = arith.addf %add3A_1129, %mul3A_1131 : vector<16xf32>
                %mul3A_1133 = vector.broadcast %squeeze3A_172 : f32 to vector<16xf32>
                %mul3A_1134 = arith.mulf %bitcast_convert_type3A_1091, %mul3A_1133 : vector<16xf32>
                %add3A_1135 = arith.addf %add3A_1132, %mul3A_1134 : vector<16xf32>
                %mul3A_1136 = vector.broadcast %squeeze3A_182 : f32 to vector<16xf32>
                %mul3A_1137 = arith.mulf %bitcast_convert_type3A_1099, %mul3A_1136 : vector<16xf32>
                %add3A_1138 = arith.addf %add3A_1135, %mul3A_1137 : vector<16xf32>
                %ge3A_1139 = arith.constant 0.000000e+00 : f32
                %ge3A_1140 = vector.broadcast %ge3A_1139 : f32 to vector<16xf32>
                %ge3A_1141 = arith.cmpf oge, %add3A_1138, %ge3A_1140 : vector<16xf32>
                %mul3A_1142 = arith.constant 0.00999999977 : f32
                %mul3A_1143 = vector.broadcast %mul3A_1142 : f32 to vector<16xf32>
                %mul3A_1144 = arith.mulf %mul3A_1143, %add3A_1138 : vector<16xf32>
                %select_n3A_1145 = arith.select %ge3A_1141, %add3A_1138, %mul3A_1144 : vector<16xi1>, vector<16xf32>
                %mul3A_1146 = vector.broadcast %squeeze3A_144 : f32 to vector<16xf32>
                %mul3A_1147 = arith.mulf %bitcast_convert_type3A_1067, %mul3A_1146 : vector<16xf32>
                %add3A_1148 = vector.broadcast %squeeze3A_194 : f32 to vector<16xf32>
                %add3A_1149 = arith.addf %mul3A_1147, %add3A_1148 : vector<16xf32>
                %mul3A_1150 = vector.broadcast %squeeze3A_154 : f32 to vector<16xf32>
                %mul3A_1151 = arith.mulf %bitcast_convert_type3A_1075, %mul3A_1150 : vector<16xf32>
                %add3A_1152 = arith.addf %add3A_1149, %mul3A_1151 : vector<16xf32>
                %mul3A_1153 = vector.broadcast %squeeze3A_164 : f32 to vector<16xf32>
                %mul3A_1154 = arith.mulf %bitcast_convert_type3A_1083, %mul3A_1153 : vector<16xf32>
                %add3A_1155 = arith.addf %add3A_1152, %mul3A_1154 : vector<16xf32>
                %mul3A_1156 = vector.broadcast %squeeze3A_174 : f32 to vector<16xf32>
                %mul3A_1157 = arith.mulf %bitcast_convert_type3A_1091, %mul3A_1156 : vector<16xf32>
                %add3A_1158 = arith.addf %add3A_1155, %mul3A_1157 : vector<16xf32>
                %mul3A_1159 = vector.broadcast %squeeze3A_184 : f32 to vector<16xf32>
                %mul3A_1160 = arith.mulf %bitcast_convert_type3A_1099, %mul3A_1159 : vector<16xf32>
                %add3A_1161 = arith.addf %add3A_1158, %mul3A_1160 : vector<16xf32>
                %ge3A_1162 = arith.constant 0.000000e+00 : f32
                %ge3A_1163 = vector.broadcast %ge3A_1162 : f32 to vector<16xf32>
                %ge3A_1164 = arith.cmpf oge, %add3A_1161, %ge3A_1163 : vector<16xf32>
                %mul3A_1165 = arith.constant 0.00999999977 : f32
                %mul3A_1166 = vector.broadcast %mul3A_1165 : f32 to vector<16xf32>
                %mul3A_1167 = arith.mulf %mul3A_1166, %add3A_1161 : vector<16xf32>
                %select_n3A_1168 = arith.select %ge3A_1164, %add3A_1161, %mul3A_1167 : vector<16xi1>, vector<16xf32>
                %mul3A_1169 = vector.broadcast %squeeze3A_146 : f32 to vector<16xf32>
                %mul3A_1170 = arith.mulf %bitcast_convert_type3A_1067, %mul3A_1169 : vector<16xf32>
                %add3A_1171 = vector.broadcast %squeeze3A_196 : f32 to vector<16xf32>
                %add3A_1172 = arith.addf %mul3A_1170, %add3A_1171 : vector<16xf32>
                %mul3A_1173 = vector.broadcast %squeeze3A_156 : f32 to vector<16xf32>
                %mul3A_1174 = arith.mulf %bitcast_convert_type3A_1075, %mul3A_1173 : vector<16xf32>
                %add3A_1175 = arith.addf %add3A_1172, %mul3A_1174 : vector<16xf32>
                %mul3A_1176 = vector.broadcast %squeeze3A_166 : f32 to vector<16xf32>
                %mul3A_1177 = arith.mulf %bitcast_convert_type3A_1083, %mul3A_1176 : vector<16xf32>
                %add3A_1178 = arith.addf %add3A_1175, %mul3A_1177 : vector<16xf32>
                %mul3A_1179 = vector.broadcast %squeeze3A_176 : f32 to vector<16xf32>
                %mul3A_1180 = arith.mulf %bitcast_convert_type3A_1091, %mul3A_1179 : vector<16xf32>
                %add3A_1181 = arith.addf %add3A_1178, %mul3A_1180 : vector<16xf32>
                %mul3A_1182 = vector.broadcast %squeeze3A_186 : f32 to vector<16xf32>
                %mul3A_1183 = arith.mulf %bitcast_convert_type3A_1099, %mul3A_1182 : vector<16xf32>
                %add3A_1184 = arith.addf %add3A_1181, %mul3A_1183 : vector<16xf32>
                %ge3A_1185 = arith.constant 0.000000e+00 : f32
                %ge3A_1186 = vector.broadcast %ge3A_1185 : f32 to vector<16xf32>
                %ge3A_1187 = arith.cmpf oge, %add3A_1184, %ge3A_1186 : vector<16xf32>
                %mul3A_1188 = arith.constant 0.00999999977 : f32
                %mul3A_1189 = vector.broadcast %mul3A_1188 : f32 to vector<16xf32>
                %mul3A_1190 = arith.mulf %mul3A_1189, %add3A_1184 : vector<16xf32>
                %select_n3A_1191 = arith.select %ge3A_1187, %add3A_1184, %mul3A_1190 : vector<16xi1>, vector<16xf32>
                %mul3A_1192 = vector.broadcast %squeeze3A_148 : f32 to vector<16xf32>
                %mul3A_1193 = arith.mulf %bitcast_convert_type3A_1067, %mul3A_1192 : vector<16xf32>
                %add3A_1194 = vector.broadcast %squeeze3A_198 : f32 to vector<16xf32>
                %add3A_1195 = arith.addf %mul3A_1193, %add3A_1194 : vector<16xf32>
                %mul3A_1196 = vector.broadcast %squeeze3A_158 : f32 to vector<16xf32>
                %mul3A_1197 = arith.mulf %bitcast_convert_type3A_1075, %mul3A_1196 : vector<16xf32>
                %add3A_1198 = arith.addf %add3A_1195, %mul3A_1197 : vector<16xf32>
                %mul3A_1199 = vector.broadcast %squeeze3A_168 : f32 to vector<16xf32>
                %mul3A_1200 = arith.mulf %bitcast_convert_type3A_1083, %mul3A_1199 : vector<16xf32>
                %add3A_1201 = arith.addf %add3A_1198, %mul3A_1200 : vector<16xf32>
                %mul3A_1202 = vector.broadcast %squeeze3A_178 : f32 to vector<16xf32>
                %mul3A_1203 = arith.mulf %bitcast_convert_type3A_1091, %mul3A_1202 : vector<16xf32>
                %add3A_1204 = arith.addf %add3A_1201, %mul3A_1203 : vector<16xf32>
                %mul3A_1205 = vector.broadcast %squeeze3A_188 : f32 to vector<16xf32>
                %mul3A_1206 = arith.mulf %bitcast_convert_type3A_1099, %mul3A_1205 : vector<16xf32>
                %add3A_1207 = arith.addf %add3A_1204, %mul3A_1206 : vector<16xf32>
                %ge3A_1208 = arith.constant 0.000000e+00 : f32
                %ge3A_1209 = vector.broadcast %ge3A_1208 : f32 to vector<16xf32>
                %ge3A_1210 = arith.cmpf oge, %add3A_1207, %ge3A_1209 : vector<16xf32>
                %mul3A_1211 = arith.constant 0.00999999977 : f32
                %mul3A_1212 = vector.broadcast %mul3A_1211 : f32 to vector<16xf32>
                %mul3A_1213 = arith.mulf %mul3A_1212, %add3A_1207 : vector<16xf32>
                %select_n3A_1214 = arith.select %ge3A_1210, %add3A_1207, %mul3A_1213 : vector<16xi1>, vector<16xf32>
                %bitcast_convert_type3A_1215 = tpu.bitcast %select_n3A_1122 : vector<16xf32> -> vector<16xi32>
                %add3A_1216 = arith.constant 32768 : i32
                %add3A_1217 = vector.broadcast %add3A_1216 : i32 to vector<16xi32>
                %add3A_1218 = arith.addi %bitcast_convert_type3A_1215, %add3A_1217 : vector<16xi32>
                %and3A_1219 = arith.constant -65536 : i32
                %and3A_1220 = vector.broadcast %and3A_1219 : i32 to vector<16xi32>
                %and3A_1221 = arith.andi %add3A_1218, %and3A_1220 : vector<16xi32>
                %bitcast_convert_type3A_1222 = tpu.bitcast %and3A_1221 : vector<16xi32> -> vector<16xf32>
                %bitcast_convert_type3A_1223 = tpu.bitcast %select_n3A_1145 : vector<16xf32> -> vector<16xi32>
                %add3A_1224 = arith.constant 32768 : i32
                %add3A_1225 = vector.broadcast %add3A_1224 : i32 to vector<16xi32>
                %add3A_1226 = arith.addi %bitcast_convert_type3A_1223, %add3A_1225 : vector<16xi32>
                %and3A_1227 = arith.constant -65536 : i32
                %and3A_1228 = vector.broadcast %and3A_1227 : i32 to vector<16xi32>
                %and3A_1229 = arith.andi %add3A_1226, %and3A_1228 : vector<16xi32>
                %bitcast_convert_type3A_1230 = tpu.bitcast %and3A_1229 : vector<16xi32> -> vector<16xf32>
                %bitcast_convert_type3A_1231 = tpu.bitcast %select_n3A_1168 : vector<16xf32> -> vector<16xi32>
                %add3A_1232 = arith.constant 32768 : i32
                %add3A_1233 = vector.broadcast %add3A_1232 : i32 to vector<16xi32>
                %add3A_1234 = arith.addi %bitcast_convert_type3A_1231, %add3A_1233 : vector<16xi32>
                %and3A_1235 = arith.constant -65536 : i32
                %and3A_1236 = vector.broadcast %and3A_1235 : i32 to vector<16xi32>
                %and3A_1237 = arith.andi %add3A_1234, %and3A_1236 : vector<16xi32>
                %bitcast_convert_type3A_1238 = tpu.bitcast %and3A_1237 : vector<16xi32> -> vector<16xf32>
                %bitcast_convert_type3A_1239 = tpu.bitcast %select_n3A_1191 : vector<16xf32> -> vector<16xi32>
                %add3A_1240 = arith.constant 32768 : i32
                %add3A_1241 = vector.broadcast %add3A_1240 : i32 to vector<16xi32>
                %add3A_1242 = arith.addi %bitcast_convert_type3A_1239, %add3A_1241 : vector<16xi32>
                %and3A_1243 = arith.constant -65536 : i32
                %and3A_1244 = vector.broadcast %and3A_1243 : i32 to vector<16xi32>
                %and3A_1245 = arith.andi %add3A_1242, %and3A_1244 : vector<16xi32>
                %bitcast_convert_type3A_1246 = tpu.bitcast %and3A_1245 : vector<16xi32> -> vector<16xf32>
                %bitcast_convert_type3A_1247 = tpu.bitcast %select_n3A_1214 : vector<16xf32> -> vector<16xi32>
                %add3A_1248 = arith.constant 32768 : i32
                %add3A_1249 = vector.broadcast %add3A_1248 : i32 to vector<16xi32>
                %add3A_1250 = arith.addi %bitcast_convert_type3A_1247, %add3A_1249 : vector<16xi32>
                %and3A_1251 = arith.constant -65536 : i32
                %and3A_1252 = vector.broadcast %and3A_1251 : i32 to vector<16xi32>
                %and3A_1253 = arith.andi %add3A_1250, %and3A_1252 : vector<16xi32>
                %bitcast_convert_type3A_1254 = tpu.bitcast %and3A_1253 : vector<16xi32> -> vector<16xf32>
                %mul3A_1255 = vector.broadcast %squeeze3A_200 : f32 to vector<16xf32>
                %mul3A_1256 = arith.mulf %bitcast_convert_type3A_1222, %mul3A_1255 : vector<16xf32>
                %add3A_1257 = vector.broadcast %squeeze3A_250 : f32 to vector<16xf32>
                %add3A_1258 = arith.addf %mul3A_1256, %add3A_1257 : vector<16xf32>
                %mul3A_1259 = vector.broadcast %squeeze3A_210 : f32 to vector<16xf32>
                %mul3A_1260 = arith.mulf %bitcast_convert_type3A_1230, %mul3A_1259 : vector<16xf32>
                %add3A_1261 = arith.addf %add3A_1258, %mul3A_1260 : vector<16xf32>
                %mul3A_1262 = vector.broadcast %squeeze3A_220 : f32 to vector<16xf32>
                %mul3A_1263 = arith.mulf %bitcast_convert_type3A_1238, %mul3A_1262 : vector<16xf32>
                %add3A_1264 = arith.addf %add3A_1261, %mul3A_1263 : vector<16xf32>
                %mul3A_1265 = vector.broadcast %squeeze3A_230 : f32 to vector<16xf32>
                %mul3A_1266 = arith.mulf %bitcast_convert_type3A_1246, %mul3A_1265 : vector<16xf32>
                %add3A_1267 = arith.addf %add3A_1264, %mul3A_1266 : vector<16xf32>
                %mul3A_1268 = vector.broadcast %squeeze3A_240 : f32 to vector<16xf32>
                %mul3A_1269 = arith.mulf %bitcast_convert_type3A_1254, %mul3A_1268 : vector<16xf32>
                %add3A_1270 = arith.addf %add3A_1267, %mul3A_1269 : vector<16xf32>
                %mul3A_1271 = vector.broadcast %squeeze3A_202 : f32 to vector<16xf32>
                %mul3A_1272 = arith.mulf %bitcast_convert_type3A_1222, %mul3A_1271 : vector<16xf32>
                %add3A_1273 = vector.broadcast %squeeze3A_252 : f32 to vector<16xf32>
                %add3A_1274 = arith.addf %mul3A_1272, %add3A_1273 : vector<16xf32>
                %mul3A_1275 = vector.broadcast %squeeze3A_212 : f32 to vector<16xf32>
                %mul3A_1276 = arith.mulf %bitcast_convert_type3A_1230, %mul3A_1275 : vector<16xf32>
                %add3A_1277 = arith.addf %add3A_1274, %mul3A_1276 : vector<16xf32>
                %mul3A_1278 = vector.broadcast %squeeze3A_222 : f32 to vector<16xf32>
                %mul3A_1279 = arith.mulf %bitcast_convert_type3A_1238, %mul3A_1278 : vector<16xf32>
                %add3A_1280 = arith.addf %add3A_1277, %mul3A_1279 : vector<16xf32>
                %mul3A_1281 = vector.broadcast %squeeze3A_232 : f32 to vector<16xf32>
                %mul3A_1282 = arith.mulf %bitcast_convert_type3A_1246, %mul3A_1281 : vector<16xf32>
                %add3A_1283 = arith.addf %add3A_1280, %mul3A_1282 : vector<16xf32>
                %mul3A_1284 = vector.broadcast %squeeze3A_242 : f32 to vector<16xf32>
                %mul3A_1285 = arith.mulf %bitcast_convert_type3A_1254, %mul3A_1284 : vector<16xf32>
                %add3A_1286 = arith.addf %add3A_1283, %mul3A_1285 : vector<16xf32>
                %mul3A_1287 = vector.broadcast %squeeze3A_204 : f32 to vector<16xf32>
                %mul3A_1288 = arith.mulf %bitcast_convert_type3A_1222, %mul3A_1287 : vector<16xf32>
                %add3A_1289 = vector.broadcast %squeeze3A_254 : f32 to vector<16xf32>
                %add3A_1290 = arith.addf %mul3A_1288, %add3A_1289 : vector<16xf32>
                %mul3A_1291 = vector.broadcast %squeeze3A_214 : f32 to vector<16xf32>
                %mul3A_1292 = arith.mulf %bitcast_convert_type3A_1230, %mul3A_1291 : vector<16xf32>
                %add3A_1293 = arith.addf %add3A_1290, %mul3A_1292 : vector<16xf32>
                %mul3A_1294 = vector.broadcast %squeeze3A_224 : f32 to vector<16xf32>
                %mul3A_1295 = arith.mulf %bitcast_convert_type3A_1238, %mul3A_1294 : vector<16xf32>
                %add3A_1296 = arith.addf %add3A_1293, %mul3A_1295 : vector<16xf32>
                %mul3A_1297 = vector.broadcast %squeeze3A_234 : f32 to vector<16xf32>
                %mul3A_1298 = arith.mulf %bitcast_convert_type3A_1246, %mul3A_1297 : vector<16xf32>
                %add3A_1299 = arith.addf %add3A_1296, %mul3A_1298 : vector<16xf32>
                %mul3A_1300 = vector.broadcast %squeeze3A_244 : f32 to vector<16xf32>
                %mul3A_1301 = arith.mulf %bitcast_convert_type3A_1254, %mul3A_1300 : vector<16xf32>
                %add3A_1302 = arith.addf %add3A_1299, %mul3A_1301 : vector<16xf32>
                %mul3A_1303 = vector.broadcast %squeeze3A_206 : f32 to vector<16xf32>
                %mul3A_1304 = arith.mulf %bitcast_convert_type3A_1222, %mul3A_1303 : vector<16xf32>
                %add3A_1305 = vector.broadcast %squeeze3A_256 : f32 to vector<16xf32>
                %add3A_1306 = arith.addf %mul3A_1304, %add3A_1305 : vector<16xf32>
                %mul3A_1307 = vector.broadcast %squeeze3A_216 : f32 to vector<16xf32>
                %mul3A_1308 = arith.mulf %bitcast_convert_type3A_1230, %mul3A_1307 : vector<16xf32>
                %add3A_1309 = arith.addf %add3A_1306, %mul3A_1308 : vector<16xf32>
                %mul3A_1310 = vector.broadcast %squeeze3A_226 : f32 to vector<16xf32>
                %mul3A_1311 = arith.mulf %bitcast_convert_type3A_1238, %mul3A_1310 : vector<16xf32>
                %add3A_1312 = arith.addf %add3A_1309, %mul3A_1311 : vector<16xf32>
                %mul3A_1313 = vector.broadcast %squeeze3A_236 : f32 to vector<16xf32>
                %mul3A_1314 = arith.mulf %bitcast_convert_type3A_1246, %mul3A_1313 : vector<16xf32>
                %add3A_1315 = arith.addf %add3A_1312, %mul3A_1314 : vector<16xf32>
                %mul3A_1316 = vector.broadcast %squeeze3A_246 : f32 to vector<16xf32>
                %mul3A_1317 = arith.mulf %bitcast_convert_type3A_1254, %mul3A_1316 : vector<16xf32>
                %add3A_1318 = arith.addf %add3A_1315, %mul3A_1317 : vector<16xf32>
                %mul3A_1319 = vector.broadcast %squeeze3A_208 : f32 to vector<16xf32>
                %mul3A_1320 = arith.mulf %bitcast_convert_type3A_1222, %mul3A_1319 : vector<16xf32>
                %add3A_1321 = vector.broadcast %squeeze3A_258 : f32 to vector<16xf32>
                %add3A_1322 = arith.addf %mul3A_1320, %add3A_1321 : vector<16xf32>
                %mul3A_1323 = vector.broadcast %squeeze3A_218 : f32 to vector<16xf32>
                %mul3A_1324 = arith.mulf %bitcast_convert_type3A_1230, %mul3A_1323 : vector<16xf32>
                %add3A_1325 = arith.addf %add3A_1322, %mul3A_1324 : vector<16xf32>
                %mul3A_1326 = vector.broadcast %squeeze3A_228 : f32 to vector<16xf32>
                %mul3A_1327 = arith.mulf %bitcast_convert_type3A_1238, %mul3A_1326 : vector<16xf32>
                %add3A_1328 = arith.addf %add3A_1325, %mul3A_1327 : vector<16xf32>
                %mul3A_1329 = vector.broadcast %squeeze3A_238 : f32 to vector<16xf32>
                %mul3A_1330 = arith.mulf %bitcast_convert_type3A_1246, %mul3A_1329 : vector<16xf32>
                %add3A_1331 = arith.addf %add3A_1328, %mul3A_1330 : vector<16xf32>
                %mul3A_1332 = vector.broadcast %squeeze3A_248 : f32 to vector<16xf32>
                %mul3A_1333 = arith.mulf %bitcast_convert_type3A_1254, %mul3A_1332 : vector<16xf32>
                %add3A_1334 = arith.addf %add3A_1331, %mul3A_1333 : vector<16xf32>
                %mul3A_1335 = arith.mulf %add3A_1270, %mul3A_943 : vector<16xf32>
                %add3A_1336 = arith.addf %while3A_897, %mul3A_1335 : vector<16xf32>
                %mul3A_1337 = arith.mulf %add3A_1286, %mul3A_943 : vector<16xf32>
                %add3A_1338 = arith.addf %while3A_898, %mul3A_1337 : vector<16xf32>
                %mul3A_1339 = arith.mulf %add3A_1302, %mul3A_943 : vector<16xf32>
                %add3A_1340 = arith.addf %while3A_899, %mul3A_1339 : vector<16xf32>
                %mul3A_1341 = arith.mulf %add3A_1318, %mul3A_943 : vector<16xf32>
                %add3A_1342 = arith.addf %while3A_900, %mul3A_1341 : vector<16xf32>
                %mul3A_1343 = arith.mulf %add3A_1334, %mul3A_943 : vector<16xf32>
                %add3A_1344 = arith.addf %while3A_901, %mul3A_1343 : vector<16xf32>
                %add3A_1345 = arith.addf %while3A_902, %select_n3A_941 : vector<16xf32>
                scf.yield %add3A_1336, %add3A_1338, %add3A_1340, %add3A_1342, %add3A_1344, %add3A_1345 : vector<16xf32>, vector<16xf32>, vector<16xf32>, vector<16xf32>, vector<16xf32>, vector<16xf32>
              } else {
                scf.yield %while3A_897, %while3A_898, %while3A_899, %while3A_900, %while3A_901, %while3A_902 : vector<16xf32>, vector<16xf32>, vector<16xf32>, vector<16xf32>, vector<16xf32>, vector<16xf32>
              }
              scf.yield %cond3A_927#0, %cond3A_927#1, %cond3A_927#2, %cond3A_927#3, %cond3A_927#4, %cond3A_927#5 : vector<16xf32>, vector<16xf32>, vector<16xf32>, vector<16xf32>, vector<16xf32>, vector<16xf32>
            }
            scf.yield %while3A_895#0, %while3A_895#1, %while3A_895#2, %while3A_895#3, %while3A_895#4, %while3A_895#5 : vector<16xf32>, vector<16xf32>, vector<16xf32>, vector<16xf32>, vector<16xf32>, vector<16xf32>
          } else {
            scf.yield %scan3A_859, %scan3A_860, %scan3A_861, %scan3A_862, %scan3A_863, %scan3A_864 : vector<16xf32>, vector<16xf32>, vector<16xf32>, vector<16xf32>, vector<16xf32>, vector<16xf32>
          }
          scf.yield %cond3A_884#0, %cond3A_884#1, %cond3A_884#2, %cond3A_884#3, %cond3A_884#4, %cond3A_884#5 : vector<16xf32>, vector<16xf32>, vector<16xf32>, vector<16xf32>, vector<16xf32>, vector<16xf32>
        }
        %scan3A_705 = arith.constant 8 : i32
        %get3A_706 = arith.index_cast %multiple_of3A : i32 to index
        %get3A_707 = tpu.vector_load %arg7[%get3A_706] {strides = array<i32>} : memref<128xf32, #tpu.memory_space<vmem>>, vector<16xf32>,
        %get3A_708 = arith.index_cast %multiple_of3A : i32 to index
        %get3A_709 = tpu.vector_load %arg15[%get3A_708] {strides = array<i32>} : memref<128xf32, #tpu.memory_space<vmem>>, vector<16xf32>,
        %get3A_710 = arith.index_cast %multiple_of3A : i32 to index
        %get3A_711 = tpu.vector_load %arg8[%get3A_710] {strides = array<i32>} : memref<128xf32, #tpu.memory_space<vmem>>, vector<16xf32>,
        %get3A_712 = arith.index_cast %multiple_of3A : i32 to index
        %get3A_713 = tpu.vector_load %arg9[%get3A_712] {strides = array<i32>} : memref<128xf32, #tpu.memory_space<vmem>>, vector<16xf32>,
        %mul3A_714 = arith.mulf %get3A_707, %scan3A_704#5 : vector<16xf32>
        %eq3A_715 = arith.constant 0.000000e+00 : f32
        %eq3A_716 = vector.broadcast %eq3A_715 : f32 to vector<16xf32>
        %eq3A_717 = arith.cmpf oeq, %mul3A_714, %eq3A_716 : vector<16xf32>
        %jit3A_718 = arith.constant 1.000000e+00 : f32
        %broadcast_in_dim3A_719 = vector.broadcast %jit3A_718 : f32 to vector<16xf32>
        %select_n3A_720 = arith.select %eq3A_717, %broadcast_in_dim3A_719, %mul3A_714 : vector<16xi1>, vector<16xf32>
        %bitcast_convert_type3A_721 = tpu.bitcast %select_n3A_720 : vector<16xf32> -> vector<16xi32>
        %shift_right_arithmetic3A_722 = arith.constant 1 : i32
        %shift_right_arithmetic3A_723 = vector.broadcast %shift_right_arithmetic3A_722 : i32 to vector<16xi32>
        %shift_right_arithmetic3A_724 = arith.shrsi %bitcast_convert_type3A_721, %shift_right_arithmetic3A_723 : vector<16xi32>
        %sub3A_725 = arith.constant 1597463007 : i32
        %sub3A_726 = vector.broadcast %sub3A_725 : i32 to vector<16xi32>
        %sub3A_727 = arith.subi %sub3A_726, %shift_right_arithmetic3A_724 : vector<16xi32>
        %bitcast_convert_type3A_728 = tpu.bitcast %sub3A_727 : vector<16xi32> -> vector<16xf32>
        %mul3A_729 = arith.constant 5.000000e-01 : f32
        %mul3A_730 = vector.broadcast %mul3A_729 : f32 to vector<16xf32>
        %mul3A_731 = arith.mulf %mul3A_730, %select_n3A_720 : vector<16xf32>
        %mul3A_732 = arith.mulf %mul3A_731, %bitcast_convert_type3A_728 : vector<16xf32>
        %mul3A_733 = arith.mulf %mul3A_732, %bitcast_convert_type3A_728 : vector<16xf32>
        %sub3A_734 = arith.constant 1.500000e+00 : f32
        %sub3A_735 = vector.broadcast %sub3A_734 : f32 to vector<16xf32>
        %sub3A_736 = arith.subf %sub3A_735, %mul3A_733 : vector<16xf32>
        %mul3A_737 = arith.mulf %bitcast_convert_type3A_728, %sub3A_736 : vector<16xf32>
        %mul3A_738 = arith.constant 5.000000e-01 : f32
        %mul3A_739 = vector.broadcast %mul3A_738 : f32 to vector<16xf32>
        %mul3A_740 = arith.mulf %mul3A_739, %select_n3A_720 : vector<16xf32>
        %mul3A_741 = arith.mulf %mul3A_740, %mul3A_737 : vector<16xf32>
        %mul3A_742 = arith.mulf %mul3A_741, %mul3A_737 : vector<16xf32>
        %sub3A_743 = arith.constant 1.500000e+00 : f32
        %sub3A_744 = vector.broadcast %sub3A_743 : f32 to vector<16xf32>
        %sub3A_745 = arith.subf %sub3A_744, %mul3A_742 : vector<16xf32>
        %mul3A_746 = arith.mulf %mul3A_737, %sub3A_745 : vector<16xf32>
        %mul3A_747 = arith.constant 5.000000e-01 : f32
        %mul3A_748 = vector.broadcast %mul3A_747 : f32 to vector<16xf32>
        %mul3A_749 = arith.mulf %mul3A_748, %select_n3A_720 : vector<16xf32>
        %mul3A_750 = arith.mulf %mul3A_749, %mul3A_746 : vector<16xf32>
        %mul3A_751 = arith.mulf %mul3A_750, %mul3A_746 : vector<16xf32>
        %sub3A_752 = arith.constant 1.500000e+00 : f32
        %sub3A_753 = vector.broadcast %sub3A_752 : f32 to vector<16xf32>
        %sub3A_754 = arith.subf %sub3A_753, %mul3A_751 : vector<16xf32>
        %mul3A_755 = arith.mulf %mul3A_746, %sub3A_754 : vector<16xf32>
        %mul3A_756 = arith.mulf %mul3A_755, %mul3A_755 : vector<16xf32>
        %mul3A_757 = arith.mulf %get3A_707, %mul3A_756 : vector<16xf32>
        %mul3A_758 = arith.mulf %mul3A_757, %get3A_709 : vector<16xf32>
        %mul3A_759 = arith.mulf %get3A_707, %scan3A_704#5 : vector<16xf32>
        %mul3A_760 = arith.mulf %mul3A_759, %mul3A_756 : vector<16xf32>
        %mul3A_761 = arith.mulf %mul3A_760, %get3A_709 : vector<16xf32>
        %mul3A_762 = arith.mulf %scan3A_704#0, %mul3A_758 : vector<16xf32>
        %mul3A_763 = arith.mulf %scan3A_704#1, %mul3A_758 : vector<16xf32>
        %mul3A_764 = arith.mulf %scan3A_704#2, %mul3A_758 : vector<16xf32>
        %mul3A_765 = arith.mulf %scan3A_704#3, %mul3A_758 : vector<16xf32>
        %mul3A_766 = arith.mulf %scan3A_704#4, %mul3A_758 : vector<16xf32>
        %sign3A = tpu.bitcast %mul3A_766 : vector<16xf32> -> vector<16xi32>
        %sign3A_767 = arith.constant -2147483648 : i32
        %sign3A_768 = vector.broadcast %sign3A_767 : i32 to vector<16xi32>
        %sign3A_769 = arith.andi %sign3A, %sign3A_768 : vector<16xi32>
        %sign3A_770 = arith.constant 1065353216 : i32
        %sign3A_771 = vector.broadcast %sign3A_770 : i32 to vector<16xi32>
        %sign3A_772 = arith.ori %sign3A_771, %sign3A_769 : vector<16xi32>
        %sign3A_773 = tpu.bitcast %sign3A_772 : vector<16xi32> -> vector<16xf32>
        %sign3A_774 = math.absf %mul3A_766 : vector<16xf32>
        %sign3A_775 = arith.constant 0.000000e+00 : f32
        %sign3A_776 = vector.broadcast %sign3A_775 : f32 to vector<16xf32>
        %sign3A_777 = arith.cmpf ogt, %sign3A_774, %sign3A_776 : vector<16xf32>
        %sign3A_778 = arith.select %sign3A_777, %sign3A_773, %mul3A_766 : vector<16xi1>, vector<16xf32>
        %mul3A_779 = arith.constant 5.000000e-01 : f32
        %mul3A_780 = vector.broadcast %mul3A_779 : f32 to vector<16xf32>
        %mul3A_781 = arith.mulf %mul3A_780, %sign3A_778 : vector<16xf32>
        %add3A_782 = arith.addf %mul3A_766, %mul3A_781 : vector<16xf32>
        %convert_element_type3A = arith.fptosi %add3A_782 : vector<16xf32> to vector<16xi32>
        %convert_element_type3A_783 = arith.sitofp %convert_element_type3A : vector<16xi32> to vector<16xf32>
        %sub3A_784 = arith.subf %mul3A_766, %convert_element_type3A_783 : vector<16xf32>
        %mul3A_785 = arith.mulf %sub3A_784, %sub3A_784 : vector<16xf32>
        %mul3A_786 = arith.constant -12.5763903 : f32
        %mul3A_787 = vector.broadcast %mul3A_786 : f32 to vector<16xf32>
        %mul3A_788 = arith.mulf %mul3A_787, %mul3A_785 : vector<16xf32>
        %add3A_789 = arith.constant 41.4034462 : f32
        %add3A_790 = vector.broadcast %add3A_789 : f32 to vector<16xf32>
        %add3A_791 = arith.addf %mul3A_788, %add3A_790 : vector<16xf32>
        %mul3A_792 = arith.mulf %add3A_791, %mul3A_785 : vector<16xf32>
        %add3A_793 = arith.constant -76.6265563 : f32
        %add3A_794 = vector.broadcast %add3A_793 : f32 to vector<16xf32>
        %add3A_795 = arith.addf %mul3A_792, %add3A_794 : vector<16xf32>
        %mul3A_796 = arith.mulf %add3A_795, %mul3A_785 : vector<16xf32>
        %add3A_797 = arith.constant 81.600914 : f32
        %add3A_798 = vector.broadcast %add3A_797 : f32 to vector<16xf32>
        %add3A_799 = arith.addf %mul3A_796, %add3A_798 : vector<16xf32>
        %mul3A_800 = arith.mulf %add3A_799, %mul3A_785 : vector<16xf32>
        %add3A_801 = arith.constant -41.3416176 : f32
        %add3A_802 = vector.broadcast %add3A_801 : f32 to vector<16xf32>
        %add3A_803 = arith.addf %mul3A_800, %add3A_802 : vector<16xf32>
        %mul3A_804 = arith.mulf %add3A_803, %mul3A_785 : vector<16xf32>
        %add3A_805 = arith.constant 6.283185 : f32
        %add3A_806 = vector.broadcast %add3A_805 : f32 to vector<16xf32>
        %add3A_807 = arith.addf %mul3A_804, %add3A_806 : vector<16xf32>
        %mul3A_808 = arith.mulf %add3A_807, %sub3A_784 : vector<16xf32>
        %mul3A_809 = arith.constant 6.575560e+00 : f32
        %mul3A_810 = vector.broadcast %mul3A_809 : f32 to vector<16xf32>
        %mul3A_811 = arith.mulf %mul3A_810, %mul3A_785 : vector<16xf32>
        %add3A_812 = arith.constant -26.000494 : f32
        %add3A_813 = vector.broadcast %add3A_812 : f32 to vector<16xf32>
        %add3A_814 = arith.addf %mul3A_811, %add3A_813 : vector<16xf32>
        %mul3A_815 = arith.mulf %add3A_814, %mul3A_785 : vector<16xf32>
        %add3A_816 = arith.constant 60.1762199 : f32
        %add3A_817 = vector.broadcast %add3A_816 : f32 to vector<16xf32>
        %add3A_818 = arith.addf %mul3A_815, %add3A_817 : vector<16xf32>
        %mul3A_819 = arith.mulf %add3A_818, %mul3A_785 : vector<16xf32>
        %add3A_820 = arith.constant -85.4511642 : f32
        %add3A_821 = vector.broadcast %add3A_820 : f32 to vector<16xf32>
        %add3A_822 = arith.addf %mul3A_819, %add3A_821 : vector<16xf32>
        %mul3A_823 = arith.mulf %add3A_822, %mul3A_785 : vector<16xf32>
        %add3A_824 = arith.constant 64.9391708 : f32
        %add3A_825 = vector.broadcast %add3A_824 : f32 to vector<16xf32>
        %add3A_826 = arith.addf %mul3A_823, %add3A_825 : vector<16xf32>
        %mul3A_827 = arith.mulf %add3A_826, %mul3A_785 : vector<16xf32>
        %add3A_828 = arith.constant -19.7392063 : f32
        %add3A_829 = vector.broadcast %add3A_828 : f32 to vector<16xf32>
        %add3A_830 = arith.addf %mul3A_827, %add3A_829 : vector<16xf32>
        %mul3A_831 = arith.mulf %add3A_830, %mul3A_785 : vector<16xf32>
        %add3A_832 = arith.constant 1.000000e+00 : f32
        %add3A_833 = vector.broadcast %add3A_832 : f32 to vector<16xf32>
        %add3A_834 = arith.addf %mul3A_831, %add3A_833 : vector<16xf32>
        %mul3A_835 = arith.mulf %get3A_711, %mul3A_761 : vector<16xf32>
        %mul3A_836 = arith.mulf %get3A_713, %mul3A_761 : vector<16xf32>
        %mul3A_837 = arith.mulf %add3A_834, %mul3A_835 : vector<16xf32>
        %mul3A_838 = arith.mulf %mul3A_808, %mul3A_836 : vector<16xf32>
        %sub3A_839 = arith.subf %mul3A_837, %mul3A_838 : vector<16xf32>
        %mul3A_840 = arith.mulf %mul3A_808, %mul3A_835 : vector<16xf32>
        %mul3A_841 = arith.mulf %add3A_834, %mul3A_836 : vector<16xf32>
        %add3A_842 = arith.addf %mul3A_840, %mul3A_841 : vector<16xf32>
        %mul3A_843 = arith.mulf %get3A_707, %mul3A_761 : vector<16xf32>
        %swap3A_844 = arith.index_cast %multiple_of3A : i32 to index
        %swap3A_845 = tpu.vector_load %arg7[%swap3A_844] {strides = array<i32>} : memref<128xf32, #tpu.memory_space<vmem>>, vector<16xf32>,
        tpu.vector_store %arg7[%swap3A_844], %mul3A_843 {strides = array<i32>} : memref<128xf32, #tpu.memory_space<vmem>>, vector<16xf32>,
        %swap3A_846 = arith.index_cast %multiple_of3A : i32 to index
        %swap3A_847 = tpu.vector_load %arg26[%swap3A_846] {strides = array<i32>} : memref<128xf32, #tpu.memory_space<vmem>>, vector<16xf32>,
        tpu.vector_store %arg26[%swap3A_846], %mul3A_762 {strides = array<i32>} : memref<128xf32, #tpu.memory_space<vmem>>, vector<16xf32>,
        %swap3A_848 = arith.index_cast %multiple_of3A : i32 to index
        %swap3A_849 = tpu.vector_load %arg27[%swap3A_848] {strides = array<i32>} : memref<128xf32, #tpu.memory_space<vmem>>, vector<16xf32>,
        tpu.vector_store %arg27[%swap3A_848], %mul3A_763 {strides = array<i32>} : memref<128xf32, #tpu.memory_space<vmem>>, vector<16xf32>,
        %swap3A_850 = arith.index_cast %multiple_of3A : i32 to index
        %swap3A_851 = tpu.vector_load %arg28[%swap3A_850] {strides = array<i32>} : memref<128xf32, #tpu.memory_space<vmem>>, vector<16xf32>,
        tpu.vector_store %arg28[%swap3A_850], %mul3A_764 {strides = array<i32>} : memref<128xf32, #tpu.memory_space<vmem>>, vector<16xf32>,
        %swap3A_852 = arith.index_cast %multiple_of3A : i32 to index
        %swap3A_853 = tpu.vector_load %arg29[%swap3A_852] {strides = array<i32>} : memref<128xf32, #tpu.memory_space<vmem>>, vector<16xf32>,
        tpu.vector_store %arg29[%swap3A_852], %mul3A_765 {strides = array<i32>} : memref<128xf32, #tpu.memory_space<vmem>>, vector<16xf32>,
        %swap3A_854 = arith.index_cast %multiple_of3A : i32 to index
        %swap3A_855 = tpu.vector_load %arg8[%swap3A_854] {strides = array<i32>} : memref<128xf32, #tpu.memory_space<vmem>>, vector<16xf32>,
        tpu.vector_store %arg8[%swap3A_854], %sub3A_839 {strides = array<i32>} : memref<128xf32, #tpu.memory_space<vmem>>, vector<16xf32>,
        %swap3A_856 = arith.index_cast %multiple_of3A : i32 to index
        %swap3A_857 = tpu.vector_load %arg9[%swap3A_856] {strides = array<i32>} : memref<128xf32, #tpu.memory_space<vmem>>, vector<16xf32>,
        tpu.vector_store %arg9[%swap3A_856], %add3A_842 {strides = array<i32>} : memref<128xf32, #tpu.memory_space<vmem>>, vector<16xf32>,
      }
      %scan3A_264 = arith.constant 8 : i32
      %get3A_265 = arith.constant 0 : index
      %get3A_266 = tpu.vector_load %arg31[%get3A_265] {strides = array<i32>} : memref<224xf32, #tpu.memory_space<vmem>>, vector<16xf32>,
      %get3A_267 = arith.constant 16 : index
      %get3A_268 = tpu.vector_load %arg31[%get3A_267] {strides = array<i32>} : memref<224xf32, #tpu.memory_space<vmem>>, vector<16xf32>,
      %get3A_269 = arith.constant 32 : index
      %get3A_270 = tpu.vector_load %arg31[%get3A_269] {strides = array<i32>} : memref<224xf32, #tpu.memory_space<vmem>>, vector<16xf32>,
      %get3A_271 = arith.constant 48 : index
      %get3A_272 = tpu.vector_load %arg31[%get3A_271] {strides = array<i32>} : memref<224xf32, #tpu.memory_space<vmem>>, vector<16xf32>,
      %get3A_273 = arith.constant 64 : index
      %get3A_274 = tpu.vector_load %arg31[%get3A_273] {strides = array<i32>} : memref<224xf32, #tpu.memory_space<vmem>>, vector<16xf32>,
      %get3A_275 = arith.constant 80 : index
      %get3A_276 = tpu.vector_load %arg31[%get3A_275] {strides = array<i32>} : memref<224xf32, #tpu.memory_space<vmem>>, vector<16xf32>,
      %get3A_277 = arith.constant 96 : index
      %get3A_278 = tpu.vector_load %arg31[%get3A_277] {strides = array<i32>} : memref<224xf32, #tpu.memory_space<vmem>>, vector<16xf32>,
      %get3A_279 = arith.constant 112 : index
      %get3A_280 = tpu.vector_load %arg31[%get3A_279] {strides = array<i32>} : memref<224xf32, #tpu.memory_space<vmem>>, vector<16xf32>,
      %get3A_281 = arith.constant 128 : index
      %get3A_282 = tpu.vector_load %arg31[%get3A_281] {strides = array<i32>} : memref<224xf32, #tpu.memory_space<vmem>>, vector<16xf32>,
      %get3A_283 = arith.constant 144 : index
      %get3A_284 = tpu.vector_load %arg31[%get3A_283] {strides = array<i32>} : memref<224xf32, #tpu.memory_space<vmem>>, vector<16xf32>,
      %get3A_285 = arith.constant 160 : index
      %get3A_286 = tpu.vector_load %arg31[%get3A_285] {strides = array<i32>} : memref<224xf32, #tpu.memory_space<vmem>>, vector<16xf32>,
      %get3A_287 = arith.constant 176 : index
      %get3A_288 = tpu.vector_load %arg31[%get3A_287] {strides = array<i32>} : memref<224xf32, #tpu.memory_space<vmem>>, vector<16xf32>,
      %get3A_289 = arith.constant 192 : index
      %get3A_290 = tpu.vector_load %arg31[%get3A_289] {strides = array<i32>} : memref<224xf32, #tpu.memory_space<vmem>>, vector<16xf32>,
      %get3A_291 = arith.constant 208 : index
      %get3A_292 = tpu.vector_load %arg31[%get3A_291] {strides = array<i32>} : memref<224xf32, #tpu.memory_space<vmem>>, vector<16xf32>,
      %slice3A_293 = vector.extract_strided_slice %get3A_276 {offsets = [10], sizes = [1], strides = [1]} : vector<16xf32> to vector<1xf32>
      %squeeze3A_294 = vector.extract %slice3A_293[0] : f32 from vector<1xf32>
      %slice3A_295 = vector.extract_strided_slice %get3A_276 {offsets = [11], sizes = [1], strides = [1]} : vector<16xf32> to vector<1xf32>
      %squeeze3A_296 = vector.extract %slice3A_295[0] : f32 from vector<1xf32>
      %slice3A_297 = vector.extract_strided_slice %get3A_276 {offsets = [12], sizes = [1], strides = [1]} : vector<16xf32> to vector<1xf32>
      %squeeze3A_298 = vector.extract %slice3A_297[0] : f32 from vector<1xf32>
      %slice3A_299 = vector.extract_strided_slice %get3A_276 {offsets = [13], sizes = [1], strides = [1]} : vector<16xf32> to vector<1xf32>
      %squeeze3A_300 = vector.extract %slice3A_299[0] : f32 from vector<1xf32>
      %slice3A_301 = vector.extract_strided_slice %get3A_276 {offsets = [14], sizes = [1], strides = [1]} : vector<16xf32> to vector<1xf32>
      %squeeze3A_302 = vector.extract %slice3A_301[0] : f32 from vector<1xf32>
      %slice3A_303 = vector.extract_strided_slice %get3A_276 {offsets = [15], sizes = [1], strides = [1]} : vector<16xf32> to vector<1xf32>
      %squeeze3A_304 = vector.extract %slice3A_303[0] : f32 from vector<1xf32>
      %slice3A_305 = vector.extract_strided_slice %get3A_278 {offsets = [0], sizes = [1], strides = [1]} : vector<16xf32> to vector<1xf32>
      %squeeze3A_306 = vector.extract %slice3A_305[0] : f32 from vector<1xf32>
      %slice3A_307 = vector.extract_strided_slice %get3A_278 {offsets = [1], sizes = [1], strides = [1]} : vector<16xf32> to vector<1xf32>
      %squeeze3A_308 = vector.extract %slice3A_307[0] : f32 from vector<1xf32>
      %slice3A_309 = vector.extract_strided_slice %get3A_278 {offsets = [2], sizes = [1], strides = [1]} : vector<16xf32> to vector<1xf32>
      %squeeze3A_310 = vector.extract %slice3A_309[0] : f32 from vector<1xf32>
      %slice3A_311 = vector.extract_strided_slice %get3A_278 {offsets = [3], sizes = [1], strides = [1]} : vector<16xf32> to vector<1xf32>
      %squeeze3A_312 = vector.extract %slice3A_311[0] : f32 from vector<1xf32>
      %slice3A_313 = vector.extract_strided_slice %get3A_278 {offsets = [4], sizes = [1], strides = [1]} : vector<16xf32> to vector<1xf32>
      %squeeze3A_314 = vector.extract %slice3A_313[0] : f32 from vector<1xf32>
      %slice3A_315 = vector.extract_strided_slice %get3A_278 {offsets = [5], sizes = [1], strides = [1]} : vector<16xf32> to vector<1xf32>
      %squeeze3A_316 = vector.extract %slice3A_315[0] : f32 from vector<1xf32>
      %slice3A_317 = vector.extract_strided_slice %get3A_278 {offsets = [6], sizes = [1], strides = [1]} : vector<16xf32> to vector<1xf32>
      %squeeze3A_318 = vector.extract %slice3A_317[0] : f32 from vector<1xf32>
      %slice3A_319 = vector.extract_strided_slice %get3A_278 {offsets = [7], sizes = [1], strides = [1]} : vector<16xf32> to vector<1xf32>
      %squeeze3A_320 = vector.extract %slice3A_319[0] : f32 from vector<1xf32>
      %slice3A_321 = vector.extract_strided_slice %get3A_278 {offsets = [8], sizes = [1], strides = [1]} : vector<16xf32> to vector<1xf32>
      %squeeze3A_322 = vector.extract %slice3A_321[0] : f32 from vector<1xf32>
      %slice3A_323 = vector.extract_strided_slice %get3A_278 {offsets = [9], sizes = [1], strides = [1]} : vector<16xf32> to vector<1xf32>
      %squeeze3A_324 = vector.extract %slice3A_323[0] : f32 from vector<1xf32>
      %slice3A_325 = vector.extract_strided_slice %get3A_278 {offsets = [10], sizes = [1], strides = [1]} : vector<16xf32> to vector<1xf32>
      %squeeze3A_326 = vector.extract %slice3A_325[0] : f32 from vector<1xf32>
      %slice3A_327 = vector.extract_strided_slice %get3A_278 {offsets = [11], sizes = [1], strides = [1]} : vector<16xf32> to vector<1xf32>
      %squeeze3A_328 = vector.extract %slice3A_327[0] : f32 from vector<1xf32>
      %slice3A_329 = vector.extract_strided_slice %get3A_278 {offsets = [12], sizes = [1], strides = [1]} : vector<16xf32> to vector<1xf32>
      %squeeze3A_330 = vector.extract %slice3A_329[0] : f32 from vector<1xf32>
      %slice3A_331 = vector.extract_strided_slice %get3A_278 {offsets = [13], sizes = [1], strides = [1]} : vector<16xf32> to vector<1xf32>
      %squeeze3A_332 = vector.extract %slice3A_331[0] : f32 from vector<1xf32>
      %slice3A_333 = vector.extract_strided_slice %get3A_278 {offsets = [14], sizes = [1], strides = [1]} : vector<16xf32> to vector<1xf32>
      %squeeze3A_334 = vector.extract %slice3A_333[0] : f32 from vector<1xf32>
      %slice3A_335 = vector.extract_strided_slice %get3A_278 {offsets = [15], sizes = [1], strides = [1]} : vector<16xf32> to vector<1xf32>
      %squeeze3A_336 = vector.extract %slice3A_335[0] : f32 from vector<1xf32>
      %slice3A_337 = vector.extract_strided_slice %get3A_280 {offsets = [0], sizes = [1], strides = [1]} : vector<16xf32> to vector<1xf32>
      %squeeze3A_338 = vector.extract %slice3A_337[0] : f32 from vector<1xf32>
      %slice3A_339 = vector.extract_strided_slice %get3A_280 {offsets = [1], sizes = [1], strides = [1]} : vector<16xf32> to vector<1xf32>
      %squeeze3A_340 = vector.extract %slice3A_339[0] : f32 from vector<1xf32>
      %slice3A_341 = vector.extract_strided_slice %get3A_280 {offsets = [2], sizes = [1], strides = [1]} : vector<16xf32> to vector<1xf32>
      %squeeze3A_342 = vector.extract %slice3A_341[0] : f32 from vector<1xf32>
      %slice3A_343 = vector.extract_strided_slice %get3A_280 {offsets = [3], sizes = [1], strides = [1]} : vector<16xf32> to vector<1xf32>
      %squeeze3A_344 = vector.extract %slice3A_343[0] : f32 from vector<1xf32>
      %slice3A_345 = vector.extract_strided_slice %get3A_280 {offsets = [4], sizes = [1], strides = [1]} : vector<16xf32> to vector<1xf32>
      %squeeze3A_346 = vector.extract %slice3A_345[0] : f32 from vector<1xf32>
      %slice3A_347 = vector.extract_strided_slice %get3A_280 {offsets = [5], sizes = [1], strides = [1]} : vector<16xf32> to vector<1xf32>
      %squeeze3A_348 = vector.extract %slice3A_347[0] : f32 from vector<1xf32>
      %slice3A_349 = vector.extract_strided_slice %get3A_280 {offsets = [6], sizes = [1], strides = [1]} : vector<16xf32> to vector<1xf32>
      %squeeze3A_350 = vector.extract %slice3A_349[0] : f32 from vector<1xf32>
      %slice3A_351 = vector.extract_strided_slice %get3A_280 {offsets = [7], sizes = [1], strides = [1]} : vector<16xf32> to vector<1xf32>
      %squeeze3A_352 = vector.extract %slice3A_351[0] : f32 from vector<1xf32>
      %slice3A_353 = vector.extract_strided_slice %get3A_280 {offsets = [8], sizes = [1], strides = [1]} : vector<16xf32> to vector<1xf32>
      %squeeze3A_354 = vector.extract %slice3A_353[0] : f32 from vector<1xf32>
      %slice3A_355 = vector.extract_strided_slice %get3A_280 {offsets = [9], sizes = [1], strides = [1]} : vector<16xf32> to vector<1xf32>
      %squeeze3A_356 = vector.extract %slice3A_355[0] : f32 from vector<1xf32>
      %slice3A_357 = vector.extract_strided_slice %get3A_280 {offsets = [10], sizes = [1], strides = [1]} : vector<16xf32> to vector<1xf32>
      %squeeze3A_358 = vector.extract %slice3A_357[0] : f32 from vector<1xf32>
      %slice3A_359 = vector.extract_strided_slice %get3A_280 {offsets = [11], sizes = [1], strides = [1]} : vector<16xf32> to vector<1xf32>
      %squeeze3A_360 = vector.extract %slice3A_359[0] : f32 from vector<1xf32>
      %slice3A_361 = vector.extract_strided_slice %get3A_280 {offsets = [12], sizes = [1], strides = [1]} : vector<16xf32> to vector<1xf32>
      %squeeze3A_362 = vector.extract %slice3A_361[0] : f32 from vector<1xf32>
      %slice3A_363 = vector.extract_strided_slice %get3A_280 {offsets = [13], sizes = [1], strides = [1]} : vector<16xf32> to vector<1xf32>
      %squeeze3A_364 = vector.extract %slice3A_363[0] : f32 from vector<1xf32>
      %slice3A_365 = vector.extract_strided_slice %get3A_280 {offsets = [14], sizes = [1], strides = [1]} : vector<16xf32> to vector<1xf32>
      %squeeze3A_366 = vector.extract %slice3A_365[0] : f32 from vector<1xf32>
      %slice3A_367 = vector.extract_strided_slice %get3A_280 {offsets = [15], sizes = [1], strides = [1]} : vector<16xf32> to vector<1xf32>
      %squeeze3A_368 = vector.extract %slice3A_367[0] : f32 from vector<1xf32>
      %slice3A_369 = vector.extract_strided_slice %get3A_282 {offsets = [0], sizes = [1], strides = [1]} : vector<16xf32> to vector<1xf32>
      %squeeze3A_370 = vector.extract %slice3A_369[0] : f32 from vector<1xf32>
      %slice3A_371 = vector.extract_strided_slice %get3A_282 {offsets = [1], sizes = [1], strides = [1]} : vector<16xf32> to vector<1xf32>
      %squeeze3A_372 = vector.extract %slice3A_371[0] : f32 from vector<1xf32>
      %slice3A_373 = vector.extract_strided_slice %get3A_286 {offsets = [0], sizes = [1], strides = [1]} : vector<16xf32> to vector<1xf32>
      %squeeze3A_374 = vector.extract %slice3A_373[0] : f32 from vector<1xf32>
      %slice3A_375 = vector.extract_strided_slice %get3A_286 {offsets = [1], sizes = [1], strides = [1]} : vector<16xf32> to vector<1xf32>
      %squeeze3A_376 = vector.extract %slice3A_375[0] : f32 from vector<1xf32>
      %slice3A_377 = vector.extract_strided_slice %get3A_286 {offsets = [2], sizes = [1], strides = [1]} : vector<16xf32> to vector<1xf32>
      %squeeze3A_378 = vector.extract %slice3A_377[0] : f32 from vector<1xf32>
      %slice3A_379 = vector.extract_strided_slice %get3A_286 {offsets = [3], sizes = [1], strides = [1]} : vector<16xf32> to vector<1xf32>
      %squeeze3A_380 = vector.extract %slice3A_379[0] : f32 from vector<1xf32>
      %slice3A_381 = vector.extract_strided_slice %get3A_286 {offsets = [4], sizes = [1], strides = [1]} : vector<16xf32> to vector<1xf32>
      %squeeze3A_382 = vector.extract %slice3A_381[0] : f32 from vector<1xf32>
      %scan3A_383 = arith.constant 0 : i32
      %scan3A_384 = arith.constant 0 : i32
      %scan3A_385 = arith.constant 8 : i32
      %scan3A_386 = arith.addi %scan3A_384, %scan3A_385 : i32
      %scan3A_387 = arith.constant 1 : i32
      %scan3A_388 = scf.for %scan3A_661 = %scan3A_384 to %scan3A_386 step %scan3A_387 iter_args(%scan3A_662 = %scan3A_383) -> (i32)  : i32 {
        %mul3A_663 = arith.constant 16 : i32
        %mul3A_664 = arith.muli %scan3A_661, %mul3A_663 : i32
        %multiple_of3A = tpu.assume_multiple %mul3A_664, 8 : i32
        %get3A_665 = arith.index_cast %multiple_of3A : i32 to index
        %get3A_666 = tpu.vector_load %arg8[%get3A_665] {strides = array<i32>} : memref<128xf32, #tpu.memory_space<vmem>>, vector<16xf32>,
        %get3A_667 = arith.index_cast %multiple_of3A : i32 to index
        %get3A_668 = tpu.vector_load %arg9[%get3A_667] {strides = array<i32>} : memref<128xf32, #tpu.memory_space<vmem>>, vector<16xf32>,
        %get3A_669 = arith.index_cast %multiple_of3A : i32 to index
        %get3A_670 = tpu.vector_load %arg15[%get3A_669] {strides = array<i32>} : memref<128xf32, #tpu.memory_space<vmem>>, vector<16xf32>,
        %mul3A_671 = arith.mulf %get3A_666, %get3A_666 : vector<16xf32>
        %mul3A_672 = arith.mulf %get3A_668, %get3A_668 : vector<16xf32>
        %add3A_673 = arith.addf %mul3A_671, %mul3A_672 : vector<16xf32>
        %gt3A = arith.constant 0.000000e+00 : f32
        %gt3A_674 = vector.broadcast %gt3A : f32 to vector<16xf32>
        %gt3A_675 = arith.cmpf ogt, %add3A_673, %gt3A_674 : vector<16xf32>
        %bitcast_convert_type3A_676 = tpu.bitcast %add3A_673 : vector<16xf32> -> vector<16xi32>
        %shift_right_arithmetic3A_677 = arith.constant 1 : i32
        %shift_right_arithmetic3A_678 = vector.broadcast %shift_right_arithmetic3A_677 : i32 to vector<16xi32>
        %shift_right_arithmetic3A_679 = arith.shrsi %bitcast_convert_type3A_676, %shift_right_arithmetic3A_678 : vector<16xi32>
        %sub3A_680 = arith.constant 1597463007 : i32
        %sub3A_681 = vector.broadcast %sub3A_680 : i32 to vector<16xi32>
        %sub3A_682 = arith.subi %sub3A_681, %shift_right_arithmetic3A_679 : vector<16xi32>
        %bitcast_convert_type3A_683 = tpu.bitcast %sub3A_682 : vector<16xi32> -> vector<16xf32>
        %mul3A_684 = arith.constant 5.000000e-01 : f32
        %mul3A_685 = vector.broadcast %mul3A_684 : f32 to vector<16xf32>
        %mul3A_686 = arith.mulf %mul3A_685, %add3A_673 : vector<16xf32>
        %mul3A_687 = arith.mulf %mul3A_686, %bitcast_convert_type3A_683 : vector<16xf32>
        %mul3A_688 = arith.mulf %mul3A_687, %bitcast_convert_type3A_683 : vector<16xf32>
        %sub3A_689 = arith.constant 1.500000e+00 : f32
        %sub3A_690 = vector.broadcast %sub3A_689 : f32 to vector<16xf32>
        %sub3A_691 = arith.subf %sub3A_690, %mul3A_688 : vector<16xf32>
        %mul3A_692 = arith.mulf %bitcast_convert_type3A_683, %sub3A_691 : vector<16xf32>
        %mul3A_693 = arith.constant 5.000000e-01 : f32
        %mul3A_694 = vector.broadcast %mul3A_693 : f32 to vector<16xf32>
        %mul3A_695 = arith.mulf %mul3A_694, %add3A_673 : vector<16xf32>
        %mul3A_696 = arith.mulf %mul3A_695, %mul3A_692 : vector<16xf32>
        %mul3A_697 = arith.mulf %mul3A_696, %mul3A_692 : vector<16xf32>
        %sub3A_698 = arith.constant 1.500000e+00 : f32
        %sub3A_699 = vector.broadcast %sub3A_698 : f32 to vector<16xf32>
        %sub3A_700 = arith.subf %sub3A_699, %mul3A_697 : vector<16xf32>
        %mul3A_701 = arith.mulf %mul3A_692, %sub3A_700 : vector<16xf32>
        %mul3A_702 = arith.constant 5.000000e-01 : f32
        %mul3A_703 = vector.broadcast %mul3A_702 : f32 to vector<16xf32>
        %mul3A_704 = arith.mulf %mul3A_703, %add3A_673 : vector<16xf32>
        %mul3A_705 = arith.mulf %mul3A_704, %mul3A_701 : vector<16xf32>
        %mul3A_706 = arith.mulf %mul3A_705, %mul3A_701 : vector<16xf32>
        %sub3A_707 = arith.constant 1.500000e+00 : f32
        %sub3A_708 = vector.broadcast %sub3A_707 : f32 to vector<16xf32>
        %sub3A_709 = arith.subf %sub3A_708, %mul3A_706 : vector<16xf32>
        %mul3A_710 = arith.mulf %mul3A_701, %sub3A_709 : vector<16xf32>
        %mul3A_711 = arith.mulf %get3A_666, %mul3A_710 : vector<16xf32>
        %jit3A_712 = arith.constant 0.000000e+00 : f32
        %broadcast_in_dim3A_713 = vector.broadcast %jit3A_712 : f32 to vector<16xf32>
        %select_n3A_714 = arith.select %gt3A_675, %mul3A_711, %broadcast_in_dim3A_713 : vector<16xi1>, vector<16xf32>
        %mul3A_715 = arith.mulf %get3A_668, %mul3A_710 : vector<16xf32>
        %jit3A_716 = arith.constant 0.000000e+00 : f32
        %broadcast_in_dim3A_717 = vector.broadcast %jit3A_716 : f32 to vector<16xf32>
        %select_n3A_718 = arith.select %gt3A_675, %mul3A_715, %broadcast_in_dim3A_717 : vector<16xi1>, vector<16xf32>
        %jit3A_719 = arith.constant 1.000000e+00 : f32
        %jit3A_720 = arith.constant 0.000000e+00 : f32
        %broadcast_in_dim3A_721 = vector.broadcast %jit3A_719 : f32 to vector<16xf32>
        %broadcast_in_dim3A_722 = vector.broadcast %jit3A_720 : f32 to vector<16xf32>
        %select_n3A_723 = arith.select %gt3A_675, %broadcast_in_dim3A_721, %broadcast_in_dim3A_722 : vector<16xi1>, vector<16xf32>
        %gt3A_724 = arith.constant 0.000000e+00 : f32
        %gt3A_725 = vector.broadcast %gt3A_724 : f32 to vector<16xf32>
        %gt3A_726 = arith.cmpf ogt, %get3A_670, %gt3A_725 : vector<16xf32>
        %jit3A_727 = arith.constant 1.000000e+09 : f32
        %broadcast_in_dim3A_728 = vector.broadcast %jit3A_727 : f32 to vector<16xf32>
        %select_n3A_729 = arith.select %gt3A_726, %get3A_666, %broadcast_in_dim3A_728 : vector<16xi1>, vector<16xf32>
        %swap3A_730 = arith.index_cast %multiple_of3A : i32 to index
        %swap3A_731 = tpu.vector_load %arg10[%swap3A_730] {strides = array<i32>} : memref<128xf32, #tpu.memory_space<vmem>>, vector<16xf32>,
        tpu.vector_store %arg10[%swap3A_730], %select_n3A_729 {strides = array<i32>} : memref<128xf32, #tpu.memory_space<vmem>>, vector<16xf32>,
        %gt3A_732 = arith.constant 0.000000e+00 : f32
        %gt3A_733 = vector.broadcast %gt3A_732 : f32 to vector<16xf32>
        %gt3A_734 = arith.cmpf ogt, %get3A_670, %gt3A_733 : vector<16xf32>
        %jit3A_735 = arith.constant 1.000000e+09 : f32
        %broadcast_in_dim3A_736 = vector.broadcast %jit3A_735 : f32 to vector<16xf32>
        %select_n3A_737 = arith.select %gt3A_734, %get3A_668, %broadcast_in_dim3A_736 : vector<16xi1>, vector<16xf32>
        %swap3A_738 = arith.index_cast %multiple_of3A : i32 to index
        %swap3A_739 = tpu.vector_load %arg11[%swap3A_738] {strides = array<i32>} : memref<128xf32, #tpu.memory_space<vmem>>, vector<16xf32>,
        tpu.vector_store %arg11[%swap3A_738], %select_n3A_737 {strides = array<i32>} : memref<128xf32, #tpu.memory_space<vmem>>, vector<16xf32>,
        %swap3A_740 = arith.index_cast %multiple_of3A : i32 to index
        %swap3A_741 = tpu.vector_load %arg12[%swap3A_740] {strides = array<i32>} : memref<128xf32, #tpu.memory_space<vmem>>, vector<16xf32>,
        tpu.vector_store %arg12[%swap3A_740], %select_n3A_714 {strides = array<i32>} : memref<128xf32, #tpu.memory_space<vmem>>, vector<16xf32>,
        %swap3A_742 = arith.index_cast %multiple_of3A : i32 to index
        %swap3A_743 = tpu.vector_load %arg13[%swap3A_742] {strides = array<i32>} : memref<128xf32, #tpu.memory_space<vmem>>, vector<16xf32>,
        tpu.vector_store %arg13[%swap3A_742], %select_n3A_718 {strides = array<i32>} : memref<128xf32, #tpu.memory_space<vmem>>, vector<16xf32>,
        %swap3A_744 = arith.index_cast %multiple_of3A : i32 to index
        %swap3A_745 = tpu.vector_load %arg14[%swap3A_744] {strides = array<i32>} : memref<128xf32, #tpu.memory_space<vmem>>, vector<16xf32>,
        tpu.vector_store %arg14[%swap3A_744], %select_n3A_723 {strides = array<i32>} : memref<128xf32, #tpu.memory_space<vmem>>, vector<16xf32>,
        %mul3A_746 = arith.mulf %add3A_673, %mul3A_710 : vector<16xf32>
        %jit3A_747 = arith.constant 0.000000e+00 : f32
        %broadcast_in_dim3A_748 = vector.broadcast %jit3A_747 : f32 to vector<16xf32>
        %select_n3A_749 = arith.select %gt3A_675, %mul3A_746, %broadcast_in_dim3A_748 : vector<16xi1>, vector<16xf32>
        %swap3A_750 = arith.index_cast %multiple_of3A : i32 to index
        %swap3A_751 = tpu.vector_load %arg30[%swap3A_750] {strides = array<i32>} : memref<128xf32, #tpu.memory_space<vmem>>, vector<16xf32>,
        tpu.vector_store %arg30[%swap3A_750], %select_n3A_749 {strides = array<i32>} : memref<128xf32, #tpu.memory_space<vmem>>, vector<16xf32>,
        %get3A_752 = arith.index_cast %multiple_of3A : i32 to index
        %get3A_753 = tpu.vector_load %arg26[%get3A_752] {strides = array<i32>} : memref<128xf32, #tpu.memory_space<vmem>>, vector<16xf32>,
        %get3A_754 = arith.index_cast %multiple_of3A : i32 to index
        %get3A_755 = tpu.vector_load %arg27[%get3A_754] {strides = array<i32>} : memref<128xf32, #tpu.memory_space<vmem>>, vector<16xf32>,
        %get3A_756 = arith.index_cast %multiple_of3A : i32 to index
        %get3A_757 = tpu.vector_load %arg28[%get3A_756] {strides = array<i32>} : memref<128xf32, #tpu.memory_space<vmem>>, vector<16xf32>,
        %get3A_758 = arith.index_cast %multiple_of3A : i32 to index
        %get3A_759 = tpu.vector_load %arg29[%get3A_758] {strides = array<i32>} : memref<128xf32, #tpu.memory_space<vmem>>, vector<16xf32>,
        %bitcast_convert_type3A_760 = tpu.bitcast %get3A_753 : vector<16xf32> -> vector<16xi32>
        %add3A_761 = arith.constant 32768 : i32
        %add3A_762 = vector.broadcast %add3A_761 : i32 to vector<16xi32>
        %add3A_763 = arith.addi %bitcast_convert_type3A_760, %add3A_762 : vector<16xi32>
        %and3A = arith.constant -65536 : i32
        %and3A_764 = vector.broadcast %and3A : i32 to vector<16xi32>
        %and3A_765 = arith.andi %add3A_763, %and3A_764 : vector<16xi32>
        %bitcast_convert_type3A_766 = tpu.bitcast %and3A_765 : vector<16xi32> -> vector<16xf32>
        %bitcast_convert_type3A_767 = tpu.bitcast %get3A_755 : vector<16xf32> -> vector<16xi32>
        %add3A_768 = arith.constant 32768 : i32
        %add3A_769 = vector.broadcast %add3A_768 : i32 to vector<16xi32>
        %add3A_770 = arith.addi %bitcast_convert_type3A_767, %add3A_769 : vector<16xi32>
        %and3A_771 = arith.constant -65536 : i32
        %and3A_772 = vector.broadcast %and3A_771 : i32 to vector<16xi32>
        %and3A_773 = arith.andi %add3A_770, %and3A_772 : vector<16xi32>
        %bitcast_convert_type3A_774 = tpu.bitcast %and3A_773 : vector<16xi32> -> vector<16xf32>
        %bitcast_convert_type3A_775 = tpu.bitcast %get3A_757 : vector<16xf32> -> vector<16xi32>
        %add3A_776 = arith.constant 32768 : i32
        %add3A_777 = vector.broadcast %add3A_776 : i32 to vector<16xi32>
        %add3A_778 = arith.addi %bitcast_convert_type3A_775, %add3A_777 : vector<16xi32>
        %and3A_779 = arith.constant -65536 : i32
        %and3A_780 = vector.broadcast %and3A_779 : i32 to vector<16xi32>
        %and3A_781 = arith.andi %add3A_778, %and3A_780 : vector<16xi32>
        %bitcast_convert_type3A_782 = tpu.bitcast %and3A_781 : vector<16xi32> -> vector<16xf32>
        %bitcast_convert_type3A_783 = tpu.bitcast %get3A_759 : vector<16xf32> -> vector<16xi32>
        %add3A_784 = arith.constant 32768 : i32
        %add3A_785 = vector.broadcast %add3A_784 : i32 to vector<16xi32>
        %add3A_786 = arith.addi %bitcast_convert_type3A_783, %add3A_785 : vector<16xi32>
        %and3A_787 = arith.constant -65536 : i32
        %and3A_788 = vector.broadcast %and3A_787 : i32 to vector<16xi32>
        %and3A_789 = arith.andi %add3A_786, %and3A_788 : vector<16xi32>
        %bitcast_convert_type3A_790 = tpu.bitcast %and3A_789 : vector<16xi32> -> vector<16xf32>
        %mul3A_791 = vector.broadcast %squeeze3A_294 : f32 to vector<16xf32>
        %mul3A_792 = arith.mulf %bitcast_convert_type3A_766, %mul3A_791 : vector<16xf32>
        %mul3A_793 = vector.broadcast %squeeze3A_334 : f32 to vector<16xf32>
        %mul3A_794 = arith.mulf %bitcast_convert_type3A_766, %mul3A_793 : vector<16xf32>
        %add3A_795 = vector.broadcast %squeeze3A_374 : f32 to vector<16xf32>
        %add3A_796 = arith.addf %mul3A_794, %add3A_795 : vector<16xf32>
        %mul3A_797 = vector.broadcast %squeeze3A_304 : f32 to vector<16xf32>
        %mul3A_798 = arith.mulf %bitcast_convert_type3A_774, %mul3A_797 : vector<16xf32>
        %add3A_799 = arith.addf %mul3A_792, %mul3A_798 : vector<16xf32>
        %mul3A_800 = vector.broadcast %squeeze3A_344 : f32 to vector<16xf32>
        %mul3A_801 = arith.mulf %bitcast_convert_type3A_774, %mul3A_800 : vector<16xf32>
        %add3A_802 = arith.addf %add3A_796, %mul3A_801 : vector<16xf32>
        %mul3A_803 = vector.broadcast %squeeze3A_314 : f32 to vector<16xf32>
        %mul3A_804 = arith.mulf %bitcast_convert_type3A_782, %mul3A_803 : vector<16xf32>
        %add3A_805 = arith.addf %add3A_799, %mul3A_804 : vector<16xf32>
        %mul3A_806 = vector.broadcast %squeeze3A_354 : f32 to vector<16xf32>
        %mul3A_807 = arith.mulf %bitcast_convert_type3A_782, %mul3A_806 : vector<16xf32>
        %add3A_808 = arith.addf %add3A_802, %mul3A_807 : vector<16xf32>
        %mul3A_809 = vector.broadcast %squeeze3A_324 : f32 to vector<16xf32>
        %mul3A_810 = arith.mulf %bitcast_convert_type3A_790, %mul3A_809 : vector<16xf32>
        %add3A_811 = arith.addf %add3A_805, %mul3A_810 : vector<16xf32>
        %mul3A_812 = vector.broadcast %squeeze3A_364 : f32 to vector<16xf32>
        %mul3A_813 = arith.mulf %bitcast_convert_type3A_790, %mul3A_812 : vector<16xf32>
        %add3A_814 = arith.addf %add3A_808, %mul3A_813 : vector<16xf32>
        %swap3A_815 = arith.index_cast %multiple_of3A : i32 to index
        %swap3A_816 = tpu.vector_load %arg16[%swap3A_815] {strides = array<i32>} : memref<128xf32, #tpu.memory_space<vmem>>, vector<16xf32>,
        tpu.vector_store %arg16[%swap3A_815], %add3A_811 {strides = array<i32>} : memref<128xf32, #tpu.memory_space<vmem>>, vector<16xf32>,
        %swap3A_817 = arith.index_cast %multiple_of3A : i32 to index
        %swap3A_818 = tpu.vector_load %arg21[%swap3A_817] {strides = array<i32>} : memref<128xf32, #tpu.memory_space<vmem>>, vector<16xf32>,
        tpu.vector_store %arg21[%swap3A_817], %add3A_814 {strides = array<i32>} : memref<128xf32, #tpu.memory_space<vmem>>, vector<16xf32>,
        %mul3A_819 = vector.broadcast %squeeze3A_296 : f32 to vector<16xf32>
        %mul3A_820 = arith.mulf %bitcast_convert_type3A_766, %mul3A_819 : vector<16xf32>
        %mul3A_821 = vector.broadcast %squeeze3A_336 : f32 to vector<16xf32>
        %mul3A_822 = arith.mulf %bitcast_convert_type3A_766, %mul3A_821 : vector<16xf32>
        %add3A_823 = vector.broadcast %squeeze3A_376 : f32 to vector<16xf32>
        %add3A_824 = arith.addf %mul3A_822, %add3A_823 : vector<16xf32>
        %mul3A_825 = vector.broadcast %squeeze3A_306 : f32 to vector<16xf32>
        %mul3A_826 = arith.mulf %bitcast_convert_type3A_774, %mul3A_825 : vector<16xf32>
        %add3A_827 = arith.addf %mul3A_820, %mul3A_826 : vector<16xf32>
        %mul3A_828 = vector.broadcast %squeeze3A_346 : f32 to vector<16xf32>
        %mul3A_829 = arith.mulf %bitcast_convert_type3A_774, %mul3A_828 : vector<16xf32>
        %add3A_830 = arith.addf %add3A_824, %mul3A_829 : vector<16xf32>
        %mul3A_831 = vector.broadcast %squeeze3A_316 : f32 to vector<16xf32>
        %mul3A_832 = arith.mulf %bitcast_convert_type3A_782, %mul3A_831 : vector<16xf32>
        %add3A_833 = arith.addf %add3A_827, %mul3A_832 : vector<16xf32>
        %mul3A_834 = vector.broadcast %squeeze3A_356 : f32 to vector<16xf32>
        %mul3A_835 = arith.mulf %bitcast_convert_type3A_782, %mul3A_834 : vector<16xf32>
        %add3A_836 = arith.addf %add3A_830, %mul3A_835 : vector<16xf32>
        %mul3A_837 = vector.broadcast %squeeze3A_326 : f32 to vector<16xf32>
        %mul3A_838 = arith.mulf %bitcast_convert_type3A_790, %mul3A_837 : vector<16xf32>
        %add3A_839 = arith.addf %add3A_833, %mul3A_838 : vector<16xf32>
        %mul3A_840 = vector.broadcast %squeeze3A_366 : f32 to vector<16xf32>
        %mul3A_841 = arith.mulf %bitcast_convert_type3A_790, %mul3A_840 : vector<16xf32>
        %add3A_842 = arith.addf %add3A_836, %mul3A_841 : vector<16xf32>
        %swap3A_843 = arith.index_cast %multiple_of3A : i32 to index
        %swap3A_844 = tpu.vector_load %arg17[%swap3A_843] {strides = array<i32>} : memref<128xf32, #tpu.memory_space<vmem>>, vector<16xf32>,
        tpu.vector_store %arg17[%swap3A_843], %add3A_839 {strides = array<i32>} : memref<128xf32, #tpu.memory_space<vmem>>, vector<16xf32>,
        %swap3A_845 = arith.index_cast %multiple_of3A : i32 to index
        %swap3A_846 = tpu.vector_load %arg22[%swap3A_845] {strides = array<i32>} : memref<128xf32, #tpu.memory_space<vmem>>, vector<16xf32>,
        tpu.vector_store %arg22[%swap3A_845], %add3A_842 {strides = array<i32>} : memref<128xf32, #tpu.memory_space<vmem>>, vector<16xf32>,
        %mul3A_847 = vector.broadcast %squeeze3A_298 : f32 to vector<16xf32>
        %mul3A_848 = arith.mulf %bitcast_convert_type3A_766, %mul3A_847 : vector<16xf32>
        %mul3A_849 = vector.broadcast %squeeze3A_338 : f32 to vector<16xf32>
        %mul3A_850 = arith.mulf %bitcast_convert_type3A_766, %mul3A_849 : vector<16xf32>
        %add3A_851 = vector.broadcast %squeeze3A_378 : f32 to vector<16xf32>
        %add3A_852 = arith.addf %mul3A_850, %add3A_851 : vector<16xf32>
        %mul3A_853 = vector.broadcast %squeeze3A_308 : f32 to vector<16xf32>
        %mul3A_854 = arith.mulf %bitcast_convert_type3A_774, %mul3A_853 : vector<16xf32>
        %add3A_855 = arith.addf %mul3A_848, %mul3A_854 : vector<16xf32>
        %mul3A_856 = vector.broadcast %squeeze3A_348 : f32 to vector<16xf32>
        %mul3A_857 = arith.mulf %bitcast_convert_type3A_774, %mul3A_856 : vector<16xf32>
        %add3A_858 = arith.addf %add3A_852, %mul3A_857 : vector<16xf32>
        %mul3A_859 = vector.broadcast %squeeze3A_318 : f32 to vector<16xf32>
        %mul3A_860 = arith.mulf %bitcast_convert_type3A_782, %mul3A_859 : vector<16xf32>
        %add3A_861 = arith.addf %add3A_855, %mul3A_860 : vector<16xf32>
        %mul3A_862 = vector.broadcast %squeeze3A_358 : f32 to vector<16xf32>
        %mul3A_863 = arith.mulf %bitcast_convert_type3A_782, %mul3A_862 : vector<16xf32>
        %add3A_864 = arith.addf %add3A_858, %mul3A_863 : vector<16xf32>
        %mul3A_865 = vector.broadcast %squeeze3A_328 : f32 to vector<16xf32>
        %mul3A_866 = arith.mulf %bitcast_convert_type3A_790, %mul3A_865 : vector<16xf32>
        %add3A_867 = arith.addf %add3A_861, %mul3A_866 : vector<16xf32>
        %mul3A_868 = vector.broadcast %squeeze3A_368 : f32 to vector<16xf32>
        %mul3A_869 = arith.mulf %bitcast_convert_type3A_790, %mul3A_868 : vector<16xf32>
        %add3A_870 = arith.addf %add3A_864, %mul3A_869 : vector<16xf32>
        %swap3A_871 = arith.index_cast %multiple_of3A : i32 to index
        %swap3A_872 = tpu.vector_load %arg18[%swap3A_871] {strides = array<i32>} : memref<128xf32, #tpu.memory_space<vmem>>, vector<16xf32>,
        tpu.vector_store %arg18[%swap3A_871], %add3A_867 {strides = array<i32>} : memref<128xf32, #tpu.memory_space<vmem>>, vector<16xf32>,
        %swap3A_873 = arith.index_cast %multiple_of3A : i32 to index
        %swap3A_874 = tpu.vector_load %arg23[%swap3A_873] {strides = array<i32>} : memref<128xf32, #tpu.memory_space<vmem>>, vector<16xf32>,
        tpu.vector_store %arg23[%swap3A_873], %add3A_870 {strides = array<i32>} : memref<128xf32, #tpu.memory_space<vmem>>, vector<16xf32>,
        %mul3A_875 = vector.broadcast %squeeze3A_300 : f32 to vector<16xf32>
        %mul3A_876 = arith.mulf %bitcast_convert_type3A_766, %mul3A_875 : vector<16xf32>
        %mul3A_877 = vector.broadcast %squeeze3A_340 : f32 to vector<16xf32>
        %mul3A_878 = arith.mulf %bitcast_convert_type3A_766, %mul3A_877 : vector<16xf32>
        %add3A_879 = vector.broadcast %squeeze3A_380 : f32 to vector<16xf32>
        %add3A_880 = arith.addf %mul3A_878, %add3A_879 : vector<16xf32>
        %mul3A_881 = vector.broadcast %squeeze3A_310 : f32 to vector<16xf32>
        %mul3A_882 = arith.mulf %bitcast_convert_type3A_774, %mul3A_881 : vector<16xf32>
        %add3A_883 = arith.addf %mul3A_876, %mul3A_882 : vector<16xf32>
        %mul3A_884 = vector.broadcast %squeeze3A_350 : f32 to vector<16xf32>
        %mul3A_885 = arith.mulf %bitcast_convert_type3A_774, %mul3A_884 : vector<16xf32>
        %add3A_886 = arith.addf %add3A_880, %mul3A_885 : vector<16xf32>
        %mul3A_887 = vector.broadcast %squeeze3A_320 : f32 to vector<16xf32>
        %mul3A_888 = arith.mulf %bitcast_convert_type3A_782, %mul3A_887 : vector<16xf32>
        %add3A_889 = arith.addf %add3A_883, %mul3A_888 : vector<16xf32>
        %mul3A_890 = vector.broadcast %squeeze3A_360 : f32 to vector<16xf32>
        %mul3A_891 = arith.mulf %bitcast_convert_type3A_782, %mul3A_890 : vector<16xf32>
        %add3A_892 = arith.addf %add3A_886, %mul3A_891 : vector<16xf32>
        %mul3A_893 = vector.broadcast %squeeze3A_330 : f32 to vector<16xf32>
        %mul3A_894 = arith.mulf %bitcast_convert_type3A_790, %mul3A_893 : vector<16xf32>
        %add3A_895 = arith.addf %add3A_889, %mul3A_894 : vector<16xf32>
        %mul3A_896 = vector.broadcast %squeeze3A_370 : f32 to vector<16xf32>
        %mul3A_897 = arith.mulf %bitcast_convert_type3A_790, %mul3A_896 : vector<16xf32>
        %add3A_898 = arith.addf %add3A_892, %mul3A_897 : vector<16xf32>
        %swap3A_899 = arith.index_cast %multiple_of3A : i32 to index
        %swap3A_900 = tpu.vector_load %arg19[%swap3A_899] {strides = array<i32>} : memref<128xf32, #tpu.memory_space<vmem>>, vector<16xf32>,
        tpu.vector_store %arg19[%swap3A_899], %add3A_895 {strides = array<i32>} : memref<128xf32, #tpu.memory_space<vmem>>, vector<16xf32>,
        %swap3A_901 = arith.index_cast %multiple_of3A : i32 to index
        %swap3A_902 = tpu.vector_load %arg24[%swap3A_901] {strides = array<i32>} : memref<128xf32, #tpu.memory_space<vmem>>, vector<16xf32>,
        tpu.vector_store %arg24[%swap3A_901], %add3A_898 {strides = array<i32>} : memref<128xf32, #tpu.memory_space<vmem>>, vector<16xf32>,
        %mul3A_903 = vector.broadcast %squeeze3A_302 : f32 to vector<16xf32>
        %mul3A_904 = arith.mulf %bitcast_convert_type3A_766, %mul3A_903 : vector<16xf32>
        %mul3A_905 = vector.broadcast %squeeze3A_342 : f32 to vector<16xf32>
        %mul3A_906 = arith.mulf %bitcast_convert_type3A_766, %mul3A_905 : vector<16xf32>
        %add3A_907 = vector.broadcast %squeeze3A_382 : f32 to vector<16xf32>
        %add3A_908 = arith.addf %mul3A_906, %add3A_907 : vector<16xf32>
        %mul3A_909 = vector.broadcast %squeeze3A_312 : f32 to vector<16xf32>
        %mul3A_910 = arith.mulf %bitcast_convert_type3A_774, %mul3A_909 : vector<16xf32>
        %add3A_911 = arith.addf %mul3A_904, %mul3A_910 : vector<16xf32>
        %mul3A_912 = vector.broadcast %squeeze3A_352 : f32 to vector<16xf32>
        %mul3A_913 = arith.mulf %bitcast_convert_type3A_774, %mul3A_912 : vector<16xf32>
        %add3A_914 = arith.addf %add3A_908, %mul3A_913 : vector<16xf32>
        %mul3A_915 = vector.broadcast %squeeze3A_322 : f32 to vector<16xf32>
        %mul3A_916 = arith.mulf %bitcast_convert_type3A_782, %mul3A_915 : vector<16xf32>
        %add3A_917 = arith.addf %add3A_911, %mul3A_916 : vector<16xf32>
        %mul3A_918 = vector.broadcast %squeeze3A_362 : f32 to vector<16xf32>
        %mul3A_919 = arith.mulf %bitcast_convert_type3A_782, %mul3A_918 : vector<16xf32>
        %add3A_920 = arith.addf %add3A_914, %mul3A_919 : vector<16xf32>
        %mul3A_921 = vector.broadcast %squeeze3A_332 : f32 to vector<16xf32>
        %mul3A_922 = arith.mulf %bitcast_convert_type3A_790, %mul3A_921 : vector<16xf32>
        %add3A_923 = arith.addf %add3A_917, %mul3A_922 : vector<16xf32>
        %mul3A_924 = vector.broadcast %squeeze3A_372 : f32 to vector<16xf32>
        %mul3A_925 = arith.mulf %bitcast_convert_type3A_790, %mul3A_924 : vector<16xf32>
        %add3A_926 = arith.addf %add3A_920, %mul3A_925 : vector<16xf32>
        %swap3A_927 = arith.index_cast %multiple_of3A : i32 to index
        %swap3A_928 = tpu.vector_load %arg20[%swap3A_927] {strides = array<i32>} : memref<128xf32, #tpu.memory_space<vmem>>, vector<16xf32>,
        tpu.vector_store %arg20[%swap3A_927], %add3A_923 {strides = array<i32>} : memref<128xf32, #tpu.memory_space<vmem>>, vector<16xf32>,
        %swap3A_929 = arith.index_cast %multiple_of3A : i32 to index
        %swap3A_930 = tpu.vector_load %arg25[%swap3A_929] {strides = array<i32>} : memref<128xf32, #tpu.memory_space<vmem>>, vector<16xf32>,
        tpu.vector_store %arg25[%swap3A_929], %add3A_926 {strides = array<i32>} : memref<128xf32, #tpu.memory_space<vmem>>, vector<16xf32>,
        %scan3A_931 = arith.constant 0 : i32
        scf.yield %scan3A_931 : i32
      }
      %scan3A_389 = arith.constant 8 : i32
      %get3A_390 = arith.constant 0 : index
      %get3A_391 = tpu.vector_load %arg31[%get3A_390] {strides = array<i32>} : memref<224xf32, #tpu.memory_space<vmem>>, vector<16xf32>,
      %get3A_392 = arith.constant 16 : index
      %get3A_393 = tpu.vector_load %arg31[%get3A_392] {strides = array<i32>} : memref<224xf32, #tpu.memory_space<vmem>>, vector<16xf32>,
      %get3A_394 = arith.constant 32 : index
      %get3A_395 = tpu.vector_load %arg31[%get3A_394] {strides = array<i32>} : memref<224xf32, #tpu.memory_space<vmem>>, vector<16xf32>,
      %get3A_396 = arith.constant 48 : index
      %get3A_397 = tpu.vector_load %arg31[%get3A_396] {strides = array<i32>} : memref<224xf32, #tpu.memory_space<vmem>>, vector<16xf32>,
      %get3A_398 = arith.constant 64 : index
      %get3A_399 = tpu.vector_load %arg31[%get3A_398] {strides = array<i32>} : memref<224xf32, #tpu.memory_space<vmem>>, vector<16xf32>,
      %get3A_400 = arith.constant 80 : index
      %get3A_401 = tpu.vector_load %arg31[%get3A_400] {strides = array<i32>} : memref<224xf32, #tpu.memory_space<vmem>>, vector<16xf32>,
      %get3A_402 = arith.constant 96 : index
      %get3A_403 = tpu.vector_load %arg31[%get3A_402] {strides = array<i32>} : memref<224xf32, #tpu.memory_space<vmem>>, vector<16xf32>,
      %get3A_404 = arith.constant 112 : index
      %get3A_405 = tpu.vector_load %arg31[%get3A_404] {strides = array<i32>} : memref<224xf32, #tpu.memory_space<vmem>>, vector<16xf32>,
      %get3A_406 = arith.constant 128 : index
      %get3A_407 = tpu.vector_load %arg31[%get3A_406] {strides = array<i32>} : memref<224xf32, #tpu.memory_space<vmem>>, vector<16xf32>,
      %get3A_408 = arith.constant 144 : index
      %get3A_409 = tpu.vector_load %arg31[%get3A_408] {strides = array<i32>} : memref<224xf32, #tpu.memory_space<vmem>>, vector<16xf32>,
      %get3A_410 = arith.constant 160 : index
      %get3A_411 = tpu.vector_load %arg31[%get3A_410] {strides = array<i32>} : memref<224xf32, #tpu.memory_space<vmem>>, vector<16xf32>,
      %get3A_412 = arith.constant 176 : index
      %get3A_413 = tpu.vector_load %arg31[%get3A_412] {strides = array<i32>} : memref<224xf32, #tpu.memory_space<vmem>>, vector<16xf32>,
      %get3A_414 = arith.constant 192 : index
      %get3A_415 = tpu.vector_load %arg31[%get3A_414] {strides = array<i32>} : memref<224xf32, #tpu.memory_space<vmem>>, vector<16xf32>,
      %get3A_416 = arith.constant 208 : index
      %get3A_417 = tpu.vector_load %arg31[%get3A_416] {strides = array<i32>} : memref<224xf32, #tpu.memory_space<vmem>>, vector<16xf32>,
      %slice3A_418 = vector.extract_strided_slice %get3A_407 {offsets = [2], sizes = [1], strides = [1]} : vector<16xf32> to vector<1xf32>
      %squeeze3A_419 = vector.extract %slice3A_418[0] : f32 from vector<1xf32>
      %slice3A_420 = vector.extract_strided_slice %get3A_407 {offsets = [3], sizes = [1], strides = [1]} : vector<16xf32> to vector<1xf32>
      %squeeze3A_421 = vector.extract %slice3A_420[0] : f32 from vector<1xf32>
      %slice3A_422 = vector.extract_strided_slice %get3A_407 {offsets = [4], sizes = [1], strides = [1]} : vector<16xf32> to vector<1xf32>
      %squeeze3A_423 = vector.extract %slice3A_422[0] : f32 from vector<1xf32>
      %slice3A_424 = vector.extract_strided_slice %get3A_407 {offsets = [5], sizes = [1], strides = [1]} : vector<16xf32> to vector<1xf32>
      %squeeze3A_425 = vector.extract %slice3A_424[0] : f32 from vector<1xf32>
      %slice3A_426 = vector.extract_strided_slice %get3A_407 {offsets = [6], sizes = [1], strides = [1]} : vector<16xf32> to vector<1xf32>
      %squeeze3A_427 = vector.extract %slice3A_426[0] : f32 from vector<1xf32>
      %slice3A_428 = vector.extract_strided_slice %get3A_407 {offsets = [7], sizes = [1], strides = [1]} : vector<16xf32> to vector<1xf32>
      %squeeze3A_429 = vector.extract %slice3A_428[0] : f32 from vector<1xf32>
      %slice3A_430 = vector.extract_strided_slice %get3A_407 {offsets = [8], sizes = [1], strides = [1]} : vector<16xf32> to vector<1xf32>
      %squeeze3A_431 = vector.extract %slice3A_430[0] : f32 from vector<1xf32>
      %slice3A_432 = vector.extract_strided_slice %get3A_407 {offsets = [9], sizes = [1], strides = [1]} : vector<16xf32> to vector<1xf32>
      %squeeze3A_433 = vector.extract %slice3A_432[0] : f32 from vector<1xf32>
      %slice3A_434 = vector.extract_strided_slice %get3A_407 {offsets = [10], sizes = [1], strides = [1]} : vector<16xf32> to vector<1xf32>
      %squeeze3A_435 = vector.extract %slice3A_434[0] : f32 from vector<1xf32>
      %slice3A_436 = vector.extract_strided_slice %get3A_407 {offsets = [11], sizes = [1], strides = [1]} : vector<16xf32> to vector<1xf32>
      %squeeze3A_437 = vector.extract %slice3A_436[0] : f32 from vector<1xf32>
      %slice3A_438 = vector.extract_strided_slice %get3A_407 {offsets = [12], sizes = [1], strides = [1]} : vector<16xf32> to vector<1xf32>
      %squeeze3A_439 = vector.extract %slice3A_438[0] : f32 from vector<1xf32>
      %slice3A_440 = vector.extract_strided_slice %get3A_407 {offsets = [13], sizes = [1], strides = [1]} : vector<16xf32> to vector<1xf32>
      %squeeze3A_441 = vector.extract %slice3A_440[0] : f32 from vector<1xf32>
      %slice3A_442 = vector.extract_strided_slice %get3A_407 {offsets = [14], sizes = [1], strides = [1]} : vector<16xf32> to vector<1xf32>
      %squeeze3A_443 = vector.extract %slice3A_442[0] : f32 from vector<1xf32>
      %slice3A_444 = vector.extract_strided_slice %get3A_407 {offsets = [15], sizes = [1], strides = [1]} : vector<16xf32> to vector<1xf32>
      %squeeze3A_445 = vector.extract %slice3A_444[0] : f32 from vector<1xf32>
      %slice3A_446 = vector.extract_strided_slice %get3A_409 {offsets = [0], sizes = [1], strides = [1]} : vector<16xf32> to vector<1xf32>
      %squeeze3A_447 = vector.extract %slice3A_446[0] : f32 from vector<1xf32>
      %slice3A_448 = vector.extract_strided_slice %get3A_409 {offsets = [1], sizes = [1], strides = [1]} : vector<16xf32> to vector<1xf32>
      %squeeze3A_449 = vector.extract %slice3A_448[0] : f32 from vector<1xf32>
      %slice3A_450 = vector.extract_strided_slice %get3A_409 {offsets = [2], sizes = [1], strides = [1]} : vector<16xf32> to vector<1xf32>
      %squeeze3A_451 = vector.extract %slice3A_450[0] : f32 from vector<1xf32>
      %slice3A_452 = vector.extract_strided_slice %get3A_409 {offsets = [3], sizes = [1], strides = [1]} : vector<16xf32> to vector<1xf32>
      %squeeze3A_453 = vector.extract %slice3A_452[0] : f32 from vector<1xf32>
      %slice3A_454 = vector.extract_strided_slice %get3A_409 {offsets = [4], sizes = [1], strides = [1]} : vector<16xf32> to vector<1xf32>
      %squeeze3A_455 = vector.extract %slice3A_454[0] : f32 from vector<1xf32>
      %slice3A_456 = vector.extract_strided_slice %get3A_409 {offsets = [5], sizes = [1], strides = [1]} : vector<16xf32> to vector<1xf32>
      %squeeze3A_457 = vector.extract %slice3A_456[0] : f32 from vector<1xf32>
      %slice3A_458 = vector.extract_strided_slice %get3A_409 {offsets = [6], sizes = [1], strides = [1]} : vector<16xf32> to vector<1xf32>
      %squeeze3A_459 = vector.extract %slice3A_458[0] : f32 from vector<1xf32>
      %slice3A_460 = vector.extract_strided_slice %get3A_409 {offsets = [7], sizes = [1], strides = [1]} : vector<16xf32> to vector<1xf32>
      %squeeze3A_461 = vector.extract %slice3A_460[0] : f32 from vector<1xf32>
      %slice3A_462 = vector.extract_strided_slice %get3A_409 {offsets = [8], sizes = [1], strides = [1]} : vector<16xf32> to vector<1xf32>
      %squeeze3A_463 = vector.extract %slice3A_462[0] : f32 from vector<1xf32>
      %slice3A_464 = vector.extract_strided_slice %get3A_409 {offsets = [9], sizes = [1], strides = [1]} : vector<16xf32> to vector<1xf32>
      %squeeze3A_465 = vector.extract %slice3A_464[0] : f32 from vector<1xf32>
      %slice3A_466 = vector.extract_strided_slice %get3A_409 {offsets = [10], sizes = [1], strides = [1]} : vector<16xf32> to vector<1xf32>
      %squeeze3A_467 = vector.extract %slice3A_466[0] : f32 from vector<1xf32>
      %slice3A_468 = vector.extract_strided_slice %get3A_409 {offsets = [11], sizes = [1], strides = [1]} : vector<16xf32> to vector<1xf32>
      %squeeze3A_469 = vector.extract %slice3A_468[0] : f32 from vector<1xf32>
      %slice3A_470 = vector.extract_strided_slice %get3A_409 {offsets = [12], sizes = [1], strides = [1]} : vector<16xf32> to vector<1xf32>
      %squeeze3A_471 = vector.extract %slice3A_470[0] : f32 from vector<1xf32>
      %slice3A_472 = vector.extract_strided_slice %get3A_409 {offsets = [13], sizes = [1], strides = [1]} : vector<16xf32> to vector<1xf32>
      %squeeze3A_473 = vector.extract %slice3A_472[0] : f32 from vector<1xf32>
      %slice3A_474 = vector.extract_strided_slice %get3A_409 {offsets = [14], sizes = [1], strides = [1]} : vector<16xf32> to vector<1xf32>
      %squeeze3A_475 = vector.extract %slice3A_474[0] : f32 from vector<1xf32>
      %slice3A_476 = vector.extract_strided_slice %get3A_409 {offsets = [15], sizes = [1], strides = [1]} : vector<16xf32> to vector<1xf32>
      %squeeze3A_477 = vector.extract %slice3A_476[0] : f32 from vector<1xf32>
      %slice3A_478 = vector.extract_strided_slice %get3A_411 {offsets = [5], sizes = [1], strides = [1]} : vector<16xf32> to vector<1xf32>
      %squeeze3A_479 = vector.extract %slice3A_478[0] : f32 from vector<1xf32>
      %slice3A_480 = vector.extract_strided_slice %get3A_411 {offsets = [6], sizes = [1], strides = [1]} : vector<16xf32> to vector<1xf32>
      %squeeze3A_481 = vector.extract %slice3A_480[0] : f32 from vector<1xf32>
      %slice3A_482 = vector.extract_strided_slice %get3A_411 {offsets = [7], sizes = [1], strides = [1]} : vector<16xf32> to vector<1xf32>
      %squeeze3A_483 = vector.extract %slice3A_482[0] : f32 from vector<1xf32>
      %slice3A_484 = vector.extract_strided_slice %get3A_411 {offsets = [8], sizes = [1], strides = [1]} : vector<16xf32> to vector<1xf32>
      %squeeze3A_485 = vector.extract %slice3A_484[0] : f32 from vector<1xf32>
      %slice3A_486 = vector.extract_strided_slice %get3A_411 {offsets = [9], sizes = [1], strides = [1]} : vector<16xf32> to vector<1xf32>
      %squeeze3A_487 = vector.extract %slice3A_486[0] : f32 from vector<1xf32>
      %slice3A_488 = vector.extract_strided_slice %get3A_411 {offsets = [10], sizes = [1], strides = [1]} : vector<16xf32> to vector<1xf32>
      %squeeze3A_489 = vector.extract %slice3A_488[0] : f32 from vector<1xf32>
      %slice3A_490 = vector.extract_strided_slice %get3A_411 {offsets = [11], sizes = [1], strides = [1]} : vector<16xf32> to vector<1xf32>
      %squeeze3A_491 = vector.extract %slice3A_490[0] : f32 from vector<1xf32>
      %slice3A_492 = vector.extract_strided_slice %get3A_411 {offsets = [12], sizes = [1], strides = [1]} : vector<16xf32> to vector<1xf32>
      %squeeze3A_493 = vector.extract %slice3A_492[0] : f32 from vector<1xf32>
      %slice3A_494 = vector.extract_strided_slice %get3A_411 {offsets = [13], sizes = [1], strides = [1]} : vector<16xf32> to vector<1xf32>
      %squeeze3A_495 = vector.extract %slice3A_494[0] : f32 from vector<1xf32>
      %slice3A_496 = vector.extract_strided_slice %get3A_411 {offsets = [14], sizes = [1], strides = [1]} : vector<16xf32> to vector<1xf32>
      %squeeze3A_497 = vector.extract %slice3A_496[0] : f32 from vector<1xf32>
      %slice3A_498 = vector.extract_strided_slice %get3A_411 {offsets = [15], sizes = [1], strides = [1]} : vector<16xf32> to vector<1xf32>
      %squeeze3A_499 = vector.extract %slice3A_498[0] : f32 from vector<1xf32>
      %slice3A_500 = vector.extract_strided_slice %get3A_413 {offsets = [0], sizes = [1], strides = [1]} : vector<16xf32> to vector<1xf32>
      %squeeze3A_501 = vector.extract %slice3A_500[0] : f32 from vector<1xf32>
      %slice3A_502 = vector.extract_strided_slice %get3A_413 {offsets = [1], sizes = [1], strides = [1]} : vector<16xf32> to vector<1xf32>
      %squeeze3A_503 = vector.extract %slice3A_502[0] : f32 from vector<1xf32>
      %slice3A_504 = vector.extract_strided_slice %get3A_413 {offsets = [2], sizes = [1], strides = [1]} : vector<16xf32> to vector<1xf32>
      %squeeze3A_505 = vector.extract %slice3A_504[0] : f32 from vector<1xf32>
      %slice3A_506 = vector.extract_strided_slice %get3A_413 {offsets = [3], sizes = [1], strides = [1]} : vector<16xf32> to vector<1xf32>
      %squeeze3A_507 = vector.extract %slice3A_506[0] : f32 from vector<1xf32>
      %slice3A_508 = vector.extract_strided_slice %get3A_413 {offsets = [4], sizes = [1], strides = [1]} : vector<16xf32> to vector<1xf32>
      %squeeze3A_509 = vector.extract %slice3A_508[0] : f32 from vector<1xf32>
      %slice3A_510 = vector.extract_strided_slice %get3A_413 {offsets = [5], sizes = [1], strides = [1]} : vector<16xf32> to vector<1xf32>
      %squeeze3A_511 = vector.extract %slice3A_510[0] : f32 from vector<1xf32>
      %slice3A_512 = vector.extract_strided_slice %get3A_413 {offsets = [6], sizes = [1], strides = [1]} : vector<16xf32> to vector<1xf32>
      %squeeze3A_513 = vector.extract %slice3A_512[0] : f32 from vector<1xf32>
      %slice3A_514 = vector.extract_strided_slice %get3A_413 {offsets = [7], sizes = [1], strides = [1]} : vector<16xf32> to vector<1xf32>
      %squeeze3A_515 = vector.extract %slice3A_514[0] : f32 from vector<1xf32>
      %slice3A_516 = vector.extract_strided_slice %get3A_413 {offsets = [8], sizes = [1], strides = [1]} : vector<16xf32> to vector<1xf32>
      %squeeze3A_517 = vector.extract %slice3A_516[0] : f32 from vector<1xf32>
      %slice3A_518 = vector.extract_strided_slice %get3A_413 {offsets = [9], sizes = [1], strides = [1]} : vector<16xf32> to vector<1xf32>
      %squeeze3A_519 = vector.extract %slice3A_518[0] : f32 from vector<1xf32>
      %slice3A_520 = vector.extract_strided_slice %get3A_413 {offsets = [10], sizes = [1], strides = [1]} : vector<16xf32> to vector<1xf32>
      %squeeze3A_521 = vector.extract %slice3A_520[0] : f32 from vector<1xf32>
      %slice3A_522 = vector.extract_strided_slice %get3A_413 {offsets = [11], sizes = [1], strides = [1]} : vector<16xf32> to vector<1xf32>
      %squeeze3A_523 = vector.extract %slice3A_522[0] : f32 from vector<1xf32>
      %slice3A_524 = vector.extract_strided_slice %get3A_413 {offsets = [12], sizes = [1], strides = [1]} : vector<16xf32> to vector<1xf32>
      %squeeze3A_525 = vector.extract %slice3A_524[0] : f32 from vector<1xf32>
      %slice3A_526 = vector.extract_strided_slice %get3A_413 {offsets = [13], sizes = [1], strides = [1]} : vector<16xf32> to vector<1xf32>
      %squeeze3A_527 = vector.extract %slice3A_526[0] : f32 from vector<1xf32>
      %slice3A_528 = vector.extract_strided_slice %get3A_413 {offsets = [14], sizes = [1], strides = [1]} : vector<16xf32> to vector<1xf32>
      %squeeze3A_529 = vector.extract %slice3A_528[0] : f32 from vector<1xf32>
      %slice3A_530 = vector.extract_strided_slice %get3A_413 {offsets = [15], sizes = [1], strides = [1]} : vector<16xf32> to vector<1xf32>
      %squeeze3A_531 = vector.extract %slice3A_530[0] : f32 from vector<1xf32>
      %slice3A_532 = vector.extract_strided_slice %get3A_415 {offsets = [0], sizes = [1], strides = [1]} : vector<16xf32> to vector<1xf32>
      %squeeze3A_533 = vector.extract %slice3A_532[0] : f32 from vector<1xf32>
      %slice3A_534 = vector.extract_strided_slice %get3A_415 {offsets = [1], sizes = [1], strides = [1]} : vector<16xf32> to vector<1xf32>
      %squeeze3A_535 = vector.extract %slice3A_534[0] : f32 from vector<1xf32>
      %slice3A_536 = vector.extract_strided_slice %get3A_415 {offsets = [2], sizes = [1], strides = [1]} : vector<16xf32> to vector<1xf32>
      %squeeze3A_537 = vector.extract %slice3A_536[0] : f32 from vector<1xf32>
      %slice3A_538 = vector.extract_strided_slice %get3A_415 {offsets = [3], sizes = [1], strides = [1]} : vector<16xf32> to vector<1xf32>
      %squeeze3A_539 = vector.extract %slice3A_538[0] : f32 from vector<1xf32>
      %slice3A_540 = vector.extract_strided_slice %get3A_415 {offsets = [4], sizes = [1], strides = [1]} : vector<16xf32> to vector<1xf32>
      %squeeze3A_541 = vector.extract %slice3A_540[0] : f32 from vector<1xf32>
      %slice3A_542 = vector.extract_strided_slice %get3A_415 {offsets = [5], sizes = [1], strides = [1]} : vector<16xf32> to vector<1xf32>
      %squeeze3A_543 = vector.extract %slice3A_542[0] : f32 from vector<1xf32>
      %slice3A_544 = vector.extract_strided_slice %get3A_415 {offsets = [6], sizes = [1], strides = [1]} : vector<16xf32> to vector<1xf32>
      %squeeze3A_545 = vector.extract %slice3A_544[0] : f32 from vector<1xf32>
      %slice3A_546 = vector.extract_strided_slice %get3A_415 {offsets = [7], sizes = [1], strides = [1]} : vector<16xf32> to vector<1xf32>
      %squeeze3A_547 = vector.extract %slice3A_546[0] : f32 from vector<1xf32>
      %slice3A_548 = vector.extract_strided_slice %get3A_415 {offsets = [8], sizes = [1], strides = [1]} : vector<16xf32> to vector<1xf32>
      %squeeze3A_549 = vector.extract %slice3A_548[0] : f32 from vector<1xf32>
      %slice3A_550 = vector.extract_strided_slice %get3A_415 {offsets = [9], sizes = [1], strides = [1]} : vector<16xf32> to vector<1xf32>
      %squeeze3A_551 = vector.extract %slice3A_550[0] : f32 from vector<1xf32>
      %slice3A_552 = vector.extract_strided_slice %get3A_415 {offsets = [10], sizes = [1], strides = [1]} : vector<16xf32> to vector<1xf32>
      %squeeze3A_553 = vector.extract %slice3A_552[0] : f32 from vector<1xf32>
      %slice3A_554 = vector.extract_strided_slice %get3A_415 {offsets = [11], sizes = [1], strides = [1]} : vector<16xf32> to vector<1xf32>
      %squeeze3A_555 = vector.extract %slice3A_554[0] : f32 from vector<1xf32>
      %slice3A_556 = vector.extract_strided_slice %get3A_415 {offsets = [12], sizes = [1], strides = [1]} : vector<16xf32> to vector<1xf32>
      %squeeze3A_557 = vector.extract %slice3A_556[0] : f32 from vector<1xf32>
      %slice3A_558 = vector.extract_strided_slice %get3A_415 {offsets = [13], sizes = [1], strides = [1]} : vector<16xf32> to vector<1xf32>
      %squeeze3A_559 = vector.extract %slice3A_558[0] : f32 from vector<1xf32>
      %slice3A_560 = vector.extract_strided_slice %get3A_415 {offsets = [14], sizes = [1], strides = [1]} : vector<16xf32> to vector<1xf32>
      %squeeze3A_561 = vector.extract %slice3A_560[0] : f32 from vector<1xf32>
      %slice3A_562 = vector.extract_strided_slice %get3A_415 {offsets = [15], sizes = [1], strides = [1]} : vector<16xf32> to vector<1xf32>
      %squeeze3A_563 = vector.extract %slice3A_562[0] : f32 from vector<1xf32>
      %slice3A_564 = vector.extract_strided_slice %get3A_417 {offsets = [0], sizes = [1], strides = [1]} : vector<16xf32> to vector<1xf32>
      %squeeze3A_565 = vector.extract %slice3A_564[0] : f32 from vector<1xf32>
      %slice3A_566 = vector.extract_strided_slice %get3A_417 {offsets = [1], sizes = [1], strides = [1]} : vector<16xf32> to vector<1xf32>
      %squeeze3A_567 = vector.extract %slice3A_566[0] : f32 from vector<1xf32>
      %slice3A_568 = vector.extract_strided_slice %get3A_417 {offsets = [2], sizes = [1], strides = [1]} : vector<16xf32> to vector<1xf32>
      %squeeze3A_569 = vector.extract %slice3A_568[0] : f32 from vector<1xf32>
      %slice3A_570 = vector.extract_strided_slice %get3A_417 {offsets = [3], sizes = [1], strides = [1]} : vector<16xf32> to vector<1xf32>
      %squeeze3A_571 = vector.extract %slice3A_570[0] : f32 from vector<1xf32>
      %slice3A_572 = vector.extract_strided_slice %get3A_417 {offsets = [4], sizes = [1], strides = [1]} : vector<16xf32> to vector<1xf32>
      %squeeze3A_573 = vector.extract %slice3A_572[0] : f32 from vector<1xf32>
      %broadcast_in_dim3A_574 = arith.constant 0.000000e+00 : f32
      %broadcast_in_dim3A_575 = vector.broadcast %broadcast_in_dim3A_574 : f32 to vector<16xf32>
      %scan3A_576 = arith.constant 0 : i32
      %scan3A_577 = arith.constant 8 : i32
      %scan3A_578 = arith.addi %scan3A_576, %scan3A_577 : i32
      %scan3A_579 = arith.constant 1 : i32
      %scan3A_580:5 = scf.for %scan3A_661 = %scan3A_576 to %scan3A_578 step %scan3A_579 iter_args(%scan3A_662 = %broadcast_in_dim3A_575, %scan3A_663 = %broadcast_in_dim3A_575, %scan3A_664 = %broadcast_in_dim3A_575, %scan3A_665 = %broadcast_in_dim3A_575, %scan3A_666 = %broadcast_in_dim3A_575) -> (vector<16xf32>, vector<16xf32>, vector<16xf32>, vector<16xf32>, vector<16xf32>)  : i32 {
        %mul3A_667 = arith.constant 16 : i32
        %mul3A_668 = arith.muli %scan3A_661, %mul3A_667 : i32
        %multiple_of3A = tpu.assume_multiple %mul3A_668, 8 : i32
        %get3A_669 = arith.index_cast %multiple_of3A : i32 to index
        %get3A_670 = tpu.vector_load %arg10[%get3A_669] {strides = array<i32>} : memref<128xf32, #tpu.memory_space<vmem>>, vector<16xf32>,
        %get3A_671 = arith.index_cast %multiple_of3A : i32 to index
        %get3A_672 = tpu.vector_load %arg11[%get3A_671] {strides = array<i32>} : memref<128xf32, #tpu.memory_space<vmem>>, vector<16xf32>,
        %get3A_673 = arith.index_cast %multiple_of3A : i32 to index
        %get3A_674 = tpu.vector_load %arg12[%get3A_673] {strides = array<i32>} : memref<128xf32, #tpu.memory_space<vmem>>, vector<16xf32>,
        %get3A_675 = arith.index_cast %multiple_of3A : i32 to index
        %get3A_676 = tpu.vector_load %arg13[%get3A_675] {strides = array<i32>} : memref<128xf32, #tpu.memory_space<vmem>>, vector<16xf32>,
        %get3A_677 = arith.index_cast %multiple_of3A : i32 to index
        %get3A_678 = tpu.vector_load %arg14[%get3A_677] {strides = array<i32>} : memref<128xf32, #tpu.memory_space<vmem>>, vector<16xf32>,
        %get3A_679 = arith.index_cast %multiple_of3A : i32 to index
        %get3A_680 = tpu.vector_load %arg26[%get3A_679] {strides = array<i32>} : memref<128xf32, #tpu.memory_space<vmem>>, vector<16xf32>,
        %get3A_681 = arith.index_cast %multiple_of3A : i32 to index
        %get3A_682 = tpu.vector_load %arg27[%get3A_681] {strides = array<i32>} : memref<128xf32, #tpu.memory_space<vmem>>, vector<16xf32>,
        %get3A_683 = arith.index_cast %multiple_of3A : i32 to index
        %get3A_684 = tpu.vector_load %arg28[%get3A_683] {strides = array<i32>} : memref<128xf32, #tpu.memory_space<vmem>>, vector<16xf32>,
        %get3A_685 = arith.index_cast %multiple_of3A : i32 to index
        %get3A_686 = tpu.vector_load %arg29[%get3A_685] {strides = array<i32>} : memref<128xf32, #tpu.memory_space<vmem>>, vector<16xf32>,
        %get3A_687 = arith.index_cast %multiple_of3A : i32 to index
        %get3A_688 = tpu.vector_load %arg16[%get3A_687] {strides = array<i32>} : memref<128xf32, #tpu.memory_space<vmem>>, vector<16xf32>,
        %get3A_689 = arith.index_cast %multiple_of3A : i32 to index
        %get3A_690 = tpu.vector_load %arg17[%get3A_689] {strides = array<i32>} : memref<128xf32, #tpu.memory_space<vmem>>, vector<16xf32>,
        %get3A_691 = arith.index_cast %multiple_of3A : i32 to index
        %get3A_692 = tpu.vector_load %arg18[%get3A_691] {strides = array<i32>} : memref<128xf32, #tpu.memory_space<vmem>>, vector<16xf32>,
        %get3A_693 = arith.index_cast %multiple_of3A : i32 to index
        %get3A_694 = tpu.vector_load %arg19[%get3A_693] {strides = array<i32>} : memref<128xf32, #tpu.memory_space<vmem>>, vector<16xf32>,
        %get3A_695 = arith.index_cast %multiple_of3A : i32 to index
        %get3A_696 = tpu.vector_load %arg20[%get3A_695] {strides = array<i32>} : memref<128xf32, #tpu.memory_space<vmem>>, vector<16xf32>,
        %get3A_697 = arith.index_cast %multiple_of3A : i32 to index
        %get3A_698 = tpu.vector_load %arg30[%get3A_697] {strides = array<i32>} : memref<128xf32, #tpu.memory_space<vmem>>, vector<16xf32>,
        %reduce_min3A = arith.constant true
        %reduce_min3A_699 = vector.broadcast %reduce_min3A : i1 to vector<16xi1>
        %reduce_min3A_700 = tpu.scan <min>, %get3A_698 masked %reduce_min3A_699 : vector<16xf32>, vector<16xi1> -> vector<16xf32>
        %reduce_min3A_701 = vector.extract %reduce_min3A_700[15] : f32 from vector<16xf32>
        %sub3A_702 = arith.constant 4.001000e-01 : f32
        %sub3A_703 = arith.subf %reduce_min3A_701, %sub3A_702 : f32
        %reduce_max3A = arith.constant true
        %reduce_max3A_704 = vector.broadcast %reduce_max3A : i1 to vector<16xi1>
        %reduce_max3A_705 = tpu.scan <max>, %get3A_698 masked %reduce_max3A_704 : vector<16xf32>, vector<16xi1> -> vector<16xf32>
        %reduce_max3A_706 = vector.extract %reduce_max3A_705[15] : f32 from vector<16xf32>
        %add3A_707 = arith.constant 4.001000e-01 : f32
        %add3A_708 = arith.addf %reduce_max3A_706, %add3A_707 : f32
        %broadcast_in_dim3A_709 = arith.constant 0.000000e+00 : f32
        %broadcast_in_dim3A_710 = vector.broadcast %broadcast_in_dim3A_709 : f32 to vector<16xf32>
        %scan3A_711 = arith.constant 0 : i32
        %scan3A_712 = arith.constant 8 : i32
        %scan3A_713 = arith.addi %scan3A_711, %scan3A_712 : i32
        %scan3A_714 = arith.constant 1 : i32
        %scan3A_715:4 = scf.for %scan3A_863 = %scan3A_711 to %scan3A_713 step %scan3A_714 iter_args(%scan3A_864 = %broadcast_in_dim3A_710, %scan3A_865 = %broadcast_in_dim3A_710, %scan3A_866 = %broadcast_in_dim3A_710, %scan3A_867 = %broadcast_in_dim3A_710) -> (vector<16xf32>, vector<16xf32>, vector<16xf32>, vector<16xf32>)  : i32 {
          %mul3A_868 = arith.constant 16 : i32
          %mul3A_869 = arith.muli %scan3A_863, %mul3A_868 : i32
          %multiple_of3A_870 = tpu.assume_multiple %mul3A_869, 8 : i32
          %get3A_871 = arith.index_cast %multiple_of3A_870 : i32 to index
          %get3A_872 = tpu.vector_load %arg30[%get3A_871] {strides = array<i32>} : memref<128xf32, #tpu.memory_space<vmem>>, vector<16xf32>,
          %ge3A = vector.broadcast %sub3A_703 : f32 to vector<16xf32>
          %ge3A_873 = arith.cmpf oge, %get3A_872, %ge3A : vector<16xf32>
          %le3A = vector.broadcast %add3A_708 : f32 to vector<16xf32>
          %le3A_874 = arith.cmpf ole, %get3A_872, %le3A : vector<16xf32>
          %and3A = arith.andi %ge3A_873, %le3A_874 : vector<16xi1>
          %reduce_or3A = arith.constant 1.000000e+00 : f32
          %reduce_or3A_875 = arith.constant 0.000000e+00 : f32
          %reduce_or3A_876 = vector.broadcast %reduce_or3A : f32 to vector<16xf32>
          %reduce_or3A_877 = vector.broadcast %reduce_or3A_875 : f32 to vector<16xf32>
          %reduce_or3A_878 = arith.select %and3A, %reduce_or3A_876, %reduce_or3A_877 : vector<16xi1>, vector<16xf32>
          %reduce_or3A_879 = arith.constant true
          %reduce_or3A_880 = vector.broadcast %reduce_or3A_879 : i1 to vector<16xi1>
          %reduce_or3A_881 = tpu.scan <max>, %reduce_or3A_878 masked %reduce_or3A_880 : vector<16xf32>, vector<16xi1> -> vector<16xf32>
          %reduce_or3A_882 = vector.extract %reduce_or3A_881[15] : f32 from vector<16xf32>
          %reduce_or3A_883 = arith.constant 0.000000e+00 : f32
          %reduce_or3A_884 = arith.cmpf ogt, %reduce_or3A_882, %reduce_or3A_883 : f32
          %convert_element_type3A_885 = arith.extui %reduce_or3A_884 : i1 to i32
          %cond3A = arith.constant 0 : i32
          %cond3A_886 = arith.cmpi ne, %convert_element_type3A_885, %cond3A : i32
          %cond3A_887:4 = scf.if %cond3A_886 -> (vector<16xf32>, vector<16xf32>, vector<16xf32>, vector<16xf32>) {
            %add3A_888 = arith.constant 16 : i32
            %add3A_889 = arith.addi %multiple_of3A_870, %add3A_888 : i32
            %while3A = arith.subi %add3A_889, %multiple_of3A_870 : i32
            %while3A_890 = arith.addi %multiple_of3A_870, %while3A : i32
            %while3A_891 = arith.constant 1 : i32
            %while3A_892 = arith.divsi %while3A, %while3A_891 : i32
            %while3A_893 = arith.muli %while3A_892, %while3A_891 : i32
            %while3A_894 = arith.addi %multiple_of3A_870, %while3A_893 : i32
            %while3A_895 = arith.constant 1 : i32
            %while3A_896:4 = scf.for %while3A_899 = %multiple_of3A_870 to %while3A_894 step %while3A_895 iter_args(%while3A_900 = %scan3A_864, %while3A_901 = %scan3A_865, %while3A_902 = %scan3A_866, %while3A_903 = %scan3A_867) -> (vector<16xf32>, vector<16xf32>, vector<16xf32>, vector<16xf32>)  : i32 {
              %broadcast_in_dim3A_904 = vector.broadcast %while3A_899 : i32 to vector<16xi32>
              %gather3A = tpu.vector_load_idx %arg10[%broadcast_in_dim3A_904] : memref<128xf32, #tpu.memory_space<vmem>>[vector<16xi32>], vector<16xf32>,
              %gather3A_905 = tpu.vector_load_idx %arg11[%broadcast_in_dim3A_904] : memref<128xf32, #tpu.memory_space<vmem>>[vector<16xi32>], vector<16xf32>,
              %sub3A_906 = arith.subf %get3A_670, %gather3A : vector<16xf32>
              %sub3A_907 = arith.subf %get3A_672, %gather3A_905 : vector<16xf32>
              %mul3A_908 = arith.mulf %sub3A_906, %sub3A_906 : vector<16xf32>
              %mul3A_909 = arith.mulf %sub3A_907, %sub3A_907 : vector<16xf32>
              %add3A_910 = arith.addf %mul3A_908, %mul3A_909 : vector<16xf32>
              %le3A_911 = arith.constant 1.600000e-01 : f32
              %le3A_912 = vector.broadcast %le3A_911 : f32 to vector<16xf32>
              %le3A_913 = arith.cmpf ole, %add3A_910, %le3A_912 : vector<16xf32>
              %reduce_or3A_914 = arith.constant 1.000000e+00 : f32
              %reduce_or3A_915 = arith.constant 0.000000e+00 : f32
              %reduce_or3A_916 = vector.broadcast %reduce_or3A_914 : f32 to vector<16xf32>
              %reduce_or3A_917 = vector.broadcast %reduce_or3A_915 : f32 to vector<16xf32>
              %reduce_or3A_918 = arith.select %le3A_913, %reduce_or3A_916, %reduce_or3A_917 : vector<16xi1>, vector<16xf32>
              %reduce_or3A_919 = arith.constant true
              %reduce_or3A_920 = vector.broadcast %reduce_or3A_919 : i1 to vector<16xi1>
              %reduce_or3A_921 = tpu.scan <max>, %reduce_or3A_918 masked %reduce_or3A_920 : vector<16xf32>, vector<16xi1> -> vector<16xf32>
              %reduce_or3A_922 = vector.extract %reduce_or3A_921[15] : f32 from vector<16xf32>
              %reduce_or3A_923 = arith.constant 0.000000e+00 : f32
              %reduce_or3A_924 = arith.cmpf ogt, %reduce_or3A_922, %reduce_or3A_923 : f32
              %convert_element_type3A_925 = arith.extui %reduce_or3A_924 : i1 to i32
              %cond3A_926 = arith.constant 0 : i32
              %cond3A_927 = arith.cmpi ne, %convert_element_type3A_925, %cond3A_926 : i32
              %cond3A_928:4 = scf.if %cond3A_927 -> (vector<16xf32>, vector<16xf32>, vector<16xf32>, vector<16xf32>) {
                %gather3A_929 = tpu.vector_load_idx %arg12[%broadcast_in_dim3A_904] : memref<128xf32, #tpu.memory_space<vmem>>[vector<16xi32>], vector<16xf32>,
                %gather3A_930 = tpu.vector_load_idx %arg13[%broadcast_in_dim3A_904] : memref<128xf32, #tpu.memory_space<vmem>>[vector<16xi32>], vector<16xf32>,
                %gather3A_931 = tpu.vector_load_idx %arg14[%broadcast_in_dim3A_904] : memref<128xf32, #tpu.memory_space<vmem>>[vector<16xi32>], vector<16xf32>,
                %gather3A_932 = tpu.vector_load_idx %arg21[%broadcast_in_dim3A_904] : memref<128xf32, #tpu.memory_space<vmem>>[vector<16xi32>], vector<16xf32>,
                %gather3A_933 = tpu.vector_load_idx %arg22[%broadcast_in_dim3A_904] : memref<128xf32, #tpu.memory_space<vmem>>[vector<16xi32>], vector<16xf32>,
                %gather3A_934 = tpu.vector_load_idx %arg23[%broadcast_in_dim3A_904] : memref<128xf32, #tpu.memory_space<vmem>>[vector<16xi32>], vector<16xf32>,
                %gather3A_935 = tpu.vector_load_idx %arg24[%broadcast_in_dim3A_904] : memref<128xf32, #tpu.memory_space<vmem>>[vector<16xi32>], vector<16xf32>,
                %gather3A_936 = tpu.vector_load_idx %arg25[%broadcast_in_dim3A_904] : memref<128xf32, #tpu.memory_space<vmem>>[vector<16xi32>], vector<16xf32>,
                %gather3A_937 = tpu.vector_load_idx %arg26[%broadcast_in_dim3A_904] : memref<128xf32, #tpu.memory_space<vmem>>[vector<16xi32>], vector<16xf32>,
                %gather3A_938 = tpu.vector_load_idx %arg27[%broadcast_in_dim3A_904] : memref<128xf32, #tpu.memory_space<vmem>>[vector<16xi32>], vector<16xf32>,
                %gather3A_939 = tpu.vector_load_idx %arg28[%broadcast_in_dim3A_904] : memref<128xf32, #tpu.memory_space<vmem>>[vector<16xi32>], vector<16xf32>,
                %gather3A_940 = tpu.vector_load_idx %arg29[%broadcast_in_dim3A_904] : memref<128xf32, #tpu.memory_space<vmem>>[vector<16xi32>], vector<16xf32>,
                %jit3A_941 = arith.constant 1.000000e+00 : f32
                %jit3A_942 = arith.constant 0.000000e+00 : f32
                %broadcast_in_dim3A_943 = vector.broadcast %jit3A_941 : f32 to vector<16xf32>
                %broadcast_in_dim3A_944 = vector.broadcast %jit3A_942 : f32 to vector<16xf32>
                %select_n3A_945 = arith.select %le3A_913, %broadcast_in_dim3A_943, %broadcast_in_dim3A_944 : vector<16xi1>, vector<16xf32>
                %mul3A_946 = arith.mulf %get3A_678, %gather3A_931 : vector<16xf32>
                %mul3A_947 = arith.mulf %select_n3A_945, %mul3A_946 : vector<16xf32>
                %mul3A_948 = arith.mulf %get3A_674, %gather3A_929 : vector<16xf32>
                %mul3A_949 = arith.mulf %get3A_676, %gather3A_930 : vector<16xf32>
                %add3A_950 = arith.addf %mul3A_948, %mul3A_949 : vector<16xf32>
                %mul3A_951 = arith.mulf %get3A_676, %gather3A_929 : vector<16xf32>
                %mul3A_952 = arith.mulf %get3A_674, %gather3A_930 : vector<16xf32>
                %sub3A_953 = arith.subf %mul3A_951, %mul3A_952 : vector<16xf32>
                %sub3A_954 = arith.subf %gather3A_937, %get3A_680 : vector<16xf32>
                %sub3A_955 = arith.subf %gather3A_938, %get3A_682 : vector<16xf32>
                %sub3A_956 = arith.subf %gather3A_939, %get3A_684 : vector<16xf32>
                %sub3A_957 = arith.subf %gather3A_940, %get3A_686 : vector<16xf32>
                %bitcast_convert_type3A_958 = tpu.bitcast %sub3A_954 : vector<16xf32> -> vector<16xi32>
                %add3A_959 = arith.constant 32768 : i32
                %add3A_960 = vector.broadcast %add3A_959 : i32 to vector<16xi32>
                %add3A_961 = arith.addi %bitcast_convert_type3A_958, %add3A_960 : vector<16xi32>
                %and3A_962 = arith.constant -65536 : i32
                %and3A_963 = vector.broadcast %and3A_962 : i32 to vector<16xi32>
                %and3A_964 = arith.andi %add3A_961, %and3A_963 : vector<16xi32>
                %bitcast_convert_type3A_965 = tpu.bitcast %and3A_964 : vector<16xi32> -> vector<16xf32>
                %bitcast_convert_type3A_966 = tpu.bitcast %sub3A_955 : vector<16xf32> -> vector<16xi32>
                %add3A_967 = arith.constant 32768 : i32
                %add3A_968 = vector.broadcast %add3A_967 : i32 to vector<16xi32>
                %add3A_969 = arith.addi %bitcast_convert_type3A_966, %add3A_968 : vector<16xi32>
                %and3A_970 = arith.constant -65536 : i32
                %and3A_971 = vector.broadcast %and3A_970 : i32 to vector<16xi32>
                %and3A_972 = arith.andi %add3A_969, %and3A_971 : vector<16xi32>
                %bitcast_convert_type3A_973 = tpu.bitcast %and3A_972 : vector<16xi32> -> vector<16xf32>
                %bitcast_convert_type3A_974 = tpu.bitcast %sub3A_956 : vector<16xf32> -> vector<16xi32>
                %add3A_975 = arith.constant 32768 : i32
                %add3A_976 = vector.broadcast %add3A_975 : i32 to vector<16xi32>
                %add3A_977 = arith.addi %bitcast_convert_type3A_974, %add3A_976 : vector<16xi32>
                %and3A_978 = arith.constant -65536 : i32
                %and3A_979 = vector.broadcast %and3A_978 : i32 to vector<16xi32>
                %and3A_980 = arith.andi %add3A_977, %and3A_979 : vector<16xi32>
                %bitcast_convert_type3A_981 = tpu.bitcast %and3A_980 : vector<16xi32> -> vector<16xf32>
                %bitcast_convert_type3A_982 = tpu.bitcast %sub3A_957 : vector<16xf32> -> vector<16xi32>
                %add3A_983 = arith.constant 32768 : i32
                %add3A_984 = vector.broadcast %add3A_983 : i32 to vector<16xi32>
                %add3A_985 = arith.addi %bitcast_convert_type3A_982, %add3A_984 : vector<16xi32>
                %and3A_986 = arith.constant -65536 : i32
                %and3A_987 = vector.broadcast %and3A_986 : i32 to vector<16xi32>
                %and3A_988 = arith.andi %add3A_985, %and3A_987 : vector<16xi32>
                %bitcast_convert_type3A_989 = tpu.bitcast %and3A_988 : vector<16xi32> -> vector<16xf32>
                %bitcast_convert_type3A_990 = tpu.bitcast %add3A_950 : vector<16xf32> -> vector<16xi32>
                %add3A_991 = arith.constant 32768 : i32
                %add3A_992 = vector.broadcast %add3A_991 : i32 to vector<16xi32>
                %add3A_993 = arith.addi %bitcast_convert_type3A_990, %add3A_992 : vector<16xi32>
                %and3A_994 = arith.constant -65536 : i32
                %and3A_995 = vector.broadcast %and3A_994 : i32 to vector<16xi32>
                %and3A_996 = arith.andi %add3A_993, %and3A_995 : vector<16xi32>
                %bitcast_convert_type3A_997 = tpu.bitcast %and3A_996 : vector<16xi32> -> vector<16xf32>
                %bitcast_convert_type3A_998 = tpu.bitcast %sub3A_953 : vector<16xf32> -> vector<16xi32>
                %add3A_999 = arith.constant 32768 : i32
                %add3A_1000 = vector.broadcast %add3A_999 : i32 to vector<16xi32>
                %add3A_1001 = arith.addi %bitcast_convert_type3A_998, %add3A_1000 : vector<16xi32>
                %and3A_1002 = arith.constant -65536 : i32
                %and3A_1003 = vector.broadcast %and3A_1002 : i32 to vector<16xi32>
                %and3A_1004 = arith.andi %add3A_1001, %and3A_1003 : vector<16xi32>
                %bitcast_convert_type3A_1005 = tpu.bitcast %and3A_1004 : vector<16xi32> -> vector<16xf32>
                %add3A_1006 = arith.addf %get3A_688, %gather3A_932 : vector<16xf32>
                %mul3A_1007 = vector.broadcast %squeeze3A_459 : f32 to vector<16xf32>
                %mul3A_1008 = arith.mulf %bitcast_convert_type3A_997, %mul3A_1007 : vector<16xf32>
                %add3A_1009 = arith.addf %add3A_1006, %mul3A_1008 : vector<16xf32>
                %mul3A_1010 = vector.broadcast %squeeze3A_469 : f32 to vector<16xf32>
                %mul3A_1011 = arith.mulf %bitcast_convert_type3A_1005, %mul3A_1010 : vector<16xf32>
                %add3A_1012 = arith.addf %add3A_1009, %mul3A_1011 : vector<16xf32>
                %mul3A_1013 = vector.broadcast %squeeze3A_419 : f32 to vector<16xf32>
                %mul3A_1014 = arith.mulf %bitcast_convert_type3A_965, %mul3A_1013 : vector<16xf32>
                %add3A_1015 = arith.addf %add3A_1012, %mul3A_1014 : vector<16xf32>
                %mul3A_1016 = vector.broadcast %squeeze3A_429 : f32 to vector<16xf32>
                %mul3A_1017 = arith.mulf %bitcast_convert_type3A_973, %mul3A_1016 : vector<16xf32>
                %add3A_1018 = arith.addf %add3A_1015, %mul3A_1017 : vector<16xf32>
                %mul3A_1019 = vector.broadcast %squeeze3A_439 : f32 to vector<16xf32>
                %mul3A_1020 = arith.mulf %bitcast_convert_type3A_981, %mul3A_1019 : vector<16xf32>
                %add3A_1021 = arith.addf %add3A_1018, %mul3A_1020 : vector<16xf32>
                %mul3A_1022 = vector.broadcast %squeeze3A_449 : f32 to vector<16xf32>
                %mul3A_1023 = arith.mulf %bitcast_convert_type3A_989, %mul3A_1022 : vector<16xf32>
                %add3A_1024 = arith.addf %add3A_1021, %mul3A_1023 : vector<16xf32>
                %ge3A_1025 = arith.constant 0.000000e+00 : f32
                %ge3A_1026 = vector.broadcast %ge3A_1025 : f32 to vector<16xf32>
                %ge3A_1027 = arith.cmpf oge, %add3A_1024, %ge3A_1026 : vector<16xf32>
                %mul3A_1028 = arith.constant 0.00999999977 : f32
                %mul3A_1029 = vector.broadcast %mul3A_1028 : f32 to vector<16xf32>
                %mul3A_1030 = arith.mulf %mul3A_1029, %add3A_1024 : vector<16xf32>
                %select_n3A_1031 = arith.select %ge3A_1027, %add3A_1024, %mul3A_1030 : vector<16xi1>, vector<16xf32>
                %add3A_1032 = arith.addf %get3A_690, %gather3A_933 : vector<16xf32>
                %mul3A_1033 = vector.broadcast %squeeze3A_461 : f32 to vector<16xf32>
                %mul3A_1034 = arith.mulf %bitcast_convert_type3A_997, %mul3A_1033 : vector<16xf32>
                %add3A_1035 = arith.addf %add3A_1032, %mul3A_1034 : vector<16xf32>
                %mul3A_1036 = vector.broadcast %squeeze3A_471 : f32 to vector<16xf32>
                %mul3A_1037 = arith.mulf %bitcast_convert_type3A_1005, %mul3A_1036 : vector<16xf32>
                %add3A_1038 = arith.addf %add3A_1035, %mul3A_1037 : vector<16xf32>
                %mul3A_1039 = vector.broadcast %squeeze3A_421 : f32 to vector<16xf32>
                %mul3A_1040 = arith.mulf %bitcast_convert_type3A_965, %mul3A_1039 : vector<16xf32>
                %add3A_1041 = arith.addf %add3A_1038, %mul3A_1040 : vector<16xf32>
                %mul3A_1042 = vector.broadcast %squeeze3A_431 : f32 to vector<16xf32>
                %mul3A_1043 = arith.mulf %bitcast_convert_type3A_973, %mul3A_1042 : vector<16xf32>
                %add3A_1044 = arith.addf %add3A_1041, %mul3A_1043 : vector<16xf32>
                %mul3A_1045 = vector.broadcast %squeeze3A_441 : f32 to vector<16xf32>
                %mul3A_1046 = arith.mulf %bitcast_convert_type3A_981, %mul3A_1045 : vector<16xf32>
                %add3A_1047 = arith.addf %add3A_1044, %mul3A_1046 : vector<16xf32>
                %mul3A_1048 = vector.broadcast %squeeze3A_451 : f32 to vector<16xf32>
                %mul3A_1049 = arith.mulf %bitcast_convert_type3A_989, %mul3A_1048 : vector<16xf32>
                %add3A_1050 = arith.addf %add3A_1047, %mul3A_1049 : vector<16xf32>
                %ge3A_1051 = arith.constant 0.000000e+00 : f32
                %ge3A_1052 = vector.broadcast %ge3A_1051 : f32 to vector<16xf32>
                %ge3A_1053 = arith.cmpf oge, %add3A_1050, %ge3A_1052 : vector<16xf32>
                %mul3A_1054 = arith.constant 0.00999999977 : f32
                %mul3A_1055 = vector.broadcast %mul3A_1054 : f32 to vector<16xf32>
                %mul3A_1056 = arith.mulf %mul3A_1055, %add3A_1050 : vector<16xf32>
                %select_n3A_1057 = arith.select %ge3A_1053, %add3A_1050, %mul3A_1056 : vector<16xi1>, vector<16xf32>
                %add3A_1058 = arith.addf %get3A_692, %gather3A_934 : vector<16xf32>
                %mul3A_1059 = vector.broadcast %squeeze3A_463 : f32 to vector<16xf32>
                %mul3A_1060 = arith.mulf %bitcast_convert_type3A_997, %mul3A_1059 : vector<16xf32>
                %add3A_1061 = arith.addf %add3A_1058, %mul3A_1060 : vector<16xf32>
                %mul3A_1062 = vector.broadcast %squeeze3A_473 : f32 to vector<16xf32>
                %mul3A_1063 = arith.mulf %bitcast_convert_type3A_1005, %mul3A_1062 : vector<16xf32>
                %add3A_1064 = arith.addf %add3A_1061, %mul3A_1063 : vector<16xf32>
                %mul3A_1065 = vector.broadcast %squeeze3A_423 : f32 to vector<16xf32>
                %mul3A_1066 = arith.mulf %bitcast_convert_type3A_965, %mul3A_1065 : vector<16xf32>
                %add3A_1067 = arith.addf %add3A_1064, %mul3A_1066 : vector<16xf32>
                %mul3A_1068 = vector.broadcast %squeeze3A_433 : f32 to vector<16xf32>
                %mul3A_1069 = arith.mulf %bitcast_convert_type3A_973, %mul3A_1068 : vector<16xf32>
                %add3A_1070 = arith.addf %add3A_1067, %mul3A_1069 : vector<16xf32>
                %mul3A_1071 = vector.broadcast %squeeze3A_443 : f32 to vector<16xf32>
                %mul3A_1072 = arith.mulf %bitcast_convert_type3A_981, %mul3A_1071 : vector<16xf32>
                %add3A_1073 = arith.addf %add3A_1070, %mul3A_1072 : vector<16xf32>
                %mul3A_1074 = vector.broadcast %squeeze3A_453 : f32 to vector<16xf32>
                %mul3A_1075 = arith.mulf %bitcast_convert_type3A_989, %mul3A_1074 : vector<16xf32>
                %add3A_1076 = arith.addf %add3A_1073, %mul3A_1075 : vector<16xf32>
                %ge3A_1077 = arith.constant 0.000000e+00 : f32
                %ge3A_1078 = vector.broadcast %ge3A_1077 : f32 to vector<16xf32>
                %ge3A_1079 = arith.cmpf oge, %add3A_1076, %ge3A_1078 : vector<16xf32>
                %mul3A_1080 = arith.constant 0.00999999977 : f32
                %mul3A_1081 = vector.broadcast %mul3A_1080 : f32 to vector<16xf32>
                %mul3A_1082 = arith.mulf %mul3A_1081, %add3A_1076 : vector<16xf32>
                %select_n3A_1083 = arith.select %ge3A_1079, %add3A_1076, %mul3A_1082 : vector<16xi1>, vector<16xf32>
                %add3A_1084 = arith.addf %get3A_694, %gather3A_935 : vector<16xf32>
                %mul3A_1085 = vector.broadcast %squeeze3A_465 : f32 to vector<16xf32>
                %mul3A_1086 = arith.mulf %bitcast_convert_type3A_997, %mul3A_1085 : vector<16xf32>
                %add3A_1087 = arith.addf %add3A_1084, %mul3A_1086 : vector<16xf32>
                %mul3A_1088 = vector.broadcast %squeeze3A_475 : f32 to vector<16xf32>
                %mul3A_1089 = arith.mulf %bitcast_convert_type3A_1005, %mul3A_1088 : vector<16xf32>
                %add3A_1090 = arith.addf %add3A_1087, %mul3A_1089 : vector<16xf32>
                %mul3A_1091 = vector.broadcast %squeeze3A_425 : f32 to vector<16xf32>
                %mul3A_1092 = arith.mulf %bitcast_convert_type3A_965, %mul3A_1091 : vector<16xf32>
                %add3A_1093 = arith.addf %add3A_1090, %mul3A_1092 : vector<16xf32>
                %mul3A_1094 = vector.broadcast %squeeze3A_435 : f32 to vector<16xf32>
                %mul3A_1095 = arith.mulf %bitcast_convert_type3A_973, %mul3A_1094 : vector<16xf32>
                %add3A_1096 = arith.addf %add3A_1093, %mul3A_1095 : vector<16xf32>
                %mul3A_1097 = vector.broadcast %squeeze3A_445 : f32 to vector<16xf32>
                %mul3A_1098 = arith.mulf %bitcast_convert_type3A_981, %mul3A_1097 : vector<16xf32>
                %add3A_1099 = arith.addf %add3A_1096, %mul3A_1098 : vector<16xf32>
                %mul3A_1100 = vector.broadcast %squeeze3A_455 : f32 to vector<16xf32>
                %mul3A_1101 = arith.mulf %bitcast_convert_type3A_989, %mul3A_1100 : vector<16xf32>
                %add3A_1102 = arith.addf %add3A_1099, %mul3A_1101 : vector<16xf32>
                %ge3A_1103 = arith.constant 0.000000e+00 : f32
                %ge3A_1104 = vector.broadcast %ge3A_1103 : f32 to vector<16xf32>
                %ge3A_1105 = arith.cmpf oge, %add3A_1102, %ge3A_1104 : vector<16xf32>
                %mul3A_1106 = arith.constant 0.00999999977 : f32
                %mul3A_1107 = vector.broadcast %mul3A_1106 : f32 to vector<16xf32>
                %mul3A_1108 = arith.mulf %mul3A_1107, %add3A_1102 : vector<16xf32>
                %select_n3A_1109 = arith.select %ge3A_1105, %add3A_1102, %mul3A_1108 : vector<16xi1>, vector<16xf32>
                %add3A_1110 = arith.addf %get3A_696, %gather3A_936 : vector<16xf32>
                %mul3A_1111 = vector.broadcast %squeeze3A_467 : f32 to vector<16xf32>
                %mul3A_1112 = arith.mulf %bitcast_convert_type3A_997, %mul3A_1111 : vector<16xf32>
                %add3A_1113 = arith.addf %add3A_1110, %mul3A_1112 : vector<16xf32>
                %mul3A_1114 = vector.broadcast %squeeze3A_477 : f32 to vector<16xf32>
                %mul3A_1115 = arith.mulf %bitcast_convert_type3A_1005, %mul3A_1114 : vector<16xf32>
                %add3A_1116 = arith.addf %add3A_1113, %mul3A_1115 : vector<16xf32>
                %mul3A_1117 = vector.broadcast %squeeze3A_427 : f32 to vector<16xf32>
                %mul3A_1118 = arith.mulf %bitcast_convert_type3A_965, %mul3A_1117 : vector<16xf32>
                %add3A_1119 = arith.addf %add3A_1116, %mul3A_1118 : vector<16xf32>
                %mul3A_1120 = vector.broadcast %squeeze3A_437 : f32 to vector<16xf32>
                %mul3A_1121 = arith.mulf %bitcast_convert_type3A_973, %mul3A_1120 : vector<16xf32>
                %add3A_1122 = arith.addf %add3A_1119, %mul3A_1121 : vector<16xf32>
                %mul3A_1123 = vector.broadcast %squeeze3A_447 : f32 to vector<16xf32>
                %mul3A_1124 = arith.mulf %bitcast_convert_type3A_981, %mul3A_1123 : vector<16xf32>
                %add3A_1125 = arith.addf %add3A_1122, %mul3A_1124 : vector<16xf32>
                %mul3A_1126 = vector.broadcast %squeeze3A_457 : f32 to vector<16xf32>
                %mul3A_1127 = arith.mulf %bitcast_convert_type3A_989, %mul3A_1126 : vector<16xf32>
                %add3A_1128 = arith.addf %add3A_1125, %mul3A_1127 : vector<16xf32>
                %ge3A_1129 = arith.constant 0.000000e+00 : f32
                %ge3A_1130 = vector.broadcast %ge3A_1129 : f32 to vector<16xf32>
                %ge3A_1131 = arith.cmpf oge, %add3A_1128, %ge3A_1130 : vector<16xf32>
                %mul3A_1132 = arith.constant 0.00999999977 : f32
                %mul3A_1133 = vector.broadcast %mul3A_1132 : f32 to vector<16xf32>
                %mul3A_1134 = arith.mulf %mul3A_1133, %add3A_1128 : vector<16xf32>
                %select_n3A_1135 = arith.select %ge3A_1131, %add3A_1128, %mul3A_1134 : vector<16xi1>, vector<16xf32>
                %bitcast_convert_type3A_1136 = tpu.bitcast %select_n3A_1031 : vector<16xf32> -> vector<16xi32>
                %add3A_1137 = arith.constant 32768 : i32
                %add3A_1138 = vector.broadcast %add3A_1137 : i32 to vector<16xi32>
                %add3A_1139 = arith.addi %bitcast_convert_type3A_1136, %add3A_1138 : vector<16xi32>
                %and3A_1140 = arith.constant -65536 : i32
                %and3A_1141 = vector.broadcast %and3A_1140 : i32 to vector<16xi32>
                %and3A_1142 = arith.andi %add3A_1139, %and3A_1141 : vector<16xi32>
                %bitcast_convert_type3A_1143 = tpu.bitcast %and3A_1142 : vector<16xi32> -> vector<16xf32>
                %bitcast_convert_type3A_1144 = tpu.bitcast %select_n3A_1057 : vector<16xf32> -> vector<16xi32>
                %add3A_1145 = arith.constant 32768 : i32
                %add3A_1146 = vector.broadcast %add3A_1145 : i32 to vector<16xi32>
                %add3A_1147 = arith.addi %bitcast_convert_type3A_1144, %add3A_1146 : vector<16xi32>
                %and3A_1148 = arith.constant -65536 : i32
                %and3A_1149 = vector.broadcast %and3A_1148 : i32 to vector<16xi32>
                %and3A_1150 = arith.andi %add3A_1147, %and3A_1149 : vector<16xi32>
                %bitcast_convert_type3A_1151 = tpu.bitcast %and3A_1150 : vector<16xi32> -> vector<16xf32>
                %bitcast_convert_type3A_1152 = tpu.bitcast %select_n3A_1083 : vector<16xf32> -> vector<16xi32>
                %add3A_1153 = arith.constant 32768 : i32
                %add3A_1154 = vector.broadcast %add3A_1153 : i32 to vector<16xi32>
                %add3A_1155 = arith.addi %bitcast_convert_type3A_1152, %add3A_1154 : vector<16xi32>
                %and3A_1156 = arith.constant -65536 : i32
                %and3A_1157 = vector.broadcast %and3A_1156 : i32 to vector<16xi32>
                %and3A_1158 = arith.andi %add3A_1155, %and3A_1157 : vector<16xi32>
                %bitcast_convert_type3A_1159 = tpu.bitcast %and3A_1158 : vector<16xi32> -> vector<16xf32>
                %bitcast_convert_type3A_1160 = tpu.bitcast %select_n3A_1109 : vector<16xf32> -> vector<16xi32>
                %add3A_1161 = arith.constant 32768 : i32
                %add3A_1162 = vector.broadcast %add3A_1161 : i32 to vector<16xi32>
                %add3A_1163 = arith.addi %bitcast_convert_type3A_1160, %add3A_1162 : vector<16xi32>
                %and3A_1164 = arith.constant -65536 : i32
                %and3A_1165 = vector.broadcast %and3A_1164 : i32 to vector<16xi32>
                %and3A_1166 = arith.andi %add3A_1163, %and3A_1165 : vector<16xi32>
                %bitcast_convert_type3A_1167 = tpu.bitcast %and3A_1166 : vector<16xi32> -> vector<16xf32>
                %bitcast_convert_type3A_1168 = tpu.bitcast %select_n3A_1135 : vector<16xf32> -> vector<16xi32>
                %add3A_1169 = arith.constant 32768 : i32
                %add3A_1170 = vector.broadcast %add3A_1169 : i32 to vector<16xi32>
                %add3A_1171 = arith.addi %bitcast_convert_type3A_1168, %add3A_1170 : vector<16xi32>
                %and3A_1172 = arith.constant -65536 : i32
                %and3A_1173 = vector.broadcast %and3A_1172 : i32 to vector<16xi32>
                %and3A_1174 = arith.andi %add3A_1171, %and3A_1173 : vector<16xi32>
                %bitcast_convert_type3A_1175 = tpu.bitcast %and3A_1174 : vector<16xi32> -> vector<16xf32>
                %mul3A_1176 = vector.broadcast %squeeze3A_479 : f32 to vector<16xf32>
                %mul3A_1177 = arith.mulf %bitcast_convert_type3A_1143, %mul3A_1176 : vector<16xf32>
                %add3A_1178 = vector.broadcast %squeeze3A_529 : f32 to vector<16xf32>
                %add3A_1179 = arith.addf %mul3A_1177, %add3A_1178 : vector<16xf32>
                %mul3A_1180 = vector.broadcast %squeeze3A_489 : f32 to vector<16xf32>
                %mul3A_1181 = arith.mulf %bitcast_convert_type3A_1151, %mul3A_1180 : vector<16xf32>
                %add3A_1182 = arith.addf %add3A_1179, %mul3A_1181 : vector<16xf32>
                %mul3A_1183 = vector.broadcast %squeeze3A_499 : f32 to vector<16xf32>
                %mul3A_1184 = arith.mulf %bitcast_convert_type3A_1159, %mul3A_1183 : vector<16xf32>
                %add3A_1185 = arith.addf %add3A_1182, %mul3A_1184 : vector<16xf32>
                %mul3A_1186 = vector.broadcast %squeeze3A_509 : f32 to vector<16xf32>
                %mul3A_1187 = arith.mulf %bitcast_convert_type3A_1167, %mul3A_1186 : vector<16xf32>
                %add3A_1188 = arith.addf %add3A_1185, %mul3A_1187 : vector<16xf32>
                %mul3A_1189 = vector.broadcast %squeeze3A_519 : f32 to vector<16xf32>
                %mul3A_1190 = arith.mulf %bitcast_convert_type3A_1175, %mul3A_1189 : vector<16xf32>
                %add3A_1191 = arith.addf %add3A_1188, %mul3A_1190 : vector<16xf32>
                %ge3A_1192 = arith.constant 0.000000e+00 : f32
                %ge3A_1193 = vector.broadcast %ge3A_1192 : f32 to vector<16xf32>
                %ge3A_1194 = arith.cmpf oge, %add3A_1191, %ge3A_1193 : vector<16xf32>
                %mul3A_1195 = arith.constant 0.00999999977 : f32
                %mul3A_1196 = vector.broadcast %mul3A_1195 : f32 to vector<16xf32>
                %mul3A_1197 = arith.mulf %mul3A_1196, %add3A_1191 : vector<16xf32>
                %select_n3A_1198 = arith.select %ge3A_1194, %add3A_1191, %mul3A_1197 : vector<16xi1>, vector<16xf32>
                %mul3A_1199 = vector.broadcast %squeeze3A_481 : f32 to vector<16xf32>
                %mul3A_1200 = arith.mulf %bitcast_convert_type3A_1143, %mul3A_1199 : vector<16xf32>
                %add3A_1201 = vector.broadcast %squeeze3A_531 : f32 to vector<16xf32>
                %add3A_1202 = arith.addf %mul3A_1200, %add3A_1201 : vector<16xf32>
                %mul3A_1203 = vector.broadcast %squeeze3A_491 : f32 to vector<16xf32>
                %mul3A_1204 = arith.mulf %bitcast_convert_type3A_1151, %mul3A_1203 : vector<16xf32>
                %add3A_1205 = arith.addf %add3A_1202, %mul3A_1204 : vector<16xf32>
                %mul3A_1206 = vector.broadcast %squeeze3A_501 : f32 to vector<16xf32>
                %mul3A_1207 = arith.mulf %bitcast_convert_type3A_1159, %mul3A_1206 : vector<16xf32>
                %add3A_1208 = arith.addf %add3A_1205, %mul3A_1207 : vector<16xf32>
                %mul3A_1209 = vector.broadcast %squeeze3A_511 : f32 to vector<16xf32>
                %mul3A_1210 = arith.mulf %bitcast_convert_type3A_1167, %mul3A_1209 : vector<16xf32>
                %add3A_1211 = arith.addf %add3A_1208, %mul3A_1210 : vector<16xf32>
                %mul3A_1212 = vector.broadcast %squeeze3A_521 : f32 to vector<16xf32>
                %mul3A_1213 = arith.mulf %bitcast_convert_type3A_1175, %mul3A_1212 : vector<16xf32>
                %add3A_1214 = arith.addf %add3A_1211, %mul3A_1213 : vector<16xf32>
                %ge3A_1215 = arith.constant 0.000000e+00 : f32
                %ge3A_1216 = vector.broadcast %ge3A_1215 : f32 to vector<16xf32>
                %ge3A_1217 = arith.cmpf oge, %add3A_1214, %ge3A_1216 : vector<16xf32>
                %mul3A_1218 = arith.constant 0.00999999977 : f32
                %mul3A_1219 = vector.broadcast %mul3A_1218 : f32 to vector<16xf32>
                %mul3A_1220 = arith.mulf %mul3A_1219, %add3A_1214 : vector<16xf32>
                %select_n3A_1221 = arith.select %ge3A_1217, %add3A_1214, %mul3A_1220 : vector<16xi1>, vector<16xf32>
                %mul3A_1222 = vector.broadcast %squeeze3A_483 : f32 to vector<16xf32>
                %mul3A_1223 = arith.mulf %bitcast_convert_type3A_1143, %mul3A_1222 : vector<16xf32>
                %add3A_1224 = vector.broadcast %squeeze3A_533 : f32 to vector<16xf32>
                %add3A_1225 = arith.addf %mul3A_1223, %add3A_1224 : vector<16xf32>
                %mul3A_1226 = vector.broadcast %squeeze3A_493 : f32 to vector<16xf32>
                %mul3A_1227 = arith.mulf %bitcast_convert_type3A_1151, %mul3A_1226 : vector<16xf32>
                %add3A_1228 = arith.addf %add3A_1225, %mul3A_1227 : vector<16xf32>
                %mul3A_1229 = vector.broadcast %squeeze3A_503 : f32 to vector<16xf32>
                %mul3A_1230 = arith.mulf %bitcast_convert_type3A_1159, %mul3A_1229 : vector<16xf32>
                %add3A_1231 = arith.addf %add3A_1228, %mul3A_1230 : vector<16xf32>
                %mul3A_1232 = vector.broadcast %squeeze3A_513 : f32 to vector<16xf32>
                %mul3A_1233 = arith.mulf %bitcast_convert_type3A_1167, %mul3A_1232 : vector<16xf32>
                %add3A_1234 = arith.addf %add3A_1231, %mul3A_1233 : vector<16xf32>
                %mul3A_1235 = vector.broadcast %squeeze3A_523 : f32 to vector<16xf32>
                %mul3A_1236 = arith.mulf %bitcast_convert_type3A_1175, %mul3A_1235 : vector<16xf32>
                %add3A_1237 = arith.addf %add3A_1234, %mul3A_1236 : vector<16xf32>
                %ge3A_1238 = arith.constant 0.000000e+00 : f32
                %ge3A_1239 = vector.broadcast %ge3A_1238 : f32 to vector<16xf32>
                %ge3A_1240 = arith.cmpf oge, %add3A_1237, %ge3A_1239 : vector<16xf32>
                %mul3A_1241 = arith.constant 0.00999999977 : f32
                %mul3A_1242 = vector.broadcast %mul3A_1241 : f32 to vector<16xf32>
                %mul3A_1243 = arith.mulf %mul3A_1242, %add3A_1237 : vector<16xf32>
                %select_n3A_1244 = arith.select %ge3A_1240, %add3A_1237, %mul3A_1243 : vector<16xi1>, vector<16xf32>
                %mul3A_1245 = vector.broadcast %squeeze3A_485 : f32 to vector<16xf32>
                %mul3A_1246 = arith.mulf %bitcast_convert_type3A_1143, %mul3A_1245 : vector<16xf32>
                %add3A_1247 = vector.broadcast %squeeze3A_535 : f32 to vector<16xf32>
                %add3A_1248 = arith.addf %mul3A_1246, %add3A_1247 : vector<16xf32>
                %mul3A_1249 = vector.broadcast %squeeze3A_495 : f32 to vector<16xf32>
                %mul3A_1250 = arith.mulf %bitcast_convert_type3A_1151, %mul3A_1249 : vector<16xf32>
                %add3A_1251 = arith.addf %add3A_1248, %mul3A_1250 : vector<16xf32>
                %mul3A_1252 = vector.broadcast %squeeze3A_505 : f32 to vector<16xf32>
                %mul3A_1253 = arith.mulf %bitcast_convert_type3A_1159, %mul3A_1252 : vector<16xf32>
                %add3A_1254 = arith.addf %add3A_1251, %mul3A_1253 : vector<16xf32>
                %mul3A_1255 = vector.broadcast %squeeze3A_515 : f32 to vector<16xf32>
                %mul3A_1256 = arith.mulf %bitcast_convert_type3A_1167, %mul3A_1255 : vector<16xf32>
                %add3A_1257 = arith.addf %add3A_1254, %mul3A_1256 : vector<16xf32>
                %mul3A_1258 = vector.broadcast %squeeze3A_525 : f32 to vector<16xf32>
                %mul3A_1259 = arith.mulf %bitcast_convert_type3A_1175, %mul3A_1258 : vector<16xf32>
                %add3A_1260 = arith.addf %add3A_1257, %mul3A_1259 : vector<16xf32>
                %ge3A_1261 = arith.constant 0.000000e+00 : f32
                %ge3A_1262 = vector.broadcast %ge3A_1261 : f32 to vector<16xf32>
                %ge3A_1263 = arith.cmpf oge, %add3A_1260, %ge3A_1262 : vector<16xf32>
                %mul3A_1264 = arith.constant 0.00999999977 : f32
                %mul3A_1265 = vector.broadcast %mul3A_1264 : f32 to vector<16xf32>
                %mul3A_1266 = arith.mulf %mul3A_1265, %add3A_1260 : vector<16xf32>
                %select_n3A_1267 = arith.select %ge3A_1263, %add3A_1260, %mul3A_1266 : vector<16xi1>, vector<16xf32>
                %mul3A_1268 = vector.broadcast %squeeze3A_487 : f32 to vector<16xf32>
                %mul3A_1269 = arith.mulf %bitcast_convert_type3A_1143, %mul3A_1268 : vector<16xf32>
                %add3A_1270 = vector.broadcast %squeeze3A_537 : f32 to vector<16xf32>
                %add3A_1271 = arith.addf %mul3A_1269, %add3A_1270 : vector<16xf32>
                %mul3A_1272 = vector.broadcast %squeeze3A_497 : f32 to vector<16xf32>
                %mul3A_1273 = arith.mulf %bitcast_convert_type3A_1151, %mul3A_1272 : vector<16xf32>
                %add3A_1274 = arith.addf %add3A_1271, %mul3A_1273 : vector<16xf32>
                %mul3A_1275 = vector.broadcast %squeeze3A_507 : f32 to vector<16xf32>
                %mul3A_1276 = arith.mulf %bitcast_convert_type3A_1159, %mul3A_1275 : vector<16xf32>
                %add3A_1277 = arith.addf %add3A_1274, %mul3A_1276 : vector<16xf32>
                %mul3A_1278 = vector.broadcast %squeeze3A_517 : f32 to vector<16xf32>
                %mul3A_1279 = arith.mulf %bitcast_convert_type3A_1167, %mul3A_1278 : vector<16xf32>
                %add3A_1280 = arith.addf %add3A_1277, %mul3A_1279 : vector<16xf32>
                %mul3A_1281 = vector.broadcast %squeeze3A_527 : f32 to vector<16xf32>
                %mul3A_1282 = arith.mulf %bitcast_convert_type3A_1175, %mul3A_1281 : vector<16xf32>
                %add3A_1283 = arith.addf %add3A_1280, %mul3A_1282 : vector<16xf32>
                %ge3A_1284 = arith.constant 0.000000e+00 : f32
                %ge3A_1285 = vector.broadcast %ge3A_1284 : f32 to vector<16xf32>
                %ge3A_1286 = arith.cmpf oge, %add3A_1283, %ge3A_1285 : vector<16xf32>
                %mul3A_1287 = arith.constant 0.00999999977 : f32
                %mul3A_1288 = vector.broadcast %mul3A_1287 : f32 to vector<16xf32>
                %mul3A_1289 = arith.mulf %mul3A_1288, %add3A_1283 : vector<16xf32>
                %select_n3A_1290 = arith.select %ge3A_1286, %add3A_1283, %mul3A_1289 : vector<16xi1>, vector<16xf32>
                %bitcast_convert_type3A_1291 = tpu.bitcast %select_n3A_1198 : vector<16xf32> -> vector<16xi32>
                %add3A_1292 = arith.constant 32768 : i32
                %add3A_1293 = vector.broadcast %add3A_1292 : i32 to vector<16xi32>
                %add3A_1294 = arith.addi %bitcast_convert_type3A_1291, %add3A_1293 : vector<16xi32>
                %and3A_1295 = arith.constant -65536 : i32
                %and3A_1296 = vector.broadcast %and3A_1295 : i32 to vector<16xi32>
                %and3A_1297 = arith.andi %add3A_1294, %and3A_1296 : vector<16xi32>
                %bitcast_convert_type3A_1298 = tpu.bitcast %and3A_1297 : vector<16xi32> -> vector<16xf32>
                %bitcast_convert_type3A_1299 = tpu.bitcast %select_n3A_1221 : vector<16xf32> -> vector<16xi32>
                %add3A_1300 = arith.constant 32768 : i32
                %add3A_1301 = vector.broadcast %add3A_1300 : i32 to vector<16xi32>
                %add3A_1302 = arith.addi %bitcast_convert_type3A_1299, %add3A_1301 : vector<16xi32>
                %and3A_1303 = arith.constant -65536 : i32
                %and3A_1304 = vector.broadcast %and3A_1303 : i32 to vector<16xi32>
                %and3A_1305 = arith.andi %add3A_1302, %and3A_1304 : vector<16xi32>
                %bitcast_convert_type3A_1306 = tpu.bitcast %and3A_1305 : vector<16xi32> -> vector<16xf32>
                %bitcast_convert_type3A_1307 = tpu.bitcast %select_n3A_1244 : vector<16xf32> -> vector<16xi32>
                %add3A_1308 = arith.constant 32768 : i32
                %add3A_1309 = vector.broadcast %add3A_1308 : i32 to vector<16xi32>
                %add3A_1310 = arith.addi %bitcast_convert_type3A_1307, %add3A_1309 : vector<16xi32>
                %and3A_1311 = arith.constant -65536 : i32
                %and3A_1312 = vector.broadcast %and3A_1311 : i32 to vector<16xi32>
                %and3A_1313 = arith.andi %add3A_1310, %and3A_1312 : vector<16xi32>
                %bitcast_convert_type3A_1314 = tpu.bitcast %and3A_1313 : vector<16xi32> -> vector<16xf32>
                %bitcast_convert_type3A_1315 = tpu.bitcast %select_n3A_1267 : vector<16xf32> -> vector<16xi32>
                %add3A_1316 = arith.constant 32768 : i32
                %add3A_1317 = vector.broadcast %add3A_1316 : i32 to vector<16xi32>
                %add3A_1318 = arith.addi %bitcast_convert_type3A_1315, %add3A_1317 : vector<16xi32>
                %and3A_1319 = arith.constant -65536 : i32
                %and3A_1320 = vector.broadcast %and3A_1319 : i32 to vector<16xi32>
                %and3A_1321 = arith.andi %add3A_1318, %and3A_1320 : vector<16xi32>
                %bitcast_convert_type3A_1322 = tpu.bitcast %and3A_1321 : vector<16xi32> -> vector<16xf32>
                %bitcast_convert_type3A_1323 = tpu.bitcast %select_n3A_1290 : vector<16xf32> -> vector<16xi32>
                %add3A_1324 = arith.constant 32768 : i32
                %add3A_1325 = vector.broadcast %add3A_1324 : i32 to vector<16xi32>
                %add3A_1326 = arith.addi %bitcast_convert_type3A_1323, %add3A_1325 : vector<16xi32>
                %and3A_1327 = arith.constant -65536 : i32
                %and3A_1328 = vector.broadcast %and3A_1327 : i32 to vector<16xi32>
                %and3A_1329 = arith.andi %add3A_1326, %and3A_1328 : vector<16xi32>
                %bitcast_convert_type3A_1330 = tpu.bitcast %and3A_1329 : vector<16xi32> -> vector<16xf32>
                %mul3A_1331 = vector.broadcast %squeeze3A_539 : f32 to vector<16xf32>
                %mul3A_1332 = arith.mulf %bitcast_convert_type3A_1298, %mul3A_1331 : vector<16xf32>
                %add3A_1333 = vector.broadcast %squeeze3A_569 : f32 to vector<16xf32>
                %add3A_1334 = arith.addf %mul3A_1332, %add3A_1333 : vector<16xf32>
                %mul3A_1335 = vector.broadcast %squeeze3A_545 : f32 to vector<16xf32>
                %mul3A_1336 = arith.mulf %bitcast_convert_type3A_1306, %mul3A_1335 : vector<16xf32>
                %add3A_1337 = arith.addf %add3A_1334, %mul3A_1336 : vector<16xf32>
                %mul3A_1338 = vector.broadcast %squeeze3A_551 : f32 to vector<16xf32>
                %mul3A_1339 = arith.mulf %bitcast_convert_type3A_1314, %mul3A_1338 : vector<16xf32>
                %add3A_1340 = arith.addf %add3A_1337, %mul3A_1339 : vector<16xf32>
                %mul3A_1341 = vector.broadcast %squeeze3A_557 : f32 to vector<16xf32>
                %mul3A_1342 = arith.mulf %bitcast_convert_type3A_1322, %mul3A_1341 : vector<16xf32>
                %add3A_1343 = arith.addf %add3A_1340, %mul3A_1342 : vector<16xf32>
                %mul3A_1344 = vector.broadcast %squeeze3A_563 : f32 to vector<16xf32>
                %mul3A_1345 = arith.mulf %bitcast_convert_type3A_1330, %mul3A_1344 : vector<16xf32>
                %add3A_1346 = arith.addf %add3A_1343, %mul3A_1345 : vector<16xf32>
                %mul3A_1347 = vector.broadcast %squeeze3A_541 : f32 to vector<16xf32>
                %mul3A_1348 = arith.mulf %bitcast_convert_type3A_1298, %mul3A_1347 : vector<16xf32>
                %add3A_1349 = vector.broadcast %squeeze3A_571 : f32 to vector<16xf32>
                %add3A_1350 = arith.addf %mul3A_1348, %add3A_1349 : vector<16xf32>
                %mul3A_1351 = vector.broadcast %squeeze3A_547 : f32 to vector<16xf32>
                %mul3A_1352 = arith.mulf %bitcast_convert_type3A_1306, %mul3A_1351 : vector<16xf32>
                %add3A_1353 = arith.addf %add3A_1350, %mul3A_1352 : vector<16xf32>
                %mul3A_1354 = vector.broadcast %squeeze3A_553 : f32 to vector<16xf32>
                %mul3A_1355 = arith.mulf %bitcast_convert_type3A_1314, %mul3A_1354 : vector<16xf32>
                %add3A_1356 = arith.addf %add3A_1353, %mul3A_1355 : vector<16xf32>
                %mul3A_1357 = vector.broadcast %squeeze3A_559 : f32 to vector<16xf32>
                %mul3A_1358 = arith.mulf %bitcast_convert_type3A_1322, %mul3A_1357 : vector<16xf32>
                %add3A_1359 = arith.addf %add3A_1356, %mul3A_1358 : vector<16xf32>
                %mul3A_1360 = vector.broadcast %squeeze3A_565 : f32 to vector<16xf32>
                %mul3A_1361 = arith.mulf %bitcast_convert_type3A_1330, %mul3A_1360 : vector<16xf32>
                %add3A_1362 = arith.addf %add3A_1359, %mul3A_1361 : vector<16xf32>
                %mul3A_1363 = vector.broadcast %squeeze3A_543 : f32 to vector<16xf32>
                %mul3A_1364 = arith.mulf %bitcast_convert_type3A_1298, %mul3A_1363 : vector<16xf32>
                %add3A_1365 = vector.broadcast %squeeze3A_573 : f32 to vector<16xf32>
                %add3A_1366 = arith.addf %mul3A_1364, %add3A_1365 : vector<16xf32>
                %mul3A_1367 = vector.broadcast %squeeze3A_549 : f32 to vector<16xf32>
                %mul3A_1368 = arith.mulf %bitcast_convert_type3A_1306, %mul3A_1367 : vector<16xf32>
                %add3A_1369 = arith.addf %add3A_1366, %mul3A_1368 : vector<16xf32>
                %mul3A_1370 = vector.broadcast %squeeze3A_555 : f32 to vector<16xf32>
                %mul3A_1371 = arith.mulf %bitcast_convert_type3A_1314, %mul3A_1370 : vector<16xf32>
                %add3A_1372 = arith.addf %add3A_1369, %mul3A_1371 : vector<16xf32>
                %mul3A_1373 = vector.broadcast %squeeze3A_561 : f32 to vector<16xf32>
                %mul3A_1374 = arith.mulf %bitcast_convert_type3A_1322, %mul3A_1373 : vector<16xf32>
                %add3A_1375 = arith.addf %add3A_1372, %mul3A_1374 : vector<16xf32>
                %mul3A_1376 = vector.broadcast %squeeze3A_567 : f32 to vector<16xf32>
                %mul3A_1377 = arith.mulf %bitcast_convert_type3A_1330, %mul3A_1376 : vector<16xf32>
                %add3A_1378 = arith.addf %add3A_1375, %mul3A_1377 : vector<16xf32>
                %mul3A_1379 = arith.mulf %add3A_1346, %mul3A_947 : vector<16xf32>
                %add3A_1380 = arith.addf %while3A_900, %mul3A_1379 : vector<16xf32>
                %mul3A_1381 = arith.mulf %add3A_1362, %mul3A_947 : vector<16xf32>
                %add3A_1382 = arith.addf %while3A_901, %mul3A_1381 : vector<16xf32>
                %mul3A_1383 = arith.mulf %add3A_1378, %mul3A_947 : vector<16xf32>
                %add3A_1384 = arith.addf %while3A_902, %mul3A_1383 : vector<16xf32>
                %add3A_1385 = arith.addf %while3A_903, %select_n3A_945 : vector<16xf32>
                scf.yield %add3A_1380, %add3A_1382, %add3A_1384, %add3A_1385 : vector<16xf32>, vector<16xf32>, vector<16xf32>, vector<16xf32>
              } else {
                scf.yield %while3A_900, %while3A_901, %while3A_902, %while3A_903 : vector<16xf32>, vector<16xf32>, vector<16xf32>, vector<16xf32>
              }
              scf.yield %cond3A_928#0, %cond3A_928#1, %cond3A_928#2, %cond3A_928#3 : vector<16xf32>, vector<16xf32>, vector<16xf32>, vector<16xf32>
            }
            %while3A_897 = arith.constant 1 : i32
            %while3A_898:4 = scf.for %while3A_899 = %while3A_894 to %while3A_890 step %while3A_897 iter_args(%while3A_900 = %while3A_896#0, %while3A_901 = %while3A_896#1, %while3A_902 = %while3A_896#2, %while3A_903 = %while3A_896#3) -> (vector<16xf32>, vector<16xf32>, vector<16xf32>, vector<16xf32>)  : i32 {
              %broadcast_in_dim3A_904 = vector.broadcast %while3A_899 : i32 to vector<16xi32>
              %gather3A = tpu.vector_load_idx %arg10[%broadcast_in_dim3A_904] : memref<128xf32, #tpu.memory_space<vmem>>[vector<16xi32>], vector<16xf32>,
              %gather3A_905 = tpu.vector_load_idx %arg11[%broadcast_in_dim3A_904] : memref<128xf32, #tpu.memory_space<vmem>>[vector<16xi32>], vector<16xf32>,
              %sub3A_906 = arith.subf %get3A_670, %gather3A : vector<16xf32>
              %sub3A_907 = arith.subf %get3A_672, %gather3A_905 : vector<16xf32>
              %mul3A_908 = arith.mulf %sub3A_906, %sub3A_906 : vector<16xf32>
              %mul3A_909 = arith.mulf %sub3A_907, %sub3A_907 : vector<16xf32>
              %add3A_910 = arith.addf %mul3A_908, %mul3A_909 : vector<16xf32>
              %le3A_911 = arith.constant 1.600000e-01 : f32
              %le3A_912 = vector.broadcast %le3A_911 : f32 to vector<16xf32>
              %le3A_913 = arith.cmpf ole, %add3A_910, %le3A_912 : vector<16xf32>
              %reduce_or3A_914 = arith.constant 1.000000e+00 : f32
              %reduce_or3A_915 = arith.constant 0.000000e+00 : f32
              %reduce_or3A_916 = vector.broadcast %reduce_or3A_914 : f32 to vector<16xf32>
              %reduce_or3A_917 = vector.broadcast %reduce_or3A_915 : f32 to vector<16xf32>
              %reduce_or3A_918 = arith.select %le3A_913, %reduce_or3A_916, %reduce_or3A_917 : vector<16xi1>, vector<16xf32>
              %reduce_or3A_919 = arith.constant true
              %reduce_or3A_920 = vector.broadcast %reduce_or3A_919 : i1 to vector<16xi1>
              %reduce_or3A_921 = tpu.scan <max>, %reduce_or3A_918 masked %reduce_or3A_920 : vector<16xf32>, vector<16xi1> -> vector<16xf32>
              %reduce_or3A_922 = vector.extract %reduce_or3A_921[15] : f32 from vector<16xf32>
              %reduce_or3A_923 = arith.constant 0.000000e+00 : f32
              %reduce_or3A_924 = arith.cmpf ogt, %reduce_or3A_922, %reduce_or3A_923 : f32
              %convert_element_type3A_925 = arith.extui %reduce_or3A_924 : i1 to i32
              %cond3A_926 = arith.constant 0 : i32
              %cond3A_927 = arith.cmpi ne, %convert_element_type3A_925, %cond3A_926 : i32
              %cond3A_928:4 = scf.if %cond3A_927 -> (vector<16xf32>, vector<16xf32>, vector<16xf32>, vector<16xf32>) {
                %gather3A_929 = tpu.vector_load_idx %arg12[%broadcast_in_dim3A_904] : memref<128xf32, #tpu.memory_space<vmem>>[vector<16xi32>], vector<16xf32>,
                %gather3A_930 = tpu.vector_load_idx %arg13[%broadcast_in_dim3A_904] : memref<128xf32, #tpu.memory_space<vmem>>[vector<16xi32>], vector<16xf32>,
                %gather3A_931 = tpu.vector_load_idx %arg14[%broadcast_in_dim3A_904] : memref<128xf32, #tpu.memory_space<vmem>>[vector<16xi32>], vector<16xf32>,
                %gather3A_932 = tpu.vector_load_idx %arg21[%broadcast_in_dim3A_904] : memref<128xf32, #tpu.memory_space<vmem>>[vector<16xi32>], vector<16xf32>,
                %gather3A_933 = tpu.vector_load_idx %arg22[%broadcast_in_dim3A_904] : memref<128xf32, #tpu.memory_space<vmem>>[vector<16xi32>], vector<16xf32>,
                %gather3A_934 = tpu.vector_load_idx %arg23[%broadcast_in_dim3A_904] : memref<128xf32, #tpu.memory_space<vmem>>[vector<16xi32>], vector<16xf32>,
                %gather3A_935 = tpu.vector_load_idx %arg24[%broadcast_in_dim3A_904] : memref<128xf32, #tpu.memory_space<vmem>>[vector<16xi32>], vector<16xf32>,
                %gather3A_936 = tpu.vector_load_idx %arg25[%broadcast_in_dim3A_904] : memref<128xf32, #tpu.memory_space<vmem>>[vector<16xi32>], vector<16xf32>,
                %gather3A_937 = tpu.vector_load_idx %arg26[%broadcast_in_dim3A_904] : memref<128xf32, #tpu.memory_space<vmem>>[vector<16xi32>], vector<16xf32>,
                %gather3A_938 = tpu.vector_load_idx %arg27[%broadcast_in_dim3A_904] : memref<128xf32, #tpu.memory_space<vmem>>[vector<16xi32>], vector<16xf32>,
                %gather3A_939 = tpu.vector_load_idx %arg28[%broadcast_in_dim3A_904] : memref<128xf32, #tpu.memory_space<vmem>>[vector<16xi32>], vector<16xf32>,
                %gather3A_940 = tpu.vector_load_idx %arg29[%broadcast_in_dim3A_904] : memref<128xf32, #tpu.memory_space<vmem>>[vector<16xi32>], vector<16xf32>,
                %jit3A_941 = arith.constant 1.000000e+00 : f32
                %jit3A_942 = arith.constant 0.000000e+00 : f32
                %broadcast_in_dim3A_943 = vector.broadcast %jit3A_941 : f32 to vector<16xf32>
                %broadcast_in_dim3A_944 = vector.broadcast %jit3A_942 : f32 to vector<16xf32>
                %select_n3A_945 = arith.select %le3A_913, %broadcast_in_dim3A_943, %broadcast_in_dim3A_944 : vector<16xi1>, vector<16xf32>
                %mul3A_946 = arith.mulf %get3A_678, %gather3A_931 : vector<16xf32>
                %mul3A_947 = arith.mulf %select_n3A_945, %mul3A_946 : vector<16xf32>
                %mul3A_948 = arith.mulf %get3A_674, %gather3A_929 : vector<16xf32>
                %mul3A_949 = arith.mulf %get3A_676, %gather3A_930 : vector<16xf32>
                %add3A_950 = arith.addf %mul3A_948, %mul3A_949 : vector<16xf32>
                %mul3A_951 = arith.mulf %get3A_676, %gather3A_929 : vector<16xf32>
                %mul3A_952 = arith.mulf %get3A_674, %gather3A_930 : vector<16xf32>
                %sub3A_953 = arith.subf %mul3A_951, %mul3A_952 : vector<16xf32>
                %sub3A_954 = arith.subf %gather3A_937, %get3A_680 : vector<16xf32>
                %sub3A_955 = arith.subf %gather3A_938, %get3A_682 : vector<16xf32>
                %sub3A_956 = arith.subf %gather3A_939, %get3A_684 : vector<16xf32>
                %sub3A_957 = arith.subf %gather3A_940, %get3A_686 : vector<16xf32>
                %bitcast_convert_type3A_958 = tpu.bitcast %sub3A_954 : vector<16xf32> -> vector<16xi32>
                %add3A_959 = arith.constant 32768 : i32
                %add3A_960 = vector.broadcast %add3A_959 : i32 to vector<16xi32>
                %add3A_961 = arith.addi %bitcast_convert_type3A_958, %add3A_960 : vector<16xi32>
                %and3A_962 = arith.constant -65536 : i32
                %and3A_963 = vector.broadcast %and3A_962 : i32 to vector<16xi32>
                %and3A_964 = arith.andi %add3A_961, %and3A_963 : vector<16xi32>
                %bitcast_convert_type3A_965 = tpu.bitcast %and3A_964 : vector<16xi32> -> vector<16xf32>
                %bitcast_convert_type3A_966 = tpu.bitcast %sub3A_955 : vector<16xf32> -> vector<16xi32>
                %add3A_967 = arith.constant 32768 : i32
                %add3A_968 = vector.broadcast %add3A_967 : i32 to vector<16xi32>
                %add3A_969 = arith.addi %bitcast_convert_type3A_966, %add3A_968 : vector<16xi32>
                %and3A_970 = arith.constant -65536 : i32
                %and3A_971 = vector.broadcast %and3A_970 : i32 to vector<16xi32>
                %and3A_972 = arith.andi %add3A_969, %and3A_971 : vector<16xi32>
                %bitcast_convert_type3A_973 = tpu.bitcast %and3A_972 : vector<16xi32> -> vector<16xf32>
                %bitcast_convert_type3A_974 = tpu.bitcast %sub3A_956 : vector<16xf32> -> vector<16xi32>
                %add3A_975 = arith.constant 32768 : i32
                %add3A_976 = vector.broadcast %add3A_975 : i32 to vector<16xi32>
                %add3A_977 = arith.addi %bitcast_convert_type3A_974, %add3A_976 : vector<16xi32>
                %and3A_978 = arith.constant -65536 : i32
                %and3A_979 = vector.broadcast %and3A_978 : i32 to vector<16xi32>
                %and3A_980 = arith.andi %add3A_977, %and3A_979 : vector<16xi32>
                %bitcast_convert_type3A_981 = tpu.bitcast %and3A_980 : vector<16xi32> -> vector<16xf32>
                %bitcast_convert_type3A_982 = tpu.bitcast %sub3A_957 : vector<16xf32> -> vector<16xi32>
                %add3A_983 = arith.constant 32768 : i32
                %add3A_984 = vector.broadcast %add3A_983 : i32 to vector<16xi32>
                %add3A_985 = arith.addi %bitcast_convert_type3A_982, %add3A_984 : vector<16xi32>
                %and3A_986 = arith.constant -65536 : i32
                %and3A_987 = vector.broadcast %and3A_986 : i32 to vector<16xi32>
                %and3A_988 = arith.andi %add3A_985, %and3A_987 : vector<16xi32>
                %bitcast_convert_type3A_989 = tpu.bitcast %and3A_988 : vector<16xi32> -> vector<16xf32>
                %bitcast_convert_type3A_990 = tpu.bitcast %add3A_950 : vector<16xf32> -> vector<16xi32>
                %add3A_991 = arith.constant 32768 : i32
                %add3A_992 = vector.broadcast %add3A_991 : i32 to vector<16xi32>
                %add3A_993 = arith.addi %bitcast_convert_type3A_990, %add3A_992 : vector<16xi32>
                %and3A_994 = arith.constant -65536 : i32
                %and3A_995 = vector.broadcast %and3A_994 : i32 to vector<16xi32>
                %and3A_996 = arith.andi %add3A_993, %and3A_995 : vector<16xi32>
                %bitcast_convert_type3A_997 = tpu.bitcast %and3A_996 : vector<16xi32> -> vector<16xf32>
                %bitcast_convert_type3A_998 = tpu.bitcast %sub3A_953 : vector<16xf32> -> vector<16xi32>
                %add3A_999 = arith.constant 32768 : i32
                %add3A_1000 = vector.broadcast %add3A_999 : i32 to vector<16xi32>
                %add3A_1001 = arith.addi %bitcast_convert_type3A_998, %add3A_1000 : vector<16xi32>
                %and3A_1002 = arith.constant -65536 : i32
                %and3A_1003 = vector.broadcast %and3A_1002 : i32 to vector<16xi32>
                %and3A_1004 = arith.andi %add3A_1001, %and3A_1003 : vector<16xi32>
                %bitcast_convert_type3A_1005 = tpu.bitcast %and3A_1004 : vector<16xi32> -> vector<16xf32>
                %add3A_1006 = arith.addf %get3A_688, %gather3A_932 : vector<16xf32>
                %mul3A_1007 = vector.broadcast %squeeze3A_459 : f32 to vector<16xf32>
                %mul3A_1008 = arith.mulf %bitcast_convert_type3A_997, %mul3A_1007 : vector<16xf32>
                %add3A_1009 = arith.addf %add3A_1006, %mul3A_1008 : vector<16xf32>
                %mul3A_1010 = vector.broadcast %squeeze3A_469 : f32 to vector<16xf32>
                %mul3A_1011 = arith.mulf %bitcast_convert_type3A_1005, %mul3A_1010 : vector<16xf32>
                %add3A_1012 = arith.addf %add3A_1009, %mul3A_1011 : vector<16xf32>
                %mul3A_1013 = vector.broadcast %squeeze3A_419 : f32 to vector<16xf32>
                %mul3A_1014 = arith.mulf %bitcast_convert_type3A_965, %mul3A_1013 : vector<16xf32>
                %add3A_1015 = arith.addf %add3A_1012, %mul3A_1014 : vector<16xf32>
                %mul3A_1016 = vector.broadcast %squeeze3A_429 : f32 to vector<16xf32>
                %mul3A_1017 = arith.mulf %bitcast_convert_type3A_973, %mul3A_1016 : vector<16xf32>
                %add3A_1018 = arith.addf %add3A_1015, %mul3A_1017 : vector<16xf32>
                %mul3A_1019 = vector.broadcast %squeeze3A_439 : f32 to vector<16xf32>
                %mul3A_1020 = arith.mulf %bitcast_convert_type3A_981, %mul3A_1019 : vector<16xf32>
                %add3A_1021 = arith.addf %add3A_1018, %mul3A_1020 : vector<16xf32>
                %mul3A_1022 = vector.broadcast %squeeze3A_449 : f32 to vector<16xf32>
                %mul3A_1023 = arith.mulf %bitcast_convert_type3A_989, %mul3A_1022 : vector<16xf32>
                %add3A_1024 = arith.addf %add3A_1021, %mul3A_1023 : vector<16xf32>
                %ge3A_1025 = arith.constant 0.000000e+00 : f32
                %ge3A_1026 = vector.broadcast %ge3A_1025 : f32 to vector<16xf32>
                %ge3A_1027 = arith.cmpf oge, %add3A_1024, %ge3A_1026 : vector<16xf32>
                %mul3A_1028 = arith.constant 0.00999999977 : f32
                %mul3A_1029 = vector.broadcast %mul3A_1028 : f32 to vector<16xf32>
                %mul3A_1030 = arith.mulf %mul3A_1029, %add3A_1024 : vector<16xf32>
                %select_n3A_1031 = arith.select %ge3A_1027, %add3A_1024, %mul3A_1030 : vector<16xi1>, vector<16xf32>
                %add3A_1032 = arith.addf %get3A_690, %gather3A_933 : vector<16xf32>
                %mul3A_1033 = vector.broadcast %squeeze3A_461 : f32 to vector<16xf32>
                %mul3A_1034 = arith.mulf %bitcast_convert_type3A_997, %mul3A_1033 : vector<16xf32>
                %add3A_1035 = arith.addf %add3A_1032, %mul3A_1034 : vector<16xf32>
                %mul3A_1036 = vector.broadcast %squeeze3A_471 : f32 to vector<16xf32>
                %mul3A_1037 = arith.mulf %bitcast_convert_type3A_1005, %mul3A_1036 : vector<16xf32>
                %add3A_1038 = arith.addf %add3A_1035, %mul3A_1037 : vector<16xf32>
                %mul3A_1039 = vector.broadcast %squeeze3A_421 : f32 to vector<16xf32>
                %mul3A_1040 = arith.mulf %bitcast_convert_type3A_965, %mul3A_1039 : vector<16xf32>
                %add3A_1041 = arith.addf %add3A_1038, %mul3A_1040 : vector<16xf32>
                %mul3A_1042 = vector.broadcast %squeeze3A_431 : f32 to vector<16xf32>
                %mul3A_1043 = arith.mulf %bitcast_convert_type3A_973, %mul3A_1042 : vector<16xf32>
                %add3A_1044 = arith.addf %add3A_1041, %mul3A_1043 : vector<16xf32>
                %mul3A_1045 = vector.broadcast %squeeze3A_441 : f32 to vector<16xf32>
                %mul3A_1046 = arith.mulf %bitcast_convert_type3A_981, %mul3A_1045 : vector<16xf32>
                %add3A_1047 = arith.addf %add3A_1044, %mul3A_1046 : vector<16xf32>
                %mul3A_1048 = vector.broadcast %squeeze3A_451 : f32 to vector<16xf32>
                %mul3A_1049 = arith.mulf %bitcast_convert_type3A_989, %mul3A_1048 : vector<16xf32>
                %add3A_1050 = arith.addf %add3A_1047, %mul3A_1049 : vector<16xf32>
                %ge3A_1051 = arith.constant 0.000000e+00 : f32
                %ge3A_1052 = vector.broadcast %ge3A_1051 : f32 to vector<16xf32>
                %ge3A_1053 = arith.cmpf oge, %add3A_1050, %ge3A_1052 : vector<16xf32>
                %mul3A_1054 = arith.constant 0.00999999977 : f32
                %mul3A_1055 = vector.broadcast %mul3A_1054 : f32 to vector<16xf32>
                %mul3A_1056 = arith.mulf %mul3A_1055, %add3A_1050 : vector<16xf32>
                %select_n3A_1057 = arith.select %ge3A_1053, %add3A_1050, %mul3A_1056 : vector<16xi1>, vector<16xf32>
                %add3A_1058 = arith.addf %get3A_692, %gather3A_934 : vector<16xf32>
                %mul3A_1059 = vector.broadcast %squeeze3A_463 : f32 to vector<16xf32>
                %mul3A_1060 = arith.mulf %bitcast_convert_type3A_997, %mul3A_1059 : vector<16xf32>
                %add3A_1061 = arith.addf %add3A_1058, %mul3A_1060 : vector<16xf32>
                %mul3A_1062 = vector.broadcast %squeeze3A_473 : f32 to vector<16xf32>
                %mul3A_1063 = arith.mulf %bitcast_convert_type3A_1005, %mul3A_1062 : vector<16xf32>
                %add3A_1064 = arith.addf %add3A_1061, %mul3A_1063 : vector<16xf32>
                %mul3A_1065 = vector.broadcast %squeeze3A_423 : f32 to vector<16xf32>
                %mul3A_1066 = arith.mulf %bitcast_convert_type3A_965, %mul3A_1065 : vector<16xf32>
                %add3A_1067 = arith.addf %add3A_1064, %mul3A_1066 : vector<16xf32>
                %mul3A_1068 = vector.broadcast %squeeze3A_433 : f32 to vector<16xf32>
                %mul3A_1069 = arith.mulf %bitcast_convert_type3A_973, %mul3A_1068 : vector<16xf32>
                %add3A_1070 = arith.addf %add3A_1067, %mul3A_1069 : vector<16xf32>
                %mul3A_1071 = vector.broadcast %squeeze3A_443 : f32 to vector<16xf32>
                %mul3A_1072 = arith.mulf %bitcast_convert_type3A_981, %mul3A_1071 : vector<16xf32>
                %add3A_1073 = arith.addf %add3A_1070, %mul3A_1072 : vector<16xf32>
                %mul3A_1074 = vector.broadcast %squeeze3A_453 : f32 to vector<16xf32>
                %mul3A_1075 = arith.mulf %bitcast_convert_type3A_989, %mul3A_1074 : vector<16xf32>
                %add3A_1076 = arith.addf %add3A_1073, %mul3A_1075 : vector<16xf32>
                %ge3A_1077 = arith.constant 0.000000e+00 : f32
                %ge3A_1078 = vector.broadcast %ge3A_1077 : f32 to vector<16xf32>
                %ge3A_1079 = arith.cmpf oge, %add3A_1076, %ge3A_1078 : vector<16xf32>
                %mul3A_1080 = arith.constant 0.00999999977 : f32
                %mul3A_1081 = vector.broadcast %mul3A_1080 : f32 to vector<16xf32>
                %mul3A_1082 = arith.mulf %mul3A_1081, %add3A_1076 : vector<16xf32>
                %select_n3A_1083 = arith.select %ge3A_1079, %add3A_1076, %mul3A_1082 : vector<16xi1>, vector<16xf32>
                %add3A_1084 = arith.addf %get3A_694, %gather3A_935 : vector<16xf32>
                %mul3A_1085 = vector.broadcast %squeeze3A_465 : f32 to vector<16xf32>
                %mul3A_1086 = arith.mulf %bitcast_convert_type3A_997, %mul3A_1085 : vector<16xf32>
                %add3A_1087 = arith.addf %add3A_1084, %mul3A_1086 : vector<16xf32>
                %mul3A_1088 = vector.broadcast %squeeze3A_475 : f32 to vector<16xf32>
                %mul3A_1089 = arith.mulf %bitcast_convert_type3A_1005, %mul3A_1088 : vector<16xf32>
                %add3A_1090 = arith.addf %add3A_1087, %mul3A_1089 : vector<16xf32>
                %mul3A_1091 = vector.broadcast %squeeze3A_425 : f32 to vector<16xf32>
                %mul3A_1092 = arith.mulf %bitcast_convert_type3A_965, %mul3A_1091 : vector<16xf32>
                %add3A_1093 = arith.addf %add3A_1090, %mul3A_1092 : vector<16xf32>
                %mul3A_1094 = vector.broadcast %squeeze3A_435 : f32 to vector<16xf32>
                %mul3A_1095 = arith.mulf %bitcast_convert_type3A_973, %mul3A_1094 : vector<16xf32>
                %add3A_1096 = arith.addf %add3A_1093, %mul3A_1095 : vector<16xf32>
                %mul3A_1097 = vector.broadcast %squeeze3A_445 : f32 to vector<16xf32>
                %mul3A_1098 = arith.mulf %bitcast_convert_type3A_981, %mul3A_1097 : vector<16xf32>
                %add3A_1099 = arith.addf %add3A_1096, %mul3A_1098 : vector<16xf32>
                %mul3A_1100 = vector.broadcast %squeeze3A_455 : f32 to vector<16xf32>
                %mul3A_1101 = arith.mulf %bitcast_convert_type3A_989, %mul3A_1100 : vector<16xf32>
                %add3A_1102 = arith.addf %add3A_1099, %mul3A_1101 : vector<16xf32>
                %ge3A_1103 = arith.constant 0.000000e+00 : f32
                %ge3A_1104 = vector.broadcast %ge3A_1103 : f32 to vector<16xf32>
                %ge3A_1105 = arith.cmpf oge, %add3A_1102, %ge3A_1104 : vector<16xf32>
                %mul3A_1106 = arith.constant 0.00999999977 : f32
                %mul3A_1107 = vector.broadcast %mul3A_1106 : f32 to vector<16xf32>
                %mul3A_1108 = arith.mulf %mul3A_1107, %add3A_1102 : vector<16xf32>
                %select_n3A_1109 = arith.select %ge3A_1105, %add3A_1102, %mul3A_1108 : vector<16xi1>, vector<16xf32>
                %add3A_1110 = arith.addf %get3A_696, %gather3A_936 : vector<16xf32>
                %mul3A_1111 = vector.broadcast %squeeze3A_467 : f32 to vector<16xf32>
                %mul3A_1112 = arith.mulf %bitcast_convert_type3A_997, %mul3A_1111 : vector<16xf32>
                %add3A_1113 = arith.addf %add3A_1110, %mul3A_1112 : vector<16xf32>
                %mul3A_1114 = vector.broadcast %squeeze3A_477 : f32 to vector<16xf32>
                %mul3A_1115 = arith.mulf %bitcast_convert_type3A_1005, %mul3A_1114 : vector<16xf32>
                %add3A_1116 = arith.addf %add3A_1113, %mul3A_1115 : vector<16xf32>
                %mul3A_1117 = vector.broadcast %squeeze3A_427 : f32 to vector<16xf32>
                %mul3A_1118 = arith.mulf %bitcast_convert_type3A_965, %mul3A_1117 : vector<16xf32>
                %add3A_1119 = arith.addf %add3A_1116, %mul3A_1118 : vector<16xf32>
                %mul3A_1120 = vector.broadcast %squeeze3A_437 : f32 to vector<16xf32>
                %mul3A_1121 = arith.mulf %bitcast_convert_type3A_973, %mul3A_1120 : vector<16xf32>
                %add3A_1122 = arith.addf %add3A_1119, %mul3A_1121 : vector<16xf32>
                %mul3A_1123 = vector.broadcast %squeeze3A_447 : f32 to vector<16xf32>
                %mul3A_1124 = arith.mulf %bitcast_convert_type3A_981, %mul3A_1123 : vector<16xf32>
                %add3A_1125 = arith.addf %add3A_1122, %mul3A_1124 : vector<16xf32>
                %mul3A_1126 = vector.broadcast %squeeze3A_457 : f32 to vector<16xf32>
                %mul3A_1127 = arith.mulf %bitcast_convert_type3A_989, %mul3A_1126 : vector<16xf32>
                %add3A_1128 = arith.addf %add3A_1125, %mul3A_1127 : vector<16xf32>
                %ge3A_1129 = arith.constant 0.000000e+00 : f32
                %ge3A_1130 = vector.broadcast %ge3A_1129 : f32 to vector<16xf32>
                %ge3A_1131 = arith.cmpf oge, %add3A_1128, %ge3A_1130 : vector<16xf32>
                %mul3A_1132 = arith.constant 0.00999999977 : f32
                %mul3A_1133 = vector.broadcast %mul3A_1132 : f32 to vector<16xf32>
                %mul3A_1134 = arith.mulf %mul3A_1133, %add3A_1128 : vector<16xf32>
                %select_n3A_1135 = arith.select %ge3A_1131, %add3A_1128, %mul3A_1134 : vector<16xi1>, vector<16xf32>
                %bitcast_convert_type3A_1136 = tpu.bitcast %select_n3A_1031 : vector<16xf32> -> vector<16xi32>
                %add3A_1137 = arith.constant 32768 : i32
                %add3A_1138 = vector.broadcast %add3A_1137 : i32 to vector<16xi32>
                %add3A_1139 = arith.addi %bitcast_convert_type3A_1136, %add3A_1138 : vector<16xi32>
                %and3A_1140 = arith.constant -65536 : i32
                %and3A_1141 = vector.broadcast %and3A_1140 : i32 to vector<16xi32>
                %and3A_1142 = arith.andi %add3A_1139, %and3A_1141 : vector<16xi32>
                %bitcast_convert_type3A_1143 = tpu.bitcast %and3A_1142 : vector<16xi32> -> vector<16xf32>
                %bitcast_convert_type3A_1144 = tpu.bitcast %select_n3A_1057 : vector<16xf32> -> vector<16xi32>
                %add3A_1145 = arith.constant 32768 : i32
                %add3A_1146 = vector.broadcast %add3A_1145 : i32 to vector<16xi32>
                %add3A_1147 = arith.addi %bitcast_convert_type3A_1144, %add3A_1146 : vector<16xi32>
                %and3A_1148 = arith.constant -65536 : i32
                %and3A_1149 = vector.broadcast %and3A_1148 : i32 to vector<16xi32>
                %and3A_1150 = arith.andi %add3A_1147, %and3A_1149 : vector<16xi32>
                %bitcast_convert_type3A_1151 = tpu.bitcast %and3A_1150 : vector<16xi32> -> vector<16xf32>
                %bitcast_convert_type3A_1152 = tpu.bitcast %select_n3A_1083 : vector<16xf32> -> vector<16xi32>
                %add3A_1153 = arith.constant 32768 : i32
                %add3A_1154 = vector.broadcast %add3A_1153 : i32 to vector<16xi32>
                %add3A_1155 = arith.addi %bitcast_convert_type3A_1152, %add3A_1154 : vector<16xi32>
                %and3A_1156 = arith.constant -65536 : i32
                %and3A_1157 = vector.broadcast %and3A_1156 : i32 to vector<16xi32>
                %and3A_1158 = arith.andi %add3A_1155, %and3A_1157 : vector<16xi32>
                %bitcast_convert_type3A_1159 = tpu.bitcast %and3A_1158 : vector<16xi32> -> vector<16xf32>
                %bitcast_convert_type3A_1160 = tpu.bitcast %select_n3A_1109 : vector<16xf32> -> vector<16xi32>
                %add3A_1161 = arith.constant 32768 : i32
                %add3A_1162 = vector.broadcast %add3A_1161 : i32 to vector<16xi32>
                %add3A_1163 = arith.addi %bitcast_convert_type3A_1160, %add3A_1162 : vector<16xi32>
                %and3A_1164 = arith.constant -65536 : i32
                %and3A_1165 = vector.broadcast %and3A_1164 : i32 to vector<16xi32>
                %and3A_1166 = arith.andi %add3A_1163, %and3A_1165 : vector<16xi32>
                %bitcast_convert_type3A_1167 = tpu.bitcast %and3A_1166 : vector<16xi32> -> vector<16xf32>
                %bitcast_convert_type3A_1168 = tpu.bitcast %select_n3A_1135 : vector<16xf32> -> vector<16xi32>
                %add3A_1169 = arith.constant 32768 : i32
                %add3A_1170 = vector.broadcast %add3A_1169 : i32 to vector<16xi32>
                %add3A_1171 = arith.addi %bitcast_convert_type3A_1168, %add3A_1170 : vector<16xi32>
                %and3A_1172 = arith.constant -65536 : i32
                %and3A_1173 = vector.broadcast %and3A_1172 : i32 to vector<16xi32>
                %and3A_1174 = arith.andi %add3A_1171, %and3A_1173 : vector<16xi32>
                %bitcast_convert_type3A_1175 = tpu.bitcast %and3A_1174 : vector<16xi32> -> vector<16xf32>
                %mul3A_1176 = vector.broadcast %squeeze3A_479 : f32 to vector<16xf32>
                %mul3A_1177 = arith.mulf %bitcast_convert_type3A_1143, %mul3A_1176 : vector<16xf32>
                %add3A_1178 = vector.broadcast %squeeze3A_529 : f32 to vector<16xf32>
                %add3A_1179 = arith.addf %mul3A_1177, %add3A_1178 : vector<16xf32>
                %mul3A_1180 = vector.broadcast %squeeze3A_489 : f32 to vector<16xf32>
                %mul3A_1181 = arith.mulf %bitcast_convert_type3A_1151, %mul3A_1180 : vector<16xf32>
                %add3A_1182 = arith.addf %add3A_1179, %mul3A_1181 : vector<16xf32>
                %mul3A_1183 = vector.broadcast %squeeze3A_499 : f32 to vector<16xf32>
                %mul3A_1184 = arith.mulf %bitcast_convert_type3A_1159, %mul3A_1183 : vector<16xf32>
                %add3A_1185 = arith.addf %add3A_1182, %mul3A_1184 : vector<16xf32>
                %mul3A_1186 = vector.broadcast %squeeze3A_509 : f32 to vector<16xf32>
                %mul3A_1187 = arith.mulf %bitcast_convert_type3A_1167, %mul3A_1186 : vector<16xf32>
                %add3A_1188 = arith.addf %add3A_1185, %mul3A_1187 : vector<16xf32>
                %mul3A_1189 = vector.broadcast %squeeze3A_519 : f32 to vector<16xf32>
                %mul3A_1190 = arith.mulf %bitcast_convert_type3A_1175, %mul3A_1189 : vector<16xf32>
                %add3A_1191 = arith.addf %add3A_1188, %mul3A_1190 : vector<16xf32>
                %ge3A_1192 = arith.constant 0.000000e+00 : f32
                %ge3A_1193 = vector.broadcast %ge3A_1192 : f32 to vector<16xf32>
                %ge3A_1194 = arith.cmpf oge, %add3A_1191, %ge3A_1193 : vector<16xf32>
                %mul3A_1195 = arith.constant 0.00999999977 : f32
                %mul3A_1196 = vector.broadcast %mul3A_1195 : f32 to vector<16xf32>
                %mul3A_1197 = arith.mulf %mul3A_1196, %add3A_1191 : vector<16xf32>
                %select_n3A_1198 = arith.select %ge3A_1194, %add3A_1191, %mul3A_1197 : vector<16xi1>, vector<16xf32>
                %mul3A_1199 = vector.broadcast %squeeze3A_481 : f32 to vector<16xf32>
                %mul3A_1200 = arith.mulf %bitcast_convert_type3A_1143, %mul3A_1199 : vector<16xf32>
                %add3A_1201 = vector.broadcast %squeeze3A_531 : f32 to vector<16xf32>
                %add3A_1202 = arith.addf %mul3A_1200, %add3A_1201 : vector<16xf32>
                %mul3A_1203 = vector.broadcast %squeeze3A_491 : f32 to vector<16xf32>
                %mul3A_1204 = arith.mulf %bitcast_convert_type3A_1151, %mul3A_1203 : vector<16xf32>
                %add3A_1205 = arith.addf %add3A_1202, %mul3A_1204 : vector<16xf32>
                %mul3A_1206 = vector.broadcast %squeeze3A_501 : f32 to vector<16xf32>
                %mul3A_1207 = arith.mulf %bitcast_convert_type3A_1159, %mul3A_1206 : vector<16xf32>
                %add3A_1208 = arith.addf %add3A_1205, %mul3A_1207 : vector<16xf32>
                %mul3A_1209 = vector.broadcast %squeeze3A_511 : f32 to vector<16xf32>
                %mul3A_1210 = arith.mulf %bitcast_convert_type3A_1167, %mul3A_1209 : vector<16xf32>
                %add3A_1211 = arith.addf %add3A_1208, %mul3A_1210 : vector<16xf32>
                %mul3A_1212 = vector.broadcast %squeeze3A_521 : f32 to vector<16xf32>
                %mul3A_1213 = arith.mulf %bitcast_convert_type3A_1175, %mul3A_1212 : vector<16xf32>
                %add3A_1214 = arith.addf %add3A_1211, %mul3A_1213 : vector<16xf32>
                %ge3A_1215 = arith.constant 0.000000e+00 : f32
                %ge3A_1216 = vector.broadcast %ge3A_1215 : f32 to vector<16xf32>
                %ge3A_1217 = arith.cmpf oge, %add3A_1214, %ge3A_1216 : vector<16xf32>
                %mul3A_1218 = arith.constant 0.00999999977 : f32
                %mul3A_1219 = vector.broadcast %mul3A_1218 : f32 to vector<16xf32>
                %mul3A_1220 = arith.mulf %mul3A_1219, %add3A_1214 : vector<16xf32>
                %select_n3A_1221 = arith.select %ge3A_1217, %add3A_1214, %mul3A_1220 : vector<16xi1>, vector<16xf32>
                %mul3A_1222 = vector.broadcast %squeeze3A_483 : f32 to vector<16xf32>
                %mul3A_1223 = arith.mulf %bitcast_convert_type3A_1143, %mul3A_1222 : vector<16xf32>
                %add3A_1224 = vector.broadcast %squeeze3A_533 : f32 to vector<16xf32>
                %add3A_1225 = arith.addf %mul3A_1223, %add3A_1224 : vector<16xf32>
                %mul3A_1226 = vector.broadcast %squeeze3A_493 : f32 to vector<16xf32>
                %mul3A_1227 = arith.mulf %bitcast_convert_type3A_1151, %mul3A_1226 : vector<16xf32>
                %add3A_1228 = arith.addf %add3A_1225, %mul3A_1227 : vector<16xf32>
                %mul3A_1229 = vector.broadcast %squeeze3A_503 : f32 to vector<16xf32>
                %mul3A_1230 = arith.mulf %bitcast_convert_type3A_1159, %mul3A_1229 : vector<16xf32>
                %add3A_1231 = arith.addf %add3A_1228, %mul3A_1230 : vector<16xf32>
                %mul3A_1232 = vector.broadcast %squeeze3A_513 : f32 to vector<16xf32>
                %mul3A_1233 = arith.mulf %bitcast_convert_type3A_1167, %mul3A_1232 : vector<16xf32>
                %add3A_1234 = arith.addf %add3A_1231, %mul3A_1233 : vector<16xf32>
                %mul3A_1235 = vector.broadcast %squeeze3A_523 : f32 to vector<16xf32>
                %mul3A_1236 = arith.mulf %bitcast_convert_type3A_1175, %mul3A_1235 : vector<16xf32>
                %add3A_1237 = arith.addf %add3A_1234, %mul3A_1236 : vector<16xf32>
                %ge3A_1238 = arith.constant 0.000000e+00 : f32
                %ge3A_1239 = vector.broadcast %ge3A_1238 : f32 to vector<16xf32>
                %ge3A_1240 = arith.cmpf oge, %add3A_1237, %ge3A_1239 : vector<16xf32>
                %mul3A_1241 = arith.constant 0.00999999977 : f32
                %mul3A_1242 = vector.broadcast %mul3A_1241 : f32 to vector<16xf32>
                %mul3A_1243 = arith.mulf %mul3A_1242, %add3A_1237 : vector<16xf32>
                %select_n3A_1244 = arith.select %ge3A_1240, %add3A_1237, %mul3A_1243 : vector<16xi1>, vector<16xf32>
                %mul3A_1245 = vector.broadcast %squeeze3A_485 : f32 to vector<16xf32>
                %mul3A_1246 = arith.mulf %bitcast_convert_type3A_1143, %mul3A_1245 : vector<16xf32>
                %add3A_1247 = vector.broadcast %squeeze3A_535 : f32 to vector<16xf32>
                %add3A_1248 = arith.addf %mul3A_1246, %add3A_1247 : vector<16xf32>
                %mul3A_1249 = vector.broadcast %squeeze3A_495 : f32 to vector<16xf32>
                %mul3A_1250 = arith.mulf %bitcast_convert_type3A_1151, %mul3A_1249 : vector<16xf32>
                %add3A_1251 = arith.addf %add3A_1248, %mul3A_1250 : vector<16xf32>
                %mul3A_1252 = vector.broadcast %squeeze3A_505 : f32 to vector<16xf32>
                %mul3A_1253 = arith.mulf %bitcast_convert_type3A_1159, %mul3A_1252 : vector<16xf32>
                %add3A_1254 = arith.addf %add3A_1251, %mul3A_1253 : vector<16xf32>
                %mul3A_1255 = vector.broadcast %squeeze3A_515 : f32 to vector<16xf32>
                %mul3A_1256 = arith.mulf %bitcast_convert_type3A_1167, %mul3A_1255 : vector<16xf32>
                %add3A_1257 = arith.addf %add3A_1254, %mul3A_1256 : vector<16xf32>
                %mul3A_1258 = vector.broadcast %squeeze3A_525 : f32 to vector<16xf32>
                %mul3A_1259 = arith.mulf %bitcast_convert_type3A_1175, %mul3A_1258 : vector<16xf32>
                %add3A_1260 = arith.addf %add3A_1257, %mul3A_1259 : vector<16xf32>
                %ge3A_1261 = arith.constant 0.000000e+00 : f32
                %ge3A_1262 = vector.broadcast %ge3A_1261 : f32 to vector<16xf32>
                %ge3A_1263 = arith.cmpf oge, %add3A_1260, %ge3A_1262 : vector<16xf32>
                %mul3A_1264 = arith.constant 0.00999999977 : f32
                %mul3A_1265 = vector.broadcast %mul3A_1264 : f32 to vector<16xf32>
                %mul3A_1266 = arith.mulf %mul3A_1265, %add3A_1260 : vector<16xf32>
                %select_n3A_1267 = arith.select %ge3A_1263, %add3A_1260, %mul3A_1266 : vector<16xi1>, vector<16xf32>
                %mul3A_1268 = vector.broadcast %squeeze3A_487 : f32 to vector<16xf32>
                %mul3A_1269 = arith.mulf %bitcast_convert_type3A_1143, %mul3A_1268 : vector<16xf32>
                %add3A_1270 = vector.broadcast %squeeze3A_537 : f32 to vector<16xf32>
                %add3A_1271 = arith.addf %mul3A_1269, %add3A_1270 : vector<16xf32>
                %mul3A_1272 = vector.broadcast %squeeze3A_497 : f32 to vector<16xf32>
                %mul3A_1273 = arith.mulf %bitcast_convert_type3A_1151, %mul3A_1272 : vector<16xf32>
                %add3A_1274 = arith.addf %add3A_1271, %mul3A_1273 : vector<16xf32>
                %mul3A_1275 = vector.broadcast %squeeze3A_507 : f32 to vector<16xf32>
                %mul3A_1276 = arith.mulf %bitcast_convert_type3A_1159, %mul3A_1275 : vector<16xf32>
                %add3A_1277 = arith.addf %add3A_1274, %mul3A_1276 : vector<16xf32>
                %mul3A_1278 = vector.broadcast %squeeze3A_517 : f32 to vector<16xf32>
                %mul3A_1279 = arith.mulf %bitcast_convert_type3A_1167, %mul3A_1278 : vector<16xf32>
                %add3A_1280 = arith.addf %add3A_1277, %mul3A_1279 : vector<16xf32>
                %mul3A_1281 = vector.broadcast %squeeze3A_527 : f32 to vector<16xf32>
                %mul3A_1282 = arith.mulf %bitcast_convert_type3A_1175, %mul3A_1281 : vector<16xf32>
                %add3A_1283 = arith.addf %add3A_1280, %mul3A_1282 : vector<16xf32>
                %ge3A_1284 = arith.constant 0.000000e+00 : f32
                %ge3A_1285 = vector.broadcast %ge3A_1284 : f32 to vector<16xf32>
                %ge3A_1286 = arith.cmpf oge, %add3A_1283, %ge3A_1285 : vector<16xf32>
                %mul3A_1287 = arith.constant 0.00999999977 : f32
                %mul3A_1288 = vector.broadcast %mul3A_1287 : f32 to vector<16xf32>
                %mul3A_1289 = arith.mulf %mul3A_1288, %add3A_1283 : vector<16xf32>
                %select_n3A_1290 = arith.select %ge3A_1286, %add3A_1283, %mul3A_1289 : vector<16xi1>, vector<16xf32>
                %bitcast_convert_type3A_1291 = tpu.bitcast %select_n3A_1198 : vector<16xf32> -> vector<16xi32>
                %add3A_1292 = arith.constant 32768 : i32
                %add3A_1293 = vector.broadcast %add3A_1292 : i32 to vector<16xi32>
                %add3A_1294 = arith.addi %bitcast_convert_type3A_1291, %add3A_1293 : vector<16xi32>
                %and3A_1295 = arith.constant -65536 : i32
                %and3A_1296 = vector.broadcast %and3A_1295 : i32 to vector<16xi32>
                %and3A_1297 = arith.andi %add3A_1294, %and3A_1296 : vector<16xi32>
                %bitcast_convert_type3A_1298 = tpu.bitcast %and3A_1297 : vector<16xi32> -> vector<16xf32>
                %bitcast_convert_type3A_1299 = tpu.bitcast %select_n3A_1221 : vector<16xf32> -> vector<16xi32>
                %add3A_1300 = arith.constant 32768 : i32
                %add3A_1301 = vector.broadcast %add3A_1300 : i32 to vector<16xi32>
                %add3A_1302 = arith.addi %bitcast_convert_type3A_1299, %add3A_1301 : vector<16xi32>
                %and3A_1303 = arith.constant -65536 : i32
                %and3A_1304 = vector.broadcast %and3A_1303 : i32 to vector<16xi32>
                %and3A_1305 = arith.andi %add3A_1302, %and3A_1304 : vector<16xi32>
                %bitcast_convert_type3A_1306 = tpu.bitcast %and3A_1305 : vector<16xi32> -> vector<16xf32>
                %bitcast_convert_type3A_1307 = tpu.bitcast %select_n3A_1244 : vector<16xf32> -> vector<16xi32>
                %add3A_1308 = arith.constant 32768 : i32
                %add3A_1309 = vector.broadcast %add3A_1308 : i32 to vector<16xi32>
                %add3A_1310 = arith.addi %bitcast_convert_type3A_1307, %add3A_1309 : vector<16xi32>
                %and3A_1311 = arith.constant -65536 : i32
                %and3A_1312 = vector.broadcast %and3A_1311 : i32 to vector<16xi32>
                %and3A_1313 = arith.andi %add3A_1310, %and3A_1312 : vector<16xi32>
                %bitcast_convert_type3A_1314 = tpu.bitcast %and3A_1313 : vector<16xi32> -> vector<16xf32>
                %bitcast_convert_type3A_1315 = tpu.bitcast %select_n3A_1267 : vector<16xf32> -> vector<16xi32>
                %add3A_1316 = arith.constant 32768 : i32
                %add3A_1317 = vector.broadcast %add3A_1316 : i32 to vector<16xi32>
                %add3A_1318 = arith.addi %bitcast_convert_type3A_1315, %add3A_1317 : vector<16xi32>
                %and3A_1319 = arith.constant -65536 : i32
                %and3A_1320 = vector.broadcast %and3A_1319 : i32 to vector<16xi32>
                %and3A_1321 = arith.andi %add3A_1318, %and3A_1320 : vector<16xi32>
                %bitcast_convert_type3A_1322 = tpu.bitcast %and3A_1321 : vector<16xi32> -> vector<16xf32>
                %bitcast_convert_type3A_1323 = tpu.bitcast %select_n3A_1290 : vector<16xf32> -> vector<16xi32>
                %add3A_1324 = arith.constant 32768 : i32
                %add3A_1325 = vector.broadcast %add3A_1324 : i32 to vector<16xi32>
                %add3A_1326 = arith.addi %bitcast_convert_type3A_1323, %add3A_1325 : vector<16xi32>
                %and3A_1327 = arith.constant -65536 : i32
                %and3A_1328 = vector.broadcast %and3A_1327 : i32 to vector<16xi32>
                %and3A_1329 = arith.andi %add3A_1326, %and3A_1328 : vector<16xi32>
                %bitcast_convert_type3A_1330 = tpu.bitcast %and3A_1329 : vector<16xi32> -> vector<16xf32>
                %mul3A_1331 = vector.broadcast %squeeze3A_539 : f32 to vector<16xf32>
                %mul3A_1332 = arith.mulf %bitcast_convert_type3A_1298, %mul3A_1331 : vector<16xf32>
                %add3A_1333 = vector.broadcast %squeeze3A_569 : f32 to vector<16xf32>
                %add3A_1334 = arith.addf %mul3A_1332, %add3A_1333 : vector<16xf32>
                %mul3A_1335 = vector.broadcast %squeeze3A_545 : f32 to vector<16xf32>
                %mul3A_1336 = arith.mulf %bitcast_convert_type3A_1306, %mul3A_1335 : vector<16xf32>
                %add3A_1337 = arith.addf %add3A_1334, %mul3A_1336 : vector<16xf32>
                %mul3A_1338 = vector.broadcast %squeeze3A_551 : f32 to vector<16xf32>
                %mul3A_1339 = arith.mulf %bitcast_convert_type3A_1314, %mul3A_1338 : vector<16xf32>
                %add3A_1340 = arith.addf %add3A_1337, %mul3A_1339 : vector<16xf32>
                %mul3A_1341 = vector.broadcast %squeeze3A_557 : f32 to vector<16xf32>
                %mul3A_1342 = arith.mulf %bitcast_convert_type3A_1322, %mul3A_1341 : vector<16xf32>
                %add3A_1343 = arith.addf %add3A_1340, %mul3A_1342 : vector<16xf32>
                %mul3A_1344 = vector.broadcast %squeeze3A_563 : f32 to vector<16xf32>
                %mul3A_1345 = arith.mulf %bitcast_convert_type3A_1330, %mul3A_1344 : vector<16xf32>
                %add3A_1346 = arith.addf %add3A_1343, %mul3A_1345 : vector<16xf32>
                %mul3A_1347 = vector.broadcast %squeeze3A_541 : f32 to vector<16xf32>
                %mul3A_1348 = arith.mulf %bitcast_convert_type3A_1298, %mul3A_1347 : vector<16xf32>
                %add3A_1349 = vector.broadcast %squeeze3A_571 : f32 to vector<16xf32>
                %add3A_1350 = arith.addf %mul3A_1348, %add3A_1349 : vector<16xf32>
                %mul3A_1351 = vector.broadcast %squeeze3A_547 : f32 to vector<16xf32>
                %mul3A_1352 = arith.mulf %bitcast_convert_type3A_1306, %mul3A_1351 : vector<16xf32>
                %add3A_1353 = arith.addf %add3A_1350, %mul3A_1352 : vector<16xf32>
                %mul3A_1354 = vector.broadcast %squeeze3A_553 : f32 to vector<16xf32>
                %mul3A_1355 = arith.mulf %bitcast_convert_type3A_1314, %mul3A_1354 : vector<16xf32>
                %add3A_1356 = arith.addf %add3A_1353, %mul3A_1355 : vector<16xf32>
                %mul3A_1357 = vector.broadcast %squeeze3A_559 : f32 to vector<16xf32>
                %mul3A_1358 = arith.mulf %bitcast_convert_type3A_1322, %mul3A_1357 : vector<16xf32>
                %add3A_1359 = arith.addf %add3A_1356, %mul3A_1358 : vector<16xf32>
                %mul3A_1360 = vector.broadcast %squeeze3A_565 : f32 to vector<16xf32>
                %mul3A_1361 = arith.mulf %bitcast_convert_type3A_1330, %mul3A_1360 : vector<16xf32>
                %add3A_1362 = arith.addf %add3A_1359, %mul3A_1361 : vector<16xf32>
                %mul3A_1363 = vector.broadcast %squeeze3A_543 : f32 to vector<16xf32>
                %mul3A_1364 = arith.mulf %bitcast_convert_type3A_1298, %mul3A_1363 : vector<16xf32>
                %add3A_1365 = vector.broadcast %squeeze3A_573 : f32 to vector<16xf32>
                %add3A_1366 = arith.addf %mul3A_1364, %add3A_1365 : vector<16xf32>
                %mul3A_1367 = vector.broadcast %squeeze3A_549 : f32 to vector<16xf32>
                %mul3A_1368 = arith.mulf %bitcast_convert_type3A_1306, %mul3A_1367 : vector<16xf32>
                %add3A_1369 = arith.addf %add3A_1366, %mul3A_1368 : vector<16xf32>
                %mul3A_1370 = vector.broadcast %squeeze3A_555 : f32 to vector<16xf32>
                %mul3A_1371 = arith.mulf %bitcast_convert_type3A_1314, %mul3A_1370 : vector<16xf32>
                %add3A_1372 = arith.addf %add3A_1369, %mul3A_1371 : vector<16xf32>
                %mul3A_1373 = vector.broadcast %squeeze3A_561 : f32 to vector<16xf32>
                %mul3A_1374 = arith.mulf %bitcast_convert_type3A_1322, %mul3A_1373 : vector<16xf32>
                %add3A_1375 = arith.addf %add3A_1372, %mul3A_1374 : vector<16xf32>
                %mul3A_1376 = vector.broadcast %squeeze3A_567 : f32 to vector<16xf32>
                %mul3A_1377 = arith.mulf %bitcast_convert_type3A_1330, %mul3A_1376 : vector<16xf32>
                %add3A_1378 = arith.addf %add3A_1375, %mul3A_1377 : vector<16xf32>
                %mul3A_1379 = arith.mulf %add3A_1346, %mul3A_947 : vector<16xf32>
                %add3A_1380 = arith.addf %while3A_900, %mul3A_1379 : vector<16xf32>
                %mul3A_1381 = arith.mulf %add3A_1362, %mul3A_947 : vector<16xf32>
                %add3A_1382 = arith.addf %while3A_901, %mul3A_1381 : vector<16xf32>
                %mul3A_1383 = arith.mulf %add3A_1378, %mul3A_947 : vector<16xf32>
                %add3A_1384 = arith.addf %while3A_902, %mul3A_1383 : vector<16xf32>
                %add3A_1385 = arith.addf %while3A_903, %select_n3A_945 : vector<16xf32>
                scf.yield %add3A_1380, %add3A_1382, %add3A_1384, %add3A_1385 : vector<16xf32>, vector<16xf32>, vector<16xf32>, vector<16xf32>
              } else {
                scf.yield %while3A_900, %while3A_901, %while3A_902, %while3A_903 : vector<16xf32>, vector<16xf32>, vector<16xf32>, vector<16xf32>
              }
              scf.yield %cond3A_928#0, %cond3A_928#1, %cond3A_928#2, %cond3A_928#3 : vector<16xf32>, vector<16xf32>, vector<16xf32>, vector<16xf32>
            }
            scf.yield %while3A_898#0, %while3A_898#1, %while3A_898#2, %while3A_898#3 : vector<16xf32>, vector<16xf32>, vector<16xf32>, vector<16xf32>
          } else {
            scf.yield %scan3A_864, %scan3A_865, %scan3A_866, %scan3A_867 : vector<16xf32>, vector<16xf32>, vector<16xf32>, vector<16xf32>
          }
          scf.yield %cond3A_887#0, %cond3A_887#1, %cond3A_887#2, %cond3A_887#3 : vector<16xf32>, vector<16xf32>, vector<16xf32>, vector<16xf32>
        }
        %scan3A_716 = arith.constant 8 : i32
        %get3A_717 = arith.index_cast %multiple_of3A : i32 to index
        %get3A_718 = tpu.vector_load %arg7[%get3A_717] {strides = array<i32>} : memref<128xf32, #tpu.memory_space<vmem>>, vector<16xf32>,
        %get3A_719 = arith.index_cast %multiple_of3A : i32 to index
        %get3A_720 = tpu.vector_load %arg15[%get3A_719] {strides = array<i32>} : memref<128xf32, #tpu.memory_space<vmem>>, vector<16xf32>,
        %get3A_721 = arith.index_cast %multiple_of3A : i32 to index
        %get3A_722 = tpu.vector_load %arg8[%get3A_721] {strides = array<i32>} : memref<128xf32, #tpu.memory_space<vmem>>, vector<16xf32>,
        %get3A_723 = arith.index_cast %multiple_of3A : i32 to index
        %get3A_724 = tpu.vector_load %arg9[%get3A_723] {strides = array<i32>} : memref<128xf32, #tpu.memory_space<vmem>>, vector<16xf32>,
        %mul3A_725 = arith.mulf %get3A_718, %scan3A_715#3 : vector<16xf32>
        %eq3A_726 = arith.constant 0.000000e+00 : f32
        %eq3A_727 = vector.broadcast %eq3A_726 : f32 to vector<16xf32>
        %eq3A_728 = arith.cmpf oeq, %mul3A_725, %eq3A_727 : vector<16xf32>
        %jit3A_729 = arith.constant 1.000000e+00 : f32
        %broadcast_in_dim3A_730 = vector.broadcast %jit3A_729 : f32 to vector<16xf32>
        %select_n3A_731 = arith.select %eq3A_728, %broadcast_in_dim3A_730, %mul3A_725 : vector<16xi1>, vector<16xf32>
        %bitcast_convert_type3A_732 = tpu.bitcast %select_n3A_731 : vector<16xf32> -> vector<16xi32>
        %shift_right_arithmetic3A_733 = arith.constant 1 : i32
        %shift_right_arithmetic3A_734 = vector.broadcast %shift_right_arithmetic3A_733 : i32 to vector<16xi32>
        %shift_right_arithmetic3A_735 = arith.shrsi %bitcast_convert_type3A_732, %shift_right_arithmetic3A_734 : vector<16xi32>
        %sub3A_736 = arith.constant 1597463007 : i32
        %sub3A_737 = vector.broadcast %sub3A_736 : i32 to vector<16xi32>
        %sub3A_738 = arith.subi %sub3A_737, %shift_right_arithmetic3A_735 : vector<16xi32>
        %bitcast_convert_type3A_739 = tpu.bitcast %sub3A_738 : vector<16xi32> -> vector<16xf32>
        %mul3A_740 = arith.constant 5.000000e-01 : f32
        %mul3A_741 = vector.broadcast %mul3A_740 : f32 to vector<16xf32>
        %mul3A_742 = arith.mulf %mul3A_741, %select_n3A_731 : vector<16xf32>
        %mul3A_743 = arith.mulf %mul3A_742, %bitcast_convert_type3A_739 : vector<16xf32>
        %mul3A_744 = arith.mulf %mul3A_743, %bitcast_convert_type3A_739 : vector<16xf32>
        %sub3A_745 = arith.constant 1.500000e+00 : f32
        %sub3A_746 = vector.broadcast %sub3A_745 : f32 to vector<16xf32>
        %sub3A_747 = arith.subf %sub3A_746, %mul3A_744 : vector<16xf32>
        %mul3A_748 = arith.mulf %bitcast_convert_type3A_739, %sub3A_747 : vector<16xf32>
        %mul3A_749 = arith.constant 5.000000e-01 : f32
        %mul3A_750 = vector.broadcast %mul3A_749 : f32 to vector<16xf32>
        %mul3A_751 = arith.mulf %mul3A_750, %select_n3A_731 : vector<16xf32>
        %mul3A_752 = arith.mulf %mul3A_751, %mul3A_748 : vector<16xf32>
        %mul3A_753 = arith.mulf %mul3A_752, %mul3A_748 : vector<16xf32>
        %sub3A_754 = arith.constant 1.500000e+00 : f32
        %sub3A_755 = vector.broadcast %sub3A_754 : f32 to vector<16xf32>
        %sub3A_756 = arith.subf %sub3A_755, %mul3A_753 : vector<16xf32>
        %mul3A_757 = arith.mulf %mul3A_748, %sub3A_756 : vector<16xf32>
        %mul3A_758 = arith.constant 5.000000e-01 : f32
        %mul3A_759 = vector.broadcast %mul3A_758 : f32 to vector<16xf32>
        %mul3A_760 = arith.mulf %mul3A_759, %select_n3A_731 : vector<16xf32>
        %mul3A_761 = arith.mulf %mul3A_760, %mul3A_757 : vector<16xf32>
        %mul3A_762 = arith.mulf %mul3A_761, %mul3A_757 : vector<16xf32>
        %sub3A_763 = arith.constant 1.500000e+00 : f32
        %sub3A_764 = vector.broadcast %sub3A_763 : f32 to vector<16xf32>
        %sub3A_765 = arith.subf %sub3A_764, %mul3A_762 : vector<16xf32>
        %mul3A_766 = arith.mulf %mul3A_757, %sub3A_765 : vector<16xf32>
        %mul3A_767 = arith.mulf %mul3A_766, %mul3A_766 : vector<16xf32>
        %mul3A_768 = arith.mulf %get3A_718, %mul3A_767 : vector<16xf32>
        %mul3A_769 = arith.mulf %mul3A_768, %get3A_720 : vector<16xf32>
        %mul3A_770 = arith.mulf %get3A_718, %scan3A_715#3 : vector<16xf32>
        %mul3A_771 = arith.mulf %mul3A_770, %mul3A_767 : vector<16xf32>
        %mul3A_772 = arith.mulf %mul3A_771, %get3A_720 : vector<16xf32>
        %mul3A_773 = arith.mulf %scan3A_715#0, %mul3A_769 : vector<16xf32>
        %mul3A_774 = arith.mulf %scan3A_715#1, %mul3A_769 : vector<16xf32>
        %mul3A_775 = arith.mulf %scan3A_715#2, %mul3A_769 : vector<16xf32>
        %sign3A = tpu.bitcast %mul3A_775 : vector<16xf32> -> vector<16xi32>
        %sign3A_776 = arith.constant -2147483648 : i32
        %sign3A_777 = vector.broadcast %sign3A_776 : i32 to vector<16xi32>
        %sign3A_778 = arith.andi %sign3A, %sign3A_777 : vector<16xi32>
        %sign3A_779 = arith.constant 1065353216 : i32
        %sign3A_780 = vector.broadcast %sign3A_779 : i32 to vector<16xi32>
        %sign3A_781 = arith.ori %sign3A_780, %sign3A_778 : vector<16xi32>
        %sign3A_782 = tpu.bitcast %sign3A_781 : vector<16xi32> -> vector<16xf32>
        %sign3A_783 = math.absf %mul3A_775 : vector<16xf32>
        %sign3A_784 = arith.constant 0.000000e+00 : f32
        %sign3A_785 = vector.broadcast %sign3A_784 : f32 to vector<16xf32>
        %sign3A_786 = arith.cmpf ogt, %sign3A_783, %sign3A_785 : vector<16xf32>
        %sign3A_787 = arith.select %sign3A_786, %sign3A_782, %mul3A_775 : vector<16xi1>, vector<16xf32>
        %mul3A_788 = arith.constant 5.000000e-01 : f32
        %mul3A_789 = vector.broadcast %mul3A_788 : f32 to vector<16xf32>
        %mul3A_790 = arith.mulf %mul3A_789, %sign3A_787 : vector<16xf32>
        %add3A_791 = arith.addf %mul3A_775, %mul3A_790 : vector<16xf32>
        %convert_element_type3A = arith.fptosi %add3A_791 : vector<16xf32> to vector<16xi32>
        %convert_element_type3A_792 = arith.sitofp %convert_element_type3A : vector<16xi32> to vector<16xf32>
        %sub3A_793 = arith.subf %mul3A_775, %convert_element_type3A_792 : vector<16xf32>
        %mul3A_794 = arith.mulf %sub3A_793, %sub3A_793 : vector<16xf32>
        %mul3A_795 = arith.constant -12.5763903 : f32
        %mul3A_796 = vector.broadcast %mul3A_795 : f32 to vector<16xf32>
        %mul3A_797 = arith.mulf %mul3A_796, %mul3A_794 : vector<16xf32>
        %add3A_798 = arith.constant 41.4034462 : f32
        %add3A_799 = vector.broadcast %add3A_798 : f32 to vector<16xf32>
        %add3A_800 = arith.addf %mul3A_797, %add3A_799 : vector<16xf32>
        %mul3A_801 = arith.mulf %add3A_800, %mul3A_794 : vector<16xf32>
        %add3A_802 = arith.constant -76.6265563 : f32
        %add3A_803 = vector.broadcast %add3A_802 : f32 to vector<16xf32>
        %add3A_804 = arith.addf %mul3A_801, %add3A_803 : vector<16xf32>
        %mul3A_805 = arith.mulf %add3A_804, %mul3A_794 : vector<16xf32>
        %add3A_806 = arith.constant 81.600914 : f32
        %add3A_807 = vector.broadcast %add3A_806 : f32 to vector<16xf32>
        %add3A_808 = arith.addf %mul3A_805, %add3A_807 : vector<16xf32>
        %mul3A_809 = arith.mulf %add3A_808, %mul3A_794 : vector<16xf32>
        %add3A_810 = arith.constant -41.3416176 : f32
        %add3A_811 = vector.broadcast %add3A_810 : f32 to vector<16xf32>
        %add3A_812 = arith.addf %mul3A_809, %add3A_811 : vector<16xf32>
        %mul3A_813 = arith.mulf %add3A_812, %mul3A_794 : vector<16xf32>
        %add3A_814 = arith.constant 6.283185 : f32
        %add3A_815 = vector.broadcast %add3A_814 : f32 to vector<16xf32>
        %add3A_816 = arith.addf %mul3A_813, %add3A_815 : vector<16xf32>
        %mul3A_817 = arith.mulf %add3A_816, %sub3A_793 : vector<16xf32>
        %mul3A_818 = arith.constant 6.575560e+00 : f32
        %mul3A_819 = vector.broadcast %mul3A_818 : f32 to vector<16xf32>
        %mul3A_820 = arith.mulf %mul3A_819, %mul3A_794 : vector<16xf32>
        %add3A_821 = arith.constant -26.000494 : f32
        %add3A_822 = vector.broadcast %add3A_821 : f32 to vector<16xf32>
        %add3A_823 = arith.addf %mul3A_820, %add3A_822 : vector<16xf32>
        %mul3A_824 = arith.mulf %add3A_823, %mul3A_794 : vector<16xf32>
        %add3A_825 = arith.constant 60.1762199 : f32
        %add3A_826 = vector.broadcast %add3A_825 : f32 to vector<16xf32>
        %add3A_827 = arith.addf %mul3A_824, %add3A_826 : vector<16xf32>
        %mul3A_828 = arith.mulf %add3A_827, %mul3A_794 : vector<16xf32>
        %add3A_829 = arith.constant -85.4511642 : f32
        %add3A_830 = vector.broadcast %add3A_829 : f32 to vector<16xf32>
        %add3A_831 = arith.addf %mul3A_828, %add3A_830 : vector<16xf32>
        %mul3A_832 = arith.mulf %add3A_831, %mul3A_794 : vector<16xf32>
        %add3A_833 = arith.constant 64.9391708 : f32
        %add3A_834 = vector.broadcast %add3A_833 : f32 to vector<16xf32>
        %add3A_835 = arith.addf %mul3A_832, %add3A_834 : vector<16xf32>
        %mul3A_836 = arith.mulf %add3A_835, %mul3A_794 : vector<16xf32>
        %add3A_837 = arith.constant -19.7392063 : f32
        %add3A_838 = vector.broadcast %add3A_837 : f32 to vector<16xf32>
        %add3A_839 = arith.addf %mul3A_836, %add3A_838 : vector<16xf32>
        %mul3A_840 = arith.mulf %add3A_839, %mul3A_794 : vector<16xf32>
        %add3A_841 = arith.constant 1.000000e+00 : f32
        %add3A_842 = vector.broadcast %add3A_841 : f32 to vector<16xf32>
        %add3A_843 = arith.addf %mul3A_840, %add3A_842 : vector<16xf32>
        %mul3A_844 = arith.mulf %get3A_722, %mul3A_772 : vector<16xf32>
        %mul3A_845 = arith.mulf %get3A_724, %mul3A_772 : vector<16xf32>
        %mul3A_846 = arith.mulf %add3A_843, %mul3A_844 : vector<16xf32>
        %mul3A_847 = arith.mulf %mul3A_817, %mul3A_845 : vector<16xf32>
        %sub3A_848 = arith.subf %mul3A_846, %mul3A_847 : vector<16xf32>
        %mul3A_849 = arith.mulf %mul3A_817, %mul3A_844 : vector<16xf32>
        %mul3A_850 = arith.mulf %add3A_843, %mul3A_845 : vector<16xf32>
        %add3A_851 = arith.addf %mul3A_849, %mul3A_850 : vector<16xf32>
        %mul3A_852 = arith.mulf %get3A_718, %mul3A_772 : vector<16xf32>
        %mul3A_853 = arith.mulf %mul3A_852, %get3A_720 : vector<16xf32>
        %add3A_854 = arith.addf %scan3A_662, %mul3A_853 : vector<16xf32>
        %mul3A_855 = arith.mulf %mul3A_853, %mul3A_773 : vector<16xf32>
        %add3A_856 = arith.addf %scan3A_663, %mul3A_855 : vector<16xf32>
        %mul3A_857 = arith.mulf %mul3A_853, %mul3A_774 : vector<16xf32>
        %add3A_858 = arith.addf %scan3A_664, %mul3A_857 : vector<16xf32>
        %mul3A_859 = arith.mulf %mul3A_853, %sub3A_848 : vector<16xf32>
        %add3A_860 = arith.addf %scan3A_665, %mul3A_859 : vector<16xf32>
        %mul3A_861 = arith.mulf %mul3A_853, %add3A_851 : vector<16xf32>
        %add3A_862 = arith.addf %scan3A_666, %mul3A_861 : vector<16xf32>
        scf.yield %add3A_854, %add3A_856, %add3A_858, %add3A_860, %add3A_862 : vector<16xf32>, vector<16xf32>, vector<16xf32>, vector<16xf32>, vector<16xf32>
      }
      %scan3A_581 = arith.constant 8 : i32
      %reduce_sum3A = arith.constant true
      %reduce_sum3A_582 = vector.broadcast %reduce_sum3A : i1 to vector<16xi1>
      %reduce_sum3A_583 = tpu.scan <sum>, %scan3A_580#0 masked %reduce_sum3A_582 : vector<16xf32>, vector<16xi1> -> vector<16xf32>
      %reduce_sum3A_584 = vector.extract %reduce_sum3A_583[15] : f32 from vector<16xf32>
      %eq3A = arith.constant 0.000000e+00 : f32
      %eq3A_585 = arith.cmpf oeq, %reduce_sum3A_584, %eq3A : f32
      %jit3A = arith.constant 1.000000e+00 : f32
      %select_n3A = arith.select %eq3A_585, %jit3A, %reduce_sum3A_584 : f32
      %broadcast_in_dim3A_586 = vector.broadcast %select_n3A : f32 to vector<16xf32>
      %bitcast_convert_type3A = tpu.bitcast %broadcast_in_dim3A_586 : vector<16xf32> -> vector<16xi32>
      %shift_right_arithmetic3A = arith.constant 1 : i32
      %shift_right_arithmetic3A_587 = vector.broadcast %shift_right_arithmetic3A : i32 to vector<16xi32>
      %shift_right_arithmetic3A_588 = arith.shrsi %bitcast_convert_type3A, %shift_right_arithmetic3A_587 : vector<16xi32>
      %sub3A = arith.constant 1597463007 : i32
      %sub3A_589 = vector.broadcast %sub3A : i32 to vector<16xi32>
      %sub3A_590 = arith.subi %sub3A_589, %shift_right_arithmetic3A_588 : vector<16xi32>
      %bitcast_convert_type3A_591 = tpu.bitcast %sub3A_590 : vector<16xi32> -> vector<16xf32>
      %mul3A_592 = arith.constant 5.000000e-01 : f32
      %mul3A_593 = vector.broadcast %mul3A_592 : f32 to vector<16xf32>
      %mul3A_594 = arith.mulf %mul3A_593, %broadcast_in_dim3A_586 : vector<16xf32>
      %mul3A_595 = arith.mulf %mul3A_594, %bitcast_convert_type3A_591 : vector<16xf32>
      %mul3A_596 = arith.mulf %mul3A_595, %bitcast_convert_type3A_591 : vector<16xf32>
      %sub3A_597 = arith.constant 1.500000e+00 : f32
      %sub3A_598 = vector.broadcast %sub3A_597 : f32 to vector<16xf32>
      %sub3A_599 = arith.subf %sub3A_598, %mul3A_596 : vector<16xf32>
      %mul3A_600 = arith.mulf %bitcast_convert_type3A_591, %sub3A_599 : vector<16xf32>
      %mul3A_601 = arith.constant 5.000000e-01 : f32
      %mul3A_602 = vector.broadcast %mul3A_601 : f32 to vector<16xf32>
      %mul3A_603 = arith.mulf %mul3A_602, %broadcast_in_dim3A_586 : vector<16xf32>
      %mul3A_604 = arith.mulf %mul3A_603, %mul3A_600 : vector<16xf32>
      %mul3A_605 = arith.mulf %mul3A_604, %mul3A_600 : vector<16xf32>
      %sub3A_606 = arith.constant 1.500000e+00 : f32
      %sub3A_607 = vector.broadcast %sub3A_606 : f32 to vector<16xf32>
      %sub3A_608 = arith.subf %sub3A_607, %mul3A_605 : vector<16xf32>
      %mul3A_609 = arith.mulf %mul3A_600, %sub3A_608 : vector<16xf32>
      %mul3A_610 = arith.constant 5.000000e-01 : f32
      %mul3A_611 = vector.broadcast %mul3A_610 : f32 to vector<16xf32>
      %mul3A_612 = arith.mulf %mul3A_611, %broadcast_in_dim3A_586 : vector<16xf32>
      %mul3A_613 = arith.mulf %mul3A_612, %mul3A_609 : vector<16xf32>
      %mul3A_614 = arith.mulf %mul3A_613, %mul3A_609 : vector<16xf32>
      %sub3A_615 = arith.constant 1.500000e+00 : f32
      %sub3A_616 = vector.broadcast %sub3A_615 : f32 to vector<16xf32>
      %sub3A_617 = arith.subf %sub3A_616, %mul3A_614 : vector<16xf32>
      %mul3A_618 = arith.mulf %mul3A_609, %sub3A_617 : vector<16xf32>
      %mul3A_619 = arith.mulf %mul3A_618, %mul3A_618 : vector<16xf32>
      %iota3A = tpu.iota {dimensions = array<i32: 0>} : vector<16xi32>
      %eq3A_620 = arith.constant 0 : i32
      %eq3A_621 = vector.broadcast %eq3A_620 : i32 to vector<16xi32>
      %eq3A_622 = arith.cmpi eq, %iota3A, %eq3A_621 : vector<16xi32>
      %reduce_sum3A_623 = arith.constant true
      %reduce_sum3A_624 = vector.broadcast %reduce_sum3A_623 : i1 to vector<16xi1>
      %reduce_sum3A_625 = tpu.scan <sum>, %scan3A_580#1 masked %reduce_sum3A_624 : vector<16xf32>, vector<16xi1> -> vector<16xf32>
      %reduce_sum3A_626 = vector.extract %reduce_sum3A_625[15] : f32 from vector<16xf32>
      %eq3A_627 = arith.constant 1 : i32
      %eq3A_628 = vector.broadcast %eq3A_627 : i32 to vector<16xi32>
      %eq3A_629 = arith.cmpi eq, %iota3A, %eq3A_628 : vector<16xi32>
      %reduce_sum3A_630 = arith.constant true
      %reduce_sum3A_631 = vector.broadcast %reduce_sum3A_630 : i1 to vector<16xi1>
      %reduce_sum3A_632 = tpu.scan <sum>, %scan3A_580#2 masked %reduce_sum3A_631 : vector<16xf32>, vector<16xi1> -> vector<16xf32>
      %reduce_sum3A_633 = vector.extract %reduce_sum3A_632[15] : f32 from vector<16xf32>
      %eq3A_634 = arith.constant 2 : i32
      %eq3A_635 = vector.broadcast %eq3A_634 : i32 to vector<16xi32>
      %eq3A_636 = arith.cmpi eq, %iota3A, %eq3A_635 : vector<16xi32>
      %reduce_sum3A_637 = arith.constant true
      %reduce_sum3A_638 = vector.broadcast %reduce_sum3A_637 : i1 to vector<16xi1>
      %reduce_sum3A_639 = tpu.scan <sum>, %scan3A_580#3 masked %reduce_sum3A_638 : vector<16xf32>, vector<16xi1> -> vector<16xf32>
      %reduce_sum3A_640 = vector.extract %reduce_sum3A_639[15] : f32 from vector<16xf32>
      %eq3A_641 = arith.constant 3 : i32
      %eq3A_642 = vector.broadcast %eq3A_641 : i32 to vector<16xi32>
      %eq3A_643 = arith.cmpi eq, %iota3A, %eq3A_642 : vector<16xi32>
      %reduce_sum3A_644 = arith.constant true
      %reduce_sum3A_645 = vector.broadcast %reduce_sum3A_644 : i1 to vector<16xi1>
      %reduce_sum3A_646 = tpu.scan <sum>, %scan3A_580#4 masked %reduce_sum3A_645 : vector<16xf32>, vector<16xi1> -> vector<16xf32>
      %reduce_sum3A_647 = vector.extract %reduce_sum3A_646[15] : f32 from vector<16xf32>
      %jit3A_648 = arith.constant 0.000000e+00 : f32
      %broadcast_in_dim3A_649 = vector.broadcast %reduce_sum3A_647 : f32 to vector<16xf32>
      %broadcast_in_dim3A_650 = vector.broadcast %jit3A_648 : f32 to vector<16xf32>
      %select_n3A_651 = arith.select %eq3A_643, %broadcast_in_dim3A_649, %broadcast_in_dim3A_650 : vector<16xi1>, vector<16xf32>
      %broadcast_in_dim3A_652 = vector.broadcast %reduce_sum3A_640 : f32 to vector<16xf32>
      %select_n3A_653 = arith.select %eq3A_636, %broadcast_in_dim3A_652, %select_n3A_651 : vector<16xi1>, vector<16xf32>
      %broadcast_in_dim3A_654 = vector.broadcast %reduce_sum3A_633 : f32 to vector<16xf32>
      %select_n3A_655 = arith.select %eq3A_629, %broadcast_in_dim3A_654, %select_n3A_653 : vector<16xi1>, vector<16xf32>
      %broadcast_in_dim3A_656 = vector.broadcast %reduce_sum3A_626 : f32 to vector<16xf32>
      %select_n3A_657 = arith.select %eq3A_622, %broadcast_in_dim3A_656, %select_n3A_655 : vector<16xi1>, vector<16xf32>
      %mul3A_658 = arith.mulf %select_n3A_657, %mul3A_619 : vector<16xf32>
      %swap3A = arith.constant 0 : index
      %swap3A_659 = tpu.vector_load %arg32[%swap3A] {strides = array<i32>} : memref<16xf32, #tpu.memory_space<vmem>>, vector<16xf32>,
      tpu.vector_store %arg32[%swap3A], %mul3A_658 {strides = array<i32>} : memref<16xf32, #tpu.memory_space<vmem>>, vector<16xf32>,
      "tpu.region"() ({
        %run_scoped3A = tpu.sem_alloc : memref<!tpu.dma_semaphore, #tpu.memory_space<semaphore_mem>>
        %dma_start3A = arith.constant 0 : i32
        %dma_start3A_661 = tpu.memref_slice %arg6[%add3A_11, %dma_start3A] : memref<64x16xf32, #tpu.memory_space<hbm>> -> memref<1x16xf32, #tpu.memory_space<hbm>>
        %dma_start3A_662 = tpu.memref_squeeze %dma_start3A_661 : memref<1x16xf32, #tpu.memory_space<hbm>> -> memref<16xf32, #tpu.memory_space<hbm>>
        %dma_start3A_663 = arith.constant 0 : i32
        %dma_start3A_664 = tpu.memref_slice %arg6[%add3A_11, %dma_start3A_663] : memref<64x16xf32, #tpu.memory_space<hbm>> -> memref<1x16xf32, #tpu.memory_space<hbm>>
        %dma_start3A_665 = tpu.memref_squeeze %dma_start3A_664 : memref<1x16xf32, #tpu.memory_space<hbm>> -> memref<16xf32, #tpu.memory_space<hbm>>
        tpu.enqueue_dma source(%arg32 : memref<16xf32, #tpu.memory_space<vmem>>) target(%dma_start3A_665 : memref<16xf32, #tpu.memory_space<hbm>>) target_semaphore(%run_scoped3A : memref<!tpu.dma_semaphore, #tpu.memory_space<semaphore_mem>>)
        %dma_wait3A = arith.constant 0 : i32
        %dma_wait3A_666 = tpu.memref_slice %arg6[%add3A_11, %dma_wait3A] : memref<64x16xf32, #tpu.memory_space<hbm>> -> memref<1x16xf32, #tpu.memory_space<hbm>>
        %dma_wait3A_667 = tpu.memref_squeeze %dma_wait3A_666 : memref<1x16xf32, #tpu.memory_space<hbm>> -> memref<16xf32, #tpu.memory_space<hbm>>
        %dma_wait3A_668 = arith.constant 0 : i32
        %dma_wait3A_669 = tpu.memref_slice %arg6[%add3A_11, %dma_wait3A_668] : memref<64x16xf32, #tpu.memory_space<hbm>> -> memref<1x16xf32, #tpu.memory_space<hbm>>
        %dma_wait3A_670 = tpu.memref_squeeze %dma_wait3A_669 : memref<1x16xf32, #tpu.memory_space<hbm>> -> memref<16xf32, #tpu.memory_space<hbm>>
        tpu.wait_dma2 semaphore(%run_scoped3A : memref<!tpu.dma_semaphore, #tpu.memory_space<semaphore_mem>>) src(%arg32 : memref<16xf32, #tpu.memory_space<vmem>>) dst(%dma_wait3A_670 : memref<16xf32, #tpu.memory_space<hbm>>)
        tpu.yield
      }) : () -> ()
      %scan3A_660 = arith.constant 0 : i32
      scf.yield %scan3A_660 : i32
    }
    %scan3A_6 = arith.constant 2 : i32
    return
  }
}

</mosaic_0001>

<sc_bundles>
// kernel: _sc_conv.3.cloned.1.call-start
scs
__scs_entry_jumppad:
0x0: {  	(pc) =	sbr.rel $0x88, $3  }
0x1: {  	(tag) =	ssettag $0x0;
	lr =	simm.s32 $0x1  }
0x2: {  	[smem:$0x3F9D] =	sst lr;
	_ =	strace $0xD0000000  }
0x3: {  	_ = 	snop  }
0x4: {  	_ = 	snop  }
0x5: {  	_ = 	snop  }
0x6: {  	_ = 	snop  }
0x7: {  	_ = 	snop  }
__scs_overlays_trampoline_lowered:
0x8: {  	[smem:$0x3FAC] =	sst s0  }
0x9: {  	[smem:$0x3FAD] =	sst s1  }
0xa: {  	[smem:$0x3FAE] =	sst s2  }
0xb: {  	[smem:$0x3FAF] =	sst s3  }
0xc: {  	[smem:$0x3FB0] =	sst s4  }
0xd: {  	[smem:$0x3FB1] =	sst s5  }
0xe: {  	[smem:$0x3FB2] =	sst s6  }
0xf: {  	[smem:$0x3FB3] =	sst s7  }
0x10: {  	[smem:$0x3FB4] =	sst s8  }
0x11: {  	[smem:$0x3FB5] =	sst s9;
	s0 =	simm.s32 @!p0 $0x0  }
0x12: {  	s1 =	sld [smem:$0x3F9B];
	s0 =	simm.s32 @p0 $0x1  }
0x13: {  	[smem:$0x3FB6] =	sst s0;
	s0 =	simm.s32 @!p1 $0x0  }
0x14: {  	s2 =	sld [smem:$0x3F9A];
	s0 =	simm.s32 @p1 $0x1  }
0x15: {  	[smem:$0x3FB7] =	sst s0;
	s0 =	simm.s32 @!p2 $0x0  }
0x16: {  	s3 =	sld [smem:$0x3FDB];
	s0 =	simm.s32 @p2 $0x1  }
0x17: {  	s4 =	simm.s32 $0x1BF5;
	[smem:$0x3FB9] =	sst s0  }
0x18: {  	s0 =	sld [smem:$0x3F9C];
	_ =	swait.ge [sflag:s4], $0x0  }
0x19: {  	s7 =	sld [smem:$0x3F9D]  }
0x1a: {  	s8 =	sadd.s32 $0xFFFFE003, lr  }
0x1b: {  	s9 =	sadd.s32 $0xFFFFFEF7, lr;
	s5 =	simm.s32 $0xFFFFFFFF;
	p2 =	slt.u32 s8, $0xFFFFF086  }
0x1c: {  	p1 =	slt.u32 s9, $0xF7A;
	s5 =	simm.s32 @!p2 $0x0  }
0x1d: {  	s5 =	simm.s32 @p1 $0x1;
	p0 =	seq.s32 s7, s2  }
0x1e: {  	s7 =	smul.u32 @!p0 $0xF7A, s2;
	p2 =	seq.s32 @!p0 s5, $0x0  }
0x1f: {  	s9 =	smul.u32 $0xF7A, s1;
	s8 =	simm.s32 @!p0 $0x1BF5;
	p2 =	por !p2, p0  }
0x20: {  	[sflag:s8] =	ssyncset.s32 @!p0 $0xFFFFF086;
	s6 =	sadd.s32 @!p0 s3, s7;
	s7 =	simm.s32 @!p0 $0x108  }
0x21: {  	s3 =	sadd.s32 s3, s9;
	s6 =	sadd.s32 @!p0 $0x88, s6;
	s7 =	simm.s32 @p2 $0x1082  }
0x22: {  	[simem:s7], [sflag:s8] =	dma.local @!p0 [hbm:s6], $0xF7A  }
0x23: {  	s9 =	sor.u32 $0xD0000000, s2;
	s6 =	simm.s32 $0x108;
	_ =	swait.ge @!p0 [sflag:s8], $0x0  }
0x24: {  	s3 =	sadd.s32 $0x88, s3;
	s6 =	simm.s32 @!p1 $0x1082;
	[sflag:s4] =	ssyncset.s32 $0xFFFFF086  }
0x25: {  	[simem:s6], [sflag:s4] =	dma.local [hbm:s3], $0xF7A  }
0x26: {  	[smem:$0x3F9D] =	sst s1;
	(tag) =	ssettag s2;
	_ =	strace s9  }
0x27: {  	s1 =	sld [smem:$0x3FAD]  }
0x28: {  	s2 =	sld [smem:$0x3FAE]  }
0x29: {  	s4 =	sld [smem:$0x3FB0]  }
0x2a: {  	p0 =	seq.s32 s5, $0x0;
	s5 =	sld [smem:$0x3FB1]  }
0x2b: {  	s6 =	sld [smem:$0x3FB2]  }
0x2c: {  	s7 =	sld [smem:$0x3FB3]  }
0x2d: {  	s3 =	simm.s32 $0x108;
	s8 =	sld [smem:$0x3FB4]  }
0x2e: {  	s3 =	simm.s32 @!p0 $0x1082;
	s9 =	sld [smem:$0x3FB5]  }
0x2f: {  	lr =	sadd.s32 s0, s3;
	s0 =	sld [smem:$0x3FAC]  }
0x30: {  	s3 =	sld [smem:$0x3FAF]  }
0x31: {  	[smem:$0x3FB8] =	sst s10  }
0x32: {  	s10 =	sld [smem:$0x3FB6];
	_ =	sdelay $0x3  }
0x33: {  	p0 =	seq.s32 s10, $0x1;
	s10 =	sld [smem:$0x3FB8];
	_ =	sdelay $0x3  }
0x34: {  	[smem:$0x3FB8] =	sst s10  }
0x35: {  	s10 =	sld [smem:$0x3FB7];
	_ =	sdelay $0x3  }
0x36: {  	p1 =	seq.s32 s10, $0x1;
	s10 =	sld [smem:$0x3FB8];
	_ =	sdelay $0x3  }
0x37: {  	[smem:$0x3FB8] =	sst s10  }
0x38: {  	s10 =	sld [smem:$0x3FB9]  }
0x39: {  	_ = 	snop;
	(pc) =	sbr.ind lr, $3  }
0x3a: {  	_ = 	snop  }
0x3b: {  	_ = 	snop  }
0x3c: {  	p2 =	seq.s32 s10, $0x1;
	s10 =	sld [smem:$0x3FB8]  }
0x3d: {  	_ =	shalt  }
0x3e: {  	_ =	shalt  }
0x3f: {  	_ =	shalt  }
0x40: {  	_ =	shalt  }
0x41: {  	_ =	shalt  }
0x42: {  	_ =	shalt  }
0x43: {  	_ =	shalt  }
0x44: {  	_ =	shalt  }
0x45: {  	_ =	shalt  }
0x46: {  	_ =	shalt  }
0x47: {  	_ =	shalt  }
0x48: {  	_ =	shalt  }
0x49: {  	_ =	shalt  }
0x4a: {  	_ =	shalt  }
0x4b: {  	_ =	shalt  }
0x4c: {  	_ =	shalt  }
0x4d: {  	_ =	shalt  }
0x4e: {  	_ =	shalt  }
0x4f: {  	_ =	shalt  }
0x50: {  	_ =	shalt  }
0x51: {  	_ =	shalt  }
0x52: {  	_ =	shalt  }
0x53: {  	_ =	shalt  }
0x54: {  	_ =	shalt  }
0x55: {  	_ =	shalt  }
0x56: {  	_ =	shalt  }
0x57: {  	_ =	shalt  }
0x58: {  	_ =	shalt  }
0x59: {  	_ =	shalt  }
0x5a: {  	_ =	shalt  }
0x5b: {  	_ =	shalt  }
0x5c: {  	_ =	shalt  }
0x5d: {  	_ =	shalt  }
0x5e: {  	_ =	shalt  }
0x5f: {  	_ =	shalt  }
0x60: {  	_ =	shalt  }
0x61: {  	_ =	shalt  }
0x62: {  	_ =	shalt  }
0x63: {  	_ =	shalt  }
0x64: {  	_ =	shalt  }
0x65: {  	_ =	shalt  }
0x66: {  	_ =	shalt  }
0x67: {  	_ =	shalt  }
0x68: {  	_ =	shalt  }
0x69: {  	_ =	shalt  }
0x6a: {  	_ =	shalt  }
0x6b: {  	_ =	shalt  }
0x6c: {  	_ =	shalt  }
0x6d: {  	_ =	shalt  }
0x6e: {  	_ =	shalt  }
0x6f: {  	_ =	shalt  }
0x70: {  	_ =	shalt  }
0x71: {  	_ =	shalt  }
0x72: {  	_ =	shalt  }
0x73: {  	_ =	shalt  }
0x74: {  	_ =	shalt  }
0x75: {  	_ =	shalt  }
0x76: {  	_ =	shalt  }
0x77: {  	_ =	shalt  }
0x78: {  	_ =	shalt  }
0x79: {  	_ =	shalt  }
0x7a: {  	_ =	shalt  }
0x7b: {  	_ =	shalt  }
0x7c: {  	_ =	shalt  }
0x7d: {  	_ =	shalt  }
0x7e: {  	_ =	shalt  }
0x7f: {  	_ =	shalt  }
0x80: {  	_ =	shalt  }
0x81: {  	_ =	shalt  }
0x82: {  	_ =	shalt  }
0x83: {  	_ =	shalt  }
0x84: {  	_ =	shalt  }
0x85: {  	_ =	shalt  }
0x86: {  	_ =	shalt  }
0x87: {  	_ =	shalt  }
.Lfunc_end0:
.L_simem_size_0:
called_computation_lowered:
.L_overlay_start_0:
0x88: {  	s2 =	sld [smem:$0x3FD9]  }
0x89: {  	s3 =	sld [smem:$0x3FFE];
	_ =	sdelay $0x1  }
0x8a: {  	s1 =	srdreg.scid  }
0x8b: {  	s0 =	sand.u32 $0x1, s1  }
0x8c: {  	s17 =	sshll.u32 s0, $0xA;
	s2 =	sadd.s32 s3, s2  }
0x8d: {  	s2 =	sadd.s32 s2, s17  }
0x8e: {  	[smem:$0x3FC4] =	sst s2  }
0x8f: {  	_ = 	snop  }
0x90: {  	s2 =	sld [smem:$0x3FC9]  }
0x91: {  	s18 =	sld [smem:$0x3FC8]  }
0x92: {  	s4 =	sld [smem:$0x3FC7]  }
0x93: {  	s5 =	sld [smem:$0x3FC6];
	(tm) =	ssettm $0x1  }
0x94: {  	s6 =	sld [smem:$0x3FFB];
	_ =	sdelay $0x3  }
0x95: {  	_ =	strace s6  }
0x96: {  	s6 =	sld [smem:$0x3FFC];
	_ =	sdelay $0x3  }
0x97: {  	_ =	strace s6  }
0x98: {  	s6 =	sld [smem:$0x3FFD];
	_ =	sdelay $0x3  }
0x99: {  	_ =	strace s6  }
0x9a: {  	_ =	strace $0x8FFFFFFF  }
0x9b: {  	s19 =	sld [smem:$0x3FDB];
	_ =	sdelay $0x1  }
0x9c: {  	s7 =	simm.s32 $_scs_section_size  }
0x9d: {  	s8 =	simm.s32 $_size__tile_overlayer_lowered;
	s9 =	simm.s32 $_tile_overlayer_lowered  }
0x9e: {  	s22 =	simm.s32 $0x1BFF;
	s21 =	sshll.u32 s9, $0x1;
	s6 =	sadd.s32 s7, s19  }
0x9f: {  	s10 =	simm.s32 $0x0;
	s20 =	sshll.u32 s8, $0x1;
	s8 =	sadd.s32 s21, s6  }
0xa0: {  	[timem:s10], [sflag:s22] =	dma.local [hbm:s8], s20  }
0xa1: {  	_ =	swait.ge [sflag:s22], s20  }
0xa2: {  	s7 =	ssub.s32 $0x0, s20;
	[sflag:s22] =	ssyncset.done $0x0  }
0xa3: {  	[sflag:s22] =	ssyncadd.s32 s7;
	_ =	sdelay $0x1  }
0xa4: {  	s23 =	simm.s32 $0x1B8B  }
0xa5: {  	_ =	swait.ge [sflag:s23], $0x1  }
0xa6: {  	[sflag:s23] =	ssyncset.done $0x0  }
0xa7: {  	s25 =	simm.s32 $0x1B8E;
	s24 =	sld [smem:$0x3FFE];
	[sflag:s23] =	ssyncadd.s32 $0xFFFFFFFF  }
0xa8: {  	s26 =	simm.s32 $execute0_lowered;
	[smem:$0x3FD2] =	sst s25  }
0xa9: {  	s8 =	sshll.u32 s26, $0x1;
	_ =	strace $0x80000046;
	[dreg:$0x1] =	wrdreg $0xFFFFFFFF  }
0xaa: {  	s28 =	simm.s32 $_size_execute0_lowered;
	s6 =	sadd.s32 s6, s8;
	[dreg:$0x0] =	wrdreg $0x0  }
0xab: {  	s8 =	sshll.u32 s28, $0x1;
	[dreg:$0x2] =	wrdreg s6  }
0xac: {  	[dreg:$0x3] =	wrdreg s8  }
0xad: {  	[dreg:$0x4] =	wrdreg $0xC0  }
0xae: {  	_ =	task [dreg:s10], $0x5FFFF  }
0xaf: {  	[dreg:$0x1] =	wrdreg $0xFFFFFFFF  }
0xb0: {  	[dreg:$0x0] =	wrdreg $0x60  }
0xb1: {  	[dreg:$0x2] =	wrdreg s2  }
0xb2: {  	[dreg:$0x3] =	wrdreg s18  }
0xb3: {  	[dreg:$0x4] =	wrdreg s4  }
0xb4: {  	[dreg:$0x5] =	wrdreg s5  }
0xb5: {  	[dreg:$0x6] =	wrdreg s24  }
0xb6: {  	[dreg:$0x7] =	wrdreg $0x9  }
0xb7: {  	_ =	task.clear_ibuf [dreg:s10], $0x8FFFF;
	_ =	strace $0x90000046  }
0xb8: {  	s29 =	simm.s32 $0x9;
	_ =	strace $0x80000048  }
0xb9: {  	_ =	swait.ge [sflag:s29], $0x1  }
0xba: {  	[sflag:s29] =	ssyncadd.s32 $0xFFFFFFFF  }
0xbb: {  	_ =	strace $0x90000048  }
0xbc: {  	_ =	sfence  }
0xbd: {  	s30 =	sld [smem:$0x0];
	_ =	sdelay $0x2  }
0xbe: {  	s31 =	sshll.u32 s1, $0xD;
	s1 =	sshrl.u32 s1, $0x2  }
0xbf: {  	s3 =	sand.u32 $0x4000, s31;
	s1 =	sadd.s32 s1, s30  }
0xc0: {  	s0 =	sor.u32 s3, s0;
	s1 =	sshll.u32 s1, $0x11  }
0xc1: {  	s0 =	sor.u32 s1, s0  }
0xc2: {  	s0 =	sadd.s32 $0x8F2B, s0  }
0xc3: {  	[sflag:s0] =	ssyncadd.remote.s32 $0x1  }
0xc4: {  	_ =	sfence.sel $0xFFFF  }
0xc5: {  	[dreg:$0x0] =	wrdreg $0xFFFFFFFF;
	(pc) =	sbr.abs _section_cstart, $3  }
0xc6: {  	[dreg:$0x1] =	wrdreg $0xFFFFFFFF  }
0xc7: {  	_ =	task.clear_ibuf [dreg:s10], $0x2FFFF;
	_ =	strace $0x9FFFFFFF  }
0xc8: {  	(tm) =	ssettm $0x7FFFFFFF  }
0xc9: {  	_ =	shalt  }
tec
execute0_lowered:
.L_overlay_start_1:
0x0: {  	(tag) =	ssettag $0x1  }
0x1: {  	s2 =	rddreg [dreg:$0x1]  }
0x2: {  	s3 =	rddreg [dreg:$0x2]  }
0x3: {  	s0 =	rddreg [dreg:$0x4]  }
0x4: {  	s4 =	srdreg.scid;
	s5 =	simm.s32 $0x0;
	s1 =	stileid.u32  }
0x5: {  	s11 =	simm.s32 $0x1;
	s12 =	simm.s32 $0x80;
	s13 =	simm.s32 $0x100  }
0x6: {  	s14 =	simm.s32 $0x180;
	s15 =	simm.s32 $0x200;
	s16 =	simm.s32 $0x280  }
0x7: {  	s17 =	simm.s32 $0x300;
	s18 =	simm.s32 $0x380;
	s19 =	simm.s32 $0x700  }
0x8: {  	s20 =	simm.s32 $0x780;
	s21 =	simm.s32 $0x800;
	s22 =	simm.s32 $0x880  }
0x9: {  	s23 =	simm.s32 $0x900;
	s24 =	simm.s32 $0xB80;
	s25 =	simm.s32 $0x980  }
0xa: {  	s26 =	simm.s32 $0xA00;
	s28 =	simm.s32 $0xA80;
	s4 =	sand.u32 $0x1, s4  }
.Ltmp0:
0xb: {  	s29 =	simm.s32 $0xB00;
	s6 =	ssub.s32 $0x2, s4;
	(pc) =	sbr.rel .LBB2_1-.Ltmp0, $4  }
0xc: {  	s30 =	simm.s32 $0xD00;
	[smem:$0x7FF] =	sst s5;
	s7 =	sshrl.u32 s6, $0x1  }
0xd: {  	v0 =	vimm.f32 $1.000000000e+00;
	s8 =	sshll.u32 s1, $0x6;
	s1 =	simm.s32 $0x0;
	s6 =	ssub.s32 s6, s7  }
0xe: {  	v37 =	vimm.f32 $0.0e+00;
	vm0 =	vcmask $0xF0C;
	v0 =	vand.u32 $0x7FFFFFFF, v0;
	_ =	strace $0x80000047;
	s4 =	sshll.u32 s4, $0x5;
	s31 =	smax.u32 s6, $0x1  }
0xf: {  	vm1 =	vcmask $0x3F0C;
	vm2 =	vcmask $0x3F08;
	vm3 =	vcmask $0x3F04;
	[tilespmem:$0x1FFF0] =	vst v0;
	s9 =	sor.u32 s4, s8;
	s7 =	sadd.s32 $0x400, s0;
	[dreg:$0x6] =	wrdreg s31  }
.LBB2_23:
0x10: {  	s1 =	rddreg [dreg:$0x7]  }
0x11: {  	s0 =	rddreg [dreg:$0x6];
	s1 =	sadd.s32 $0x1, s1  }
0x12: {  	p0 =	sne.s32 s1, s0  }
.Ltmp1:
0x13: {  	_ = 	snop;
	(pc) =	sbr.rel @!p0 .LBB2_24-.Ltmp1, $1  }
0x14: {  	_ =	sdelay $0x3  }
.LBB2_1:
0x15: {  	[dreg:$0x7] =	wrdreg s1  }
.Ltmp2:
0x16: {  	s0 =	rddreg [dreg:$0x3];
	s31 =	simm.s32 $0xC00;
	(pc) =	sbr.rel .LBB2_2-.Ltmp2, $4  }
0x17: {  	[tilespmem:s31], [sflag:$0x1] =	stream.linear.gather [hbm4b:s0+s5], $0x100, $0x38;
	[tilespmem:$0xD80] =	vst v63  }
0x18: {  	_ =	swait.ge [sflag:s11], $0x100  }
0x19: {  	[sflag:s11] =	ssyncset.done $0x0  }
0x1a: {  	p1 =	por $0x1, $0x1;
	s0 =	simm.s32 $0x0;
	[sflag:s11] =	ssyncadd.s32 $0xFFFFFF00  }
.LBB2_22:
0x1b: {  	(xrf2) =	vadd.scan.msk.f32 $0xffff, v22;
	_ =	sdelay $0x9  }
0x1c: {  	v0, _, _ =	vpop (xrf2)  }
0x1d: {  	(v2sf) =	vpush v0, $0xF;
	_ =	sdelay $0xe  }
0x1e: {  	s1 =	spop (v2sf)  }
0x1f: {  	p1 =	seq.f32 s1, $0.0e+00;
	_ =	sdelay $0x1  }
0x20: {  	s1 =	simm.s32 @p1 $0x3F800000  }
0x21: {  	v61 =	vmov s1  }
0x22: {  	v1 =	vshra.s32 v61, $0x1;
	v0 =	vmul.f32 $5.000000000e-01, v61  }
0x23: {  	v1 =	vsub.s32 $0x5F3759DF, v1  }
0x24: {  	v2 =	vmul.f32 v1, v0;
	_ =	sdelay $0x1  }
0x25: {  	v2 =	vmul.f32 v1, v2;
	_ =	sdelay $0x1  }
0x26: {  	v2 =	vsub.f32 $1.500000000e+00, v2;
	_ =	sdelay $0x1  }
0x27: {  	(xrf2) =	vadd.scan.msk.f32 $0xffff, v21;
	v1 =	vmul.f32 v1, v2  }
0x28: {  	(xrf2) =	vadd.scan.msk.f32 $0xffff, v19  }
0x29: {  	(xrf2) =	vadd.scan.msk.f32 $0xffff, v17;
	v2 =	vmul.f32 v1, v0  }
0x2a: {  	(xrf2) =	vadd.scan.msk.f32 $0xffff, v16  }
0x2b: {  	v2 =	vmul.f32 v2, v1;
	_ =	sdelay $0x1  }
0x2c: {  	v2 =	vsub.f32 $1.500000000e+00, v2;
	_ =	sdelay $0x1  }
0x2d: {  	v1 =	vmul.f32 v2, v1;
	_ =	sdelay $0x1  }
0x2e: {  	v62, _, _ =	vpop (xrf2);
	v0 =	vmul.f32 v1, v0  }
0x2f: {  	v3, _, _ =	vpop (xrf2)  }
0x30: {  	v4, _, _ =	vpop (xrf2);
	v0 =	vmul.f32 v0, v1  }
0x31: {  	v5, _, _ =	vpop (xrf2)  }
0x32: {  	v5 =	vbroadcast v5, $0xF;
	v0 =	vsub.f32 $1.500000000e+00, v0  }
0x33: {  	v4 =	vbroadcast v4, $0xF  }
0x34: {  	v3 =	vbroadcast v3, $0xF;
	v63 =	vnsel vm0, $0x0, v5;
	v0 =	vmul.f32 v0, v1  }
0x35: {  	v2 =	vbroadcast v62, $0xF;
	v1 =	vsel vm1, v63, v4  }
0x36: {  	v1 =	vsel vm2, v1, v3;
	v0 =	vmul.f32 v0, v0  }
0x37: {  	v1 =	vsel vm3, v1, v2  }
0x38: {  	v0 =	vmul.f32 v0, v1;
	_ =	sdelay $0x1  }
.Ltmp3:
0x39: {  	s0 =	sadd.s32 s7, s0;
	[tilespmem:$0xD00] =	vst v0;
	(pc) =	sbr.rel @!p0 .LBB2_23-.Ltmp3, $4  }
0x3a: {  	[hbm4b:s0+s5] =	stream.linear.scatter [tilespmem:s30], [sflag:$0x1], $0x80, $0x38;
	[tilespmem:$0xD80] =	vst v63  }
0x3b: {  	_ =	swait.ge [sflag:s11], $0x80  }
0x3c: {  	[sflag:s11] =	ssyncset.done $0x0  }
0x3d: {  	p1 =	por $0x0, $0x0;
	s0 =	simm.s32 $0x10;
	[sflag:s11] =	ssyncadd.s32 $0xFFFFFF80  }
.LBB2_2:
0x3e: {  	s0 =	sor.u32 s9, s0;
	s1 =	rddreg [dreg:$0x0]  }
0x3f: {  	s6 =	simm.s32 $0x0;
	s4 =	sadd.s32 s1, s0  }
0x40: {  	[tilespmem:s6], [sflag:$0x1] =	stream.linear.gather [hbm4b:s4+s6], $0x80, $0x38;
	[tilespmem:$0xD80] =	vst v63  }
0x41: {  	_ =	swait.ge [sflag:s11], $0x80  }
0x42: {  	[sflag:s11] =	ssyncset.done $0x0  }
0x43: {  	s8 =	sadd.s32 s2, s0;
	[sflag:s11] =	ssyncadd.s32 $0xFFFFFF80  }
0x44: {  	[tilespmem:s12], [sflag:$0x1] =	stream.linear.gather [hbm4b:s8+s6], $0x80, $0x38;
	[tilespmem:$0xD80] =	vst v63  }
0x45: {  	_ =	swait.ge [sflag:s11], $0x80  }
0x46: {  	[sflag:s11] =	ssyncset.done $0x0  }
0x47: {  	s10 =	sadd.s32 s3, s0;
	[sflag:s11] =	ssyncadd.s32 $0xFFFFFF80  }
0x48: {  	[tilespmem:s13], [sflag:$0x1] =	stream.linear.gather [hbm4b:s10+s6], $0x80, $0x38;
	[tilespmem:$0xD80] =	vst v63  }
0x49: {  	_ =	swait.ge [sflag:s11], $0x80  }
0x4a: {  	[sflag:s11] =	ssyncset.done $0x0  }
0x4b: {  	[sflag:s11] =	ssyncadd.s32 $0xFFFFFF80  }
0x4c: {  	v0 =	vld [tilespmem:$0x80]  }
0x4d: {  	v1 =	vld [tilespmem:$0x100]  }
0x4e: {  	v2 =	vld [tilespmem:$0x90]  }
0x4f: {  	v3 =	vld [tilespmem:$0x110]  }
0x50: {  	v6 =	vld [tilespmem:$0xB0]  }
0x51: {  	v7 =	vld [tilespmem:$0x130]  }
0x52: {  	v4 =	vld [tilespmem:$0xA0]  }
0x53: {  	v5 =	vld [tilespmem:$0x120];
	_ =	sdelay $0x1  }
0x54: {  	v0 =	vand.u32 $0x7FFFFFFF, v0;
	v1 =	vand.u32 $0x7FFFFFFF, v1  }
0x55: {  	v6 =	vand.u32 $0x7FFFFFFF, v6;
	v7 =	vand.u32 $0x7FFFFFFF, v7;
	v0 =	vadd.f32 v1, v0  }
0x56: {  	v1 =	vand.u32 $0x7FFFFFFF, v2;
	v2 =	vand.u32 $0x7FFFFFFF, v3;
	v3 =	vld [tilespmem:$0xC0];
	v6 =	vadd.f32 v7, v6  }
0x57: {  	v1 =	vadd.f32 v2, v1;
	v2 =	vand.u32 $0x7FFFFFFF, v4;
	v4 =	vand.u32 $0x7FFFFFFF, v5;
	v5 =	vld [tilespmem:$0x140]  }
0x58: {  	vm4 =	vlt.f32 v0, $0.0e+00;
	vm5 =	vgt.f32 v0, $0.0e+00;
	v0 =	vadd.f32 v4, v2;
	v2 =	vld [tilespmem:$0xD0]  }
0x59: {  	vm4 =	vmor vm5, vm4;
	vm5 =	vlt.f32 v1, $0.0e+00;
	vm6 =	vgt.f32 v1, $0.0e+00;
	v1 =	vld [tilespmem:$0x150]  }
0x5a: {  	v8 =	vld [tilespmem:$0xE0];
	vm5 =	vmor vm6, vm5;
	vm6 =	vlt.f32 v0, $0.0e+00;
	vm7 =	vgt.f32 v0, $0.0e+00  }
0x5b: {  	v10 =	vld [tilespmem:$0x160];
	v0 =	vsel vm4, $0x3F800000, v37;
	v4 =	vsel vm5, $0x3F800000, v37;
	vm4 =	vmor vm7, vm6  }
0x5c: {  	v7 =	vld [tilespmem:$0xF0];
	v3 =	vand.u32 $0x7FFFFFFF, v3;
	vm5 =	vgt.f32 v6, $0.0e+00;
	v5 =	vand.u32 $0x7FFFFFFF, v5  }
0x5d: {  	v9 =	vsel vm4, $0x3F800000, v37;
	vm4 =	vlt.f32 v6, $0.0e+00;
	v3 =	vadd.f32 v5, v3;
	v5 =	vld [tilespmem:$0x170]  }
0x5e: {  	v2 =	vand.u32 $0x7FFFFFFF, v2;
	vm4 =	vmor vm5, vm4;
	v1 =	vand.u32 $0x7FFFFFFF, v1  }
0x5f: {  	v1 =	vadd.f32 v1, v2;
	vm5 =	vlt.f32 v3, $0.0e+00;
	vm6 =	vgt.f32 v3, $0.0e+00  }
0x60: {  	[tilespmem:$0x400] =	vst v0;
	v0 =	vand.u32 $0x7FFFFFFF, v8;
	v2 =	vsel vm4, $0x3F800000, v37;
	vm4 =	vmor vm6, vm5  }
0x61: {  	vm5 =	vlt.f32 v1, $0.0e+00;
	vm6 =	vgt.f32 v1, $0.0e+00;
	v1 =	vand.u32 $0x7FFFFFFF, v10  }
0x62: {  	[tilespmem:$0x410] =	vst v4;
	v0 =	vadd.f32 v1, v0;
	v1 =	vand.u32 $0x7FFFFFFF, v7;
	v3 =	vand.u32 $0x7FFFFFFF, v5  }
0x63: {  	[tilespmem:$0x420] =	vst v9;
	v4 =	vsel vm4, $0x3F800000, v37;
	vm4 =	vmor vm6, vm5;
	v1 =	vadd.f32 v3, v1  }
0x64: {  	[tilespmem:$0x430] =	vst v2;
	v2 =	vsel vm4, $0x3F800000, v37;
	vm4 =	vlt.f32 v0, $0.0e+00;
	vm5 =	vgt.f32 v0, $0.0e+00  }
0x65: {  	[tilespmem:$0x440] =	vst v4;
	vm4 =	vmor vm5, vm4;
	vm5 =	vlt.f32 v1, $0.0e+00;
	vm6 =	vgt.f32 v1, $0.0e+00  }
0x66: {  	[tilespmem:$0x450] =	vst v2;
	v0 =	vsel vm4, $0x3F800000, v37;
	vm4 =	vmor vm6, vm5  }
0x67: {  	[tilespmem:$0x460] =	vst v0;
	v0 =	vsel vm4, $0x3F800000, v37  }
0x68: {  	s10 =	simm.s32 $0x0;
	[tilespmem:$0x470] =	vst v0  }
0x69: {  	v19 =	vld [tilespmem:s10+$0x80]  }
0x6a: {  	v21 =	vld [tilespmem:s10+$0x100];
	_ =	sdelay $0x4  }
0x6b: {  	v0 =	vmul.f32 v19, v19;
	v1 =	vmul.f32 v21, v21;
	_ =	sdelay $0x1  }
0x6c: {  	v22 =	vadd.f32 v1, v0;
	_ =	sdelay $0x1  }
0x6d: {  	v0 =	vshra.s32 v22, $0x1;
	v2 =	vmul.f32 $5.000000000e-01, v22  }
0x6e: {  	v0 =	vsub.s32 $0x5F3759DF, v0  }
0x6f: {  	v1 =	vmul.f32 v0, v2;
	_ =	sdelay $0x1  }
0x70: {  	s6 =	simm.s32 $0x10;
	v1 =	vmul.f32 v0, v1  }
0x71: {  	v18 =	vld [tilespmem:s6+$0x80]  }
0x72: {  	v16 =	vld [tilespmem:s6+$0x100];
	v1 =	vsub.f32 $1.500000000e+00, v1  }
0x73: {  	v13 =	vld [tilespmem:$0xC00]  }
0x74: {  	v8 =	vld [tilespmem:s10+$0x400];
	v4 =	vmul.f32 v0, v1;
	_ =	sdelay $0x1  }
0x75: {  	v0 =	vmul.f32 v4, v2  }
0x76: {  	v23 =	vld [tilespmem:$0xC10];
	v3 =	vmul.f32 v16, v16;
	v1 =	vmul.f32 v18, v18  }
0x77: {  	v12 =	vbroadcast v13, $0x8;
	v6 =	vmul.f32 v0, v4  }
0x78: {  	v5 =	vbroadcast v13, $0x5;
	vm4 =	vgt.f32 v8, $0.0e+00;
	v20 =	vadd.f32 v3, v1  }
0x79: {  	v7 =	vbroadcast v13, $0x6;
	v10 =	vnsel vm4, $0x4E6E6B28, v19;
	v6 =	vsub.f32 $1.500000000e+00, v6  }
0x7a: {  	v11 =	vnsel vm4, $0x4E6E6B28, v21;
	v9 =	vshra.s32 v20, $0x1;
	v27 =	vmul.f32 $5.000000000e-01, v20  }
0x7b: {  	v25 =	vld [tilespmem:s6+$0x400];
	[tilespmem:s10+$0x180] =	vst v10;
	v10 =	vbroadcast v23, $0xB;
	v24 =	vsub.s32 $0x5F3759DF, v9;
	v14 =	vmul.f32 v6, v4  }
0x7c: {  	[tilespmem:s10+$0x200] =	vst v11;
	v11 =	vbroadcast v23, $0xC;
	v4 =	vmul.f32 v24, v27  }
0x7d: {  	v3 =	vbroadcast v23, $0x9;
	v8 =	vmul.f32 v14, v2  }
0x7e: {  	v1 =	vbroadcast v13, $0x1;
	v15 =	vmul.f32 v24, v4  }
0x7f: {  	s4 =	simm.s32 $0x20;
	v0 =	vbroadcast v13, $0x0;
	v8 =	vmul.f32 v8, v14  }
0x80: {  	v17 =	vld [tilespmem:s4+$0x80];
	v9 =	vbroadcast v13, $0x7;
	v6 =	vbroadcast v23, $0xA;
	v26 =	vsub.f32 $1.500000000e+00, v15  }
0x81: {  	v2 =	vbroadcast v13, $0x2;
	v4 =	vbroadcast v13, $0x3;
	v15 =	vld [tilespmem:s4+$0x100];
	v28 =	vsub.f32 $1.500000000e+00, v8  }
0x82: {  	v8 =	vbroadcast v13, $0x4;
	v26 =	vmul.f32 v24, v26  }
0x83: {  	v28 =	vmul.f32 v28, v14;
	v14 =	vbroadcast v13, $0x9  }
0x84: {  	vm5 =	vgt.f32 v25, $0.0e+00;
	v32 =	vld [tilespmem:s4+$0x400];
	v13 =	vbroadcast v23, $0xD;
	v23 =	vmul.f32 v26, v27  }
0x85: {  	v30 =	vnsel vm5, $0x4E6E6B28, v18;
	v25 =	vmul.f32 v17, v17;
	v24 =	vmul.f32 v28, v22  }
0x86: {  	vm4 =	vgt.f32 v22, $0.0e+00;
	v22 =	vmul.f32 v15, v15;
	v23 =	vmul.f32 v23, v26  }
0x87: {  	v31 =	vmul.f32 v28, v19;
	v21 =	vmul.f32 v28, v21;
	v29 =	vnsel vm4, $0x0, v24  }
0x88: {  	v19 =	vadd.f32 v22, v25;
	v22 =	vsub.f32 $1.500000000e+00, v23;
	v24 =	vadd.s32 $0x8000, v29  }
0x89: {  	v23 =	vnsel vm5, $0x4E6E6B28, v16;
	vm5 =	vgt.f32 v32, $0.0e+00;
	v24 =	vand.u32 $0xFFFF0000, v24  }
0x8a: {  	[tilespmem:s10+$0xB80] =	vst v29;
	v29 =	vnsel vm4, $0x0, v31;
	v25 =	vmul.f32 v22, v26;
	v31 =	vmul.f32 v24, v14  }
0x8b: {  	v26 =	vshra.s32 v19, $0x1;
	[tilespmem:s10+$0x280] =	vst v29;
	v22 =	vmul.f32 $5.000000000e-01, v19;
	v33 =	vmul.f32 v24, v5  }
0x8c: {  	[tilespmem:s6+$0x180] =	vst v30;
	v29 =	vmul.f32 v24, v7;
	v26 =	vsub.s32 $0x5F3759DF, v26;
	v30 =	vadd.f32 v31, v13  }
0x8d: {  	[tilespmem:s6+$0x200] =	vst v23;
	v28 =	vmul.f32 v26, v22;
	v27 =	vmul.f32 v25, v27;
	v23 =	vadd.f32 v33, v3  }
0x8e: {  	v29 =	vadd.f32 v29, v6;
	v31 =	vmul.f32 v24, v12;
	[tilespmem:s10+$0x900] =	vst v30;
	v30 =	vmul.f32 v24, v9  }
0x8f: {  	v34 =	vnsel vm4, $0x0, v21;
	v63 =	vmul.f32 v27, v25;
	[tilespmem:s10+$0x700] =	vst v23;
	v23 =	vmul.f32 v26, v28  }
0x90: {  	s8 =	simm.s32 $0x30;
	v27 =	vmul.f32 v24, v0;
	[tilespmem:s10+$0x780] =	vst v29;
	v28 =	vadd.f32 v31, v11;
	v30 =	vadd.f32 v30, v10  }
0x91: {  	p0 =	por p1, p1;
	s31 =	simm.s32 $0x100;
	v29 =	vmul.f32 v24, v1;
	v21 =	vld [tilespmem:s8+$0x80];
	v31 =	vsub.f32 $1.500000000e+00, v63;
	[tilespmem:s10+$0x300] =	vst v34;
	v32 =	vsub.f32 $1.500000000e+00, v23  }
.LBB2_3:
0x92: {  	p1 =	sne.s32 s31, $0x1C0;
	v23 =	vld [tilespmem:s8+$0x100];
	v33 =	vsel vm4, $0x3F800000, v37;
	v34 =	vmul.f32 v24, v2;
	[tilespmem:s10+$0x800] =	vst v30;
	v30 =	vmul.f32 v24, v4  }
0x93: {  	v35 =	vld [tilespmem:s8+$0x400];
	v26 =	vmul.f32 v26, v32;
	v32 =	vnsel vm5, $0x4E6E6B28, v17;
	v25 =	vmul.f32 v31, v25;
	[tilespmem:s10+$0x880] =	vst v28  }
0x94: {  	v24 =	vmul.f32 v24, v8;
	v28 =	vnsel vm5, $0x4E6E6B28, v15;
	[tilespmem:s10+$0x480] =	vst v27  }
0x95: {  	v27 =	vmul.f32 v26, v22;
	v31 =	vmul.f32 v25, v20;
	[tilespmem:s10+$0x500] =	vst v29  }
0x96: {  	vm4 =	vgt.f32 v20, $0.0e+00;
	v36 =	vmul.f32 v25, v18;
	v20 =	vmovc v19;
	v29 =	vmul.f32 v21, v21;
	[tilespmem:s10+$0x580] =	vst v34  }
0x97: {  	v18 =	vmovc v17;
	v19 =	vmul.f32 v23, v23;
	v27 =	vmul.f32 v27, v26;
	v31 =	vnsel vm4, $0x0, v31;
	[tilespmem:s10+$0x600] =	vst v30  }
0x98: {  	v30 =	vmul.f32 v25, v16;
	v16 =	vmovc v15;
	v15 =	vmovc v23;
	vm5 =	vgt.f32 v35, $0.0e+00;
	v25 =	vadd.s32 $0x8000, v31;
	[tilespmem:s10+$0x680] =	vst v24  }
0x99: {  	v17 =	vmovc v21;
	v19 =	vadd.f32 v19, v29;
	v23 =	vsub.f32 $1.500000000e+00, v27;
	[tilespmem:s6+$0xB80] =	vst v31;
	v24 =	vand.u32 $0xFFFF0000, v25  }
0x9a: {  	v21 =	vnsel vm4, $0x0, v36;
	v27 =	vmul.f32 v24, v5;
	v29 =	vmul.f32 v24, v14;
	[tilespmem:s10+$0x380] =	vst v33;
	s10 =	smov.u32 s6;
	s6 =	smov.u32 s4;
	s4 =	smov.u32 s8  }
0x9b: {  	v31 =	vshra.s32 v19, $0x1;
	v33 =	vmul.f32 $5.000000000e-01, v19;
	v25 =	vmul.f32 v23, v26;
	[tilespmem:s10+$0x280] =	vst v21  }
0x9c: {  	v21 =	vmul.f32 v24, v7;
	v26 =	vsub.s32 $0x5F3759DF, v31;
	[tilespmem:s6+$0x180] =	vst v32;
	v23 =	vadd.f32 v29, v13  }
.Ltmp4:
0x9d: {  	v27 =	vadd.f32 v27, v3;
	v29 =	vmul.f32 v26, v33;
	v32 =	vmul.f32 v25, v22;
	[tilespmem:s6+$0x200] =	vst v28;
	(pc) =	sbr.rel @p1 .LBB2_3-.Ltmp4, $4  }
0x9e: {  	v31 =	vmul.f32 v24, v12;
	v21 =	vadd.f32 v21, v6;
	v28 =	vmul.f32 v24, v9;
	[tilespmem:s10+$0x900] =	vst v23  }
0x9f: {  	v34 =	vnsel vm4, $0x0, v30;
	v22 =	vmovc v33;
	v23 =	vmul.f32 v26, v29;
	v29 =	vmul.f32 v32, v25;
	[tilespmem:s10+$0x700] =	vst v27  }
0xa0: {  	s8 =	sshra.s32 s31, $0x2;
	v27 =	vmul.f32 v24, v0;
	v30 =	vadd.f32 v28, v10;
	v28 =	vadd.f32 v31, v11;
	[tilespmem:s10+$0x780] =	vst v21  }
0xa1: {  	s31 =	sadd.s32 $0x40, s31;
	v21 =	vld [tilespmem:s8+$0x80];
	v32 =	vsub.f32 $1.500000000e+00, v23;
	v31 =	vsub.f32 $1.500000000e+00, v29;
	[tilespmem:s10+$0x300] =	vst v34;
	v29 =	vmul.f32 v24, v1  }
0xa2: {  	v23 =	vld [tilespmem:s8+$0x100];
	[tilespmem:s10+$0x800] =	vst v30  }
0xa3: {  	v38 =	vmul.f32 v24, v2;
	v39 =	vmul.f32 v24, v4;
	v30 =	vld [tilespmem:s8+$0x400];
	[tilespmem:s10+$0x880] =	vst v28  }
0xa4: {  	v26 =	vmul.f32 v26, v32;
	v25 =	vmul.f32 v31, v25;
	[tilespmem:s10+$0x480] =	vst v27  }
0xa5: {  	vm6 =	vgt.f32 v20, $0.0e+00;
	v44 =	vmul.f32 v24, v8;
	v46 =	vsel vm4, $0x3F800000, v37;
	[tilespmem:s10+$0x500] =	vst v29  }
0xa6: {  	v52 =	vnsel vm5, $0x4E6E6B28, v17;
	[tilespmem:s10+$0x580] =	vst v38;
	v40 =	vmul.f32 v26, v22;
	v41 =	vmul.f32 v25, v20  }
0xa7: {  	v54 =	vnsel vm5, $0x4E6E6B28, v15;
	[tilespmem:s10+$0x600] =	vst v39;
	v42 =	vmul.f32 v21, v21;
	v43 =	vmul.f32 v23, v23  }
0xa8: {  	[tilespmem:s10+$0x680] =	vst v44;
	v18 =	vmul.f32 v25, v18;
	v27 =	vmul.f32 v40, v26;
	v28 =	vnsel vm6, $0x0, v41  }
0xa9: {  	v16 =	vmul.f32 v25, v16;
	v45 =	vadd.s32 $0x8000, v28;
	[tilespmem:s6+$0xB80] =	vst v28;
	v20 =	vadd.f32 v43, v42  }
0xaa: {  	v18 =	vnsel vm6, $0x0, v18;
	v47 =	vsub.f32 $1.500000000e+00, v27;
	v48 =	vand.u32 $0xFFFF0000, v45;
	[tilespmem:s10+$0x380] =	vst v46  }
0xab: {  	v51 =	vmul.f32 v48, v5;
	[tilespmem:s6+$0x280] =	vst v18;
	v49 =	vshra.s32 v20, $0x1;
	v50 =	vmul.f32 $5.000000000e-01, v20  }
0xac: {  	v33 =	vmul.f32 v48, v14;
	v24 =	vmul.f32 v47, v26;
	[tilespmem:s4+$0x180] =	vst v52;
	v28 =	vsub.s32 $0x5F3759DF, v49  }
0xad: {  	v16 =	vnsel vm6, $0x0, v16;
	v32 =	vmul.f32 v48, v0;
	[tilespmem:s4+$0x200] =	vst v54;
	v53 =	vmul.f32 v28, v50  }
0xae: {  	v35 =	vmul.f32 v48, v2;
	[tilespmem:s6+$0x300] =	vst v16;
	v56 =	vmul.f32 v24, v22  }
0xaf: {  	v36 =	vmul.f32 v48, v4;
	[tilespmem:s6+$0x480] =	vst v32;
	v18 =	vmul.f32 v28, v53  }
0xb0: {  	v27 =	vmul.f32 v48, v8;
	[tilespmem:s6+$0x580] =	vst v35;
	v22 =	vmul.f32 v56, v24  }
0xb1: {  	v55 =	vmul.f32 v48, v7;
	v33 =	vadd.f32 v33, v13;
	[tilespmem:s6+$0x600] =	vst v36;
	v18 =	vsub.f32 $1.500000000e+00, v18  }
0xb2: {  	v59 =	vmul.f32 v48, v9;
	v57 =	vadd.f32 v51, v3;
	[tilespmem:s6+$0x680] =	vst v27;
	v22 =	vsub.f32 $1.500000000e+00, v22  }
0xb3: {  	v60 =	vmul.f32 v48, v12;
	v58 =	vadd.f32 v55, v6;
	[tilespmem:s6+$0x900] =	vst v33;
	v63 =	vmul.f32 v28, v18  }
0xb4: {  	v61 =	vadd.f32 v59, v10;
	[tilespmem:s6+$0x700] =	vst v57;
	v22 =	vmul.f32 v22, v24  }
0xb5: {  	v62 =	vadd.f32 v60, v11;
	[tilespmem:s6+$0x780] =	vst v58;
	v34 =	vmul.f32 v63, v50  }
0xb6: {  	v33 =	vmul.f32 v48, v1;
	[tilespmem:s6+$0x800] =	vst v61;
	v38 =	vmul.f32 v22, v19  }
0xb7: {  	vm4 =	vgt.f32 v19, $0.0e+00;
	[tilespmem:s6+$0x880] =	vst v62;
	v24 =	vmul.f32 v34, v63  }
0xb8: {  	[tilespmem:s6+$0x500] =	vst v33;
	v40 =	vmul.f32 v22, v17;
	v18 =	vnsel vm4, $0x0, v38  }
0xb9: {  	vm5 =	vgt.f32 v30, $0.0e+00;
	v42 =	vsel vm6, $0x3F800000, v37;
	[tilespmem:s4+$0xB80] =	vst v18;
	v39 =	vsub.f32 $1.500000000e+00, v24  }
0xba: {  	v45 =	vnsel vm5, $0x4E6E6B28, v21;
	v17 =	vnsel vm4, $0x0, v40;
	[tilespmem:s6+$0x380] =	vst v42  }
0xbb: {  	v15 =	vmul.f32 v22, v15;
	v41 =	vadd.s32 $0x8000, v18;
	[tilespmem:s4+$0x280] =	vst v17;
	v16 =	vmul.f32 v39, v63  }
0xbc: {  	v48 =	vnsel vm5, $0x4E6E6B28, v23;
	v43 =	vand.u32 $0xFFFF0000, v41;
	[tilespmem:s8+$0x180] =	vst v45  }
0xbd: {  	v15 =	vnsel vm4, $0x0, v15;
	v54 =	vmul.f32 v43, v0;
	[tilespmem:s8+$0x200] =	vst v48;
	v47 =	vmul.f32 v16, v50  }
0xbe: {  	v55 =	vmul.f32 v43, v1;
	[tilespmem:s4+$0x300] =	vst v15  }
0xbf: {  	v57 =	vmul.f32 v43, v2;
	[tilespmem:s4+$0x480] =	vst v54;
	v17 =	vmul.f32 v47, v16  }
0xc0: {  	v44 =	vmul.f32 v43, v14;
	v58 =	vmul.f32 v43, v4;
	[tilespmem:s4+$0x500] =	vst v55  }
0xc1: {  	v46 =	vmul.f32 v43, v5;
	v18 =	vmul.f32 v43, v8;
	[tilespmem:s4+$0x580] =	vst v57;
	v17 =	vsub.f32 $1.500000000e+00, v17  }
0xc2: {  	v51 =	vmul.f32 v43, v9;
	v19 =	vadd.f32 v44, v13;
	[tilespmem:s4+$0x600] =	vst v58  }
0xc3: {  	v49 =	vmul.f32 v43, v7;
	v25 =	vadd.f32 v46, v3;
	[tilespmem:s4+$0x680] =	vst v18;
	v15 =	vmul.f32 v17, v16  }
0xc4: {  	v52 =	vmul.f32 v43, v12;
	v53 =	vadd.f32 v51, v10;
	[tilespmem:s4+$0x900] =	vst v19  }
0xc5: {  	v50 =	vadd.f32 v49, v6;
	[tilespmem:s4+$0x700] =	vst v25;
	v56 =	vmul.f32 v15, v20  }
0xc6: {  	vm5 =	vgt.f32 v20, $0.0e+00;
	v19 =	vadd.f32 v52, v11;
	[tilespmem:s4+$0x800] =	vst v53  }
0xc7: {  	[tilespmem:s4+$0x780] =	vst v50;
	v59 =	vnsel vm5, $0x0, v56  }
0xc8: {  	[tilespmem:s4+$0x880] =	vst v19;
	v61 =	vmul.f32 v15, v21;
	v19 =	vadd.s32 $0x8000, v59  }
0xc9: {  	v62 =	vsel vm4, $0x3F800000, v37;
	[tilespmem:s8+$0xB80] =	vst v59;
	v60 =	vand.u32 $0xFFFF0000, v19  }
0xca: {  	v63 =	vnsel vm5, $0x0, v61;
	[tilespmem:s4+$0x380] =	vst v62;
	v0 =	vmul.f32 v60, v0  }
0xcb: {  	v14 =	vmul.f32 v60, v14;
	[tilespmem:s8+$0x280] =	vst v63;
	v1 =	vmul.f32 v60, v1  }
0xcc: {  	v5 =	vmul.f32 v60, v5;
	v2 =	vmul.f32 v60, v2;
	[tilespmem:s8+$0x480] =	vst v0  }
0xcd: {  	v7 =	vmul.f32 v60, v7;
	v13 =	vadd.f32 v14, v13;
	[tilespmem:s8+$0x500] =	vst v1  }
0xce: {  	v3 =	vadd.f32 v5, v3;
	[tilespmem:s8+$0x580] =	vst v2  }
0xcf: {  	v6 =	vadd.f32 v7, v6;
	[tilespmem:s8+$0x900] =	vst v13  }
0xd0: {  	v0 =	vmul.f32 v60, v4;
	[tilespmem:s8+$0x700] =	vst v3  }
0xd1: {  	v5 =	vmul.f32 v15, v23;
	v1 =	vmul.f32 v60, v8;
	[tilespmem:s8+$0x780] =	vst v6  }
0xd2: {  	v7 =	vmul.f32 v60, v9;
	[tilespmem:s8+$0x600] =	vst v0  }
0xd3: {  	v9 =	vmul.f32 v60, v12;
	v3 =	vnsel vm5, $0x0, v5;
	[tilespmem:s8+$0x680] =	vst v1  }
0xd4: {  	v5 =	vadd.f32 v7, v10;
	v0 =	vsel vm5, $0x3F800000, v37;
	[tilespmem:s8+$0x300] =	vst v3  }
0xd5: {  	v6 =	vadd.f32 v9, v11;
	[tilespmem:s8+$0x380] =	vst v0  }
0xd6: {  	[tilespmem:s8+$0x800] =	vst v5  }
0xd7: {  	[tilespmem:s8+$0x880] =	vst v6  }
0xd8: {  	v0 =	vld [tilespmem:$0xC00];
	_ =	sdelay $0x1  }
0xd9: {  	v1 =	vld [tilespmem:$0xC10];
	_ =	sdelay $0x2  }
0xda: {  	v2 =	vbroadcast v0, $0xF  }
0xdb: {  	v3 =	vbroadcast v0, $0xB  }
0xdc: {  	[tilespmem:$0x1FD50] =	vst v2;
	v2 =	vbroadcast v1, $0x4  }
0xdd: {  	v4 =	vbroadcast v1, $0x6;
	[tilespmem:$0x1FDA0] =	vst v3  }
0xde: {  	[tilespmem:$0x1FD60] =	vst v2;
	v2 =	vbroadcast v0, $0xA  }
0xdf: {  	[tilespmem:$0x1FDC0] =	vst v4;
	v4 =	vbroadcast v0, $0xC  }
0xe0: {  	[tilespmem:$0x1FD70] =	vst v2;
	v2 =	vbroadcast v1, $0x0  }
0xe1: {  	[tilespmem:$0x1FDD0] =	vst v4;
	v4 =	vbroadcast v1, $0x2  }
0xe2: {  	[tilespmem:$0x1FD80] =	vst v2;
	v2 =	vbroadcast v1, $0x5  }
0xe3: {  	[tilespmem:$0x1FDE0] =	vst v4;
	v4 =	vbroadcast v1, $0x7  }
0xe4: {  	v3 =	vbroadcast v1, $0x1;
	[tilespmem:$0x1FD90] =	vst v2;
	v2 =	vld [tilespmem:$0xC30]  }
0xe5: {  	[tilespmem:$0x1FDF0] =	vst v4;
	v4 =	vbroadcast v0, $0xD;
	v0 =	vbroadcast v0, $0xE  }
0xe6: {  	[tilespmem:$0x1FDB0] =	vst v3;
	v3 =	vld [tilespmem:$0xC20]  }
0xe7: {  	[tilespmem:$0x1FE30] =	vst v0;
	v0 =	vbroadcast v1, $0xE;
	_ =	sdelay $0x1  }
0xe8: {  	[tilespmem:$0x1FE40] =	vst v0;
	v0 =	vbroadcast v2, $0x7;
	_ =	sdelay $0x1  }
0xe9: {  	[tilespmem:$0x1FE50] =	vst v0;
	v0 =	vbroadcast v3, $0x3;
	_ =	sdelay $0x1  }
0xea: {  	[tilespmem:$0x1FE60] =	vst v0;
	v0 =	vbroadcast v3, $0x8;
	_ =	sdelay $0x1  }
0xeb: {  	[tilespmem:$0x1FE70] =	vst v0;
	v0 =	vbroadcast v3, $0xD;
	_ =	sdelay $0x1  }
0xec: {  	[tilespmem:$0x1FE80] =	vst v0;
	v0 =	vbroadcast v2, $0x2;
	_ =	sdelay $0x1  }
0xed: {  	[tilespmem:$0x1FE90] =	vst v0;
	v0 =	vbroadcast v1, $0xF;
	_ =	sdelay $0x1  }
0xee: {  	[tilespmem:$0x1FEA0] =	vst v0;
	v0 =	vbroadcast v2, $0x8;
	_ =	sdelay $0x1  }
0xef: {  	[tilespmem:$0x1FEB0] =	vst v0;
	v0 =	vbroadcast v3, $0x4;
	_ =	sdelay $0x1  }
0xf0: {  	[tilespmem:$0x1FEC0] =	vst v0;
	v0 =	vbroadcast v3, $0x9;
	_ =	sdelay $0x1  }
0xf1: {  	[tilespmem:$0x1FED0] =	vst v0;
	v0 =	vbroadcast v3, $0xE;
	_ =	sdelay $0x1  }
0xf2: {  	[tilespmem:$0x1FEE0] =	vst v0;
	v0 =	vbroadcast v2, $0x3;
	_ =	sdelay $0x1  }
0xf3: {  	[tilespmem:$0x1FEF0] =	vst v0;
	v0 =	vbroadcast v3, $0x0;
	_ =	sdelay $0x1  }
0xf4: {  	[tilespmem:$0x1FF00] =	vst v0;
	v0 =	vbroadcast v2, $0x9  }
0xf5: {  	v12 =	vld [tilespmem:$0xC50]  }
0xf6: {  	[tilespmem:$0x1FF10] =	vst v0;
	v0 =	vbroadcast v3, $0x5;
	_ =	sdelay $0x1  }
0xf7: {  	[tilespmem:$0x1FF20] =	vst v0;
	v0 =	vbroadcast v3, $0xA;
	_ =	sdelay $0x1  }
0xf8: {  	v5 =	vbroadcast v12, $0x6;
	[tilespmem:$0x1FF30] =	vst v0;
	v0 =	vbroadcast v3, $0xF  }
0xf9: {  	v6 =	vbroadcast v12, $0x1;
	[tilespmem:$0x1FE00] =	vst v4;
	v4 =	vbroadcast v1, $0x3  }
0xfa: {  	v7 =	vbroadcast v12, $0x7;
	[tilespmem:$0x1FF40] =	vst v0;
	v0 =	vbroadcast v2, $0x4  }
0xfb: {  	v8 =	vbroadcast v12, $0x2;
	[tilespmem:$0x1FE10] =	vst v4;
	v4 =	vbroadcast v1, $0x8  }
0xfc: {  	v9 =	vbroadcast v12, $0x8;
	[tilespmem:$0x1FF50] =	vst v0;
	v0 =	vbroadcast v3, $0x1  }
0xfd: {  	v10 =	vbroadcast v12, $0x3;
	v11 =	vbroadcast v12, $0x9;
	[tilespmem:$0x1FE20] =	vst v4  }
0xfe: {  	v42 =	vbroadcast v3, $0xC;
	v4 =	vld [tilespmem:$0xC40];
	[tilespmem:$0x1FF60] =	vst v0;
	v0 =	vbroadcast v2, $0xA  }
0xff: {  	v43 =	vbroadcast v2, $0x1;
	v44 =	vbroadcast v2, $0x6  }
0x100: {  	v45 =	vbroadcast v2, $0xC;
	[tilespmem:$0x1FF70] =	vst v0;
	v0 =	vbroadcast v3, $0x6  }
0x101: {  	v49 =	vbroadcast v2, $0xD;
	v53 =	vbroadcast v2, $0xE  }
0x102: {  	v57 =	vbroadcast v2, $0xF;
	[tilespmem:$0x1FF80] =	vst v0;
	v0 =	vbroadcast v3, $0xB  }
0x103: {  	v46 =	vbroadcast v4, $0x1;
	v47 =	vbroadcast v4, $0x6  }
0x104: {  	v48 =	vbroadcast v4, $0xB;
	[tilespmem:$0x1FF90] =	vst v0;
	v0 =	vbroadcast v2, $0x0  }
0x105: {  	v50 =	vbroadcast v4, $0x2;
	v51 =	vbroadcast v4, $0x7  }
0x106: {  	v52 =	vbroadcast v4, $0xC;
	[tilespmem:$0x1FFA0] =	vst v0;
	v0 =	vbroadcast v2, $0x5  }
0x107: {  	v54 =	vbroadcast v4, $0x3;
	v55 =	vbroadcast v4, $0x8  }
0x108: {  	v56 =	vbroadcast v4, $0xD;
	[tilespmem:$0x1FFB0] =	vst v0;
	v0 =	vbroadcast v3, $0x2  }
0x109: {  	v58 =	vbroadcast v4, $0x4;
	v59 =	vbroadcast v4, $0x9  }
.Ltmp5:
0x10a: {  	v60 =	vbroadcast v4, $0xE;
	[tilespmem:$0x1FFC0] =	vst v0;
	v0 =	vbroadcast v2, $0xB;
	(pc) =	sbr.rel .LBB2_5-.Ltmp5, $4  }
0x10b: {  	v61 =	vbroadcast v4, $0x0;
	v62 =	vbroadcast v4, $0x5  }
0x10c: {  	v63 =	vbroadcast v4, $0xA;
	[tilespmem:$0x1FFD0] =	vst v0;
	v0 =	vbroadcast v3, $0x7  }
0x10d: {  	v2 =	vbroadcast v4, $0xF;
	v4 =	vbroadcast v12, $0x0  }
0x10e: {  	s6 =	simm.s32 $0x0;
	v3 =	vbroadcast v12, $0x5;
	v12 =	vbroadcast v12, $0x4;
	[tilespmem:$0x1FFE0] =	vst v0  }
.LBB2_11:
0x10f: {  	v0 =	vld [tilespmem:s4+$0x0];
	_ =	sdelay $0x4  }
0x110: {  	v1 =	vmul.f32 v0, v27;
	_ =	sdelay $0x1  }
0x111: {  	vm4 =	veq.f32 v1, $0.0e+00  }
0x112: {  	v18 =	vsel vm4, $0x3F800000, v1  }
0x113: {  	v19 =	vshra.s32 v18, $0x1;
	v18 =	vmul.f32 $5.000000000e-01, v18  }
0x114: {  	v19 =	vsub.s32 $0x5F3759DF, v19  }
0x115: {  	v20 =	vmul.f32 v19, v18;
	_ =	sdelay $0x1  }
0x116: {  	v20 =	vmul.f32 v19, v20;
	_ =	sdelay $0x1  }
0x117: {  	v20 =	vsub.f32 $1.500000000e+00, v20;
	_ =	sdelay $0x1  }
0x118: {  	v19 =	vmul.f32 v19, v20;
	_ =	sdelay $0x1  }
0x119: {  	v20 =	vmul.f32 v19, v18;
	_ =	sdelay $0x1  }
0x11a: {  	v20 =	vmul.f32 v20, v19;
	_ =	sdelay $0x1  }
0x11b: {  	v20 =	vsub.f32 $1.500000000e+00, v20;
	_ =	sdelay $0x1  }
0x11c: {  	v19 =	vmul.f32 v20, v19;
	_ =	sdelay $0x1  }
0x11d: {  	v18 =	vmul.f32 v19, v18;
	_ =	sdelay $0x1  }
0x11e: {  	v18 =	vmul.f32 v18, v19;
	_ =	sdelay $0x1  }
0x11f: {  	v18 =	vsub.f32 $1.500000000e+00, v18;
	_ =	sdelay $0x1  }
0x120: {  	v18 =	vmul.f32 v18, v19  }
0x121: {  	v33 =	vld [tilespmem:s4+$0x400]  }
0x122: {  	v18 =	vmul.f32 v18, v18;
	_ =	sdelay $0x1  }
0x123: {  	v34 =	vmul.f32 v18, v0;
	_ =	sdelay $0x1  }
0x124: {  	v22 =	vld [tilespmem:$0x1FFF0];
	v20 =	vmul.f32 v34, v33;
	_ =	sdelay $0x1  }
0x125: {  	v17 =	vmul.f32 v20, v17;
	_ =	sdelay $0x1  }
0x126: {  	v21 =	vand.u32 $0x80000000, v17;
	vm4 =	vlt.f32 v17, $0.0e+00;
	vm5 =	vgt.f32 v17, $0.0e+00  }
0x127: {  	v21 =	vor.u32 v21, v22;
	vm4 =	vmor vm5, vm4  }
0x128: {  	v21 =	vsel vm4, v21, v17  }
0x129: {  	v21 =	vmul.f32 $5.000000000e-01, v21;
	_ =	sdelay $0x1  }
0x12a: {  	v21 =	vadd.f32 v21, v17;
	_ =	sdelay $0x1  }
0x12b: {  	v21 =	vtrunc.f32 v21  }
0x12c: {  	v21 =	vcvt.f32.s32 v21;
	_ =	sdelay $0x1  }
0x12d: {  	v21 =	vcvt.s32.f32 v21;
	_ =	sdelay $0x1  }
0x12e: {  	v17 =	vsub.f32 v17, v21;
	_ =	sdelay $0x1  }
0x12f: {  	v21 =	vmul.f32 v17, v17;
	_ =	sdelay $0x1  }
0x130: {  	v35 =	vmul.f32 $6.575560090e+00, v21;
	_ =	sdelay $0x1  }
0x131: {  	v23 =	vmul.f32 $-1.257639030e+01, v21;
	v22 =	vadd.f32 $-2.600049400e+01, v35;
	_ =	sdelay $0x1  }
0x132: {  	v23 =	vadd.f32 $4.140344620e+01, v23;
	v22 =	vmul.f32 v22, v21;
	_ =	sdelay $0x1  }
0x133: {  	v23 =	vmul.f32 v23, v21;
	v22 =	vadd.f32 $6.017621990e+01, v22;
	_ =	sdelay $0x1  }
0x134: {  	v23 =	vadd.f32 $-7.662655630e+01, v23;
	v22 =	vmul.f32 v22, v21;
	_ =	sdelay $0x1  }
0x135: {  	v23 =	vmul.f32 v23, v21;
	v22 =	vadd.f32 $-8.545116420e+01, v22;
	_ =	sdelay $0x1  }
0x136: {  	v23 =	vadd.f32 $8.160091400e+01, v23;
	v22 =	vmul.f32 v22, v21;
	_ =	sdelay $0x1  }
0x137: {  	v23 =	vmul.f32 v23, v21;
	v22 =	vadd.f32 $6.493917080e+01, v22;
	_ =	sdelay $0x1  }
0x138: {  	v24 =	vld [tilespmem:s4+$0x80];
	v23 =	vadd.f32 $-4.134161760e+01, v23;
	v22 =	vmul.f32 v22, v21  }
0x139: {  	v36 =	vld [tilespmem:s4+$0x100];
	v1 =	vmul.f32 v18, v1  }
0x13a: {  	v23 =	vmul.f32 v23, v21;
	v22 =	vadd.f32 $-1.973920630e+01, v22  }
0x13b: {  	v1 =	vmul.f32 v1, v33;
	v16 =	vmul.f32 v20, v16  }
0x13c: {  	v15 =	vmul.f32 v20, v15;
	v38 =	vadd.f32 $6.283185000e+00, v23;
	v21 =	vmul.f32 v22, v21  }
0x13d: {  	v0 =	vmul.f32 v1, v0;
	v40 =	vmul.f32 v1, v24  }
0x13e: {  	v1 =	vmul.f32 v1, v36;
	v17 =	vmul.f32 v38, v17;
	v39 =	vadd.f32 $1.000000000e+00, v21  }
0x13f: {  	s6 =	sadd.s32 $0x1, s6;
	v14 =	vmul.f32 v20, v14;
	v13 =	vmul.f32 v20, v13;
	[tilespmem:s4+$0x0] =	vst v0  }
0x140: {  	p1 =	sne.s32 s6, $0x8;
	[tilespmem:s4+$0x980] =	vst v16;
	v18 =	vmul.f32 v17, v1;
	v0 =	vmul.f32 v39, v40  }
.Ltmp6:
0x141: {  	[tilespmem:s4+$0xA00] =	vst v15;
	v41 =	vmul.f32 v17, v40;
	v1 =	vmul.f32 v39, v1;
	(pc) =	sbr.rel @!p1 .LBB2_12-.Ltmp6, $4  }
0x142: {  	[tilespmem:s4+$0xA80] =	vst v14;
	v0 =	vsub.f32 v0, v18  }
0x143: {  	[tilespmem:s4+$0xB00] =	vst v13;
	v1 =	vadd.f32 v1, v41  }
0x144: {  	[tilespmem:s4+$0x80] =	vst v0  }
0x145: {  	[tilespmem:s4+$0x100] =	vst v1  }
.LBB2_5:
0x146: {  	s4 =	sshll.u32 s6, $0x4  }
0x147: {  	v18 =	vld [tilespmem:s4+$0xB80];
	_ =	sdelay $0x4  }
0x148: {  	(xrf0) =	vmin.scan.msk.f32 $0xffff, v18;
	_ =	sdelay $0x1  }
0x149: {  	(xrf0) =	vmax.scan.msk.f32 $0xffff, v18;
	_ =	sdelay $0x3  }
0x14a: {  	v13, _, _ =	vpop (xrf0)  }
0x14b: {  	(v2sf) =	vpush v13, $0xF  }
0x14c: {  	v13, _, _ =	vpop (xrf0)  }
0x14d: {  	(v2sf) =	vpush v13, $0xF;
	_ =	sdelay $0x9  }
0x14e: {  	v19 =	vld [tilespmem:s4+$0x180]  }
0x14f: {  	v20 =	vld [tilespmem:s4+$0x200]  }
0x150: {  	v21 =	vld [tilespmem:s4+$0x280]  }
0x151: {  	v22 =	vld [tilespmem:s4+$0x300];
	s8 =	spop (v2sf)  }
0x152: {  	v23 =	vld [tilespmem:s4+$0x380];
	s8 =	sadd.f32 $-4.000999930e-01, s8  }
.Ltmp7:
0x153: {  	v24 =	vld [tilespmem:s4+$0x480];
	s10 =	spop (v2sf);
	(pc) =	sbr.rel .LBB2_6-.Ltmp7, $4  }
0x154: {  	v25 =	vld [tilespmem:s4+$0x500];
	s10 =	sadd.f32 $4.000999930e-01, s10  }
0x155: {  	v27 =	vimm.f32 $0.0e+00;
	v26 =	vld [tilespmem:s4+$0x580];
	v0 =	vmov s8  }
0x156: {  	v17 =	vimm.f32 $0.0e+00;
	v14 =	vimm.f32 $0.0e+00;
	v28 =	vld [tilespmem:s4+$0x600];
	[tilespmem:$0x1FD30] =	vst v0;
	v0 =	vmov s10  }
0x157: {  	v15 =	vimm.f32 $0.0e+00;
	v16 =	vimm.f32 $0.0e+00;
	v29 =	vld [tilespmem:s4+$0x680];
	v13 =	vimm.f32 $0.0e+00;
	s8 =	simm.s32 $0x0;
	s10 =	simm.s32 $0x0;
	[tilespmem:$0x1FD40] =	vst v0  }
.LBB2_10:
0x158: {  	s10 =	sadd.s32 $0x1, s10  }
0x159: {  	p1 =	sne.s32 s10, $0x8  }
.Ltmp8:
0x15a: {  	_ = 	snop;
	(pc) =	sbr.rel @!p1 .LBB2_11-.Ltmp8, $2  }
0x15b: {  	_ =	sdelay $0x2  }
0x15c: {  	s8 =	sadd.s32 $0x10, s8  }
.LBB2_6:
0x15d: {  	s31 =	sshll.u32 s10, $0x4;
	v0 =	vld [tilespmem:$0x1FD30]  }
0x15e: {  	v30 =	vld [tilespmem:s31+$0xB80];
	_ =	sdelay $0x4  }
0x15f: {  	vm4 =	vge.f32 v30, v0;
	v0 =	vld [tilespmem:$0x1FD40];
	_ =	sdelay $0x4  }
0x160: {  	vm5 =	vle.f32 v30, v0  }
0x161: {  	vm4 =	vmand vm4, vm5  }
0x162: {  	v30 =	vsel vm4, $0x3F800000, v37  }
0x163: {  	(xrf0) =	vmax.scan.msk.f32 $0xffff, v30;
	_ =	sdelay $0x5  }
0x164: {  	v30, _, _ =	vpop (xrf0)  }
0x165: {  	(v2sf) =	vpush v30, $0xF;
	_ =	sdelay $0xe  }
0x166: {  	s31 =	spop (v2sf)  }
0x167: {  	p1 =	sgt.f32 s31, $0.0e+00  }
.Ltmp9:
0x168: {  	_ = 	snop;
	(pc) =	sbr.rel @!p1 .LBB2_10-.Ltmp9, $4  }
.Ltmp10:
0x169: {  	_ = 	snop;
	(pc) =	sbr.rel @p1 .LBB2_7-.Ltmp10, $4  }
0x16a: {  	_ = 	snop  }
0x16b: {  	_ = 	snop  }
0x16c: {  	s31 =	simm.s32 $0x0  }
0x16d: {  	_ = 	snop  }
.LBB2_9:
0x16e: {  	s31 =	sadd.s32 $0x1, s31  }
0x16f: {  	p1 =	sne.s32 s31, $0x10  }
.Ltmp11:
0x170: {  	_ = 	snop;
	(pc) =	sbr.rel @!p1 .LBB2_10-.Ltmp11, $1  }
0x171: {  	_ =	sdelay $0x3  }
.LBB2_7:
0x172: {  	s1 =	sadd.s32 s31, s8  }
0x173: {  	v31 =	vmov s1;
	_ =	sdelay $0x4  }
0x174: {  	v30 =	vld.idx.msk [tilespmem:v31+s14+$0x0], $0xffff  }
0x175: {  	v32 =	vld.idx.msk [tilespmem:v31+s15+$0x0], $0xffff;
	_ =	sdelay $0x4  }
0x176: {  	v30 =	vsub.f32 v19, v30;
	v32 =	vsub.f32 v20, v32;
	_ =	sdelay $0x1  }
0x177: {  	v30 =	vmul.f32 v30, v30;
	v32 =	vmul.f32 v32, v32;
	_ =	sdelay $0x1  }
0x178: {  	v30 =	vadd.f32 v32, v30;
	_ =	sdelay $0x1  }
0x179: {  	vm4 =	vle.f32 v30, $1.599999960e-01  }
0x17a: {  	v30 =	vsel vm4, $0x3F800000, v37  }
0x17b: {  	(xrf0) =	vmax.scan.msk.f32 $0xffff, v30;
	_ =	sdelay $0x5  }
0x17c: {  	v41, _, _ =	vpop (xrf0)  }
0x17d: {  	(v2sf) =	vpush v41, $0xF;
	_ =	sdelay $0xe  }
0x17e: {  	s1 =	spop (v2sf)  }
0x17f: {  	p1 =	sgt.f32 s1, $0.0e+00  }
.Ltmp12:
0x180: {  	_ = 	snop;
	(pc) =	sbr.rel @!p1 .LBB2_9-.Ltmp12, $1  }
0x181: {  	_ =	sdelay $0x3  }
0x182: {  	_ =	sdelay $0x3  }
0x183: {  	v32 =	vld.idx.msk [tilespmem:v31+s16+$0x0], $0xffff  }
0x184: {  	v33 =	vld.idx.msk [tilespmem:v31+s17+$0x0], $0xffff;
	_ =	sdelay $0x4  }
0x185: {  	v34 =	vmul.f32 v32, v21;
	v35 =	vmul.f32 v33, v22  }
0x186: {  	v1 =	vld [tilespmem:$0x1FD50]  }
0x187: {  	v34 =	vadd.f32 v35, v34  }
0x188: {  	v32 =	vmul.f32 v32, v22;
	v33 =	vmul.f32 v33, v21  }
0x189: {  	v0 =	vld.idx.msk [tilespmem:v31+s19+$0x0], $0xffff;
	v39 =	vadd.s32 $0x8000, v34  }
0x18a: {  	v36 =	vld.idx.msk [tilespmem:v31+s24+$0x0], $0xffff;
	v32 =	vsub.f32 v32, v33;
	v33 =	vand.u32 $0xFFFF0000, v39  }
0x18b: {  	v40 =	vmul.f32 v33, v1;
	v1 =	vld [tilespmem:$0x1FD60]  }
0x18c: {  	v38 =	vld [tilespmem:$0x1FD70]  }
0x18d: {  	v37 =	vld [tilespmem:$0x1FD80]  }
0x18e: {  	v0 =	vadd.f32 v0, v24;
	v34 =	vld.idx.msk [tilespmem:v31+s20+$0x0], $0xffff;
	v32 =	vadd.s32 $0x8000, v32  }
0x18f: {  	v36 =	vsub.f32 v36, v18;
	v32 =	vand.u32 $0xFFFF0000, v32  }
0x190: {  	v39 =	vld [tilespmem:$0x1FD90];
	v0 =	vadd.f32 v40, v0;
	v41 =	vmul.f32 v32, v1  }
0x191: {  	v36 =	vadd.s32 $0x8000, v36  }
0x192: {  	v36 =	vand.u32 $0xFFFF0000, v36;
	v0 =	vadd.f32 v0, v41;
	v41 =	vld [tilespmem:$0x1FDA0]  }
0x193: {  	v35 =	vmul.f32 v36, v38;
	v37 =	vmul.f32 v33, v37;
	v34 =	vadd.f32 v34, v25  }
0x194: {  	v40 =	vld [tilespmem:$0x1FDB0]  }
0x195: {  	v1 =	vld.idx.msk [tilespmem:v31+s21+$0x0], $0xffff;
	v34 =	vadd.f32 v37, v34;
	v0 =	vadd.f32 v35, v0;
	v35 =	vmul.f32 v32, v39;
	_ =	sdelay $0x1  }
0x196: {  	v34 =	vadd.f32 v34, v35;
	v35 =	vmul.f32 v36, v41;
	v41 =	vld [tilespmem:$0x1FDC0];
	_ =	sdelay $0x2  }
0x197: {  	v37 =	vmul.f32 v33, v40;
	v1 =	vadd.f32 v1, v26  }
0x198: {  	v38 =	vld.idx.msk [tilespmem:v31+s22+$0x0], $0xffff  }
0x199: {  	v1 =	vadd.f32 v37, v1;
	v37 =	vmul.f32 v32, v41;
	v41 =	vld [tilespmem:$0x1FDE0];
	_ =	sdelay $0x1  }
0x19a: {  	v1 =	vadd.f32 v1, v37;
	v37 =	vld [tilespmem:$0x1FDD0];
	_ =	sdelay $0x2  }
0x19b: {  	v38 =	vadd.f32 v38, v28;
	v41 =	vmul.f32 v33, v41;
	_ =	sdelay $0x1  }
0x19c: {  	v34 =	vadd.f32 v35, v34;
	v35 =	vmul.f32 v36, v37;
	v37 =	vadd.f32 v41, v38;
	v41 =	vld [tilespmem:$0x1FE10]  }
0x19d: {  	v40 =	vmul.f32 $9.999999770e-03, v0  }
0x19e: {  	vm4 =	vge.f32 v0, $0.0e+00  }
0x19f: {  	v0 =	vsel vm4, v0, v40;
	v40 =	vld [tilespmem:$0x1FDF0];
	_ =	sdelay $0x1  }
0x1a0: {  	v33 =	vmul.f32 v33, v41;
	v41 =	vld [tilespmem:$0x1FE00];
	_ =	sdelay $0x2  }
0x1a1: {  	v39 =	vld.idx.msk [tilespmem:v31+s23+$0x0], $0xffff;
	v38 =	vmul.f32 v32, v40;
	_ =	sdelay $0x1  }
0x1a2: {  	v1 =	vadd.f32 v35, v1;
	v35 =	vadd.f32 v37, v38;
	v37 =	vmul.f32 v36, v41;
	v41 =	vld [tilespmem:$0x1FE20]  }
0x1a3: {  	v40 =	vmul.f32 $9.999999770e-03, v34  }
0x1a4: {  	vm4 =	vge.f32 v34, $0.0e+00  }
0x1a5: {  	v39 =	vadd.f32 v39, v29;
	v34 =	vsel vm4, v34, v40;
	v40 =	vld [tilespmem:$0x1FE30];
	_ =	sdelay $0x1  }
0x1a6: {  	v33 =	vadd.f32 v33, v39;
	v32 =	vmul.f32 v32, v41  }
0x1a7: {  	v35 =	vadd.f32 v37, v35;
	v41 =	vmul.f32 $9.999999770e-03, v1  }
0x1a8: {  	vm4 =	vge.f32 v1, $0.0e+00;
	v32 =	vadd.f32 v33, v32  }
0x1a9: {  	v33 =	vmul.f32 v36, v40;
	v1 =	vsel vm4, v1, v41;
	v41 =	vmul.f32 $9.999999770e-03, v35;
	v40 =	vld [tilespmem:$0x1FE40]  }
0x1aa: {  	vm4 =	vge.f32 v35, $0.0e+00  }
0x1ab: {  	v32 =	vadd.f32 v33, v32;
	v33 =	vsel vm4, v35, v41;
	v41 =	vld [tilespmem:$0x1FE50]  }
0x1ac: {  	v0 =	vadd.s32 $0x8000, v0  }
0x1ad: {  	v0 =	vand.u32 $0xFFFF0000, v0  }
0x1ae: {  	v35 =	vmul.f32 v0, v40;
	_ =	sdelay $0x1  }
0x1af: {  	v35 =	vadd.f32 v35, v41;
	v41 =	vld [tilespmem:$0x1FEA0];
	_ =	sdelay $0x2  }
0x1b0: {  	v36 =	vmul.f32 $9.999999770e-03, v32;
	v40 =	vld [tilespmem:$0x1FE60]  }
0x1b1: {  	vm4 =	vge.f32 v32, $0.0e+00  }
0x1b2: {  	v32 =	vsel vm4, v32, v36;
	v36 =	vmul.f32 v0, v41;
	v41 =	vld [tilespmem:$0x1FEB0]  }
0x1b3: {  	v34 =	vadd.s32 $0x8000, v34  }
0x1b4: {  	v34 =	vand.u32 $0xFFFF0000, v34  }
0x1b5: {  	v37 =	vmul.f32 v34, v40;
	v40 =	vld [tilespmem:$0x1FE70];
	_ =	sdelay $0x1  }
0x1b6: {  	v36 =	vadd.f32 v36, v41;
	v41 =	vld [tilespmem:$0x1FE80]  }
0x1b7: {  	v1 =	vadd.s32 $0x8000, v1  }
0x1b8: {  	v1 =	vand.u32 $0xFFFF0000, v1  }
0x1b9: {  	v33 =	vadd.s32 $0x8000, v33;
	v35 =	vadd.f32 v35, v37;
	v37 =	vmul.f32 v1, v40;
	v40 =	vld [tilespmem:$0x1FEC0]  }
0x1ba: {  	v33 =	vand.u32 $0xFFFF0000, v33  }
0x1bb: {  	v35 =	vadd.f32 v35, v37;
	v37 =	vmul.f32 v33, v41;
	v41 =	vld [tilespmem:$0x1FE90];
	_ =	sdelay $0x1  }
0x1bc: {  	v39 =	vld [tilespmem:$0x1FF00]  }
0x1bd: {  	v32 =	vadd.s32 $0x8000, v32;
	v38 =	vmul.f32 v34, v40;
	v40 =	vld [tilespmem:$0x1FED0]  }
0x1be: {  	v32 =	vand.u32 $0xFFFF0000, v32  }
0x1bf: {  	v35 =	vadd.f32 v35, v37;
	v37 =	vmul.f32 v32, v41;
	v41 =	vld [tilespmem:$0x1FF10];
	_ =	sdelay $0x2  }
0x1c0: {  	v39 =	vmul.f32 v0, v39;
	v36 =	vadd.f32 v36, v38;
	v38 =	vmul.f32 v1, v40;
	v40 =	vld [tilespmem:$0x1FEE0];
	_ =	sdelay $0x1  }
0x1c1: {  	v35 =	vadd.f32 v35, v37;
	v37 =	vadd.f32 v39, v41;
	v39 =	vld [tilespmem:$0x1FF20];
	_ =	sdelay $0x2  }
0x1c2: {  	v36 =	vadd.f32 v36, v38;
	v38 =	vmul.f32 v33, v40;
	v40 =	vld [tilespmem:$0x1FEF0];
	_ =	sdelay $0x1  }
0x1c3: {  	v39 =	vmul.f32 v34, v39;
	_ =	sdelay $0x1  }
0x1c4: {  	v37 =	vadd.f32 v37, v39;
	v39 =	vld [tilespmem:$0x1FF30]  }
0x1c5: {  	v36 =	vadd.f32 v36, v38;
	v38 =	vmul.f32 v32, v40;
	v40 =	vld [tilespmem:$0x1FF60];
	_ =	sdelay $0x1  }
0x1c6: {  	v41 =	vld [tilespmem:$0x1FF70];
	_ =	sdelay $0x1  }
0x1c7: {  	v39 =	vmul.f32 v1, v39  }
0x1c8: {  	v40 =	vmul.f32 v0, v40  }
0x1c9: {  	v37 =	vadd.f32 v37, v39;
	v39 =	vld [tilespmem:$0x1FF40]  }
0x1ca: {  	v36 =	vadd.f32 v36, v38;
	v38 =	vadd.f32 v40, v41;
	v40 =	vld [tilespmem:$0x1FF80];
	_ =	sdelay $0x3  }
0x1cb: {  	v41 =	vld [tilespmem:$0x1FFC0];
	v39 =	vmul.f32 v33, v39  }
0x1cc: {  	v40 =	vmul.f32 v34, v40  }
0x1cd: {  	v37 =	vadd.f32 v37, v39;
	v39 =	vld [tilespmem:$0x1FFD0]  }
0x1ce: {  	v38 =	vadd.f32 v38, v40;
	v40 =	vld [tilespmem:$0x1FF90];
	_ =	sdelay $0x1  }
0x1cf: {  	v0 =	vmul.f32 v0, v41;
	_ =	sdelay $0x1  }
0x1d0: {  	v0 =	vadd.f32 v0, v39;
	v39 =	vld [tilespmem:$0x1FFE0]  }
0x1d1: {  	v40 =	vmul.f32 v1, v40;
	_ =	sdelay $0x1  }
0x1d2: {  	v38 =	vadd.f32 v38, v40;
	v40 =	vld [tilespmem:$0x1FFA0];
	_ =	sdelay $0x1  }
0x1d3: {  	v41 =	vmul.f32 $9.999999770e-03, v35;
	v34 =	vmul.f32 v34, v39;
	v39 =	vld [tilespmem:$0x1FF50]  }
0x1d4: {  	v31 =	vld.idx.msk [tilespmem:v31+s18+$0x0], $0xffff;
	vm4 =	vge.f32 v35, $0.0e+00  }
0x1d5: {  	v35 =	vsel vm4, v35, v41;
	v41 =	vld [tilespmem:$0x1FFB0];
	v1 =	vmul.f32 v1, v42;
	v0 =	vadd.f32 v0, v34  }
0x1d6: {  	v40 =	vmul.f32 v33, v40  }
0x1d7: {  	v0 =	vadd.f32 v0, v1;
	v1 =	vmul.f32 v33, v43;
	v33 =	vmul.f32 $9.999999770e-03, v36  }
0x1d8: {  	vm4 =	vge.f32 v36, $0.0e+00;
	v39 =	vmul.f32 v32, v39  }
0x1d9: {  	v31 =	vmul.f32 v31, v23;
	v36 =	vsel vm4, v36, v33  }
0x1da: {  	v34 =	vadd.f32 v37, v39;
	v37 =	vadd.f32 v38, v40;
	v38 =	vmul.f32 v32, v41  }
0x1db: {  	v0 =	vadd.f32 v0, v1;
	v1 =	vmul.f32 v32, v44;
	v32 =	vadd.s32 $0x8000, v36  }
0x1dc: {  	v32 =	vand.u32 $0xFFFF0000, v32;
	v39 =	vmul.f32 $9.999999770e-03, v34;
	v37 =	vadd.f32 v37, v38  }
0x1dd: {  	v0 =	vadd.f32 v0, v1;
	vm5 =	vge.f32 v34, $0.0e+00;
	v41 =	vmul.f32 v32, v46  }
0x1de: {  	v38 =	vsel vm5, v34, v39;
	v39 =	vadd.s32 $0x8000, v35;
	v40 =	vmul.f32 $9.999999770e-03, v37  }
0x1df: {  	vm4 =	vge.f32 v37, $0.0e+00;
	v1 =	vand.u32 $0xFFFF0000, v39;
	v33 =	vadd.s32 $0x8000, v38  }
0x1e0: {  	v39 =	vmul.f32 v32, v50;
	v34 =	vmul.f32 v1, v45;
	v35 =	vsel vm4, v37, v40  }
0x1e1: {  	vm4 =	vge.f32 v0, $0.0e+00;
	v37 =	vmul.f32 $9.999999770e-03, v0;
	v40 =	vmul.f32 v1, v49  }
0x1e2: {  	v33 =	vand.u32 $0xFFFF0000, v33;
	v35 =	vadd.s32 $0x8000, v35;
	v34 =	vadd.f32 v34, v3  }
0x1e3: {  	v36 =	vmul.f32 v33, v47;
	v35 =	vand.u32 $0xFFFF0000, v35;
	v38 =	vadd.f32 v40, v5  }
0x1e4: {  	v0 =	vsel vm4, v0, v37;
	v40 =	vmul.f32 v32, v54;
	v34 =	vadd.f32 v34, v41  }
0x1e5: {  	v0 =	vadd.s32 $0x8000, v0;
	v37 =	vadd.f32 v38, v39;
	v38 =	vmul.f32 v33, v51  }
0x1e6: {  	v41 =	vmul.f32 v35, v48;
	v34 =	vadd.f32 v34, v36;
	v36 =	vmul.f32 v1, v53  }
0x1e7: {  	v0 =	vand.u32 $0xFFFF0000, v0;
	v37 =	vadd.f32 v37, v38;
	v38 =	vmul.f32 v35, v52  }
0x1e8: {  	v39 =	vmul.f32 v0, v4;
	v34 =	vadd.f32 v34, v41;
	v36 =	vadd.f32 v36, v7  }
0x1e9: {  	v37 =	vadd.f32 v37, v38;
	v38 =	vmul.f32 v1, v57;
	v1 =	vmul.f32 v1, v61  }
0x1ea: {  	v34 =	vadd.f32 v34, v39;
	v36 =	vadd.f32 v36, v40;
	v39 =	vmul.f32 v33, v55  }
0x1eb: {  	v41 =	vmul.f32 v32, v58;
	v32 =	vmul.f32 v32, v62;
	v38 =	vadd.f32 v38, v9  }
0x1ec: {  	v40 =	vmul.f32 v0, v6;
	v1 =	vadd.f32 v1, v11;
	v36 =	vadd.f32 v36, v39  }
0x1ed: {  	v39 =	vmul.f32 v35, v56;
	v38 =	vadd.f32 v38, v41;
	v41 =	vmul.f32 v33, v59  }
0x1ee: {  	v37 =	vadd.f32 v37, v40;
	v1 =	vadd.f32 v1, v32;
	v40 =	vmul.f32 v33, v63  }
0x1ef: {  	v33 =	vadd.f32 v36, v39;
	v36 =	vadd.f32 v38, v41;
	v41 =	vmul.f32 v35, v60  }
0x1f0: {  	v32 =	vmul.f32 v35, v2;
	v1 =	vadd.f32 v1, v40  }
0x1f1: {  	v31 =	vmul.f32 v31, v30;
	v40 =	vmul.f32 v0, v8;
	v36 =	vadd.f32 v36, v41  }
0x1f2: {  	v41 =	vmul.f32 v0, v10;
	v1 =	vadd.f32 v1, v32;
	v0 =	vmul.f32 v0, v12  }
0x1f3: {  	v32 =	vadd.f32 v33, v40  }
.Ltmp13:
0x1f4: {  	v40 =	vadd.f32 v36, v41;
	v0 =	vadd.f32 v1, v0;
	v1 =	vmul.f32 v34, v31;
	(pc) =	sbr.rel .LBB2_9-.Ltmp13, $4  }
0x1f5: {  	v27 =	vadd.f32 v30, v27;
	v41 =	vmul.f32 v37, v31;
	v32 =	vmul.f32 v32, v31  }
0x1f6: {  	v33 =	vmul.f32 v40, v31;
	v16 =	vadd.f32 v1, v16;
	v0 =	vmul.f32 v0, v31  }
0x1f7: {  	v15 =	vadd.f32 v41, v15;
	v14 =	vadd.f32 v32, v14  }
0x1f8: {  	v37 =	vimm.f32 $0.0e+00;
	v13 =	vadd.f32 v33, v13;
	v17 =	vadd.f32 v0, v17  }
.LBB2_12:
0x1f9: {  	v2 =	vld [tilespmem:$0xC50]  }
0x1fa: {  	v3 =	vld [tilespmem:$0xC60]  }
0x1fb: {  	v4 =	vld [tilespmem:$0xCA0]  }
0x1fc: {  	v23 =	vld [tilespmem:$0xC70];
	_ =	sdelay $0x2  }
0x1fd: {  	v18 =	vbroadcast v2, $0xA;
	v9 =	vbroadcast v3, $0xE  }
0x1fe: {  	v26 =	vbroadcast v4, $0x0;
	v25 =	vbroadcast v2, $0xF  }
0x1ff: {  	v28 =	vbroadcast v23, $0x3;
	v13 =	vbroadcast v3, $0x4  }
0x200: {  	v12 =	vbroadcast v23, $0x8;
	v0 =	vbroadcast v3, $0x9  }
0x201: {  	v58 =	vbroadcast v2, $0xB;
	v37 =	vbroadcast v3, $0xF  }
0x202: {  	v33 =	vbroadcast v4, $0x1;
	v24 =	vbroadcast v3, $0x0  }
0x203: {  	v60 =	vbroadcast v23, $0x4;
	v14 =	vbroadcast v3, $0x5  }
0x204: {  	v46 =	vbroadcast v23, $0x9;
	v8 =	vbroadcast v2, $0xC  }
0x205: {  	v31 =	vbroadcast v23, $0x0;
	v29 =	vbroadcast v4, $0x2  }
0x206: {  	v35 =	vbroadcast v3, $0x1;
	v61 =	vbroadcast v23, $0x5  }
0x207: {  	v16 =	vbroadcast v3, $0x6;
	[tilespmem:$0x1FCC0] =	vst v0;
	v0 =	vbroadcast v23, $0xD  }
0x208: {  	s6 =	simm.s32 $0x0;
	v15 =	vbroadcast v23, $0xA;
	v32 =	vbroadcast v23, $0x1  }
0x209: {  	v45 =	vld [tilespmem:s6+$0x80];
	v38 =	vbroadcast v4, $0x3;
	[tilespmem:$0x1FCB0] =	vst v0;
	v0 =	vbroadcast v3, $0xA  }
0x20a: {  	v43 =	vld [tilespmem:s6+$0x100];
	v1 =	vbroadcast v3, $0x2;
	v34 =	vbroadcast v23, $0x6  }
0x20b: {  	v30 =	vld [tilespmem:s6+$0x980];
	v63 =	vbroadcast v3, $0x7;
	[tilespmem:$0x1FCD0] =	vst v0;
	v0 =	vbroadcast v23, $0xE  }
0x20c: {  	v40 =	vld [tilespmem:s6+$0xA00];
	v20 =	vbroadcast v23, $0xB;
	v7 =	vbroadcast v3, $0xC  }
0x20d: {  	v47 =	vld [tilespmem:s6+$0xA80];
	v22 =	vbroadcast v2, $0xE;
	[tilespmem:$0x1FCE0] =	vst v0;
	v0 =	vbroadcast v3, $0xB  }
0x20e: {  	v17 =	vbroadcast v23, $0x2;
	v57 =	vbroadcast v4, $0x4  }
0x20f: {  	v19 =	vbroadcast v3, $0x3;
	[tilespmem:$0x1FCF0] =	vst v0;
	v0 =	vbroadcast v23, $0xF  }
0x210: {  	v36 =	vbroadcast v23, $0x7;
	v41 =	vmul.f32 v43, v43  }
0x211: {  	v4 =	vadd.s32 $0x8000, v30;
	[tilespmem:$0x1FD00] =	vst v0;
	v0 =	vbroadcast v2, $0xD;
	v2 =	vmul.f32 v45, v45  }
0x212: {  	v40 =	vadd.s32 $0x8000, v40;
	v47 =	vadd.s32 $0x8000, v47;
	v4 =	vand.u32 $0xFFFF0000, v4  }
0x213: {  	v27 =	vmul.f32 v4, v9;
	v48 =	vmul.f32 v4, v37;
	v2 =	vadd.f32 v41, v2  }
0x214: {  	v62 =	vand.u32 $0xFFFF0000, v40;
	v50 =	vmul.f32 v4, v31;
	v52 =	vmul.f32 v4, v32  }
0x215: {  	v53 =	vmul.f32 v4, v17;
	v49 =	vshra.s32 v2, $0x1;
	v51 =	vmul.f32 $5.000000000e-01, v2  }
0x216: {  	v10 =	vmovc v9;
	v11 =	vmovc v37;
	v55 =	vmul.f32 v4, v18;
	v56 =	vmul.f32 v62, v25;
	v49 =	vsub.s32 $0x5F3759DF, v49  }
0x217: {  	v21 =	vmovc v32;
	v39 =	vmovc v17;
	v47 =	vand.u32 $0xFFFF0000, v47;
	v37 =	vmul.f32 v62, v28;
	v54 =	vmul.f32 v49, v51  }
0x218: {  	v59 =	vmul.f32 v62, v24;
	v40 =	vmul.f32 v62, v35;
	v9 =	vmovc v31;
	v31 =	vadd.f32 v27, v26  }
0x219: {  	v42 =	vmovc v29;
	v48 =	vadd.f32 v48, v33;
	v50 =	vadd.f32 v50, v29;
	v54 =	vmul.f32 v49, v54  }
0x21a: {  	v52 =	vadd.f32 v52, v38;
	v53 =	vadd.f32 v53, v57;
	v29 =	vmovc v60;
	v60 =	vmul.f32 v62, v60  }
0x21b: {  	v32 =	vmovc v38;
	v17 =	vmovc v57;
	v57 =	vmul.f32 v4, v8;
	v38 =	vmul.f32 v62, v34;
	v54 =	vsub.f32 $1.500000000e+00, v54  }
0x21c: {  	v55 =	vadd.f32 v56, v55;
	v27 =	vmovc v25;
	v25 =	vmovc v28;
	v28 =	vmov v58;
	v58 =	vmul.f32 v4, v58  }
0x21d: {  	v48 =	vadd.f32 v60, v48;
	v60 =	vadd.f32 v40, v57;
	v49 =	vmul.f32 v49, v54  }
0x21e: {  	v44 =	vmovc v33;
	v57 =	vmul.f32 v62, v19;
	v58 =	vadd.f32 v59, v58;
	v59 =	vmul.f32 v62, v36  }
0x21f: {  	v33 =	vmovc v8;
	v41 =	vmovc v26;
	v26 =	vmov v18;
	v18 =	vmul.f32 v62, v61;
	v8 =	vmul.f32 v49, v51  }
0x220: {  	v52 =	vadd.f32 v38, v52;
	v56 =	vmul.f32 v4, v0;
	v4 =	vmul.f32 v4, v22  }
0x221: {  	v54 =	vadd.f32 v37, v31;
	v37 =	vmovc v34;
	v34 =	vmovc v35;
	v35 =	vmov v0;
	v0 =	vmul.f32 v8, v49  }
0x222: {  	[tilespmem:$0x1FC70] =	vst v46;
	v4 =	vadd.f32 v57, v4;
	v57 =	vmul.f32 v47, v46;
	v46 =	vmul.f32 v47, v15  }
0x223: {  	v31 =	vmovc v61;
	v61 =	vadd.f32 v18, v50;
	v50 =	vmul.f32 v62, v1;
	v0 =	vsub.f32 $1.500000000e+00, v0  }
0x224: {  	[tilespmem:$0x1FC60] =	vst v36;
	v36 =	vmovc v1;
	v59 =	vadd.f32 v59, v53;
	v53 =	vld [tilespmem:s6+$0xB00];
	v1 =	vbroadcast v3, $0x8;
	v62 =	vmul.f32 v47, v12  }
0x225: {  	v18 =	vmovc v12;
	v12 =	vbroadcast v23, $0xC;
	v56 =	vadd.f32 v50, v56;
	v49 =	vmul.f32 v0, v49  }
0x226: {  	v50 =	vadd.f32 v57, v48;
	v8 =	vbroadcast v3, $0xD;
	v3 =	vmul.f32 v47, v13  }
0x227: {  	v48 =	vmul.f32 v49, v51;
	v51 =	vadd.f32 v46, v61;
	v46 =	vmul.f32 v47, v20  }
0x228: {  	v61 =	vadd.f32 v3, v55;
	v55 =	vmul.f32 v47, v12  }
0x229: {  	v57 =	vadd.s32 $0x8000, v53;
	v53 =	vadd.f32 v46, v52  }
0x22a: {  	v46 =	vmul.f32 v47, v14;
	v52 =	vadd.f32 v55, v59;
	v55 =	vmul.f32 v47, v16  }
0x22b: {  	v23 =	vmov v1;
	v59 =	vmul.f32 v47, v63;
	v47 =	vmul.f32 v47, v1;
	v1 =	vld [tilespmem:$0x1FCB0];
	_ =	sdelay $0x3  }
0x22c: {  	v3 =	vand.u32 $0xFFFF0000, v57  }
0x22d: {  	v30 =	vmovc v24;
	[tilespmem:$0x1FC80] =	vst v15;
	v24 =	vmov v63;
	v15 =	vmov v1;
	v63 =	vmul.f32 v3, v1;
	v1 =	vld [tilespmem:$0x1FCC0];
	_ =	sdelay $0x4  }
0x22e: {  	[tilespmem:$0x1FCA0] =	vst v12;
	v57 =	vadd.f32 v46, v58;
	v12 =	vmov v1;
	v46 =	vmul.f32 v3, v1;
	v1 =	vld [tilespmem:$0x1FCD0];
	_ =	sdelay $0x4  }
0x22f: {  	v56 =	vadd.f32 v59, v56;
	v59 =	vmul.f32 v3, v1;
	v1 =	vld [tilespmem:$0x1FCE0];
	_ =	sdelay $0x2  }
0x230: {  	v62 =	vadd.f32 v62, v54;
	_ =	sdelay $0x1  }
0x231: {  	[tilespmem:$0x1FC90] =	vst v20;
	v20 =	vmovc v14;
	v62 =	vadd.f32 v63, v62;
	v14 =	vmov v1;
	v63 =	vmul.f32 v3, v1;
	v1 =	vld [tilespmem:$0x1FCF0]  }
0x232: {  	v5 =	vld [tilespmem:$0xC80];
	v48 =	vmul.f32 v48, v49;
	_ =	sdelay $0x1  }
0x233: {  	v48 =	vsub.f32 $1.500000000e+00, v48;
	_ =	sdelay $0x1  }
0x234: {  	v54 =	vadd.f32 v55, v60;
	v58 =	vmul.f32 v48, v49;
	v60 =	vmul.f32 v3, v1;
	v1 =	vld [tilespmem:$0x1FD00]  }
0x235: {  	v6 =	vbroadcast v5, $0x0;
	[tilespmem:$0x1FD10] =	vst v7;
	v40 =	vmov v19  }
0x236: {  	v55 =	vadd.f32 v47, v4;
	[tilespmem:s6+$0x700] =	vst v62;
	v62 =	vmul.f32 v58, v2;
	v4 =	vadd.f32 v46, v61  }
0x237: {  	s4 =	simm.s32 $0x10;
	v19 =	vmovc v13;
	v38 =	vmovc v22;
	vm4 =	vgt.f32 v2, $0.0e+00;
	[tilespmem:$0x1FD20] =	vst v8;
	v0 =	vbroadcast v5, $0x1;
	v48 =	vld [tilespmem:s6+$0x400];
	v2 =	vmul.f32 v3, v6  }
0x238: {  	v22 =	vmovc v16;
	v47 =	vld [tilespmem:s4+$0x80];
	v61 =	vmul.f32 v3, v7;
	[tilespmem:s6+$0x480] =	vst v4;
	v4 =	vnsel vm4, $0x0, v62;
	v62 =	vmul.f32 v3, v8  }
0x239: {  	s8 =	simm.s32 $0x80;
	v16 =	vmovc v6;
	v46 =	vmovc v0;
	v13 =	vmov v1;
	v49 =	vmul.f32 v3, v1;
	v3 =	vmul.f32 v3, v0  }
.LBB2_13:
0x23a: {  	v5 =	vld [tilespmem:s4+$0x100]  }
0x23b: {  	v6 =	vmul.f32 v58, v45;
	[tilespmem:s6+$0xB80] =	vst v4;
	v4 =	vadd.f32 v63, v50  }
0x23c: {  	v58 =	vmul.f32 v58, v43;
	vm5 =	vgt.f32 v48, $0.0e+00;
	v50 =	vld [tilespmem:s4+$0x980]  }
0x23d: {  	v49 =	vadd.f32 v49, v51;
	v2 =	vadd.f32 v2, v53;
	v51 =	vld [tilespmem:s4+$0xA00];
	v6 =	vnsel vm4, $0x0, v6;
	[tilespmem:s6+$0x780] =	vst v4  }
0x23e: {  	v53 =	vadd.f32 v59, v57;
	v57 =	vnsel vm5, $0x4E6E6B28, v45;
	v63 =	vnsel vm4, $0x0, v58;
	v4 =	vld [tilespmem:s4+$0xA80];
	[tilespmem:s6+$0x280] =	vst v6;
	v45 =	vmovc v47  }
0x23f: {  	v6 =	vadd.f32 v60, v54;
	v54 =	vld [tilespmem:s4+$0xB00];
	[tilespmem:s6+$0x300] =	vst v63;
	v47 =	vmul.f32 v47, v45;
	v63 =	vmul.f32 v5, v5  }
0x240: {  	v3 =	vadd.f32 v3, v52  }
0x241: {  	v52 =	vadd.f32 v61, v56;
	v48 =	vld [tilespmem:s4+$0x400];
	[tilespmem:s6+$0x880] =	vst v2;
	v2 =	vadd.f32 v63, v47  }
0x242: {  	v59 =	vnsel vm5, $0x4E6E6B28, v43;
	v43 =	vmovc v5;
	[tilespmem:s6+$0x800] =	vst v49;
	v5 =	vadd.s32 $0x8000, v50;
	v51 =	vadd.s32 $0x8000, v51  }
0x243: {  	[tilespmem:s6+$0x900] =	vst v3;
	v3 =	vand.u32 $0xFFFF0000, v51;
	v58 =	vshra.s32 v2, $0x1;
	v51 =	vmul.f32 $5.000000000e-01, v2  }
0x244: {  	v55 =	vadd.f32 v62, v55;
	[tilespmem:s6+$0x580] =	vst v6;
	v5 =	vand.u32 $0xFFFF0000, v5;
	v6 =	vsub.s32 $0x5F3759DF, v58  }
0x245: {  	v0 =	vimm.f32 $0.0e+00;
	[tilespmem:s6+$0x600] =	vst v52;
	v49 =	vmul.f32 v5, v11;
	v63 =	vmul.f32 v6, v51  }
0x246: {  	v56 =	vsel vm4, $0x3F800000, v0;
	[tilespmem:s6+$0x680] =	vst v55;
	v60 =	vmul.f32 v5, v9;
	v61 =	vmul.f32 v5, v21  }
0x247: {  	[tilespmem:s6+$0x380] =	vst v56;
	v55 =	vmul.f32 v5, v26;
	v52 =	vmul.f32 v6, v63  }
0x248: {  	[tilespmem:s6+$0x180] =	vst v57;
	v56 =	vmul.f32 v3, v27;
	v57 =	vmul.f32 v3, v25  }
0x249: {  	v1 =	vld [tilespmem:$0x1FC60];
	[tilespmem:s6+$0x200] =	vst v59;
	v59 =	vmul.f32 v3, v30;
	v49 =	vadd.f32 v49, v44;
	v52 =	vsub.f32 $1.500000000e+00, v52  }
0x24a: {  	[tilespmem:s6+$0x500] =	vst v53;
	v53 =	vadd.f32 v60, v42;
	v50 =	vadd.f32 v61, v32;
	v61 =	vmul.f32 v3, v29  }
0x24b: {  	v55 =	vadd.f32 v56, v55;
	v56 =	vmul.f32 v3, v40;
	v6 =	vmul.f32 v6, v52  }
0x24c: {  	v49 =	vadd.f32 v61, v49;
	v61 =	vmul.f32 v3, v36;
	v52 =	vmul.f32 v3, v31  }
0x24d: {  	v63 =	vmul.f32 v3, v34;
	v0 =	vmul.f32 v6, v51  }
0x24e: {  	v52 =	vadd.f32 v52, v53;
	v53 =	vmul.f32 v3, v37;
	v3 =	vmul.f32 v3, v1;
	v1 =	vld [tilespmem:$0x1FC70]  }
0x24f: {  	v0 =	vmul.f32 v0, v6;
	_ =	sdelay $0x1  }
0x250: {  	v4 =	vadd.s32 $0x8000, v4;
	v0 =	vsub.f32 $1.500000000e+00, v0  }
0x251: {  	v47 =	vmul.f32 v5, v10;
	v4 =	vand.u32 $0xFFFF0000, v4  }
0x252: {  	v0 =	vmul.f32 v0, v6;
	v6 =	vadd.s32 $0x8000, v54;
	v54 =	vmul.f32 v4, v1;
	v1 =	vld [tilespmem:$0x1FC80]  }
0x253: {  	v47 =	vadd.f32 v47, v41;
	_ =	sdelay $0x1  }
0x254: {  	v47 =	vadd.f32 v57, v47;
	v57 =	vmul.f32 v5, v35;
	_ =	sdelay $0x1  }
0x255: {  	v61 =	vadd.f32 v61, v57;
	v57 =	vmul.f32 v4, v1;
	v1 =	vld [tilespmem:$0x1FC90]  }
0x256: {  	v62 =	vmul.f32 v5, v39  }
0x257: {  	v53 =	vadd.f32 v53, v50;
	v50 =	vmul.f32 v4, v18  }
0x258: {  	v58 =	vadd.f32 v62, v17;
	v60 =	vmul.f32 v5, v28;
	v62 =	vmul.f32 v5, v33  }
0x259: {  	v7 =	vmul.f32 v4, v19;
	v5 =	vmul.f32 v5, v38;
	v47 =	vadd.f32 v50, v47  }
0x25a: {  	v51 =	vmul.f32 v0, v51;
	v50 =	vadd.f32 v54, v49;
	v49 =	vmul.f32 v4, v1;
	v1 =	vld [tilespmem:$0x1FCA0]  }
0x25b: {  	v59 =	vadd.f32 v59, v60;
	v5 =	vadd.f32 v56, v5;
	v56 =	vmul.f32 v4, v22  }
0x25c: {  	v60 =	vadd.f32 v63, v62;
	v62 =	vmul.f32 v4, v24;
	v54 =	vmul.f32 v51, v0  }
0x25d: {  	v3 =	vadd.f32 v3, v58;
	v58 =	vmul.f32 v4, v20;
	v6 =	vand.u32 $0xFFFF0000, v6  }
0x25e: {  	v8 =	vmul.f32 v6, v15;
	v53 =	vadd.f32 v49, v53;
	v49 =	vsub.f32 $1.500000000e+00, v54  }
0x25f: {  	v63 =	vmul.f32 v4, v23;
	v51 =	vadd.f32 v57, v52;
	v4 =	vmul.f32 v4, v1  }
0x260: {  	v57 =	vadd.f32 v58, v59;
	v58 =	vmul.f32 v49, v0;
	v0 =	vadd.f32 v8, v47  }
0x261: {  	s6 =	smov.u32 s4;
	v52 =	vadd.f32 v4, v3;
	v3 =	vld [tilespmem:$0x1FCD0]  }
0x262: {  	[tilespmem:s6+$0x700] =	vst v0;
	v0 =	vld [tilespmem:$0x1FD10];
	_ =	sdelay $0x3  }
0x263: {  	v59 =	vmul.f32 v6, v3;
	v3 =	vld [tilespmem:$0x1FCF0]  }
0x264: {  	v54 =	vadd.f32 v56, v60;
	v56 =	vadd.f32 v62, v61;
	v61 =	vmul.f32 v6, v0;
	v0 =	vld [tilespmem:$0x1FD20]  }
0x265: {  	p1 =	sne.s32 s8, $0x1C0  }
.Ltmp14:
0x266: {  	v7 =	vadd.f32 v7, v55;
	v1 =	vmul.f32 v6, v12;
	(pc) =	sbr.rel @p1 .LBB2_13-.Ltmp14, $4  }
0x267: {  	v55 =	vadd.f32 v63, v5;
	v63 =	vmul.f32 v6, v14  }
0x268: {  	v1 =	vadd.f32 v1, v7;
	v60 =	vmul.f32 v6, v3;
	v3 =	vmul.f32 v58, v2  }
0x269: {  	s4 =	sshra.s32 s8, $0x2;
	vm4 =	vgt.f32 v2, $0.0e+00;
	v49 =	vmul.f32 v6, v13;
	v62 =	vmul.f32 v6, v0  }
0x26a: {  	s8 =	sadd.s32 $0x40, s8;
	v47 =	vld [tilespmem:s4+$0x80];
	[tilespmem:s6+$0x480] =	vst v1;
	v2 =	vmul.f32 v6, v16;
	v4 =	vnsel vm4, $0x0, v3;
	v3 =	vmul.f32 v6, v46  }
0x26b: {  	v6 =	vld [tilespmem:s4+$0x100]  }
0x26c: {  	[tilespmem:s6+$0xB80] =	vst v4  }
0x26d: {  	v0 =	vld [tilespmem:s4+$0x980];
	_ =	sdelay $0x2  }
0x26e: {  	v5 =	vmul.f32 v47, v47;
	[tilespmem:$0x1F950] =	vst v6;
	v6 =	vmul.f32 v6, v6  }
0x26f: {  	v1 =	vadd.f32 v63, v50  }
0x270: {  	v4 =	vadd.f32 v49, v51;
	v0 =	vadd.s32 $0x8000, v0;
	v5 =	vadd.f32 v6, v5  }
0x271: {  	vm5 =	vgt.f32 v48, $0.0e+00;
	v8 =	vadd.f32 v60, v54;
	v0 =	vand.u32 $0xFFFF0000, v0  }
0x272: {  	v49 =	vld [tilespmem:s4+$0xA00];
	v54 =	vmul.f32 v0, v10;
	v60 =	vshra.s32 v5, $0x1;
	v51 =	vmul.f32 $5.000000000e-01, v5  }
0x273: {  	v7 =	vadd.f32 v59, v57;
	v55 =	vadd.f32 v62, v55;
	v50 =	vsub.s32 $0x5F3759DF, v60  }
0x274: {  	v62 =	vmul.f32 v58, v43;
	v59 =	vadd.f32 v54, v41;
	v41 =	vmul.f32 v50, v51  }
0x275: {  	v2 =	vadd.f32 v2, v53;
	v6 =	vadd.f32 v61, v56;
	v61 =	vmul.f32 v58, v45  }
0x276: {  	v3 =	vadd.f32 v3, v52;
	v63 =	vmul.f32 v0, v11;
	v60 =	vmul.f32 v50, v41  }
0x277: {  	v53 =	vnsel vm4, $0x0, v62;
	v62 =	vadd.s32 $0x8000, v49;
	v52 =	vnsel vm4, $0x0, v61  }
0x278: {  	v61 =	vadd.f32 v63, v44;
	v63 =	vmul.f32 v0, v9;
	v57 =	vsub.f32 $1.500000000e+00, v60  }
0x279: {  	v48 =	vnsel vm5, $0x4E6E6B28, v45;
	v45 =	vand.u32 $0xFFFF0000, v62  }
0x27a: {  	[tilespmem:s6+$0x780] =	vst v1;
	v1 =	vmul.f32 v0, v21;
	v60 =	vadd.f32 v63, v42;
	v63 =	vmul.f32 v50, v57  }
0x27b: {  	v9 =	vmul.f32 v0, v39;
	v39 =	vmul.f32 v45, v25  }
0x27c: {  	v57 =	vmul.f32 v45, v30;
	v30 =	vmul.f32 v63, v51  }
0x27d: {  	v62 =	vadd.f32 v1, v32  }
0x27e: {  	v58 =	vld [tilespmem:s4+$0xA80];
	v32 =	vmul.f32 v45, v29;
	[tilespmem:s6+$0x280] =	vst v52;
	v44 =	vadd.f32 v39, v59;
	v39 =	vmul.f32 v30, v63  }
0x27f: {  	v25 =	vmul.f32 v45, v34;
	v34 =	vld [tilespmem:s4+$0xB00];
	[tilespmem:s6+$0x300] =	vst v53  }
0x280: {  	v50 =	vadd.f32 v32, v61;
	v61 =	vsub.f32 $1.500000000e+00, v39;
	v39 =	vld [tilespmem:s4+$0x400]  }
0x281: {  	[tilespmem:s6+$0x800] =	vst v4;
	v4 =	vld [tilespmem:$0x1FC60];
	_ =	sdelay $0x4  }
0x282: {  	v1 =	vadd.f32 v9, v17;
	v4 =	vmul.f32 v45, v4;
	_ =	sdelay $0x1  }
0x283: {  	[tilespmem:s6+$0x900] =	vst v3;
	v3 =	vadd.f32 v4, v1;
	v1 =	vld [tilespmem:$0x1FC70]  }
0x284: {  	v43 =	vnsel vm5, $0x4E6E6B28, v43;
	v49 =	vmul.f32 v0, v26  }
0x285: {  	v11 =	vimm.f32 $0.0e+00;
	v56 =	vmul.f32 v45, v27;
	v35 =	vmul.f32 v0, v35  }
0x286: {  	v27 =	vmul.f32 v45, v36;
	v9 =	vmul.f32 v0, v28;
	v28 =	vadd.s32 $0x8000, v58  }
0x287: {  	v59 =	vmul.f32 v45, v37;
	v26 =	vand.u32 $0xFFFF0000, v28;
	v53 =	vmul.f32 v61, v63  }
0x288: {  	v54 =	vsel vm4, $0x3F800000, v11;
	v52 =	vmul.f32 v45, v31;
	[tilespmem:s6+$0x580] =	vst v8;
	v8 =	vmul.f32 v26, v1;
	v1 =	vld [tilespmem:$0x1FC80]  }
0x289: {  	v28 =	vadd.f32 v59, v62;
	v59 =	vmul.f32 v26, v18;
	v18 =	vmul.f32 v53, v51  }
0x28a: {  	v37 =	vadd.f32 v56, v49;
	v56 =	vmul.f32 v26, v19;
	[tilespmem:s6+$0x500] =	vst v7;
	v7 =	vadd.s32 $0x8000, v34  }
0x28b: {  	v19 =	vadd.f32 v57, v9;
	v9 =	vld [tilespmem:$0x1FCA0];
	v7 =	vand.u32 $0xFFFF0000, v7;
	v18 =	vmul.f32 v18, v53  }
0x28c: {  	v35 =	vadd.f32 v27, v35;
	v58 =	vmul.f32 v0, v33;
	v15 =	vmul.f32 v7, v15  }
0x28d: {  	[tilespmem:s6+$0x600] =	vst v6;
	v17 =	vmul.f32 v7, v12;
	v21 =	vsub.f32 $1.500000000e+00, v18;
	v6 =	vmul.f32 v26, v1;
	v1 =	vld [tilespmem:$0x1FC90]  }
0x28e: {  	[tilespmem:s6+$0x880] =	vst v2;
	v61 =	vadd.f32 v56, v37;
	v14 =	vmul.f32 v7, v14;
	v4 =	vmul.f32 v26, v20  }
0x28f: {  	[tilespmem:s6+$0x680] =	vst v55;
	v20 =	vadd.f32 v59, v44;
	v12 =	vmul.f32 v21, v53;
	v8 =	vadd.f32 v8, v50  }
0x290: {  	v0 =	vmul.f32 v0, v38;
	[tilespmem:s6+$0x380] =	vst v54;
	v63 =	vadd.f32 v17, v61;
	v17 =	vmul.f32 v26, v9;
	v9 =	vld [tilespmem:$0x1FCD0]  }
0x291: {  	[tilespmem:s6+$0x180] =	vst v48;
	v21 =	vadd.f32 v15, v20;
	v20 =	vmul.f32 v12, v5;
	v8 =	vadd.f32 v14, v8  }
0x292: {  	vm4 =	vgt.f32 v5, $0.0e+00;
	v49 =	vmul.f32 v45, v40;
	[tilespmem:s6+$0x200] =	vst v43;
	v1 =	vmul.f32 v26, v1  }
0x293: {  	v3 =	vadd.f32 v17, v3;
	v5 =	vnsel vm4, $0x0, v20;
	[tilespmem:s4+$0x780] =	vst v8;
	v8 =	vmul.f32 v7, v46  }
0x294: {  	v10 =	vld [tilespmem:$0x1F950];
	v36 =	vadd.f32 v52, v60;
	[tilespmem:s4+$0xB80] =	vst v5;
	v5 =	vmul.f32 v7, v16;
	v1 =	vadd.f32 v1, v28  }
0x295: {  	v4 =	vadd.f32 v4, v19;
	v9 =	vmul.f32 v7, v9;
	v3 =	vadd.f32 v8, v3;
	v8 =	vld [tilespmem:$0x1FD10]  }
0x296: {  	[tilespmem:s4+$0x700] =	vst v21;
	v21 =	vmul.f32 v7, v13;
	v6 =	vadd.f32 v6, v36;
	v1 =	vadd.f32 v5, v1;
	v5 =	vld [tilespmem:$0x1FCF0]  }
0x297: {  	v0 =	vadd.f32 v49, v0;
	[tilespmem:s4+$0x480] =	vst v63;
	v4 =	vadd.f32 v9, v4  }
0x298: {  	v18 =	vmul.f32 v26, v24;
	v20 =	vmul.f32 v12, v47;
	v6 =	vadd.f32 v21, v6;
	[tilespmem:s4+$0x880] =	vst v1;
	v1 =	vld [tilespmem:$0x1FD20]  }
0x299: {  	v60 =	vmul.f32 v26, v22;
	v2 =	vadd.f32 v25, v58;
	[tilespmem:s4+$0x500] =	vst v4;
	v12 =	vmul.f32 v12, v10  }
0x29a: {  	v16 =	vnsel vm4, $0x0, v20;
	[tilespmem:s4+$0x800] =	vst v6;
	v6 =	vadd.f32 v18, v35;
	v8 =	vmul.f32 v7, v8  }
0x29b: {  	v62 =	vmul.f32 v26, v23;
	v2 =	vadd.f32 v60, v2;
	[tilespmem:s4+$0x280] =	vst v16;
	v5 =	vmul.f32 v7, v5  }
0x29c: {  	v12 =	vnsel vm4, $0x0, v12;
	[tilespmem:s4+$0x900] =	vst v3;
	v3 =	vadd.f32 v8, v6  }
0x29d: {  	v0 =	vadd.f32 v62, v0;
	[tilespmem:s4+$0x300] =	vst v12;
	v1 =	vmul.f32 v7, v1;
	v2 =	vadd.f32 v5, v2  }
0x29e: {  	[tilespmem:s4+$0x600] =	vst v3  }
0x29f: {  	v0 =	vadd.f32 v1, v0;
	[tilespmem:s4+$0x580] =	vst v2;
	v1 =	vsel vm4, $0x3F800000, v11  }
0x2a0: {  	vm5 =	vgt.f32 v39, $0.0e+00;
	[tilespmem:s4+$0x380] =	vst v1  }
0x2a1: {  	v1 =	vnsel vm5, $0x4E6E6B28, v10;
	[tilespmem:s4+$0x680] =	vst v0  }
0x2a2: {  	v0 =	vnsel vm5, $0x4E6E6B28, v47;
	[tilespmem:s4+$0x200] =	vst v1  }
0x2a3: {  	[tilespmem:s4+$0x180] =	vst v0  }
0x2a4: {  	v0 =	vld [tilespmem:$0xC90];
	_ =	sdelay $0x3  }
0x2a5: {  	v1 =	vld [tilespmem:$0xC80]  }
0x2a6: {  	v2 =	vbroadcast v0, $0x6;
	_ =	sdelay $0x1  }
0x2a7: {  	[tilespmem:$0x1F960] =	vst v2;
	v2 =	vbroadcast v0, $0xB;
	_ =	sdelay $0x1  }
0x2a8: {  	[tilespmem:$0x1F970] =	vst v2;
	v2 =	vbroadcast v1, $0x2;
	_ =	sdelay $0x1  }
0x2a9: {  	[tilespmem:$0x1F980] =	vst v2;
	v2 =	vbroadcast v1, $0x7;
	_ =	sdelay $0x1  }
0x2aa: {  	[tilespmem:$0x1F990] =	vst v2;
	v2 =	vbroadcast v1, $0xC;
	_ =	sdelay $0x1  }
0x2ab: {  	[tilespmem:$0x1F9A0] =	vst v2;
	v2 =	vbroadcast v0, $0x1;
	_ =	sdelay $0x1  }
0x2ac: {  	[tilespmem:$0x1F9B0] =	vst v2;
	v2 =	vbroadcast v0, $0x7;
	_ =	sdelay $0x1  }
0x2ad: {  	[tilespmem:$0x1F9C0] =	vst v2;
	v2 =	vbroadcast v0, $0xC;
	_ =	sdelay $0x1  }
0x2ae: {  	[tilespmem:$0x1F9D0] =	vst v2;
	v2 =	vbroadcast v1, $0x3;
	_ =	sdelay $0x1  }
0x2af: {  	[tilespmem:$0x1F9E0] =	vst v2;
	v2 =	vbroadcast v1, $0x8;
	_ =	sdelay $0x1  }
0x2b0: {  	[tilespmem:$0x1F9F0] =	vst v2;
	v2 =	vbroadcast v1, $0xD;
	_ =	sdelay $0x1  }
0x2b1: {  	[tilespmem:$0x1FA00] =	vst v2;
	v2 =	vbroadcast v0, $0x2;
	_ =	sdelay $0x1  }
0x2b2: {  	[tilespmem:$0x1FA10] =	vst v2;
	v2 =	vbroadcast v0, $0x8;
	_ =	sdelay $0x1  }
0x2b3: {  	[tilespmem:$0x1FA20] =	vst v2;
	v2 =	vbroadcast v0, $0xD  }
0x2b4: {  	v3 =	vbroadcast v0, $0xE  }
0x2b5: {  	[tilespmem:$0x1FA30] =	vst v2;
	v2 =	vbroadcast v1, $0x4  }
0x2b6: {  	v4 =	vbroadcast v1, $0xA;
	[tilespmem:$0x1FA90] =	vst v3  }
0x2b7: {  	[tilespmem:$0x1FA40] =	vst v2;
	v2 =	vbroadcast v1, $0x9  }
0x2b8: {  	[tilespmem:$0x1FAB0] =	vst v4;
	v4 =	vbroadcast v1, $0xF  }
0x2b9: {  	[tilespmem:$0x1FA50] =	vst v2;
	v2 =	vbroadcast v1, $0xE  }
0x2ba: {  	[tilespmem:$0x1FAC0] =	vst v4;
	v4 =	vbroadcast v0, $0x4  }
0x2bb: {  	[tilespmem:$0x1FA60] =	vst v2;
	v2 =	vbroadcast v0, $0x3  }
0x2bc: {  	[tilespmem:$0x1FAD0] =	vst v4;
	v4 =	vbroadcast v0, $0xA  }
0x2bd: {  	[tilespmem:$0x1FA70] =	vst v2;
	v2 =	vbroadcast v0, $0x9  }
0x2be: {  	[tilespmem:$0x1FAE0] =	vst v4;
	v4 =	vbroadcast v0, $0xF  }
0x2bf: {  	v3 =	vbroadcast v1, $0x5;
	[tilespmem:$0x1FA80] =	vst v2;
	v2 =	vld [tilespmem:$0xCA0]  }
0x2c0: {  	[tilespmem:$0x1FAF0] =	vst v4;
	v4 =	vbroadcast v1, $0x6;
	v1 =	vbroadcast v1, $0xB  }
0x2c1: {  	[tilespmem:$0x1FAA0] =	vst v3;
	v3 =	vld [tilespmem:$0xCB0]  }
0x2c2: {  	[tilespmem:$0x1FB10] =	vst v1;
	v1 =	vbroadcast v0, $0x0;
	v0 =	vbroadcast v0, $0x5;
	_ =	sdelay $0x1  }
0x2c3: {  	[tilespmem:$0x1FB30] =	vst v0;
	v0 =	vbroadcast v2, $0x5;
	_ =	sdelay $0x1  }
0x2c4: {  	[tilespmem:$0x1FB40] =	vst v0;
	v0 =	vbroadcast v3, $0xE;
	_ =	sdelay $0x1  }
0x2c5: {  	[tilespmem:$0x1FB50] =	vst v0;
	v0 =	vbroadcast v2, $0xA;
	_ =	sdelay $0x1  }
0x2c6: {  	[tilespmem:$0x1FB60] =	vst v0;
	v0 =	vbroadcast v2, $0xF;
	_ =	sdelay $0x1  }
0x2c7: {  	[tilespmem:$0x1FB70] =	vst v0;
	v0 =	vbroadcast v3, $0x4;
	_ =	sdelay $0x1  }
0x2c8: {  	[tilespmem:$0x1FB80] =	vst v0;
	v0 =	vbroadcast v3, $0x9;
	_ =	sdelay $0x1  }
0x2c9: {  	v10 =	vld [tilespmem:$0xCC0];
	[tilespmem:$0x1FB90] =	vst v0;
	v0 =	vbroadcast v2, $0x6;
	_ =	sdelay $0x1  }
0x2ca: {  	[tilespmem:$0x1FBA0] =	vst v0;
	v0 =	vbroadcast v3, $0xF;
	_ =	sdelay $0x1  }
0x2cb: {  	[tilespmem:$0x1FBB0] =	vst v0;
	v0 =	vbroadcast v2, $0xB  }
0x2cc: {  	v51 =	vbroadcast v10, $0x1  }
0x2cd: {  	v15 =	vld [tilespmem:$0xCD0];
	v57 =	vbroadcast v10, $0x2;
	[tilespmem:$0x1FBC0] =	vst v0;
	v0 =	vbroadcast v3, $0x0  }
0x2ce: {  	v63 =	vbroadcast v10, $0x3;
	v62 =	vbroadcast v10, $0x9  }
0x2cf: {  	v5 =	vbroadcast v10, $0xA;
	[tilespmem:$0x1FBD0] =	vst v0;
	v0 =	vbroadcast v3, $0x5  }
0x2d0: {  	v6 =	vbroadcast v10, $0xD;
	v7 =	vbroadcast v10, $0x5  }
0x2d1: {  	v8 =	vbroadcast v10, $0x8;
	[tilespmem:$0x1FBE0] =	vst v0;
	v0 =	vbroadcast v3, $0xA  }
0x2d2: {  	v9 =	vbroadcast v10, $0xB;
	v11 =	vbroadcast v15, $0x2  }
0x2d3: {  	v12 =	vbroadcast v15, $0x3;
	[tilespmem:$0x1FBF0] =	vst v0;
	v0 =	vbroadcast v2, $0x7  }
0x2d4: {  	v13 =	vbroadcast v15, $0x0;
	v14 =	vbroadcast v15, $0x4  }
0x2d5: {  	v15 =	vbroadcast v15, $0x1;
	[tilespmem:$0x1FC00] =	vst v0;
	v0 =	vbroadcast v10, $0x0  }
0x2d6: {  	v53 =	vbroadcast v3, $0x2;
	v54 =	vbroadcast v3, $0x7  }
0x2d7: {  	v55 =	vbroadcast v3, $0xC;
	[tilespmem:$0x1FC10] =	vst v0;
	v0 =	vbroadcast v2, $0xC  }
0x2d8: {  	v59 =	vbroadcast v3, $0x3;
	v60 =	vbroadcast v3, $0x8;
	[tilespmem:$0x1FB00] =	vst v4  }
0x2d9: {  	v61 =	vbroadcast v3, $0xD;
	[tilespmem:$0x1FC20] =	vst v0;
	v0 =	vbroadcast v3, $0x1  }
0x2da: {  	v22 =	vimm.f32 $0.0e+00;
	v4 =	vbroadcast v10, $0x7;
	[tilespmem:$0x1FB20] =	vst v1;
	v1 =	vbroadcast v10, $0xC  }
.Ltmp15:
0x2db: {  	v37 =	vimm.f32 $0.0e+00;
	v50 =	vbroadcast v2, $0x8;
	[tilespmem:$0x1FC30] =	vst v0;
	v0 =	vbroadcast v3, $0x6;
	(pc) =	sbr.rel .LBB2_15-.Ltmp15, $4  }
0x2dc: {  	v17 =	vimm.f32 $0.0e+00;
	v52 =	vbroadcast v2, $0xD;
	v56 =	vbroadcast v2, $0x9  }
0x2dd: {  	v19 =	vimm.f32 $0.0e+00;
	v58 =	vbroadcast v2, $0xE;
	[tilespmem:$0x1FC40] =	vst v0;
	v0 =	vbroadcast v3, $0xB  }
0x2de: {  	v16 =	vimm.f32 $0.0e+00;
	v2 =	vbroadcast v10, $0xF;
	v3 =	vbroadcast v10, $0x4  }
0x2df: {  	s6 =	simm.s32 $0x0;
	v21 =	vimm.f32 $0.0e+00;
	[tilespmem:$0x1FC50] =	vst v0;
	v0 =	vbroadcast v10, $0x6;
	v10 =	vbroadcast v10, $0xE  }
.LBB2_21:
0x2e0: {  	v19 =	vld [tilespmem:s4+$0x0];
	_ =	sdelay $0x4  }
0x2e1: {  	v20 =	vmul.f32 v19, v32;
	_ =	sdelay $0x1  }
0x2e2: {  	vm4 =	veq.f32 v20, $0.0e+00  }
0x2e3: {  	v21 =	vsel vm4, $0x3F800000, v20  }
0x2e4: {  	v22 =	vshra.s32 v21, $0x1;
	v21 =	vmul.f32 $5.000000000e-01, v21  }
0x2e5: {  	v22 =	vsub.s32 $0x5F3759DF, v22  }
0x2e6: {  	v23 =	vmul.f32 v22, v21;
	_ =	sdelay $0x1  }
0x2e7: {  	v23 =	vmul.f32 v22, v23;
	_ =	sdelay $0x1  }
0x2e8: {  	v23 =	vsub.f32 $1.500000000e+00, v23;
	_ =	sdelay $0x1  }
0x2e9: {  	v22 =	vmul.f32 v22, v23;
	_ =	sdelay $0x1  }
0x2ea: {  	v23 =	vmul.f32 v22, v21;
	_ =	sdelay $0x1  }
0x2eb: {  	v23 =	vmul.f32 v23, v22;
	_ =	sdelay $0x1  }
0x2ec: {  	v23 =	vsub.f32 $1.500000000e+00, v23;
	_ =	sdelay $0x1  }
0x2ed: {  	v22 =	vmul.f32 v23, v22;
	_ =	sdelay $0x1  }
0x2ee: {  	v21 =	vmul.f32 v22, v21;
	_ =	sdelay $0x1  }
0x2ef: {  	v21 =	vmul.f32 v21, v22;
	_ =	sdelay $0x1  }
0x2f0: {  	v21 =	vsub.f32 $1.500000000e+00, v21;
	_ =	sdelay $0x1  }
0x2f1: {  	v21 =	vmul.f32 v21, v22  }
0x2f2: {  	v22 =	vld [tilespmem:s4+$0x400]  }
0x2f3: {  	v21 =	vmul.f32 v21, v21;
	_ =	sdelay $0x1  }
0x2f4: {  	v23 =	vmul.f32 v21, v19;
	_ =	sdelay $0x1  }
0x2f5: {  	v25 =	vld [tilespmem:$0x1FFF0];
	v23 =	vmul.f32 v23, v22;
	_ =	sdelay $0x1  }
0x2f6: {  	v18 =	vmul.f32 v23, v18;
	_ =	sdelay $0x1  }
0x2f7: {  	v24 =	vand.u32 $0x80000000, v18;
	vm4 =	vlt.f32 v18, $0.0e+00;
	vm5 =	vgt.f32 v18, $0.0e+00  }
0x2f8: {  	v24 =	vor.u32 v24, v25;
	vm4 =	vmor vm5, vm4  }
0x2f9: {  	v24 =	vsel vm4, v24, v18  }
0x2fa: {  	v24 =	vmul.f32 $5.000000000e-01, v24;
	_ =	sdelay $0x1  }
0x2fb: {  	v24 =	vadd.f32 v24, v18;
	_ =	sdelay $0x1  }
0x2fc: {  	v24 =	vtrunc.f32 v24  }
0x2fd: {  	v24 =	vcvt.f32.s32 v24;
	_ =	sdelay $0x1  }
0x2fe: {  	v24 =	vcvt.s32.f32 v24;
	_ =	sdelay $0x1  }
0x2ff: {  	v18 =	vsub.f32 v18, v24;
	_ =	sdelay $0x1  }
0x300: {  	v24 =	vmul.f32 v18, v18;
	_ =	sdelay $0x1  }
0x301: {  	v46 =	vmul.f32 $6.575560090e+00, v24  }
0x302: {  	v26 =	vmul.f32 $-1.257639030e+01, v24  }
0x303: {  	v25 =	vadd.f32 $-2.600049400e+01, v46  }
0x304: {  	v26 =	vadd.f32 $4.140344620e+01, v26  }
0x305: {  	v25 =	vmul.f32 v25, v24  }
0x306: {  	v26 =	vmul.f32 v26, v24  }
0x307: {  	v25 =	vadd.f32 $6.017621990e+01, v25  }
0x308: {  	v26 =	vadd.f32 $-7.662655630e+01, v26  }
0x309: {  	v25 =	vmul.f32 v25, v24  }
0x30a: {  	v26 =	vmul.f32 v26, v24  }
0x30b: {  	v25 =	vadd.f32 $-8.545116420e+01, v25  }
0x30c: {  	v26 =	vadd.f32 $8.160091400e+01, v26  }
0x30d: {  	v25 =	vmul.f32 v25, v24  }
0x30e: {  	v26 =	vmul.f32 v26, v24  }
0x30f: {  	v27 =	vld [tilespmem:s4+$0x80];
	v25 =	vadd.f32 $6.493917080e+01, v25  }
0x310: {  	v20 =	vmul.f32 v21, v20;
	v26 =	vadd.f32 $-4.134161760e+01, v26  }
0x311: {  	v21 =	vld [tilespmem:s4+$0x100];
	v25 =	vmul.f32 v25, v24  }
0x312: {  	v20 =	vmul.f32 v20, v22;
	v26 =	vmul.f32 v26, v24  }
0x313: {  	v25 =	vadd.f32 $-1.973920630e+01, v25  }
0x314: {  	v48 =	vmul.f32 v20, v27;
	v47 =	vadd.f32 $6.283185000e+00, v26  }
0x315: {  	v19 =	vmul.f32 v20, v19;
	v24 =	vmul.f32 v25, v24  }
0x316: {  	v21 =	vmul.f32 v20, v21;
	v18 =	vmul.f32 v47, v18  }
0x317: {  	v19 =	vmul.f32 v19, v22;
	v24 =	vadd.f32 $1.000000000e+00, v24  }
0x318: {  	v22 =	vld [tilespmem:$0x1F8E0];
	v20 =	vmul.f32 v18, v21;
	v18 =	vmul.f32 v18, v48  }
0x319: {  	v49 =	vmul.f32 v24, v48;
	v21 =	vmul.f32 v24, v21  }
0x31a: {  	v17 =	vmul.f32 v23, v17;
	v16 =	vmul.f32 v23, v16  }
0x31b: {  	v20 =	vsub.f32 v49, v20;
	v18 =	vadd.f32 v21, v18  }
0x31c: {  	v17 =	vmul.f32 v19, v17;
	v16 =	vmul.f32 v19, v16;
	v21 =	vld [tilespmem:$0x1F8F0]  }
0x31d: {  	v22 =	vadd.f32 v19, v22;
	v20 =	vmul.f32 v20, v19;
	v18 =	vmul.f32 v18, v19;
	v19 =	vld [tilespmem:$0x1F900];
	_ =	sdelay $0x3  }
0x31e: {  	s6 =	sadd.s32 $0x1, s6;
	v21 =	vadd.f32 v17, v21;
	v17 =	vld [tilespmem:$0x1F910]  }
0x31f: {  	p1 =	sne.s32 s6, $0x8;
	v19 =	vadd.f32 v16, v19;
	v16 =	vld [tilespmem:$0x1F920]  }
.Ltmp16:
0x320: {  	_ = 	snop;
	(pc) =	sbr.rel @!p1 .LBB2_22-.Ltmp16, $2  }
0x321: {  	_ =	sdelay $0x2  }
0x322: {  	v17 =	vadd.f32 v20, v17;
	v16 =	vadd.f32 v18, v16  }
.LBB2_15:
0x323: {  	s4 =	sshll.u32 s6, $0x4  }
0x324: {  	[tilespmem:$0x1F920] =	vst v16;
	v16 =	vld [tilespmem:s4+$0xB80];
	_ =	sdelay $0x4  }
0x325: {  	(xrf0) =	vmin.scan.msk.f32 $0xffff, v16;
	_ =	sdelay $0x1  }
0x326: {  	(xrf0) =	vmax.scan.msk.f32 $0xffff, v16;
	_ =	sdelay $0x3  }
0x327: {  	v16, _, _ =	vpop (xrf0)  }
0x328: {  	(v2sf) =	vpush v16, $0xF  }
0x329: {  	v16, _, _ =	vpop (xrf0)  }
0x32a: {  	(v2sf) =	vpush v16, $0xF;
	_ =	sdelay $0x5  }
0x32b: {  	[tilespmem:$0x1F900] =	vst v19;
	v19 =	vld [tilespmem:s4+$0x180]  }
0x32c: {  	v20 =	vld [tilespmem:s4+$0x200]  }
0x32d: {  	[tilespmem:$0x1F8F0] =	vst v21;
	v21 =	vld [tilespmem:s4+$0x280]  }
0x32e: {  	[tilespmem:$0x1F8E0] =	vst v22;
	v22 =	vld [tilespmem:s4+$0x300]  }
0x32f: {  	v23 =	vld [tilespmem:s4+$0x380]  }
0x330: {  	v24 =	vld [tilespmem:s4+$0x980]  }
0x331: {  	v25 =	vld [tilespmem:s4+$0xA00]  }
0x332: {  	v26 =	vld [tilespmem:s4+$0xA80];
	s1 =	spop (v2sf)  }
0x333: {  	v27 =	vld [tilespmem:s4+$0xB00];
	s1 =	sadd.f32 $-4.000999930e-01, s1  }
.Ltmp17:
0x334: {  	v28 =	vld [tilespmem:s4+$0x480];
	s8 =	spop (v2sf);
	(pc) =	sbr.rel .LBB2_16-.Ltmp17, $4  }
0x335: {  	v29 =	vld [tilespmem:s4+$0x500];
	s8 =	sadd.f32 $4.000999930e-01, s8  }
0x336: {  	[tilespmem:$0x1F910] =	vst v17;
	v30 =	vld [tilespmem:s4+$0x580];
	v16 =	vmov s1  }
0x337: {  	v32 =	vimm.f32 $0.0e+00;
	v31 =	vld [tilespmem:s4+$0x600];
	[tilespmem:$0x1F930] =	vst v16;
	v16 =	vmov s8  }
0x338: {  	s10 =	simm.s32 $0x0;
	v18 =	vimm.f32 $0.0e+00;
	v33 =	vld [tilespmem:s4+$0x680];
	v17 =	vimm.f32 $0.0e+00;
	s8 =	simm.s32 $0x0;
	[tilespmem:$0x1F940] =	vst v16;
	v16 =	vimm.f32 $0.0e+00  }
.LBB2_20:
0x339: {  	s8 =	sadd.s32 $0x1, s8  }
0x33a: {  	p1 =	sne.s32 s8, $0x8  }
.Ltmp18:
0x33b: {  	_ = 	snop;
	(pc) =	sbr.rel @!p1 .LBB2_21-.Ltmp18, $2  }
0x33c: {  	_ =	sdelay $0x2  }
0x33d: {  	s10 =	sadd.s32 $0x10, s10  }
.LBB2_16:
0x33e: {  	v35 =	vld [tilespmem:$0x1F930]  }
0x33f: {  	s1 =	sshll.u32 s8, $0x4;
	v48 =	vld [tilespmem:$0x1F940]  }
0x340: {  	v34 =	vld [tilespmem:s1+$0xB80];
	_ =	sdelay $0x4  }
0x341: {  	vm4 =	vge.f32 v34, v35;
	vm5 =	vle.f32 v34, v48  }
0x342: {  	vm4 =	vmand vm4, vm5  }
0x343: {  	v49 =	vsel vm4, $0x3F800000, v37  }
0x344: {  	(xrf0) =	vmax.scan.msk.f32 $0xffff, v49;
	_ =	sdelay $0x5  }
0x345: {  	v34, _, _ =	vpop (xrf0)  }
0x346: {  	(v2sf) =	vpush v34, $0xF;
	_ =	sdelay $0xe  }
0x347: {  	s1 =	spop (v2sf)  }
0x348: {  	p1 =	sgt.f32 s1, $0.0e+00  }
.Ltmp19:
0x349: {  	_ = 	snop;
	(pc) =	sbr.rel @!p1 .LBB2_20-.Ltmp19, $4  }
.Ltmp20:
0x34a: {  	_ = 	snop;
	(pc) =	sbr.rel @p1 .LBB2_17-.Ltmp20, $4  }
0x34b: {  	_ = 	snop  }
0x34c: {  	_ = 	snop  }
0x34d: {  	s31 =	simm.s32 $0x0  }
0x34e: {  	_ = 	snop  }
.LBB2_19:
0x34f: {  	s31 =	sadd.s32 $0x1, s31  }
0x350: {  	p1 =	sne.s32 s31, $0x10  }
.Ltmp21:
0x351: {  	_ = 	snop;
	(pc) =	sbr.rel @!p1 .LBB2_20-.Ltmp21, $1  }
0x352: {  	_ =	sdelay $0x3  }
.LBB2_17:
0x353: {  	s1 =	sadd.s32 s31, s10  }
0x354: {  	v35 =	vmov s1;
	_ =	sdelay $0x4  }
0x355: {  	v34 =	vld.idx.msk [tilespmem:v35+s14+$0x0], $0xffff  }
0x356: {  	v36 =	vld.idx.msk [tilespmem:v35+s15+$0x0], $0xffff;
	_ =	sdelay $0x4  }
0x357: {  	v34 =	vsub.f32 v19, v34;
	v36 =	vsub.f32 v20, v36;
	_ =	sdelay $0x1  }
0x358: {  	v34 =	vmul.f32 v34, v34;
	v36 =	vmul.f32 v36, v36;
	_ =	sdelay $0x1  }
0x359: {  	v34 =	vadd.f32 v36, v34;
	_ =	sdelay $0x1  }
0x35a: {  	vm4 =	vle.f32 v34, $1.599999960e-01  }
0x35b: {  	v34 =	vsel vm4, $0x3F800000, v37  }
0x35c: {  	(xrf0) =	vmax.scan.msk.f32 $0xffff, v34;
	_ =	sdelay $0x5  }
0x35d: {  	v49, _, _ =	vpop (xrf0)  }
0x35e: {  	(v2sf) =	vpush v49, $0xF;
	_ =	sdelay $0xe  }
0x35f: {  	s1 =	spop (v2sf)  }
0x360: {  	p1 =	sgt.f32 s1, $0.0e+00  }
.Ltmp22:
0x361: {  	_ = 	snop;
	(pc) =	sbr.rel @!p1 .LBB2_19-.Ltmp22, $1  }
0x362: {  	_ =	sdelay $0x3  }
0x363: {  	_ =	sdelay $0x3  }
0x364: {  	v36 =	vld.idx.msk [tilespmem:v35+s16+$0x0], $0xffff  }
0x365: {  	v37 =	vld.idx.msk [tilespmem:v35+s17+$0x0], $0xffff;
	_ =	sdelay $0x2  }
0x366: {  	v38 =	vld.idx.msk [tilespmem:v35+s25+$0x0], $0xffff  }
0x367: {  	v39 =	vld.idx.msk [tilespmem:v35+s26+$0x0], $0xffff  }
0x368: {  	v40 =	vld.idx.msk [tilespmem:v35+s28+$0x0], $0xffff;
	v42 =	vmul.f32 v36, v21;
	v43 =	vmul.f32 v37, v22  }
0x369: {  	v48 =	vld [tilespmem:$0x1F960]  }
0x36a: {  	v42 =	vadd.f32 v43, v42  }
0x36b: {  	v36 =	vmul.f32 v36, v22  }
0x36c: {  	v44 =	vld.idx.msk [tilespmem:v35+s19+$0x0], $0xffff;
	v37 =	vmul.f32 v37, v21;
	v46 =	vsub.f32 v38, v24;
	v47 =	vadd.s32 $0x8000, v42  }
0x36d: {  	v45 =	vld.idx.msk [tilespmem:v35+s20+$0x0], $0xffff;
	v38 =	vsub.f32 v39, v25;
	v39 =	vsub.f32 v40, v26;
	v40 =	vand.u32 $0xFFFF0000, v47  }
0x36e: {  	v43 =	vmul.f32 v40, v48;
	v48 =	vld [tilespmem:$0x1F970]  }
0x36f: {  	v49 =	vld [tilespmem:$0x1F9C0];
	v36 =	vsub.f32 v36, v37;
	_ =	sdelay $0x1  }
0x370: {  	v36 =	vadd.s32 $0x8000, v36;
	v42 =	vadd.f32 v44, v28  }
0x371: {  	v36 =	vand.u32 $0xFFFF0000, v36  }
0x372: {  	v42 =	vadd.f32 v43, v42;
	v43 =	vmul.f32 v36, v48;
	v48 =	vld [tilespmem:$0x1F980]  }
0x373: {  	v44 =	vadd.f32 v45, v29;
	v45 =	vmul.f32 v40, v49;
	v49 =	vld [tilespmem:$0x1F9D0];
	_ =	sdelay $0x1  }
0x374: {  	v37 =	vadd.s32 $0x8000, v46  }
0x375: {  	v37 =	vand.u32 $0xFFFF0000, v37  }
0x376: {  	v42 =	vadd.f32 v42, v43;
	v43 =	vmul.f32 v37, v48;
	v48 =	vld [tilespmem:$0x1F990]  }
0x377: {  	v44 =	vadd.f32 v45, v44;
	v45 =	vmul.f32 v36, v49;
	v49 =	vld [tilespmem:$0x1F9E0];
	_ =	sdelay $0x1  }
0x378: {  	v38 =	vadd.s32 $0x8000, v38  }
0x379: {  	v46 =	vld.idx.msk [tilespmem:v35+s21+$0x0], $0xffff;
	v38 =	vand.u32 $0xFFFF0000, v38  }
0x37a: {  	v42 =	vadd.f32 v43, v42;
	v43 =	vmul.f32 v38, v48;
	v48 =	vld [tilespmem:$0x1FA20]  }
0x37b: {  	v44 =	vadd.f32 v44, v45;
	v45 =	vmul.f32 v37, v49;
	v49 =	vld [tilespmem:$0x1F9F0];
	_ =	sdelay $0x3  }
0x37c: {  	v42 =	vadd.f32 v43, v42;
	v43 =	vadd.f32 v46, v30;
	v46 =	vmul.f32 v40, v48;
	v48 =	vld [tilespmem:$0x1F9A0]  }
0x37d: {  	v44 =	vadd.f32 v45, v44;
	v45 =	vmul.f32 v38, v49;
	v49 =	vld [tilespmem:$0x1FA00];
	_ =	sdelay $0x1  }
0x37e: {  	v41 =	vld.idx.msk [tilespmem:v35+s29+$0x0], $0xffff;
	v39 =	vadd.s32 $0x8000, v39  }
0x37f: {  	v39 =	vand.u32 $0xFFFF0000, v39  }
0x380: {  	v48 =	vmul.f32 v39, v48  }
0x381: {  	v44 =	vadd.f32 v45, v44;
	v45 =	vmul.f32 v39, v49;
	v49 =	vld [tilespmem:$0x1FA30]  }
0x382: {  	v42 =	vadd.f32 v48, v42;
	v48 =	vld [tilespmem:$0x1F9B0]  }
0x383: {  	v41 =	vsub.f32 v41, v27;
	_ =	sdelay $0x1  }
0x384: {  	v41 =	vadd.s32 $0x8000, v41  }
0x385: {  	v41 =	vand.u32 $0xFFFF0000, v41;
	v43 =	vadd.f32 v46, v43;
	v46 =	vmul.f32 v36, v49  }
0x386: {  	v47 =	vld.idx.msk [tilespmem:v35+s22+$0x0], $0xffff;
	v48 =	vmul.f32 v41, v48  }
0x387: {  	v43 =	vadd.f32 v43, v46;
	v46 =	vld [tilespmem:$0x1FA40]  }
0x388: {  	v42 =	vadd.f32 v48, v42;
	v48 =	vld [tilespmem:$0x1FA80];
	_ =	sdelay $0x4  }
0x389: {  	v47 =	vadd.f32 v47, v31;
	v46 =	vmul.f32 v37, v46;
	v48 =	vmul.f32 v40, v48  }
0x38a: {  	v49 =	vld.idx.msk [tilespmem:v35+s23+$0x0], $0xffff  }
0x38b: {  	v43 =	vadd.f32 v46, v43;
	v46 =	vadd.f32 v48, v47;
	v48 =	vld [tilespmem:$0x1FA90]  }
0x38c: {  	v44 =	vadd.f32 v45, v44;
	v45 =	vld [tilespmem:$0x1FA10];
	_ =	sdelay $0x3  }
0x38d: {  	v47 =	vmul.f32 v36, v48;
	v48 =	vadd.f32 v49, v33;
	v49 =	vld [tilespmem:$0x1FAE0]  }
0x38e: {  	v45 =	vmul.f32 v41, v45;
	_ =	sdelay $0x1  }
0x38f: {  	v44 =	vadd.f32 v45, v44;
	v45 =	vld [tilespmem:$0x1FA50];
	_ =	sdelay $0x1  }
0x390: {  	v40 =	vmul.f32 v40, v49;
	v49 =	vld [tilespmem:$0x1FAA0];
	_ =	sdelay $0x2  }
0x391: {  	v45 =	vmul.f32 v38, v45;
	_ =	sdelay $0x1  }
0x392: {  	v43 =	vadd.f32 v45, v43;
	v45 =	vadd.f32 v46, v47;
	v46 =	vmul.f32 v37, v49;
	v49 =	vld [tilespmem:$0x1FA60];
	_ =	sdelay $0x4  }
0x393: {  	v47 =	vmul.f32 v39, v49;
	v49 =	vld [tilespmem:$0x1FAB0];
	_ =	sdelay $0x4  }
0x394: {  	v45 =	vadd.f32 v46, v45;
	v46 =	vmul.f32 v38, v49;
	v49 =	vld [tilespmem:$0x1FB00];
	_ =	sdelay $0x3  }
0x395: {  	v40 =	vadd.f32 v40, v48;
	v48 =	vld [tilespmem:$0x1FAF0]  }
0x396: {  	v37 =	vmul.f32 v37, v49;
	v49 =	vld [tilespmem:$0x1FAC0];
	_ =	sdelay $0x2  }
0x397: {  	v43 =	vadd.f32 v47, v43;
	v47 =	vld [tilespmem:$0x1FA70];
	_ =	sdelay $0x1  }
0x398: {  	v36 =	vmul.f32 v36, v48;
	v45 =	vadd.f32 v46, v45;
	v46 =	vmul.f32 v39, v49;
	v49 =	vld [tilespmem:$0x1FB10];
	_ =	sdelay $0x1  }
0x399: {  	v36 =	vadd.f32 v40, v36  }
0x39a: {  	v40 =	vmul.f32 v41, v47  }
0x39b: {  	v36 =	vadd.f32 v37, v36  }
0x39c: {  	v37 =	vmul.f32 v38, v49;
	v38 =	vadd.f32 v40, v43;
	v40 =	vadd.f32 v46, v45;
	v46 =	vld [tilespmem:$0x1FAD0];
	_ =	sdelay $0x4  }
0x39d: {  	v47 =	vld [tilespmem:$0x1FB20];
	v43 =	vmul.f32 v41, v46;
	_ =	sdelay $0x1  }
0x39e: {  	v48 =	vmul.f32 $9.999999770e-03, v42;
	v40 =	vadd.f32 v43, v40;
	v43 =	vld [tilespmem:$0x1FB30]  }
0x39f: {  	vm4 =	vge.f32 v42, $0.0e+00  }
0x3a0: {  	v42 =	vsel vm4, v42, v48;
	v48 =	vmul.f32 $9.999999770e-03, v44;
	v49 =	vmul.f32 $9.999999770e-03, v38  }
0x3a1: {  	v36 =	vadd.f32 v37, v36;
	v37 =	vmul.f32 v39, v47;
	vm5 =	vge.f32 v38, $0.0e+00;
	v47 =	vld [tilespmem:$0x1FB40]  }
0x3a2: {  	vm4 =	vge.f32 v44, $0.0e+00;
	v38 =	vsel vm5, v38, v49;
	v49 =	vld [tilespmem:$0x1FB60]  }
0x3a3: {  	v39 =	vsel vm4, v44, v48;
	v48 =	vld [tilespmem:$0x1FB50];
	v36 =	vadd.f32 v37, v36;
	v37 =	vmul.f32 v41, v43  }
0x3a4: {  	v46 =	vadd.s32 $0x8000, v42  }
0x3a5: {  	v39 =	vadd.s32 $0x8000, v39;
	v36 =	vadd.f32 v37, v36;
	v37 =	vand.u32 $0xFFFF0000, v46  }
0x3a6: {  	v39 =	vand.u32 $0xFFFF0000, v39;
	v46 =	vld [tilespmem:$0x1FB70];
	v42 =	vmul.f32 v37, v47  }
0x3a7: {  	v44 =	vmul.f32 v39, v49;
	v49 =	vld [tilespmem:$0x1FC00]  }
0x3a8: {  	v41 =	vmul.f32 $9.999999770e-03, v40;
	v42 =	vadd.f32 v42, v48;
	v48 =	vld [tilespmem:$0x1FB80]  }
0x3a9: {  	v38 =	vadd.s32 $0x8000, v38;
	vm4 =	vge.f32 v40, $0.0e+00  }
0x3aa: {  	v38 =	vand.u32 $0xFFFF0000, v38;
	v40 =	vsel vm4, v40, v41  }
0x3ab: {  	v40 =	vadd.s32 $0x8000, v40;
	v47 =	vld [tilespmem:$0x1FBA0];
	v45 =	vadd.f32 v42, v44;
	v42 =	vmul.f32 v38, v46  }
0x3ac: {  	v40 =	vand.u32 $0xFFFF0000, v40;
	v44 =	vmul.f32 v37, v49;
	v49 =	vld [tilespmem:$0x1FBC0]  }
0x3ad: {  	v41 =	vadd.f32 v45, v42;
	v42 =	vmul.f32 v40, v48;
	v48 =	vld [tilespmem:$0x1FBB0]  }
0x3ae: {  	v43 =	vmul.f32 $9.999999770e-03, v36  }
0x3af: {  	vm5 =	vge.f32 v36, $0.0e+00  }
0x3b0: {  	v36 =	vsel vm5, v36, v43;
	v43 =	vmul.f32 v37, v47;
	v47 =	vld [tilespmem:$0x1FC10]  }
0x3b1: {  	v45 =	vmul.f32 v39, v49;
	v49 =	vld [tilespmem:$0x1FB90]  }
0x3b2: {  	v43 =	vadd.f32 v43, v48;
	v48 =	vld [tilespmem:$0x1FC20];
	_ =	sdelay $0x1  }
0x3b3: {  	v36 =	vadd.s32 $0x8000, v36  }
0x3b4: {  	v36 =	vand.u32 $0xFFFF0000, v36  }
0x3b5: {  	v46 =	vmul.f32 v36, v49;
	v49 =	vld [tilespmem:$0x1FC30]  }
0x3b6: {  	v41 =	vadd.f32 v41, v42;
	v42 =	vadd.f32 v44, v47;
	v44 =	vmul.f32 v39, v48;
	v48 =	vld [tilespmem:$0x1FBD0];
	_ =	sdelay $0x3  }
0x3b7: {  	v42 =	vadd.f32 v42, v44;
	v44 =	vmul.f32 v38, v49;
	v49 =	vld [tilespmem:$0x1FC40]  }
0x3b8: {  	v43 =	vadd.f32 v43, v45;
	v45 =	vmul.f32 v38, v48;
	v48 =	vld [tilespmem:$0x1FBE0];
	_ =	sdelay $0x3  }
0x3b9: {  	v42 =	vadd.f32 v42, v44;
	v44 =	vmul.f32 v40, v49;
	v49 =	vld [tilespmem:$0x1FC50]  }
0x3ba: {  	v43 =	vadd.f32 v43, v45;
	v45 =	vmul.f32 v40, v48;
	v48 =	vld [tilespmem:$0x1FBF0]  }
0x3bb: {  	v47 =	vmul.f32 v37, v50;
	v37 =	vmul.f32 v37, v56;
	v41 =	vadd.f32 v41, v46;
	_ =	sdelay $0x1  }
0x3bc: {  	v47 =	vadd.f32 v47, v51;
	v37 =	vadd.f32 v37, v57;
	vm4 =	vge.f32 v41, $0.0e+00  }
0x3bd: {  	v46 =	vmul.f32 $9.999999770e-03, v41;
	v42 =	vadd.f32 v42, v44;
	v44 =	vmul.f32 v36, v49  }
0x3be: {  	v43 =	vadd.f32 v43, v45;
	v45 =	vmul.f32 v36, v48;
	v48 =	vmul.f32 v39, v52  }
0x3bf: {  	v41 =	vsel vm4, v41, v46;
	v42 =	vadd.f32 v42, v44;
	v39 =	vmul.f32 v39, v58  }
0x3c0: {  	v43 =	vadd.f32 v43, v45;
	v44 =	vadd.f32 v47, v48;
	v48 =	vmul.f32 v38, v53  }
0x3c1: {  	v41 =	vadd.s32 $0x8000, v41;
	v37 =	vadd.f32 v37, v39;
	v38 =	vmul.f32 v38, v59  }
0x3c2: {  	v49 =	vmul.f32 $9.999999770e-03, v43;
	v44 =	vadd.f32 v44, v48;
	v48 =	vmul.f32 v40, v54  }
0x3c3: {  	v39 =	vmul.f32 $9.999999770e-03, v42;
	vm4 =	vge.f32 v43, $0.0e+00;
	v37 =	vadd.f32 v37, v38  }
0x3c4: {  	v38 =	vand.u32 $0xFFFF0000, v41;
	v43 =	vsel vm4, v43, v49;
	v44 =	vadd.f32 v44, v48  }
0x3c5: {  	v49 =	vmul.f32 v36, v55;
	vm4 =	vge.f32 v42, $0.0e+00;
	v48 =	vmul.f32 v40, v60  }
0x3c6: {  	v45 =	vmul.f32 v38, v63;
	v36 =	vmul.f32 v36, v61;
	v39 =	vsel vm4, v42, v39  }
0x3c7: {  	v40 =	vadd.f32 v44, v49;
	v37 =	vadd.f32 v37, v48;
	v39 =	vadd.s32 $0x8000, v39  }
0x3c8: {  	v47 =	vadd.f32 v45, v11;
	v49 =	vadd.s32 $0x8000, v43;
	v39 =	vand.u32 $0xFFFF0000, v39  }
0x3c9: {  	v46 =	vmul.f32 $9.999999770e-03, v40;
	v36 =	vadd.f32 v37, v36;
	v37 =	vand.u32 $0xFFFF0000, v49  }
0x3ca: {  	vm4 =	vge.f32 v40, $0.0e+00;
	v49 =	vmul.f32 v39, v62;
	v48 =	vmul.f32 v37, v0  }
0x3cb: {  	v45 =	vmul.f32 v39, v5;
	v40 =	vsel vm4, v40, v46;
	vm4 =	vge.f32 v36, $0.0e+00  }
0x3cc: {  	v41 =	vadd.f32 v47, v48;
	v40 =	vadd.s32 $0x8000, v40;
	v48 =	vmul.f32 v38, v3  }
0x3cd: {  	v35 =	vld.idx.msk [tilespmem:v35+s18+$0x0], $0xffff;
	v43 =	vmul.f32 $9.999999770e-03, v36;
	v38 =	vmul.f32 v38, v7;
	v40 =	vand.u32 $0xFFFF0000, v40  }
0x3ce: {  	v41 =	vadd.f32 v41, v49;
	v49 =	vmul.f32 v40, v1;
	v44 =	vadd.f32 v48, v12  }
0x3cf: {  	v48 =	vmul.f32 v37, v4;
	v38 =	vadd.f32 v38, v14;
	v37 =	vmul.f32 v37, v8  }
0x3d0: {  	v46 =	vmul.f32 v39, v9;
	v36 =	vsel vm4, v36, v43;
	v41 =	vadd.f32 v41, v49  }
0x3d1: {  	v36 =	vadd.s32 $0x8000, v36;
	v49 =	vadd.f32 v44, v48;
	v37 =	vadd.f32 v38, v37  }
0x3d2: {  	v35 =	vmul.f32 v35, v23;
	v36 =	vand.u32 $0xFFFF0000, v36;
	v48 =	vmul.f32 v40, v6  }
0x3d3: {  	v47 =	vadd.f32 v49, v45;
	v37 =	vadd.f32 v37, v46;
	v49 =	vmul.f32 v40, v10  }
0x3d4: {  	v45 =	vmul.f32 v36, v2;
	v46 =	vmul.f32 v36, v13  }
0x3d5: {  	v36 =	vmul.f32 v36, v15;
	v39 =	vadd.f32 v47, v48;
	v37 =	vadd.f32 v37, v49  }
0x3d6: {  	v35 =	vmul.f32 v35, v34;
	v47 =	vadd.f32 v41, v45  }
.Ltmp23:
0x3d7: {  	v39 =	vadd.f32 v39, v46;
	v36 =	vadd.f32 v37, v36;
	(pc) =	sbr.rel .LBB2_19-.Ltmp23, $4  }
0x3d8: {  	v48 =	vmul.f32 v47, v35  }
0x3d9: {  	v49 =	vmul.f32 v39, v35;
	v35 =	vmul.f32 v36, v35  }
0x3da: {  	v32 =	vadd.f32 v34, v32;
	v17 =	vadd.f32 v48, v17  }
0x3db: {  	v37 =	vimm.f32 $0.0e+00;
	v16 =	vadd.f32 v49, v16;
	v18 =	vadd.f32 v35, v18  }
.LBB2_24:
0x3dc: {  	_ =	sfence.sel $0x180000  }
0x3dd: {  	[bflag:$0x0] =	sbarrier.arrive $0xFFFF  }
0x3de: {  	_ =	strace $0x90000047  }
0x3df: {  	s0 =	stileid.u32;
	[bflag:$0x2] =	sbarrier.arrive $0xFFFF  }
0x3e0: {  	p0 =	sne.s32 s0, $0x0;
	s0 =	rddreg [dreg:$0x5]  }
0x3e1: {  	s0 =	sadd.s32 @!p0 $0x100000, s0  }
0x3e2: {  	[sflag:s0] =	ssyncadd.tile.s32 @!p0 $0x1;
	_ =	shalt  }
.Lfunc_end2:
_tile_overlayer_lowered:
.L_overlay_start_2:
0x3e3: {  	(tag) =	ssettag $0x2  }
0x3e4: {  	s0 =	rddreg [dreg:$0x0];
	s2 =	stileid.u32  }
0x3e5: {  	s1 =	rddreg [dreg:$0x1];
	p0 =	sne.s32 s2, $0x0  }
0x3e6: {  	s3 =	rddreg [dreg:$0x2];
	[bflag:$0x3] =	sbarrier.arrive $0xFFFF;
	s2 =	simm.s32 @!p0 $0x1C01  }
0x3e7: {  	[timem:s3], [sflag:s2] =	dma.local @!p0 [hbm:s0], s1  }
0x3e8: {  	s0 =	simm.s32 @!p0 $0x1  }
0x3e9: {  	_ =	swait.ge @!p0 [sflag:s0], s1  }
0x3ea: {  	s1 =	ssub.s32 @!p0 $0x0, s1;
	[sflag:s0] =	ssyncset.done @!p0 $0x0  }
0x3eb: {  	[sflag:s0] =	ssyncadd.s32 @!p0 s1  }
0x3ec: {  	[bflag:$0x3] =	sbarrier.arrive $0xFFFF  }
0x3ed: {  	_ =	shalt  }

</sc_bundles>
